<compile_context>
chip_gen: v7x
topology: tpu7x:2x2x1
jax: 0.10.2.dev20260603
libtpu: 0.0.44.dev20260713+nightly
codegen_flags: <defaults>
</compile_context>

<pallas_src>
import functools

import jax
import jax.numpy as jnp
from jax import lax
from jax.experimental import pallas as pl
from jax.experimental.pallas import tpu as pltpu
from jax.experimental.pallas import tpu_sc as plsc

CHANNELS = 64
NBINS = 8
TAIL = 3.0
MINW = 0.01
MINH = 0.01
MIND = 0.01
EPS = 1e-6
N = 65536

NC = 2
NS = 16
NW = NC * NS
ROWS_PER_W = N // NW
CHUNK = 256
NCHUNK = ROWS_PER_W // CHUNK
NGROUP = CHANNELS // 16
TSZ = CHANNELS * NBINS


def _prep_tables(widths, heights, derivatives):
    w = jax.nn.softmax(widths, axis=-1)
    w = w * (1 - MINW * NBINS) + MINW
    h = jax.nn.softmax(heights, axis=-1)
    h = h * (1 - MINH * NBINS) + MINH
    d = jax.nn.softplus(derivatives) + MIND
    cumw = jnp.pad(jnp.cumsum(w, axis=-1), ((0, 0), (1, 0)))
    cumh = jnp.pad(jnp.cumsum(h, axis=-1), ((0, 0), (1, 0)))
    cumw = cumw / jnp.clip(cumw[..., -1:], EPS, None)
    cumh = cumh / jnp.clip(cumh[..., -1:], EPS, None)
    cumw = 2 * TAIL * cumw - TAIL
    cumh = 2 * TAIL * cumh - TAIL
    bw = cumw[:, 1:] - cumw[:, :-1]
    bh = cumh[:, 1:] - cumh[:, :-1]
    iw = cumw[:, :NBINS]
    ih = cumh[:, :NBINS]
    delta = bh / bw
    inv_bw = 1.0 / bw
    dl = d[:, :NBINS]
    s = dl + d[:, 1:] - 2 * delta
    c0 = -iw * inv_bw
    tabs = jnp.concatenate(
        [t.T.reshape(-1) for t in (inv_bw, c0, ih, bh, dl, s)]
    )
    knots_t = cumw[:, :NBINS].T.reshape(-1)
    return knots_t, tabs


def _sc_spline(x, knots_t, tabs):
    mesh = plsc.VectorSubcoreMesh(core_axis_name="c", subcore_axis_name="s")

    @functools.partial(
        pl.kernel,
        out_type=jax.ShapeDtypeStruct((N, CHANNELS), jnp.float32),
        mesh=mesh,
        compiler_params=pltpu.CompilerParams(
            needs_layout_passes=False, use_tc_tiling_on_sc=True
        ),
        scratch_types=[
            pltpu.VMEM((CHUNK, CHANNELS), jnp.float32),
            pltpu.VMEM((CHUNK, CHANNELS), jnp.float32),
            pltpu.VMEM((NBINS * CHANNELS,), jnp.float32),
            pltpu.VMEM((TSZ,), jnp.float32),
            pltpu.VMEM((TSZ,), jnp.float32),
            pltpu.VMEM((TSZ,), jnp.float32),
            pltpu.VMEM((TSZ,), jnp.float32),
            pltpu.VMEM((TSZ,), jnp.float32),
            pltpu.VMEM((TSZ,), jnp.float32),
            pltpu.SemaphoreType.DMA,
            pltpu.SemaphoreType.DMA,
            pltpu.SemaphoreType.DMA,
            pltpu.SemaphoreType.DMA,
        ],
    )
    def k(x_hbm, kn_hbm, tab_hbm, out_hbm, buf0, buf1,
          kn_v, t_a, t_c0, t_ih, t_bh, t_dl, t_s,
          in_sem0, in_sem1, out_sem0, out_sem1):
        wid = lax.axis_index("s") * NC + lax.axis_index("c")
        row0 = wid * ROWS_PER_W
        pltpu.sync_copy(kn_hbm, kn_v)
        tab_refs = [t_a, t_c0, t_ih, t_bh, t_dl, t_s]
        for p, ref in enumerate(tab_refs):
            pltpu.sync_copy(tab_hbm.at[pl.ds(p * TSZ, TSZ)], ref)

        bufs = [buf0, buf1]
        in_sems = [in_sem0, in_sem1]
        out_sems = [out_sem0, out_sem1]
        lane = lax.iota(jnp.int32, 16)
        knot_vs = [
            [
                kn_v[pl.ds((kk + 1) * CHANNELS + 16 * j, 16)]
                for kk in range(7)
            ]
            for j in range(NGROUP)
        ]
        chan = [lane + 16 * j for j in range(NGROUP)]
        step = jnp.full((16,), CHANNELS, jnp.int32)
        zero = jnp.full((16,), 0, jnp.int32)

        def process(buf):
            def one_row(r):
                for j in range(NGROUP):
                    xv = buf[r, pl.ds(16 * j, 16)]
                    hits = [
                        jnp.where(xv >= knot_vs[j][kk], step, zero)
                        for kk in range(7)
                    ]
                    h01 = hits[0] + hits[1]
                    h23 = hits[2] + hits[3]
                    h45 = hits[4] + hits[5]
                    idx = (h01 + h23) + (h45 + hits[6]) + chan[j]
                    a = plsc.load_gather(t_a, [idx])
                    c0 = plsc.load_gather(t_c0, [idx])
                    ih = plsc.load_gather(t_ih, [idx])
                    bh = plsc.load_gather(t_bh, [idx])
                    dl = plsc.load_gather(t_dl, [idx])
                    s = plsc.load_gather(t_s, [idx])
                    theta = xv * a + c0
                    omt = 1.0 - theta
                    delta = bh * a
                    num = bh * (theta * (delta * theta + dl * omt))
                    den = delta + s * (theta * omt)
                    y = ih + num / den
                    out = jnp.where(jnp.abs(xv) > TAIL, xv, y)
                    buf[r, pl.ds(16 * j, 16)] = out

            lax.fori_loop(
                0, CHUNK, lambda r, carry: (one_row(r), 0)[1], 0
            )

        in_cps = [None] * NCHUNK
        out_cps = [None] * NCHUNK

        def start_in(c):
            b = c % 2
            in_cps[c] = pltpu.async_copy(
                x_hbm.at[pl.ds(row0 + c * CHUNK, CHUNK)], bufs[b],
                in_sems[b],
            )

        def start_out(c):
            b = c % 2
            out_cps[c] = pltpu.async_copy(
                bufs[b], out_hbm.at[pl.ds(row0 + c * CHUNK, CHUNK)],
                out_sems[b],
            )

        start_in(0)
        for c in range(NCHUNK):
            in_cps[c].wait()
            if c + 1 < NCHUNK:
                if c >= 1:
                    out_cps[c - 1].wait()
                start_in(c + 1)
            process(bufs[c % 2])
            start_out(c)
        out_cps[NCHUNK - 2].wait()
        out_cps[NCHUNK - 1].wait()

    return k(x, knots_t, tabs)


@jax.jit
def kernel(inputs, widths, heights, derivatives):
    knots_t, tabs = _prep_tables(widths, heights, derivatives)
    return _sc_spline(inputs, knots_t, tabs)

# --- scband reference (transcript-rebuilt; emitter-appended) ---
"""Pipeline reference for scband-monotone-rqtransform-73538430042403 (READ-ONLY COPY).

The authoritative reference and input builder live on the scoring server;
editing this copy changes nothing except your own understanding.
"""

import jax, jax.numpy as jnp
import numpy as np

CHANNELS = 64
NBINS = 8
TAIL = 3.0
MINW = 0.01
MINH = 0.01
MIND = 0.01
EPS = 1e-6
N = 65536


def setup_inputs(seed: int = 0) -> dict:
    key = jax.random.key(seed)
    k1, k2, k3, k4 = jax.random.split(key, 4)
    inputs = jax.random.normal(k1, (N, CHANNELS), dtype=jnp.float32)
    widths = jax.random.normal(k2, (CHANNELS, NBINS), dtype=jnp.float32) * 0.1
    heights = jax.random.normal(k3, (CHANNELS, NBINS), dtype=jnp.float32) * 0.1
    derivatives = jax.random.normal(k4, (CHANNELS, NBINS + 1), dtype=jnp.float32) * 0.1
    return {"inputs": inputs, "widths": widths, "heights": heights, "derivatives": derivatives}


def _spline_fwd(inputs, widths, heights, derivatives):
    # _normalise_params
    w = jax.nn.softmax(widths, axis=-1)
    w = w * (1 - MINW * w.shape[-1]) + MINW
    h = jax.nn.softmax(heights, axis=-1)
    h = h * (1 - MINH * h.shape[-1]) + MINH
    d = jax.nn.softplus(derivatives) + MIND
    batch_shape = inputs.shape[:-1]
    C = inputs.shape[-1]
    flat = inputs.reshape(-1, C)
    # cumulative knot positions, padded with leading zero
    cumw = jnp.pad(jnp.cumsum(w, axis=-1), ((0, 0), (1, 0)))
    cumh = jnp.pad(jnp.cumsum(h, axis=-1), ((0, 0), (1, 0)))
    cumw = cumw / jnp.clip(cumw[..., -1:], EPS, None)
    cumh = cumh / jnp.clip(cumh[..., -1:], EPS, None)
    cumw = 2 * TAIL * cumw - TAIL
    cumh = 2 * TAIL * cumh - TAIL
    xc = jnp.clip(flat, -TAIL + EPS, TAIL - EPS)
    # _searchsorted: histogram-bin index per (sample, channel)
    mask = xc[..., None] >= cumw[None, :, :-1]
    bin_idx = jnp.clip(mask.sum(axis=-1) - 1, 0, NBINS - 1)
    next_idx = jnp.clip(bin_idx + 1, None, NBINS)
    ch = jnp.arange(C)[None, :]

    def gat(p, idx):
        # p: [C, K], idx: [Nflat, C] -> [Nflat, C]
        return p[ch, idx]

    iw = gat(cumw, bin_idx)
    bw = gat(cumw, next_idx) - iw
    ih = gat(cumh, bin_idx)
    bh = gat(cumh, next_idx) - ih
    dl = gat(d, bin_idx)
    dr = gat(d, next_idx)
    delta = bh / bw
    theta = jnp.clip((xc - iw) / bw, 0.0, 1.0)
    numerator = bh * (delta * theta ** 2 + dl * theta * (1 - theta))
    denominator = delta + (dl + dr - 2 * delta) * theta * (1 - theta)
    outputs = ih + numerator / denominator
    outside = jnp.logical_or(flat > TAIL, flat < -TAIL)
    outputs = jnp.where(outside, flat, outputs)
    return outputs.reshape(*batch_shape, C)


def reference(inputs, widths, heights, derivatives):
    return _spline_fwd(inputs, widths, heights, derivatives)

if __name__ == "__main__":
    import jax
    _d = setup_inputs()
    print(jax.jit(kernel)(*tuple(_d.values())))

</pallas_src>

<mosaic_0001>
#map = affine_map<(d0, d1) -> (0, 0)>
#map1 = affine_map<(d0, d1) -> (0)>
module attributes {stable_mosaic.version = 14 : i64} {
  func.func @k(%arg0: i32, %arg1: i32, %arg2: memref<65536x64xf32, #tpu.memory_space<hbm>>, %arg3: memref<512xf32, #tpu.memory_space<hbm>>, %arg4: memref<3072xf32, #tpu.memory_space<hbm>>, %arg5: memref<65536x64xf32, #tpu.memory_space<hbm>>, %arg6: memref<256x64xf32, #tpu.memory_space<vmem>>, %arg7: memref<256x64xf32, #tpu.memory_space<vmem>>, %arg8: memref<512xf32, #tpu.memory_space<vmem>>, %arg9: memref<512xf32, #tpu.memory_space<vmem>>, %arg10: memref<512xf32, #tpu.memory_space<vmem>>, %arg11: memref<512xf32, #tpu.memory_space<vmem>>, %arg12: memref<512xf32, #tpu.memory_space<vmem>>, %arg13: memref<512xf32, #tpu.memory_space<vmem>>, %arg14: memref<512xf32, #tpu.memory_space<vmem>>, %arg15: memref<!tpu.dma_semaphore, #tpu.memory_space<semaphore_mem>>, %arg16: memref<!tpu.dma_semaphore, #tpu.memory_space<semaphore_mem>>, %arg17: memref<!tpu.dma_semaphore, #tpu.memory_space<semaphore_mem>>, %arg18: memref<!tpu.dma_semaphore, #tpu.memory_space<semaphore_mem>>) attributes {dimension_semantics = [#tpu.dimension_semantics<core_parallel>, #tpu.dimension_semantics<subcore_parallel>], iteration_bounds = array<i64: 2, 16>, scalar_prefetch = 0 : i64, scratch_operands = 13 : i64, tpu.core_type = #tpu.core_type<sc_vector_subcore>, window_params = [{transform_indices = #map}, {transform_indices = #map1}, {transform_indices = #map1}, {transform_indices = #map}]} {
    %mul3A = arith.constant 2 : i32
    %mul3A_0 = arith.muli %arg1, %mul3A : i32
    %add3A = arith.addi %mul3A_0, %arg0 : i32
    %mul3A_1 = arith.constant 2048 : i32
    %mul3A_2 = arith.muli %add3A, %mul3A_1 : i32
    "tpu.region"() ({
      %run_scoped3A = tpu.sem_alloc : memref<!tpu.dma_semaphore, #tpu.memory_space<semaphore_mem>>
      tpu.enqueue_dma source(%arg3 : memref<512xf32, #tpu.memory_space<hbm>>) target(%arg8 : memref<512xf32, #tpu.memory_space<vmem>>) target_semaphore(%run_scoped3A : memref<!tpu.dma_semaphore, #tpu.memory_space<semaphore_mem>>)
      tpu.wait_dma2 semaphore(%run_scoped3A : memref<!tpu.dma_semaphore, #tpu.memory_space<semaphore_mem>>) src(%arg3 : memref<512xf32, #tpu.memory_space<hbm>>) dst(%arg8 : memref<512xf32, #tpu.memory_space<vmem>>)
      tpu.yield
    }) : () -> ()
    "tpu.region"() ({
      %run_scoped3A = tpu.sem_alloc : memref<!tpu.dma_semaphore, #tpu.memory_space<semaphore_mem>>
      %dma_start3A_286 = arith.constant 0 : i32
      %dma_start3A_287 = tpu.memref_slice %arg4[%dma_start3A_286] : memref<3072xf32, #tpu.memory_space<hbm>> -> memref<512xf32, #tpu.memory_space<hbm>>
      %dma_start3A_288 = arith.constant 0 : i32
      %dma_start3A_289 = tpu.memref_slice %arg4[%dma_start3A_288] : memref<3072xf32, #tpu.memory_space<hbm>> -> memref<512xf32, #tpu.memory_space<hbm>>
      tpu.enqueue_dma source(%dma_start3A_289 : memref<512xf32, #tpu.memory_space<hbm>>) target(%arg9 : memref<512xf32, #tpu.memory_space<vmem>>) target_semaphore(%run_scoped3A : memref<!tpu.dma_semaphore, #tpu.memory_space<semaphore_mem>>)
      %dma_wait3A_290 = arith.constant 0 : i32
      %dma_wait3A_291 = tpu.memref_slice %arg4[%dma_wait3A_290] : memref<3072xf32, #tpu.memory_space<hbm>> -> memref<512xf32, #tpu.memory_space<hbm>>
      %dma_wait3A_292 = arith.constant 0 : i32
      %dma_wait3A_293 = tpu.memref_slice %arg4[%dma_wait3A_292] : memref<3072xf32, #tpu.memory_space<hbm>> -> memref<512xf32, #tpu.memory_space<hbm>>
      tpu.wait_dma2 semaphore(%run_scoped3A : memref<!tpu.dma_semaphore, #tpu.memory_space<semaphore_mem>>) src(%dma_wait3A_293 : memref<512xf32, #tpu.memory_space<hbm>>) dst(%arg9 : memref<512xf32, #tpu.memory_space<vmem>>)
      tpu.yield
    }) : () -> ()
    "tpu.region"() ({
      %run_scoped3A = tpu.sem_alloc : memref<!tpu.dma_semaphore, #tpu.memory_space<semaphore_mem>>
      %dma_start3A_286 = arith.constant 512 : i32
      %dma_start3A_287 = tpu.memref_slice %arg4[%dma_start3A_286] : memref<3072xf32, #tpu.memory_space<hbm>> -> memref<512xf32, #tpu.memory_space<hbm>>
      %dma_start3A_288 = arith.constant 512 : i32
      %dma_start3A_289 = tpu.memref_slice %arg4[%dma_start3A_288] : memref<3072xf32, #tpu.memory_space<hbm>> -> memref<512xf32, #tpu.memory_space<hbm>>
      tpu.enqueue_dma source(%dma_start3A_289 : memref<512xf32, #tpu.memory_space<hbm>>) target(%arg10 : memref<512xf32, #tpu.memory_space<vmem>>) target_semaphore(%run_scoped3A : memref<!tpu.dma_semaphore, #tpu.memory_space<semaphore_mem>>)
      %dma_wait3A_290 = arith.constant 512 : i32
      %dma_wait3A_291 = tpu.memref_slice %arg4[%dma_wait3A_290] : memref<3072xf32, #tpu.memory_space<hbm>> -> memref<512xf32, #tpu.memory_space<hbm>>
      %dma_wait3A_292 = arith.constant 512 : i32
      %dma_wait3A_293 = tpu.memref_slice %arg4[%dma_wait3A_292] : memref<3072xf32, #tpu.memory_space<hbm>> -> memref<512xf32, #tpu.memory_space<hbm>>
      tpu.wait_dma2 semaphore(%run_scoped3A : memref<!tpu.dma_semaphore, #tpu.memory_space<semaphore_mem>>) src(%dma_wait3A_293 : memref<512xf32, #tpu.memory_space<hbm>>) dst(%arg10 : memref<512xf32, #tpu.memory_space<vmem>>)
      tpu.yield
    }) : () -> ()
    "tpu.region"() ({
      %run_scoped3A = tpu.sem_alloc : memref<!tpu.dma_semaphore, #tpu.memory_space<semaphore_mem>>
      %dma_start3A_286 = arith.constant 1024 : i32
      %dma_start3A_287 = tpu.memref_slice %arg4[%dma_start3A_286] : memref<3072xf32, #tpu.memory_space<hbm>> -> memref<512xf32, #tpu.memory_space<hbm>>
      %dma_start3A_288 = arith.constant 1024 : i32
      %dma_start3A_289 = tpu.memref_slice %arg4[%dma_start3A_288] : memref<3072xf32, #tpu.memory_space<hbm>> -> memref<512xf32, #tpu.memory_space<hbm>>
      tpu.enqueue_dma source(%dma_start3A_289 : memref<512xf32, #tpu.memory_space<hbm>>) target(%arg11 : memref<512xf32, #tpu.memory_space<vmem>>) target_semaphore(%run_scoped3A : memref<!tpu.dma_semaphore, #tpu.memory_space<semaphore_mem>>)
      %dma_wait3A_290 = arith.constant 1024 : i32
      %dma_wait3A_291 = tpu.memref_slice %arg4[%dma_wait3A_290] : memref<3072xf32, #tpu.memory_space<hbm>> -> memref<512xf32, #tpu.memory_space<hbm>>
      %dma_wait3A_292 = arith.constant 1024 : i32
      %dma_wait3A_293 = tpu.memref_slice %arg4[%dma_wait3A_292] : memref<3072xf32, #tpu.memory_space<hbm>> -> memref<512xf32, #tpu.memory_space<hbm>>
      tpu.wait_dma2 semaphore(%run_scoped3A : memref<!tpu.dma_semaphore, #tpu.memory_space<semaphore_mem>>) src(%dma_wait3A_293 : memref<512xf32, #tpu.memory_space<hbm>>) dst(%arg11 : memref<512xf32, #tpu.memory_space<vmem>>)
      tpu.yield
    }) : () -> ()
    "tpu.region"() ({
      %run_scoped3A = tpu.sem_alloc : memref<!tpu.dma_semaphore, #tpu.memory_space<semaphore_mem>>
      %dma_start3A_286 = arith.constant 1536 : i32
      %dma_start3A_287 = tpu.memref_slice %arg4[%dma_start3A_286] : memref<3072xf32, #tpu.memory_space<hbm>> -> memref<512xf32, #tpu.memory_space<hbm>>
      %dma_start3A_288 = arith.constant 1536 : i32
      %dma_start3A_289 = tpu.memref_slice %arg4[%dma_start3A_288] : memref<3072xf32, #tpu.memory_space<hbm>> -> memref<512xf32, #tpu.memory_space<hbm>>
      tpu.enqueue_dma source(%dma_start3A_289 : memref<512xf32, #tpu.memory_space<hbm>>) target(%arg12 : memref<512xf32, #tpu.memory_space<vmem>>) target_semaphore(%run_scoped3A : memref<!tpu.dma_semaphore, #tpu.memory_space<semaphore_mem>>)
      %dma_wait3A_290 = arith.constant 1536 : i32
      %dma_wait3A_291 = tpu.memref_slice %arg4[%dma_wait3A_290] : memref<3072xf32, #tpu.memory_space<hbm>> -> memref<512xf32, #tpu.memory_space<hbm>>
      %dma_wait3A_292 = arith.constant 1536 : i32
      %dma_wait3A_293 = tpu.memref_slice %arg4[%dma_wait3A_292] : memref<3072xf32, #tpu.memory_space<hbm>> -> memref<512xf32, #tpu.memory_space<hbm>>
      tpu.wait_dma2 semaphore(%run_scoped3A : memref<!tpu.dma_semaphore, #tpu.memory_space<semaphore_mem>>) src(%dma_wait3A_293 : memref<512xf32, #tpu.memory_space<hbm>>) dst(%arg12 : memref<512xf32, #tpu.memory_space<vmem>>)
      tpu.yield
    }) : () -> ()
    "tpu.region"() ({
      %run_scoped3A = tpu.sem_alloc : memref<!tpu.dma_semaphore, #tpu.memory_space<semaphore_mem>>
      %dma_start3A_286 = arith.constant 2048 : i32
      %dma_start3A_287 = tpu.memref_slice %arg4[%dma_start3A_286] : memref<3072xf32, #tpu.memory_space<hbm>> -> memref<512xf32, #tpu.memory_space<hbm>>
      %dma_start3A_288 = arith.constant 2048 : i32
      %dma_start3A_289 = tpu.memref_slice %arg4[%dma_start3A_288] : memref<3072xf32, #tpu.memory_space<hbm>> -> memref<512xf32, #tpu.memory_space<hbm>>
      tpu.enqueue_dma source(%dma_start3A_289 : memref<512xf32, #tpu.memory_space<hbm>>) target(%arg13 : memref<512xf32, #tpu.memory_space<vmem>>) target_semaphore(%run_scoped3A : memref<!tpu.dma_semaphore, #tpu.memory_space<semaphore_mem>>)
      %dma_wait3A_290 = arith.constant 2048 : i32
      %dma_wait3A_291 = tpu.memref_slice %arg4[%dma_wait3A_290] : memref<3072xf32, #tpu.memory_space<hbm>> -> memref<512xf32, #tpu.memory_space<hbm>>
      %dma_wait3A_292 = arith.constant 2048 : i32
      %dma_wait3A_293 = tpu.memref_slice %arg4[%dma_wait3A_292] : memref<3072xf32, #tpu.memory_space<hbm>> -> memref<512xf32, #tpu.memory_space<hbm>>
      tpu.wait_dma2 semaphore(%run_scoped3A : memref<!tpu.dma_semaphore, #tpu.memory_space<semaphore_mem>>) src(%dma_wait3A_293 : memref<512xf32, #tpu.memory_space<hbm>>) dst(%arg13 : memref<512xf32, #tpu.memory_space<vmem>>)
      tpu.yield
    }) : () -> ()
    "tpu.region"() ({
      %run_scoped3A = tpu.sem_alloc : memref<!tpu.dma_semaphore, #tpu.memory_space<semaphore_mem>>
      %dma_start3A_286 = arith.constant 2560 : i32
      %dma_start3A_287 = tpu.memref_slice %arg4[%dma_start3A_286] : memref<3072xf32, #tpu.memory_space<hbm>> -> memref<512xf32, #tpu.memory_space<hbm>>
      %dma_start3A_288 = arith.constant 2560 : i32
      %dma_start3A_289 = tpu.memref_slice %arg4[%dma_start3A_288] : memref<3072xf32, #tpu.memory_space<hbm>> -> memref<512xf32, #tpu.memory_space<hbm>>
      tpu.enqueue_dma source(%dma_start3A_289 : memref<512xf32, #tpu.memory_space<hbm>>) target(%arg14 : memref<512xf32, #tpu.memory_space<vmem>>) target_semaphore(%run_scoped3A : memref<!tpu.dma_semaphore, #tpu.memory_space<semaphore_mem>>)
      %dma_wait3A_290 = arith.constant 2560 : i32
      %dma_wait3A_291 = tpu.memref_slice %arg4[%dma_wait3A_290] : memref<3072xf32, #tpu.memory_space<hbm>> -> memref<512xf32, #tpu.memory_space<hbm>>
      %dma_wait3A_292 = arith.constant 2560 : i32
      %dma_wait3A_293 = tpu.memref_slice %arg4[%dma_wait3A_292] : memref<3072xf32, #tpu.memory_space<hbm>> -> memref<512xf32, #tpu.memory_space<hbm>>
      tpu.wait_dma2 semaphore(%run_scoped3A : memref<!tpu.dma_semaphore, #tpu.memory_space<semaphore_mem>>) src(%dma_wait3A_293 : memref<512xf32, #tpu.memory_space<hbm>>) dst(%arg14 : memref<512xf32, #tpu.memory_space<vmem>>)
      tpu.yield
    }) : () -> ()
    %iota3A = tpu.iota {dimensions = array<i32: 0>} : vector<16xi32>
    %get3A = arith.constant 64 : index
    %get3A_3 = tpu.vector_load %arg8[%get3A] {strides = array<i32>} : memref<512xf32, #tpu.memory_space<vmem>>, vector<16xf32>,
    %get3A_4 = arith.constant 128 : index
    %get3A_5 = tpu.vector_load %arg8[%get3A_4] {strides = array<i32>} : memref<512xf32, #tpu.memory_space<vmem>>, vector<16xf32>,
    %get3A_6 = arith.constant 192 : index
    %get3A_7 = tpu.vector_load %arg8[%get3A_6] {strides = array<i32>} : memref<512xf32, #tpu.memory_space<vmem>>, vector<16xf32>,
    %get3A_8 = arith.constant 256 : index
    %get3A_9 = tpu.vector_load %arg8[%get3A_8] {strides = array<i32>} : memref<512xf32, #tpu.memory_space<vmem>>, vector<16xf32>,
    %get3A_10 = arith.constant 320 : index
    %get3A_11 = tpu.vector_load %arg8[%get3A_10] {strides = array<i32>} : memref<512xf32, #tpu.memory_space<vmem>>, vector<16xf32>,
    %get3A_12 = arith.constant 384 : index
    %get3A_13 = tpu.vector_load %arg8[%get3A_12] {strides = array<i32>} : memref<512xf32, #tpu.memory_space<vmem>>, vector<16xf32>,
    %get3A_14 = arith.constant 448 : index
    %get3A_15 = tpu.vector_load %arg8[%get3A_14] {strides = array<i32>} : memref<512xf32, #tpu.memory_space<vmem>>, vector<16xf32>,
    %get3A_16 = arith.constant 80 : index
    %get3A_17 = tpu.vector_load %arg8[%get3A_16] {strides = array<i32>} : memref<512xf32, #tpu.memory_space<vmem>>, vector<16xf32>,
    %get3A_18 = arith.constant 144 : index
    %get3A_19 = tpu.vector_load %arg8[%get3A_18] {strides = array<i32>} : memref<512xf32, #tpu.memory_space<vmem>>, vector<16xf32>,
    %get3A_20 = arith.constant 208 : index
    %get3A_21 = tpu.vector_load %arg8[%get3A_20] {strides = array<i32>} : memref<512xf32, #tpu.memory_space<vmem>>, vector<16xf32>,
    %get3A_22 = arith.constant 272 : index
    %get3A_23 = tpu.vector_load %arg8[%get3A_22] {strides = array<i32>} : memref<512xf32, #tpu.memory_space<vmem>>, vector<16xf32>,
    %get3A_24 = arith.constant 336 : index
    %get3A_25 = tpu.vector_load %arg8[%get3A_24] {strides = array<i32>} : memref<512xf32, #tpu.memory_space<vmem>>, vector<16xf32>,
    %get3A_26 = arith.constant 400 : index
    %get3A_27 = tpu.vector_load %arg8[%get3A_26] {strides = array<i32>} : memref<512xf32, #tpu.memory_space<vmem>>, vector<16xf32>,
    %get3A_28 = arith.constant 464 : index
    %get3A_29 = tpu.vector_load %arg8[%get3A_28] {strides = array<i32>} : memref<512xf32, #tpu.memory_space<vmem>>, vector<16xf32>,
    %get3A_30 = arith.constant 96 : index
    %get3A_31 = tpu.vector_load %arg8[%get3A_30] {strides = array<i32>} : memref<512xf32, #tpu.memory_space<vmem>>, vector<16xf32>,
    %get3A_32 = arith.constant 160 : index
    %get3A_33 = tpu.vector_load %arg8[%get3A_32] {strides = array<i32>} : memref<512xf32, #tpu.memory_space<vmem>>, vector<16xf32>,
    %get3A_34 = arith.constant 224 : index
    %get3A_35 = tpu.vector_load %arg8[%get3A_34] {strides = array<i32>} : memref<512xf32, #tpu.memory_space<vmem>>, vector<16xf32>,
    %get3A_36 = arith.constant 288 : index
    %get3A_37 = tpu.vector_load %arg8[%get3A_36] {strides = array<i32>} : memref<512xf32, #tpu.memory_space<vmem>>, vector<16xf32>,
    %get3A_38 = arith.constant 352 : index
    %get3A_39 = tpu.vector_load %arg8[%get3A_38] {strides = array<i32>} : memref<512xf32, #tpu.memory_space<vmem>>, vector<16xf32>,
    %get3A_40 = arith.constant 416 : index
    %get3A_41 = tpu.vector_load %arg8[%get3A_40] {strides = array<i32>} : memref<512xf32, #tpu.memory_space<vmem>>, vector<16xf32>,
    %get3A_42 = arith.constant 480 : index
    %get3A_43 = tpu.vector_load %arg8[%get3A_42] {strides = array<i32>} : memref<512xf32, #tpu.memory_space<vmem>>, vector<16xf32>,
    %get3A_44 = arith.constant 112 : index
    %get3A_45 = tpu.vector_load %arg8[%get3A_44] {strides = array<i32>} : memref<512xf32, #tpu.memory_space<vmem>>, vector<16xf32>,
    %get3A_46 = arith.constant 176 : index
    %get3A_47 = tpu.vector_load %arg8[%get3A_46] {strides = array<i32>} : memref<512xf32, #tpu.memory_space<vmem>>, vector<16xf32>,
    %get3A_48 = arith.constant 240 : index
    %get3A_49 = tpu.vector_load %arg8[%get3A_48] {strides = array<i32>} : memref<512xf32, #tpu.memory_space<vmem>>, vector<16xf32>,
    %get3A_50 = arith.constant 304 : index
    %get3A_51 = tpu.vector_load %arg8[%get3A_50] {strides = array<i32>} : memref<512xf32, #tpu.memory_space<vmem>>, vector<16xf32>,
    %get3A_52 = arith.constant 368 : index
    %get3A_53 = tpu.vector_load %arg8[%get3A_52] {strides = array<i32>} : memref<512xf32, #tpu.memory_space<vmem>>, vector<16xf32>,
    %get3A_54 = arith.constant 432 : index
    %get3A_55 = tpu.vector_load %arg8[%get3A_54] {strides = array<i32>} : memref<512xf32, #tpu.memory_space<vmem>>, vector<16xf32>,
    %get3A_56 = arith.constant 496 : index
    %get3A_57 = tpu.vector_load %arg8[%get3A_56] {strides = array<i32>} : memref<512xf32, #tpu.memory_space<vmem>>, vector<16xf32>,
    %add3A_58 = arith.constant 0 : i32
    %add3A_59 = vector.broadcast %add3A_58 : i32 to vector<16xi32>
    %add3A_60 = arith.addi %iota3A, %add3A_59 : vector<16xi32>
    %add3A_61 = arith.constant 16 : i32
    %add3A_62 = vector.broadcast %add3A_61 : i32 to vector<16xi32>
    %add3A_63 = arith.addi %iota3A, %add3A_62 : vector<16xi32>
    %add3A_64 = arith.constant 32 : i32
    %add3A_65 = vector.broadcast %add3A_64 : i32 to vector<16xi32>
    %add3A_66 = arith.addi %iota3A, %add3A_65 : vector<16xi32>
    %add3A_67 = arith.constant 48 : i32
    %add3A_68 = vector.broadcast %add3A_67 : i32 to vector<16xi32>
    %add3A_69 = arith.addi %iota3A, %add3A_68 : vector<16xi32>
    %broadcast_in_dim3A = arith.constant 64 : i32
    %broadcast_in_dim3A_70 = vector.broadcast %broadcast_in_dim3A : i32 to vector<16xi32>
    %broadcast_in_dim3A_71 = arith.constant 0 : i32
    %broadcast_in_dim3A_72 = vector.broadcast %broadcast_in_dim3A_71 : i32 to vector<16xi32>
    %add3A_73 = arith.constant 0 : i32
    %add3A_74 = arith.addi %mul3A_2, %add3A_73 : i32
    %dma_start3A = arith.constant 0 : i32
    %dma_start3A_75 = tpu.memref_slice %arg2[%add3A_74, %dma_start3A] : memref<65536x64xf32, #tpu.memory_space<hbm>> -> memref<256x64xf32, #tpu.memory_space<hbm>>
    %dma_start3A_76 = arith.constant 0 : i32
    %dma_start3A_77 = tpu.memref_slice %arg2[%add3A_74, %dma_start3A_76] : memref<65536x64xf32, #tpu.memory_space<hbm>> -> memref<256x64xf32, #tpu.memory_space<hbm>>
    tpu.enqueue_dma source(%dma_start3A_77 : memref<256x64xf32, #tpu.memory_space<hbm>>) target(%arg6 : memref<256x64xf32, #tpu.memory_space<vmem>>) target_semaphore(%arg15 : memref<!tpu.dma_semaphore, #tpu.memory_space<semaphore_mem>>)
    %dma_wait3A = arith.constant 0 : i32
    %dma_wait3A_78 = tpu.memref_slice %arg2[%add3A_74, %dma_wait3A] : memref<65536x64xf32, #tpu.memory_space<hbm>> -> memref<256x64xf32, #tpu.memory_space<hbm>>
    %dma_wait3A_79 = arith.constant 0 : i32
    %dma_wait3A_80 = tpu.memref_slice %arg2[%add3A_74, %dma_wait3A_79] : memref<65536x64xf32, #tpu.memory_space<hbm>> -> memref<256x64xf32, #tpu.memory_space<hbm>>
    tpu.wait_dma2 semaphore(%arg15 : memref<!tpu.dma_semaphore, #tpu.memory_space<semaphore_mem>>) src(%dma_wait3A_80 : memref<256x64xf32, #tpu.memory_space<hbm>>) dst(%arg6 : memref<256x64xf32, #tpu.memory_space<vmem>>)
    %add3A_81 = arith.constant 256 : i32
    %add3A_82 = arith.addi %mul3A_2, %add3A_81 : i32
    %dma_start3A_83 = arith.constant 0 : i32
    %dma_start3A_84 = tpu.memref_slice %arg2[%add3A_82, %dma_start3A_83] : memref<65536x64xf32, #tpu.memory_space<hbm>> -> memref<256x64xf32, #tpu.memory_space<hbm>>
    %dma_start3A_85 = arith.constant 0 : i32
    %dma_start3A_86 = tpu.memref_slice %arg2[%add3A_82, %dma_start3A_85] : memref<65536x64xf32, #tpu.memory_space<hbm>> -> memref<256x64xf32, #tpu.memory_space<hbm>>
    tpu.enqueue_dma source(%dma_start3A_86 : memref<256x64xf32, #tpu.memory_space<hbm>>) target(%arg7 : memref<256x64xf32, #tpu.memory_space<vmem>>) target_semaphore(%arg16 : memref<!tpu.dma_semaphore, #tpu.memory_space<semaphore_mem>>)
    %scan3A = arith.constant 0 : i32
    %scan3A_87 = arith.constant 0 : i32
    %scan3A_88 = arith.constant 256 : i32
    %scan3A_89 = arith.addi %scan3A_87, %scan3A_88 : i32
    %scan3A_90 = arith.constant 1 : i32
    %scan3A_91 = scf.for %scan3A_286 = %scan3A_87 to %scan3A_89 step %scan3A_90 iter_args(%scan3A_287 = %scan3A) -> (i32)  : i32 {
      %get3A_288 = arith.index_cast %scan3A_286 : i32 to index
      %get3A_289 = arith.constant 0 : index
      %get3A_290 = tpu.vector_load %arg6[%get3A_288, %get3A_289] {strides = array<i32>} : memref<256x64xf32, #tpu.memory_space<vmem>>, vector<16xf32>,
      %ge3A = arith.cmpf oge, %get3A_290, %get3A_3 : vector<16xf32>
      %select_n3A = arith.select %ge3A, %broadcast_in_dim3A_70, %broadcast_in_dim3A_72 : vector<16xi1>, vector<16xi32>
      %ge3A_291 = arith.cmpf oge, %get3A_290, %get3A_5 : vector<16xf32>
      %select_n3A_292 = arith.select %ge3A_291, %broadcast_in_dim3A_70, %broadcast_in_dim3A_72 : vector<16xi1>, vector<16xi32>
      %ge3A_293 = arith.cmpf oge, %get3A_290, %get3A_7 : vector<16xf32>
      %select_n3A_294 = arith.select %ge3A_293, %broadcast_in_dim3A_70, %broadcast_in_dim3A_72 : vector<16xi1>, vector<16xi32>
      %ge3A_295 = arith.cmpf oge, %get3A_290, %get3A_9 : vector<16xf32>
      %select_n3A_296 = arith.select %ge3A_295, %broadcast_in_dim3A_70, %broadcast_in_dim3A_72 : vector<16xi1>, vector<16xi32>
      %ge3A_297 = arith.cmpf oge, %get3A_290, %get3A_11 : vector<16xf32>
      %select_n3A_298 = arith.select %ge3A_297, %broadcast_in_dim3A_70, %broadcast_in_dim3A_72 : vector<16xi1>, vector<16xi32>
      %ge3A_299 = arith.cmpf oge, %get3A_290, %get3A_13 : vector<16xf32>
      %select_n3A_300 = arith.select %ge3A_299, %broadcast_in_dim3A_70, %broadcast_in_dim3A_72 : vector<16xi1>, vector<16xi32>
      %ge3A_301 = arith.cmpf oge, %get3A_290, %get3A_15 : vector<16xf32>
      %select_n3A_302 = arith.select %ge3A_301, %broadcast_in_dim3A_70, %broadcast_in_dim3A_72 : vector<16xi1>, vector<16xi32>
      %add3A_303 = arith.addi %select_n3A, %select_n3A_292 : vector<16xi32>
      %add3A_304 = arith.addi %select_n3A_294, %select_n3A_296 : vector<16xi32>
      %add3A_305 = arith.addi %select_n3A_298, %select_n3A_300 : vector<16xi32>
      %add3A_306 = arith.addi %add3A_303, %add3A_304 : vector<16xi32>
      %add3A_307 = arith.addi %add3A_305, %select_n3A_302 : vector<16xi32>
      %add3A_308 = arith.addi %add3A_306, %add3A_307 : vector<16xi32>
      %add3A_309 = arith.addi %add3A_308, %add3A_60 : vector<16xi32>
      %gather3A = tpu.vector_load_idx %arg9[%add3A_309] : memref<512xf32, #tpu.memory_space<vmem>>[vector<16xi32>], vector<16xf32>,
      %gather3A_310 = tpu.vector_load_idx %arg10[%add3A_309] : memref<512xf32, #tpu.memory_space<vmem>>[vector<16xi32>], vector<16xf32>,
      %gather3A_311 = tpu.vector_load_idx %arg11[%add3A_309] : memref<512xf32, #tpu.memory_space<vmem>>[vector<16xi32>], vector<16xf32>,
      %gather3A_312 = tpu.vector_load_idx %arg12[%add3A_309] : memref<512xf32, #tpu.memory_space<vmem>>[vector<16xi32>], vector<16xf32>,
      %gather3A_313 = tpu.vector_load_idx %arg13[%add3A_309] : memref<512xf32, #tpu.memory_space<vmem>>[vector<16xi32>], vector<16xf32>,
      %gather3A_314 = tpu.vector_load_idx %arg14[%add3A_309] : memref<512xf32, #tpu.memory_space<vmem>>[vector<16xi32>], vector<16xf32>,
      %mul3A_315 = arith.mulf %get3A_290, %gather3A : vector<16xf32>
      %add3A_316 = arith.addf %mul3A_315, %gather3A_310 : vector<16xf32>
      %sub3A = arith.constant 1.000000e+00 : f32
      %sub3A_317 = vector.broadcast %sub3A : f32 to vector<16xf32>
      %sub3A_318 = arith.subf %sub3A_317, %add3A_316 : vector<16xf32>
      %mul3A_319 = arith.mulf %gather3A_312, %gather3A : vector<16xf32>
      %mul3A_320 = arith.mulf %mul3A_319, %add3A_316 : vector<16xf32>
      %mul3A_321 = arith.mulf %gather3A_313, %sub3A_318 : vector<16xf32>
      %add3A_322 = arith.addf %mul3A_320, %mul3A_321 : vector<16xf32>
      %mul3A_323 = arith.mulf %add3A_316, %add3A_322 : vector<16xf32>
      %mul3A_324 = arith.mulf %gather3A_312, %mul3A_323 : vector<16xf32>
      %mul3A_325 = arith.mulf %add3A_316, %sub3A_318 : vector<16xf32>
      %mul3A_326 = arith.mulf %gather3A_314, %mul3A_325 : vector<16xf32>
      %add3A_327 = arith.addf %mul3A_319, %mul3A_326 : vector<16xf32>
      %div3A = arith.divf %mul3A_324, %add3A_327 : vector<16xf32>
      %add3A_328 = arith.addf %gather3A_311, %div3A : vector<16xf32>
      %abs3A = math.absf %get3A_290 : vector<16xf32>
      %gt3A = arith.constant 3.000000e+00 : f32
      %gt3A_329 = vector.broadcast %gt3A : f32 to vector<16xf32>
      %gt3A_330 = arith.cmpf ogt, %abs3A, %gt3A_329 : vector<16xf32>
      %select_n3A_331 = arith.select %gt3A_330, %get3A_290, %add3A_328 : vector<16xi1>, vector<16xf32>
      %swap3A = arith.index_cast %scan3A_286 : i32 to index
      %swap3A_332 = arith.constant 0 : index
      %swap3A_333 = tpu.vector_load %arg6[%swap3A, %swap3A_332] {strides = array<i32>} : memref<256x64xf32, #tpu.memory_space<vmem>>, vector<16xf32>,
      tpu.vector_store %arg6[%swap3A, %swap3A_332], %select_n3A_331 {strides = array<i32>} : memref<256x64xf32, #tpu.memory_space<vmem>>, vector<16xf32>,
      %get3A_334 = arith.index_cast %scan3A_286 : i32 to index
      %get3A_335 = arith.constant 16 : index
      %get3A_336 = tpu.vector_load %arg6[%get3A_334, %get3A_335] {strides = array<i32>} : memref<256x64xf32, #tpu.memory_space<vmem>>, vector<16xf32>,
      %ge3A_337 = arith.cmpf oge, %get3A_336, %get3A_17 : vector<16xf32>
      %select_n3A_338 = arith.select %ge3A_337, %broadcast_in_dim3A_70, %broadcast_in_dim3A_72 : vector<16xi1>, vector<16xi32>
      %ge3A_339 = arith.cmpf oge, %get3A_336, %get3A_19 : vector<16xf32>
      %select_n3A_340 = arith.select %ge3A_339, %broadcast_in_dim3A_70, %broadcast_in_dim3A_72 : vector<16xi1>, vector<16xi32>
      %ge3A_341 = arith.cmpf oge, %get3A_336, %get3A_21 : vector<16xf32>
      %select_n3A_342 = arith.select %ge3A_341, %broadcast_in_dim3A_70, %broadcast_in_dim3A_72 : vector<16xi1>, vector<16xi32>
      %ge3A_343 = arith.cmpf oge, %get3A_336, %get3A_23 : vector<16xf32>
      %select_n3A_344 = arith.select %ge3A_343, %broadcast_in_dim3A_70, %broadcast_in_dim3A_72 : vector<16xi1>, vector<16xi32>
      %ge3A_345 = arith.cmpf oge, %get3A_336, %get3A_25 : vector<16xf32>
      %select_n3A_346 = arith.select %ge3A_345, %broadcast_in_dim3A_70, %broadcast_in_dim3A_72 : vector<16xi1>, vector<16xi32>
      %ge3A_347 = arith.cmpf oge, %get3A_336, %get3A_27 : vector<16xf32>
      %select_n3A_348 = arith.select %ge3A_347, %broadcast_in_dim3A_70, %broadcast_in_dim3A_72 : vector<16xi1>, vector<16xi32>
      %ge3A_349 = arith.cmpf oge, %get3A_336, %get3A_29 : vector<16xf32>
      %select_n3A_350 = arith.select %ge3A_349, %broadcast_in_dim3A_70, %broadcast_in_dim3A_72 : vector<16xi1>, vector<16xi32>
      %add3A_351 = arith.addi %select_n3A_338, %select_n3A_340 : vector<16xi32>
      %add3A_352 = arith.addi %select_n3A_342, %select_n3A_344 : vector<16xi32>
      %add3A_353 = arith.addi %select_n3A_346, %select_n3A_348 : vector<16xi32>
      %add3A_354 = arith.addi %add3A_351, %add3A_352 : vector<16xi32>
      %add3A_355 = arith.addi %add3A_353, %select_n3A_350 : vector<16xi32>
      %add3A_356 = arith.addi %add3A_354, %add3A_355 : vector<16xi32>
      %add3A_357 = arith.addi %add3A_356, %add3A_63 : vector<16xi32>
      %gather3A_358 = tpu.vector_load_idx %arg9[%add3A_357] : memref<512xf32, #tpu.memory_space<vmem>>[vector<16xi32>], vector<16xf32>,
      %gather3A_359 = tpu.vector_load_idx %arg10[%add3A_357] : memref<512xf32, #tpu.memory_space<vmem>>[vector<16xi32>], vector<16xf32>,
      %gather3A_360 = tpu.vector_load_idx %arg11[%add3A_357] : memref<512xf32, #tpu.memory_space<vmem>>[vector<16xi32>], vector<16xf32>,
      %gather3A_361 = tpu.vector_load_idx %arg12[%add3A_357] : memref<512xf32, #tpu.memory_space<vmem>>[vector<16xi32>], vector<16xf32>,
      %gather3A_362 = tpu.vector_load_idx %arg13[%add3A_357] : memref<512xf32, #tpu.memory_space<vmem>>[vector<16xi32>], vector<16xf32>,
      %gather3A_363 = tpu.vector_load_idx %arg14[%add3A_357] : memref<512xf32, #tpu.memory_space<vmem>>[vector<16xi32>], vector<16xf32>,
      %mul3A_364 = arith.mulf %get3A_336, %gather3A_358 : vector<16xf32>
      %add3A_365 = arith.addf %mul3A_364, %gather3A_359 : vector<16xf32>
      %sub3A_366 = arith.constant 1.000000e+00 : f32
      %sub3A_367 = vector.broadcast %sub3A_366 : f32 to vector<16xf32>
      %sub3A_368 = arith.subf %sub3A_367, %add3A_365 : vector<16xf32>
      %mul3A_369 = arith.mulf %gather3A_361, %gather3A_358 : vector<16xf32>
      %mul3A_370 = arith.mulf %mul3A_369, %add3A_365 : vector<16xf32>
      %mul3A_371 = arith.mulf %gather3A_362, %sub3A_368 : vector<16xf32>
      %add3A_372 = arith.addf %mul3A_370, %mul3A_371 : vector<16xf32>
      %mul3A_373 = arith.mulf %add3A_365, %add3A_372 : vector<16xf32>
      %mul3A_374 = arith.mulf %gather3A_361, %mul3A_373 : vector<16xf32>
      %mul3A_375 = arith.mulf %add3A_365, %sub3A_368 : vector<16xf32>
      %mul3A_376 = arith.mulf %gather3A_363, %mul3A_375 : vector<16xf32>
      %add3A_377 = arith.addf %mul3A_369, %mul3A_376 : vector<16xf32>
      %div3A_378 = arith.divf %mul3A_374, %add3A_377 : vector<16xf32>
      %add3A_379 = arith.addf %gather3A_360, %div3A_378 : vector<16xf32>
      %abs3A_380 = math.absf %get3A_336 : vector<16xf32>
      %gt3A_381 = arith.constant 3.000000e+00 : f32
      %gt3A_382 = vector.broadcast %gt3A_381 : f32 to vector<16xf32>
      %gt3A_383 = arith.cmpf ogt, %abs3A_380, %gt3A_382 : vector<16xf32>
      %select_n3A_384 = arith.select %gt3A_383, %get3A_336, %add3A_379 : vector<16xi1>, vector<16xf32>
      %swap3A_385 = arith.index_cast %scan3A_286 : i32 to index
      %swap3A_386 = arith.constant 16 : index
      %swap3A_387 = tpu.vector_load %arg6[%swap3A_385, %swap3A_386] {strides = array<i32>} : memref<256x64xf32, #tpu.memory_space<vmem>>, vector<16xf32>,
      tpu.vector_store %arg6[%swap3A_385, %swap3A_386], %select_n3A_384 {strides = array<i32>} : memref<256x64xf32, #tpu.memory_space<vmem>>, vector<16xf32>,
      %get3A_388 = arith.index_cast %scan3A_286 : i32 to index
      %get3A_389 = arith.constant 32 : index
      %get3A_390 = tpu.vector_load %arg6[%get3A_388, %get3A_389] {strides = array<i32>} : memref<256x64xf32, #tpu.memory_space<vmem>>, vector<16xf32>,
      %ge3A_391 = arith.cmpf oge, %get3A_390, %get3A_31 : vector<16xf32>
      %select_n3A_392 = arith.select %ge3A_391, %broadcast_in_dim3A_70, %broadcast_in_dim3A_72 : vector<16xi1>, vector<16xi32>
      %ge3A_393 = arith.cmpf oge, %get3A_390, %get3A_33 : vector<16xf32>
      %select_n3A_394 = arith.select %ge3A_393, %broadcast_in_dim3A_70, %broadcast_in_dim3A_72 : vector<16xi1>, vector<16xi32>
      %ge3A_395 = arith.cmpf oge, %get3A_390, %get3A_35 : vector<16xf32>
      %select_n3A_396 = arith.select %ge3A_395, %broadcast_in_dim3A_70, %broadcast_in_dim3A_72 : vector<16xi1>, vector<16xi32>
      %ge3A_397 = arith.cmpf oge, %get3A_390, %get3A_37 : vector<16xf32>
      %select_n3A_398 = arith.select %ge3A_397, %broadcast_in_dim3A_70, %broadcast_in_dim3A_72 : vector<16xi1>, vector<16xi32>
      %ge3A_399 = arith.cmpf oge, %get3A_390, %get3A_39 : vector<16xf32>
      %select_n3A_400 = arith.select %ge3A_399, %broadcast_in_dim3A_70, %broadcast_in_dim3A_72 : vector<16xi1>, vector<16xi32>
      %ge3A_401 = arith.cmpf oge, %get3A_390, %get3A_41 : vector<16xf32>
      %select_n3A_402 = arith.select %ge3A_401, %broadcast_in_dim3A_70, %broadcast_in_dim3A_72 : vector<16xi1>, vector<16xi32>
      %ge3A_403 = arith.cmpf oge, %get3A_390, %get3A_43 : vector<16xf32>
      %select_n3A_404 = arith.select %ge3A_403, %broadcast_in_dim3A_70, %broadcast_in_dim3A_72 : vector<16xi1>, vector<16xi32>
      %add3A_405 = arith.addi %select_n3A_392, %select_n3A_394 : vector<16xi32>
      %add3A_406 = arith.addi %select_n3A_396, %select_n3A_398 : vector<16xi32>
      %add3A_407 = arith.addi %select_n3A_400, %select_n3A_402 : vector<16xi32>
      %add3A_408 = arith.addi %add3A_405, %add3A_406 : vector<16xi32>
      %add3A_409 = arith.addi %add3A_407, %select_n3A_404 : vector<16xi32>
      %add3A_410 = arith.addi %add3A_408, %add3A_409 : vector<16xi32>
      %add3A_411 = arith.addi %add3A_410, %add3A_66 : vector<16xi32>
      %gather3A_412 = tpu.vector_load_idx %arg9[%add3A_411] : memref<512xf32, #tpu.memory_space<vmem>>[vector<16xi32>], vector<16xf32>,
      %gather3A_413 = tpu.vector_load_idx %arg10[%add3A_411] : memref<512xf32, #tpu.memory_space<vmem>>[vector<16xi32>], vector<16xf32>,
      %gather3A_414 = tpu.vector_load_idx %arg11[%add3A_411] : memref<512xf32, #tpu.memory_space<vmem>>[vector<16xi32>], vector<16xf32>,
      %gather3A_415 = tpu.vector_load_idx %arg12[%add3A_411] : memref<512xf32, #tpu.memory_space<vmem>>[vector<16xi32>], vector<16xf32>,
      %gather3A_416 = tpu.vector_load_idx %arg13[%add3A_411] : memref<512xf32, #tpu.memory_space<vmem>>[vector<16xi32>], vector<16xf32>,
      %gather3A_417 = tpu.vector_load_idx %arg14[%add3A_411] : memref<512xf32, #tpu.memory_space<vmem>>[vector<16xi32>], vector<16xf32>,
      %mul3A_418 = arith.mulf %get3A_390, %gather3A_412 : vector<16xf32>
      %add3A_419 = arith.addf %mul3A_418, %gather3A_413 : vector<16xf32>
      %sub3A_420 = arith.constant 1.000000e+00 : f32
      %sub3A_421 = vector.broadcast %sub3A_420 : f32 to vector<16xf32>
      %sub3A_422 = arith.subf %sub3A_421, %add3A_419 : vector<16xf32>
      %mul3A_423 = arith.mulf %gather3A_415, %gather3A_412 : vector<16xf32>
      %mul3A_424 = arith.mulf %mul3A_423, %add3A_419 : vector<16xf32>
      %mul3A_425 = arith.mulf %gather3A_416, %sub3A_422 : vector<16xf32>
      %add3A_426 = arith.addf %mul3A_424, %mul3A_425 : vector<16xf32>
      %mul3A_427 = arith.mulf %add3A_419, %add3A_426 : vector<16xf32>
      %mul3A_428 = arith.mulf %gather3A_415, %mul3A_427 : vector<16xf32>
      %mul3A_429 = arith.mulf %add3A_419, %sub3A_422 : vector<16xf32>
      %mul3A_430 = arith.mulf %gather3A_417, %mul3A_429 : vector<16xf32>
      %add3A_431 = arith.addf %mul3A_423, %mul3A_430 : vector<16xf32>
      %div3A_432 = arith.divf %mul3A_428, %add3A_431 : vector<16xf32>
      %add3A_433 = arith.addf %gather3A_414, %div3A_432 : vector<16xf32>
      %abs3A_434 = math.absf %get3A_390 : vector<16xf32>
      %gt3A_435 = arith.constant 3.000000e+00 : f32
      %gt3A_436 = vector.broadcast %gt3A_435 : f32 to vector<16xf32>
      %gt3A_437 = arith.cmpf ogt, %abs3A_434, %gt3A_436 : vector<16xf32>
      %select_n3A_438 = arith.select %gt3A_437, %get3A_390, %add3A_433 : vector<16xi1>, vector<16xf32>
      %swap3A_439 = arith.index_cast %scan3A_286 : i32 to index
      %swap3A_440 = arith.constant 32 : index
      %swap3A_441 = tpu.vector_load %arg6[%swap3A_439, %swap3A_440] {strides = array<i32>} : memref<256x64xf32, #tpu.memory_space<vmem>>, vector<16xf32>,
      tpu.vector_store %arg6[%swap3A_439, %swap3A_440], %select_n3A_438 {strides = array<i32>} : memref<256x64xf32, #tpu.memory_space<vmem>>, vector<16xf32>,
      %get3A_442 = arith.index_cast %scan3A_286 : i32 to index
      %get3A_443 = arith.constant 48 : index
      %get3A_444 = tpu.vector_load %arg6[%get3A_442, %get3A_443] {strides = array<i32>} : memref<256x64xf32, #tpu.memory_space<vmem>>, vector<16xf32>,
      %ge3A_445 = arith.cmpf oge, %get3A_444, %get3A_45 : vector<16xf32>
      %select_n3A_446 = arith.select %ge3A_445, %broadcast_in_dim3A_70, %broadcast_in_dim3A_72 : vector<16xi1>, vector<16xi32>
      %ge3A_447 = arith.cmpf oge, %get3A_444, %get3A_47 : vector<16xf32>
      %select_n3A_448 = arith.select %ge3A_447, %broadcast_in_dim3A_70, %broadcast_in_dim3A_72 : vector<16xi1>, vector<16xi32>
      %ge3A_449 = arith.cmpf oge, %get3A_444, %get3A_49 : vector<16xf32>
      %select_n3A_450 = arith.select %ge3A_449, %broadcast_in_dim3A_70, %broadcast_in_dim3A_72 : vector<16xi1>, vector<16xi32>
      %ge3A_451 = arith.cmpf oge, %get3A_444, %get3A_51 : vector<16xf32>
      %select_n3A_452 = arith.select %ge3A_451, %broadcast_in_dim3A_70, %broadcast_in_dim3A_72 : vector<16xi1>, vector<16xi32>
      %ge3A_453 = arith.cmpf oge, %get3A_444, %get3A_53 : vector<16xf32>
      %select_n3A_454 = arith.select %ge3A_453, %broadcast_in_dim3A_70, %broadcast_in_dim3A_72 : vector<16xi1>, vector<16xi32>
      %ge3A_455 = arith.cmpf oge, %get3A_444, %get3A_55 : vector<16xf32>
      %select_n3A_456 = arith.select %ge3A_455, %broadcast_in_dim3A_70, %broadcast_in_dim3A_72 : vector<16xi1>, vector<16xi32>
      %ge3A_457 = arith.cmpf oge, %get3A_444, %get3A_57 : vector<16xf32>
      %select_n3A_458 = arith.select %ge3A_457, %broadcast_in_dim3A_70, %broadcast_in_dim3A_72 : vector<16xi1>, vector<16xi32>
      %add3A_459 = arith.addi %select_n3A_446, %select_n3A_448 : vector<16xi32>
      %add3A_460 = arith.addi %select_n3A_450, %select_n3A_452 : vector<16xi32>
      %add3A_461 = arith.addi %select_n3A_454, %select_n3A_456 : vector<16xi32>
      %add3A_462 = arith.addi %add3A_459, %add3A_460 : vector<16xi32>
      %add3A_463 = arith.addi %add3A_461, %select_n3A_458 : vector<16xi32>
      %add3A_464 = arith.addi %add3A_462, %add3A_463 : vector<16xi32>
      %add3A_465 = arith.addi %add3A_464, %add3A_69 : vector<16xi32>
      %gather3A_466 = tpu.vector_load_idx %arg9[%add3A_465] : memref<512xf32, #tpu.memory_space<vmem>>[vector<16xi32>], vector<16xf32>,
      %gather3A_467 = tpu.vector_load_idx %arg10[%add3A_465] : memref<512xf32, #tpu.memory_space<vmem>>[vector<16xi32>], vector<16xf32>,
      %gather3A_468 = tpu.vector_load_idx %arg11[%add3A_465] : memref<512xf32, #tpu.memory_space<vmem>>[vector<16xi32>], vector<16xf32>,
      %gather3A_469 = tpu.vector_load_idx %arg12[%add3A_465] : memref<512xf32, #tpu.memory_space<vmem>>[vector<16xi32>], vector<16xf32>,
      %gather3A_470 = tpu.vector_load_idx %arg13[%add3A_465] : memref<512xf32, #tpu.memory_space<vmem>>[vector<16xi32>], vector<16xf32>,
      %gather3A_471 = tpu.vector_load_idx %arg14[%add3A_465] : memref<512xf32, #tpu.memory_space<vmem>>[vector<16xi32>], vector<16xf32>,
      %mul3A_472 = arith.mulf %get3A_444, %gather3A_466 : vector<16xf32>
      %add3A_473 = arith.addf %mul3A_472, %gather3A_467 : vector<16xf32>
      %sub3A_474 = arith.constant 1.000000e+00 : f32
      %sub3A_475 = vector.broadcast %sub3A_474 : f32 to vector<16xf32>
      %sub3A_476 = arith.subf %sub3A_475, %add3A_473 : vector<16xf32>
      %mul3A_477 = arith.mulf %gather3A_469, %gather3A_466 : vector<16xf32>
      %mul3A_478 = arith.mulf %mul3A_477, %add3A_473 : vector<16xf32>
      %mul3A_479 = arith.mulf %gather3A_470, %sub3A_476 : vector<16xf32>
      %add3A_480 = arith.addf %mul3A_478, %mul3A_479 : vector<16xf32>
      %mul3A_481 = arith.mulf %add3A_473, %add3A_480 : vector<16xf32>
      %mul3A_482 = arith.mulf %gather3A_469, %mul3A_481 : vector<16xf32>
      %mul3A_483 = arith.mulf %add3A_473, %sub3A_476 : vector<16xf32>
      %mul3A_484 = arith.mulf %gather3A_471, %mul3A_483 : vector<16xf32>
      %add3A_485 = arith.addf %mul3A_477, %mul3A_484 : vector<16xf32>
      %div3A_486 = arith.divf %mul3A_482, %add3A_485 : vector<16xf32>
      %add3A_487 = arith.addf %gather3A_468, %div3A_486 : vector<16xf32>
      %abs3A_488 = math.absf %get3A_444 : vector<16xf32>
      %gt3A_489 = arith.constant 3.000000e+00 : f32
      %gt3A_490 = vector.broadcast %gt3A_489 : f32 to vector<16xf32>
      %gt3A_491 = arith.cmpf ogt, %abs3A_488, %gt3A_490 : vector<16xf32>
      %select_n3A_492 = arith.select %gt3A_491, %get3A_444, %add3A_487 : vector<16xi1>, vector<16xf32>
      %swap3A_493 = arith.index_cast %scan3A_286 : i32 to index
      %swap3A_494 = arith.constant 48 : index
      %swap3A_495 = tpu.vector_load %arg6[%swap3A_493, %swap3A_494] {strides = array<i32>} : memref<256x64xf32, #tpu.memory_space<vmem>>, vector<16xf32>,
      tpu.vector_store %arg6[%swap3A_493, %swap3A_494], %select_n3A_492 {strides = array<i32>} : memref<256x64xf32, #tpu.memory_space<vmem>>, vector<16xf32>,
      %scan3A_496 = arith.constant 0 : i32
      scf.yield %scan3A_496 : i32
    }
    %scan3A_92 = arith.constant 256 : i32
    %add3A_93 = arith.constant 0 : i32
    %add3A_94 = arith.addi %mul3A_2, %add3A_93 : i32
    %dma_start3A_95 = arith.constant 0 : i32
    %dma_start3A_96 = tpu.memref_slice %arg5[%add3A_94, %dma_start3A_95] : memref<65536x64xf32, #tpu.memory_space<hbm>> -> memref<256x64xf32, #tpu.memory_space<hbm>>
    %dma_start3A_97 = arith.constant 0 : i32
    %dma_start3A_98 = tpu.memref_slice %arg5[%add3A_94, %dma_start3A_97] : memref<65536x64xf32, #tpu.memory_space<hbm>> -> memref<256x64xf32, #tpu.memory_space<hbm>>
    tpu.enqueue_dma source(%arg6 : memref<256x64xf32, #tpu.memory_space<vmem>>) target(%dma_start3A_98 : memref<256x64xf32, #tpu.memory_space<hbm>>) target_semaphore(%arg17 : memref<!tpu.dma_semaphore, #tpu.memory_space<semaphore_mem>>)
    %dma_wait3A_99 = arith.constant 0 : i32
    %dma_wait3A_100 = tpu.memref_slice %arg2[%add3A_82, %dma_wait3A_99] : memref<65536x64xf32, #tpu.memory_space<hbm>> -> memref<256x64xf32, #tpu.memory_space<hbm>>
    %dma_wait3A_101 = arith.constant 0 : i32
    %dma_wait3A_102 = tpu.memref_slice %arg2[%add3A_82, %dma_wait3A_101] : memref<65536x64xf32, #tpu.memory_space<hbm>> -> memref<256x64xf32, #tpu.memory_space<hbm>>
    tpu.wait_dma2 semaphore(%arg16 : memref<!tpu.dma_semaphore, #tpu.memory_space<semaphore_mem>>) src(%dma_wait3A_102 : memref<256x64xf32, #tpu.memory_space<hbm>>) dst(%arg7 : memref<256x64xf32, #tpu.memory_space<vmem>>)
    %dma_wait3A_103 = arith.constant 0 : i32
    %dma_wait3A_104 = tpu.memref_slice %arg5[%add3A_94, %dma_wait3A_103] : memref<65536x64xf32, #tpu.memory_space<hbm>> -> memref<256x64xf32, #tpu.memory_space<hbm>>
    %dma_wait3A_105 = arith.constant 0 : i32
    %dma_wait3A_106 = tpu.memref_slice %arg5[%add3A_94, %dma_wait3A_105] : memref<65536x64xf32, #tpu.memory_space<hbm>> -> memref<256x64xf32, #tpu.memory_space<hbm>>
    tpu.wait_dma2 semaphore(%arg17 : memref<!tpu.dma_semaphore, #tpu.memory_space<semaphore_mem>>) src(%arg6 : memref<256x64xf32, #tpu.memory_space<vmem>>) dst(%dma_wait3A_106 : memref<256x64xf32, #tpu.memory_space<hbm>>)
    %add3A_107 = arith.constant 512 : i32
    %add3A_108 = arith.addi %mul3A_2, %add3A_107 : i32
    %dma_start3A_109 = arith.constant 0 : i32
    %dma_start3A_110 = tpu.memref_slice %arg2[%add3A_108, %dma_start3A_109] : memref<65536x64xf32, #tpu.memory_space<hbm>> -> memref<256x64xf32, #tpu.memory_space<hbm>>
    %dma_start3A_111 = arith.constant 0 : i32
    %dma_start3A_112 = tpu.memref_slice %arg2[%add3A_108, %dma_start3A_111] : memref<65536x64xf32, #tpu.memory_space<hbm>> -> memref<256x64xf32, #tpu.memory_space<hbm>>
    tpu.enqueue_dma source(%dma_start3A_112 : memref<256x64xf32, #tpu.memory_space<hbm>>) target(%arg6 : memref<256x64xf32, #tpu.memory_space<vmem>>) target_semaphore(%arg15 : memref<!tpu.dma_semaphore, #tpu.memory_space<semaphore_mem>>)
    %scan3A_113 = arith.constant 0 : i32
    %scan3A_114 = arith.constant 0 : i32
    %scan3A_115 = arith.constant 256 : i32
    %scan3A_116 = arith.addi %scan3A_114, %scan3A_115 : i32
    %scan3A_117 = arith.constant 1 : i32
    %scan3A_118 = scf.for %scan3A_286 = %scan3A_114 to %scan3A_116 step %scan3A_117 iter_args(%scan3A_287 = %scan3A_113) -> (i32)  : i32 {
      %get3A_288 = arith.index_cast %scan3A_286 : i32 to index
      %get3A_289 = arith.constant 0 : index
      %get3A_290 = tpu.vector_load %arg7[%get3A_288, %get3A_289] {strides = array<i32>} : memref<256x64xf32, #tpu.memory_space<vmem>>, vector<16xf32>,
      %ge3A = arith.cmpf oge, %get3A_290, %get3A_3 : vector<16xf32>
      %select_n3A = arith.select %ge3A, %broadcast_in_dim3A_70, %broadcast_in_dim3A_72 : vector<16xi1>, vector<16xi32>
      %ge3A_291 = arith.cmpf oge, %get3A_290, %get3A_5 : vector<16xf32>
      %select_n3A_292 = arith.select %ge3A_291, %broadcast_in_dim3A_70, %broadcast_in_dim3A_72 : vector<16xi1>, vector<16xi32>
      %ge3A_293 = arith.cmpf oge, %get3A_290, %get3A_7 : vector<16xf32>
      %select_n3A_294 = arith.select %ge3A_293, %broadcast_in_dim3A_70, %broadcast_in_dim3A_72 : vector<16xi1>, vector<16xi32>
      %ge3A_295 = arith.cmpf oge, %get3A_290, %get3A_9 : vector<16xf32>
      %select_n3A_296 = arith.select %ge3A_295, %broadcast_in_dim3A_70, %broadcast_in_dim3A_72 : vector<16xi1>, vector<16xi32>
      %ge3A_297 = arith.cmpf oge, %get3A_290, %get3A_11 : vector<16xf32>
      %select_n3A_298 = arith.select %ge3A_297, %broadcast_in_dim3A_70, %broadcast_in_dim3A_72 : vector<16xi1>, vector<16xi32>
      %ge3A_299 = arith.cmpf oge, %get3A_290, %get3A_13 : vector<16xf32>
      %select_n3A_300 = arith.select %ge3A_299, %broadcast_in_dim3A_70, %broadcast_in_dim3A_72 : vector<16xi1>, vector<16xi32>
      %ge3A_301 = arith.cmpf oge, %get3A_290, %get3A_15 : vector<16xf32>
      %select_n3A_302 = arith.select %ge3A_301, %broadcast_in_dim3A_70, %broadcast_in_dim3A_72 : vector<16xi1>, vector<16xi32>
      %add3A_303 = arith.addi %select_n3A, %select_n3A_292 : vector<16xi32>
      %add3A_304 = arith.addi %select_n3A_294, %select_n3A_296 : vector<16xi32>
      %add3A_305 = arith.addi %select_n3A_298, %select_n3A_300 : vector<16xi32>
      %add3A_306 = arith.addi %add3A_303, %add3A_304 : vector<16xi32>
      %add3A_307 = arith.addi %add3A_305, %select_n3A_302 : vector<16xi32>
      %add3A_308 = arith.addi %add3A_306, %add3A_307 : vector<16xi32>
      %add3A_309 = arith.addi %add3A_308, %add3A_60 : vector<16xi32>
      %gather3A = tpu.vector_load_idx %arg9[%add3A_309] : memref<512xf32, #tpu.memory_space<vmem>>[vector<16xi32>], vector<16xf32>,
      %gather3A_310 = tpu.vector_load_idx %arg10[%add3A_309] : memref<512xf32, #tpu.memory_space<vmem>>[vector<16xi32>], vector<16xf32>,
      %gather3A_311 = tpu.vector_load_idx %arg11[%add3A_309] : memref<512xf32, #tpu.memory_space<vmem>>[vector<16xi32>], vector<16xf32>,
      %gather3A_312 = tpu.vector_load_idx %arg12[%add3A_309] : memref<512xf32, #tpu.memory_space<vmem>>[vector<16xi32>], vector<16xf32>,
      %gather3A_313 = tpu.vector_load_idx %arg13[%add3A_309] : memref<512xf32, #tpu.memory_space<vmem>>[vector<16xi32>], vector<16xf32>,
      %gather3A_314 = tpu.vector_load_idx %arg14[%add3A_309] : memref<512xf32, #tpu.memory_space<vmem>>[vector<16xi32>], vector<16xf32>,
      %mul3A_315 = arith.mulf %get3A_290, %gather3A : vector<16xf32>
      %add3A_316 = arith.addf %mul3A_315, %gather3A_310 : vector<16xf32>
      %sub3A = arith.constant 1.000000e+00 : f32
      %sub3A_317 = vector.broadcast %sub3A : f32 to vector<16xf32>
      %sub3A_318 = arith.subf %sub3A_317, %add3A_316 : vector<16xf32>
      %mul3A_319 = arith.mulf %gather3A_312, %gather3A : vector<16xf32>
      %mul3A_320 = arith.mulf %mul3A_319, %add3A_316 : vector<16xf32>
      %mul3A_321 = arith.mulf %gather3A_313, %sub3A_318 : vector<16xf32>
      %add3A_322 = arith.addf %mul3A_320, %mul3A_321 : vector<16xf32>
      %mul3A_323 = arith.mulf %add3A_316, %add3A_322 : vector<16xf32>
      %mul3A_324 = arith.mulf %gather3A_312, %mul3A_323 : vector<16xf32>
      %mul3A_325 = arith.mulf %add3A_316, %sub3A_318 : vector<16xf32>
      %mul3A_326 = arith.mulf %gather3A_314, %mul3A_325 : vector<16xf32>
      %add3A_327 = arith.addf %mul3A_319, %mul3A_326 : vector<16xf32>
      %div3A = arith.divf %mul3A_324, %add3A_327 : vector<16xf32>
      %add3A_328 = arith.addf %gather3A_311, %div3A : vector<16xf32>
      %abs3A = math.absf %get3A_290 : vector<16xf32>
      %gt3A = arith.constant 3.000000e+00 : f32
      %gt3A_329 = vector.broadcast %gt3A : f32 to vector<16xf32>
      %gt3A_330 = arith.cmpf ogt, %abs3A, %gt3A_329 : vector<16xf32>
      %select_n3A_331 = arith.select %gt3A_330, %get3A_290, %add3A_328 : vector<16xi1>, vector<16xf32>
      %swap3A = arith.index_cast %scan3A_286 : i32 to index
      %swap3A_332 = arith.constant 0 : index
      %swap3A_333 = tpu.vector_load %arg7[%swap3A, %swap3A_332] {strides = array<i32>} : memref<256x64xf32, #tpu.memory_space<vmem>>, vector<16xf32>,
      tpu.vector_store %arg7[%swap3A, %swap3A_332], %select_n3A_331 {strides = array<i32>} : memref<256x64xf32, #tpu.memory_space<vmem>>, vector<16xf32>,
      %get3A_334 = arith.index_cast %scan3A_286 : i32 to index
      %get3A_335 = arith.constant 16 : index
      %get3A_336 = tpu.vector_load %arg7[%get3A_334, %get3A_335] {strides = array<i32>} : memref<256x64xf32, #tpu.memory_space<vmem>>, vector<16xf32>,
      %ge3A_337 = arith.cmpf oge, %get3A_336, %get3A_17 : vector<16xf32>
      %select_n3A_338 = arith.select %ge3A_337, %broadcast_in_dim3A_70, %broadcast_in_dim3A_72 : vector<16xi1>, vector<16xi32>
      %ge3A_339 = arith.cmpf oge, %get3A_336, %get3A_19 : vector<16xf32>
      %select_n3A_340 = arith.select %ge3A_339, %broadcast_in_dim3A_70, %broadcast_in_dim3A_72 : vector<16xi1>, vector<16xi32>
      %ge3A_341 = arith.cmpf oge, %get3A_336, %get3A_21 : vector<16xf32>
      %select_n3A_342 = arith.select %ge3A_341, %broadcast_in_dim3A_70, %broadcast_in_dim3A_72 : vector<16xi1>, vector<16xi32>
      %ge3A_343 = arith.cmpf oge, %get3A_336, %get3A_23 : vector<16xf32>
      %select_n3A_344 = arith.select %ge3A_343, %broadcast_in_dim3A_70, %broadcast_in_dim3A_72 : vector<16xi1>, vector<16xi32>
      %ge3A_345 = arith.cmpf oge, %get3A_336, %get3A_25 : vector<16xf32>
      %select_n3A_346 = arith.select %ge3A_345, %broadcast_in_dim3A_70, %broadcast_in_dim3A_72 : vector<16xi1>, vector<16xi32>
      %ge3A_347 = arith.cmpf oge, %get3A_336, %get3A_27 : vector<16xf32>
      %select_n3A_348 = arith.select %ge3A_347, %broadcast_in_dim3A_70, %broadcast_in_dim3A_72 : vector<16xi1>, vector<16xi32>
      %ge3A_349 = arith.cmpf oge, %get3A_336, %get3A_29 : vector<16xf32>
      %select_n3A_350 = arith.select %ge3A_349, %broadcast_in_dim3A_70, %broadcast_in_dim3A_72 : vector<16xi1>, vector<16xi32>
      %add3A_351 = arith.addi %select_n3A_338, %select_n3A_340 : vector<16xi32>
      %add3A_352 = arith.addi %select_n3A_342, %select_n3A_344 : vector<16xi32>
      %add3A_353 = arith.addi %select_n3A_346, %select_n3A_348 : vector<16xi32>
      %add3A_354 = arith.addi %add3A_351, %add3A_352 : vector<16xi32>
      %add3A_355 = arith.addi %add3A_353, %select_n3A_350 : vector<16xi32>
      %add3A_356 = arith.addi %add3A_354, %add3A_355 : vector<16xi32>
      %add3A_357 = arith.addi %add3A_356, %add3A_63 : vector<16xi32>
      %gather3A_358 = tpu.vector_load_idx %arg9[%add3A_357] : memref<512xf32, #tpu.memory_space<vmem>>[vector<16xi32>], vector<16xf32>,
      %gather3A_359 = tpu.vector_load_idx %arg10[%add3A_357] : memref<512xf32, #tpu.memory_space<vmem>>[vector<16xi32>], vector<16xf32>,
      %gather3A_360 = tpu.vector_load_idx %arg11[%add3A_357] : memref<512xf32, #tpu.memory_space<vmem>>[vector<16xi32>], vector<16xf32>,
      %gather3A_361 = tpu.vector_load_idx %arg12[%add3A_357] : memref<512xf32, #tpu.memory_space<vmem>>[vector<16xi32>], vector<16xf32>,
      %gather3A_362 = tpu.vector_load_idx %arg13[%add3A_357] : memref<512xf32, #tpu.memory_space<vmem>>[vector<16xi32>], vector<16xf32>,
      %gather3A_363 = tpu.vector_load_idx %arg14[%add3A_357] : memref<512xf32, #tpu.memory_space<vmem>>[vector<16xi32>], vector<16xf32>,
      %mul3A_364 = arith.mulf %get3A_336, %gather3A_358 : vector<16xf32>
      %add3A_365 = arith.addf %mul3A_364, %gather3A_359 : vector<16xf32>
      %sub3A_366 = arith.constant 1.000000e+00 : f32
      %sub3A_367 = vector.broadcast %sub3A_366 : f32 to vector<16xf32>
      %sub3A_368 = arith.subf %sub3A_367, %add3A_365 : vector<16xf32>
      %mul3A_369 = arith.mulf %gather3A_361, %gather3A_358 : vector<16xf32>
      %mul3A_370 = arith.mulf %mul3A_369, %add3A_365 : vector<16xf32>
      %mul3A_371 = arith.mulf %gather3A_362, %sub3A_368 : vector<16xf32>
      %add3A_372 = arith.addf %mul3A_370, %mul3A_371 : vector<16xf32>
      %mul3A_373 = arith.mulf %add3A_365, %add3A_372 : vector<16xf32>
      %mul3A_374 = arith.mulf %gather3A_361, %mul3A_373 : vector<16xf32>
      %mul3A_375 = arith.mulf %add3A_365, %sub3A_368 : vector<16xf32>
      %mul3A_376 = arith.mulf %gather3A_363, %mul3A_375 : vector<16xf32>
      %add3A_377 = arith.addf %mul3A_369, %mul3A_376 : vector<16xf32>
      %div3A_378 = arith.divf %mul3A_374, %add3A_377 : vector<16xf32>
      %add3A_379 = arith.addf %gather3A_360, %div3A_378 : vector<16xf32>
      %abs3A_380 = math.absf %get3A_336 : vector<16xf32>
      %gt3A_381 = arith.constant 3.000000e+00 : f32
      %gt3A_382 = vector.broadcast %gt3A_381 : f32 to vector<16xf32>
      %gt3A_383 = arith.cmpf ogt, %abs3A_380, %gt3A_382 : vector<16xf32>
      %select_n3A_384 = arith.select %gt3A_383, %get3A_336, %add3A_379 : vector<16xi1>, vector<16xf32>
      %swap3A_385 = arith.index_cast %scan3A_286 : i32 to index
      %swap3A_386 = arith.constant 16 : index
      %swap3A_387 = tpu.vector_load %arg7[%swap3A_385, %swap3A_386] {strides = array<i32>} : memref<256x64xf32, #tpu.memory_space<vmem>>, vector<16xf32>,
      tpu.vector_store %arg7[%swap3A_385, %swap3A_386], %select_n3A_384 {strides = array<i32>} : memref<256x64xf32, #tpu.memory_space<vmem>>, vector<16xf32>,
      %get3A_388 = arith.index_cast %scan3A_286 : i32 to index
      %get3A_389 = arith.constant 32 : index
      %get3A_390 = tpu.vector_load %arg7[%get3A_388, %get3A_389] {strides = array<i32>} : memref<256x64xf32, #tpu.memory_space<vmem>>, vector<16xf32>,
      %ge3A_391 = arith.cmpf oge, %get3A_390, %get3A_31 : vector<16xf32>
      %select_n3A_392 = arith.select %ge3A_391, %broadcast_in_dim3A_70, %broadcast_in_dim3A_72 : vector<16xi1>, vector<16xi32>
      %ge3A_393 = arith.cmpf oge, %get3A_390, %get3A_33 : vector<16xf32>
      %select_n3A_394 = arith.select %ge3A_393, %broadcast_in_dim3A_70, %broadcast_in_dim3A_72 : vector<16xi1>, vector<16xi32>
      %ge3A_395 = arith.cmpf oge, %get3A_390, %get3A_35 : vector<16xf32>
      %select_n3A_396 = arith.select %ge3A_395, %broadcast_in_dim3A_70, %broadcast_in_dim3A_72 : vector<16xi1>, vector<16xi32>
      %ge3A_397 = arith.cmpf oge, %get3A_390, %get3A_37 : vector<16xf32>
      %select_n3A_398 = arith.select %ge3A_397, %broadcast_in_dim3A_70, %broadcast_in_dim3A_72 : vector<16xi1>, vector<16xi32>
      %ge3A_399 = arith.cmpf oge, %get3A_390, %get3A_39 : vector<16xf32>
      %select_n3A_400 = arith.select %ge3A_399, %broadcast_in_dim3A_70, %broadcast_in_dim3A_72 : vector<16xi1>, vector<16xi32>
      %ge3A_401 = arith.cmpf oge, %get3A_390, %get3A_41 : vector<16xf32>
      %select_n3A_402 = arith.select %ge3A_401, %broadcast_in_dim3A_70, %broadcast_in_dim3A_72 : vector<16xi1>, vector<16xi32>
      %ge3A_403 = arith.cmpf oge, %get3A_390, %get3A_43 : vector<16xf32>
      %select_n3A_404 = arith.select %ge3A_403, %broadcast_in_dim3A_70, %broadcast_in_dim3A_72 : vector<16xi1>, vector<16xi32>
      %add3A_405 = arith.addi %select_n3A_392, %select_n3A_394 : vector<16xi32>
      %add3A_406 = arith.addi %select_n3A_396, %select_n3A_398 : vector<16xi32>
      %add3A_407 = arith.addi %select_n3A_400, %select_n3A_402 : vector<16xi32>
      %add3A_408 = arith.addi %add3A_405, %add3A_406 : vector<16xi32>
      %add3A_409 = arith.addi %add3A_407, %select_n3A_404 : vector<16xi32>
      %add3A_410 = arith.addi %add3A_408, %add3A_409 : vector<16xi32>
      %add3A_411 = arith.addi %add3A_410, %add3A_66 : vector<16xi32>
      %gather3A_412 = tpu.vector_load_idx %arg9[%add3A_411] : memref<512xf32, #tpu.memory_space<vmem>>[vector<16xi32>], vector<16xf32>,
      %gather3A_413 = tpu.vector_load_idx %arg10[%add3A_411] : memref<512xf32, #tpu.memory_space<vmem>>[vector<16xi32>], vector<16xf32>,
      %gather3A_414 = tpu.vector_load_idx %arg11[%add3A_411] : memref<512xf32, #tpu.memory_space<vmem>>[vector<16xi32>], vector<16xf32>,
      %gather3A_415 = tpu.vector_load_idx %arg12[%add3A_411] : memref<512xf32, #tpu.memory_space<vmem>>[vector<16xi32>], vector<16xf32>,
      %gather3A_416 = tpu.vector_load_idx %arg13[%add3A_411] : memref<512xf32, #tpu.memory_space<vmem>>[vector<16xi32>], vector<16xf32>,
      %gather3A_417 = tpu.vector_load_idx %arg14[%add3A_411] : memref<512xf32, #tpu.memory_space<vmem>>[vector<16xi32>], vector<16xf32>,
      %mul3A_418 = arith.mulf %get3A_390, %gather3A_412 : vector<16xf32>
      %add3A_419 = arith.addf %mul3A_418, %gather3A_413 : vector<16xf32>
      %sub3A_420 = arith.constant 1.000000e+00 : f32
      %sub3A_421 = vector.broadcast %sub3A_420 : f32 to vector<16xf32>
      %sub3A_422 = arith.subf %sub3A_421, %add3A_419 : vector<16xf32>
      %mul3A_423 = arith.mulf %gather3A_415, %gather3A_412 : vector<16xf32>
      %mul3A_424 = arith.mulf %mul3A_423, %add3A_419 : vector<16xf32>
      %mul3A_425 = arith.mulf %gather3A_416, %sub3A_422 : vector<16xf32>
      %add3A_426 = arith.addf %mul3A_424, %mul3A_425 : vector<16xf32>
      %mul3A_427 = arith.mulf %add3A_419, %add3A_426 : vector<16xf32>
      %mul3A_428 = arith.mulf %gather3A_415, %mul3A_427 : vector<16xf32>
      %mul3A_429 = arith.mulf %add3A_419, %sub3A_422 : vector<16xf32>
      %mul3A_430 = arith.mulf %gather3A_417, %mul3A_429 : vector<16xf32>
      %add3A_431 = arith.addf %mul3A_423, %mul3A_430 : vector<16xf32>
      %div3A_432 = arith.divf %mul3A_428, %add3A_431 : vector<16xf32>
      %add3A_433 = arith.addf %gather3A_414, %div3A_432 : vector<16xf32>
      %abs3A_434 = math.absf %get3A_390 : vector<16xf32>
      %gt3A_435 = arith.constant 3.000000e+00 : f32
      %gt3A_436 = vector.broadcast %gt3A_435 : f32 to vector<16xf32>
      %gt3A_437 = arith.cmpf ogt, %abs3A_434, %gt3A_436 : vector<16xf32>
      %select_n3A_438 = arith.select %gt3A_437, %get3A_390, %add3A_433 : vector<16xi1>, vector<16xf32>
      %swap3A_439 = arith.index_cast %scan3A_286 : i32 to index
      %swap3A_440 = arith.constant 32 : index
      %swap3A_441 = tpu.vector_load %arg7[%swap3A_439, %swap3A_440] {strides = array<i32>} : memref<256x64xf32, #tpu.memory_space<vmem>>, vector<16xf32>,
      tpu.vector_store %arg7[%swap3A_439, %swap3A_440], %select_n3A_438 {strides = array<i32>} : memref<256x64xf32, #tpu.memory_space<vmem>>, vector<16xf32>,
      %get3A_442 = arith.index_cast %scan3A_286 : i32 to index
      %get3A_443 = arith.constant 48 : index
      %get3A_444 = tpu.vector_load %arg7[%get3A_442, %get3A_443] {strides = array<i32>} : memref<256x64xf32, #tpu.memory_space<vmem>>, vector<16xf32>,
      %ge3A_445 = arith.cmpf oge, %get3A_444, %get3A_45 : vector<16xf32>
      %select_n3A_446 = arith.select %ge3A_445, %broadcast_in_dim3A_70, %broadcast_in_dim3A_72 : vector<16xi1>, vector<16xi32>
      %ge3A_447 = arith.cmpf oge, %get3A_444, %get3A_47 : vector<16xf32>
      %select_n3A_448 = arith.select %ge3A_447, %broadcast_in_dim3A_70, %broadcast_in_dim3A_72 : vector<16xi1>, vector<16xi32>
      %ge3A_449 = arith.cmpf oge, %get3A_444, %get3A_49 : vector<16xf32>
      %select_n3A_450 = arith.select %ge3A_449, %broadcast_in_dim3A_70, %broadcast_in_dim3A_72 : vector<16xi1>, vector<16xi32>
      %ge3A_451 = arith.cmpf oge, %get3A_444, %get3A_51 : vector<16xf32>
      %select_n3A_452 = arith.select %ge3A_451, %broadcast_in_dim3A_70, %broadcast_in_dim3A_72 : vector<16xi1>, vector<16xi32>
      %ge3A_453 = arith.cmpf oge, %get3A_444, %get3A_53 : vector<16xf32>
      %select_n3A_454 = arith.select %ge3A_453, %broadcast_in_dim3A_70, %broadcast_in_dim3A_72 : vector<16xi1>, vector<16xi32>
      %ge3A_455 = arith.cmpf oge, %get3A_444, %get3A_55 : vector<16xf32>
      %select_n3A_456 = arith.select %ge3A_455, %broadcast_in_dim3A_70, %broadcast_in_dim3A_72 : vector<16xi1>, vector<16xi32>
      %ge3A_457 = arith.cmpf oge, %get3A_444, %get3A_57 : vector<16xf32>
      %select_n3A_458 = arith.select %ge3A_457, %broadcast_in_dim3A_70, %broadcast_in_dim3A_72 : vector<16xi1>, vector<16xi32>
      %add3A_459 = arith.addi %select_n3A_446, %select_n3A_448 : vector<16xi32>
      %add3A_460 = arith.addi %select_n3A_450, %select_n3A_452 : vector<16xi32>
      %add3A_461 = arith.addi %select_n3A_454, %select_n3A_456 : vector<16xi32>
      %add3A_462 = arith.addi %add3A_459, %add3A_460 : vector<16xi32>
      %add3A_463 = arith.addi %add3A_461, %select_n3A_458 : vector<16xi32>
      %add3A_464 = arith.addi %add3A_462, %add3A_463 : vector<16xi32>
      %add3A_465 = arith.addi %add3A_464, %add3A_69 : vector<16xi32>
      %gather3A_466 = tpu.vector_load_idx %arg9[%add3A_465] : memref<512xf32, #tpu.memory_space<vmem>>[vector<16xi32>], vector<16xf32>,
      %gather3A_467 = tpu.vector_load_idx %arg10[%add3A_465] : memref<512xf32, #tpu.memory_space<vmem>>[vector<16xi32>], vector<16xf32>,
      %gather3A_468 = tpu.vector_load_idx %arg11[%add3A_465] : memref<512xf32, #tpu.memory_space<vmem>>[vector<16xi32>], vector<16xf32>,
      %gather3A_469 = tpu.vector_load_idx %arg12[%add3A_465] : memref<512xf32, #tpu.memory_space<vmem>>[vector<16xi32>], vector<16xf32>,
      %gather3A_470 = tpu.vector_load_idx %arg13[%add3A_465] : memref<512xf32, #tpu.memory_space<vmem>>[vector<16xi32>], vector<16xf32>,
      %gather3A_471 = tpu.vector_load_idx %arg14[%add3A_465] : memref<512xf32, #tpu.memory_space<vmem>>[vector<16xi32>], vector<16xf32>,
      %mul3A_472 = arith.mulf %get3A_444, %gather3A_466 : vector<16xf32>
      %add3A_473 = arith.addf %mul3A_472, %gather3A_467 : vector<16xf32>
      %sub3A_474 = arith.constant 1.000000e+00 : f32
      %sub3A_475 = vector.broadcast %sub3A_474 : f32 to vector<16xf32>
      %sub3A_476 = arith.subf %sub3A_475, %add3A_473 : vector<16xf32>
      %mul3A_477 = arith.mulf %gather3A_469, %gather3A_466 : vector<16xf32>
      %mul3A_478 = arith.mulf %mul3A_477, %add3A_473 : vector<16xf32>
      %mul3A_479 = arith.mulf %gather3A_470, %sub3A_476 : vector<16xf32>
      %add3A_480 = arith.addf %mul3A_478, %mul3A_479 : vector<16xf32>
      %mul3A_481 = arith.mulf %add3A_473, %add3A_480 : vector<16xf32>
      %mul3A_482 = arith.mulf %gather3A_469, %mul3A_481 : vector<16xf32>
      %mul3A_483 = arith.mulf %add3A_473, %sub3A_476 : vector<16xf32>
      %mul3A_484 = arith.mulf %gather3A_471, %mul3A_483 : vector<16xf32>
      %add3A_485 = arith.addf %mul3A_477, %mul3A_484 : vector<16xf32>
      %div3A_486 = arith.divf %mul3A_482, %add3A_485 : vector<16xf32>
      %add3A_487 = arith.addf %gather3A_468, %div3A_486 : vector<16xf32>
      %abs3A_488 = math.absf %get3A_444 : vector<16xf32>
      %gt3A_489 = arith.constant 3.000000e+00 : f32
      %gt3A_490 = vector.broadcast %gt3A_489 : f32 to vector<16xf32>
      %gt3A_491 = arith.cmpf ogt, %abs3A_488, %gt3A_490 : vector<16xf32>
      %select_n3A_492 = arith.select %gt3A_491, %get3A_444, %add3A_487 : vector<16xi1>, vector<16xf32>
      %swap3A_493 = arith.index_cast %scan3A_286 : i32 to index
      %swap3A_494 = arith.constant 48 : index
      %swap3A_495 = tpu.vector_load %arg7[%swap3A_493, %swap3A_494] {strides = array<i32>} : memref<256x64xf32, #tpu.memory_space<vmem>>, vector<16xf32>,
      tpu.vector_store %arg7[%swap3A_493, %swap3A_494], %select_n3A_492 {strides = array<i32>} : memref<256x64xf32, #tpu.memory_space<vmem>>, vector<16xf32>,
      %scan3A_496 = arith.constant 0 : i32
      scf.yield %scan3A_496 : i32
    }
    %scan3A_119 = arith.constant 256 : i32
    %add3A_120 = arith.constant 256 : i32
    %add3A_121 = arith.addi %mul3A_2, %add3A_120 : i32
    %dma_start3A_122 = arith.constant 0 : i32
    %dma_start3A_123 = tpu.memref_slice %arg5[%add3A_121, %dma_start3A_122] : memref<65536x64xf32, #tpu.memory_space<hbm>> -> memref<256x64xf32, #tpu.memory_space<hbm>>
    %dma_start3A_124 = arith.constant 0 : i32
    %dma_start3A_125 = tpu.memref_slice %arg5[%add3A_121, %dma_start3A_124] : memref<65536x64xf32, #tpu.memory_space<hbm>> -> memref<256x64xf32, #tpu.memory_space<hbm>>
    tpu.enqueue_dma source(%arg7 : memref<256x64xf32, #tpu.memory_space<vmem>>) target(%dma_start3A_125 : memref<256x64xf32, #tpu.memory_space<hbm>>) target_semaphore(%arg18 : memref<!tpu.dma_semaphore, #tpu.memory_space<semaphore_mem>>)
    %dma_wait3A_126 = arith.constant 0 : i32
    %dma_wait3A_127 = tpu.memref_slice %arg2[%add3A_108, %dma_wait3A_126] : memref<65536x64xf32, #tpu.memory_space<hbm>> -> memref<256x64xf32, #tpu.memory_space<hbm>>
    %dma_wait3A_128 = arith.constant 0 : i32
    %dma_wait3A_129 = tpu.memref_slice %arg2[%add3A_108, %dma_wait3A_128] : memref<65536x64xf32, #tpu.memory_space<hbm>> -> memref<256x64xf32, #tpu.memory_space<hbm>>
    tpu.wait_dma2 semaphore(%arg15 : memref<!tpu.dma_semaphore, #tpu.memory_space<semaphore_mem>>) src(%dma_wait3A_129 : memref<256x64xf32, #tpu.memory_space<hbm>>) dst(%arg6 : memref<256x64xf32, #tpu.memory_space<vmem>>)
    %dma_wait3A_130 = arith.constant 0 : i32
    %dma_wait3A_131 = tpu.memref_slice %arg5[%add3A_121, %dma_wait3A_130] : memref<65536x64xf32, #tpu.memory_space<hbm>> -> memref<256x64xf32, #tpu.memory_space<hbm>>
    %dma_wait3A_132 = arith.constant 0 : i32
    %dma_wait3A_133 = tpu.memref_slice %arg5[%add3A_121, %dma_wait3A_132] : memref<65536x64xf32, #tpu.memory_space<hbm>> -> memref<256x64xf32, #tpu.memory_space<hbm>>
    tpu.wait_dma2 semaphore(%arg18 : memref<!tpu.dma_semaphore, #tpu.memory_space<semaphore_mem>>) src(%arg7 : memref<256x64xf32, #tpu.memory_space<vmem>>) dst(%dma_wait3A_133 : memref<256x64xf32, #tpu.memory_space<hbm>>)
    %add3A_134 = arith.constant 768 : i32
    %add3A_135 = arith.addi %mul3A_2, %add3A_134 : i32
    %dma_start3A_136 = arith.constant 0 : i32
    %dma_start3A_137 = tpu.memref_slice %arg2[%add3A_135, %dma_start3A_136] : memref<65536x64xf32, #tpu.memory_space<hbm>> -> memref<256x64xf32, #tpu.memory_space<hbm>>
    %dma_start3A_138 = arith.constant 0 : i32
    %dma_start3A_139 = tpu.memref_slice %arg2[%add3A_135, %dma_start3A_138] : memref<65536x64xf32, #tpu.memory_space<hbm>> -> memref<256x64xf32, #tpu.memory_space<hbm>>
    tpu.enqueue_dma source(%dma_start3A_139 : memref<256x64xf32, #tpu.memory_space<hbm>>) target(%arg7 : memref<256x64xf32, #tpu.memory_space<vmem>>) target_semaphore(%arg16 : memref<!tpu.dma_semaphore, #tpu.memory_space<semaphore_mem>>)
    %scan3A_140 = arith.constant 0 : i32
    %scan3A_141 = arith.constant 0 : i32
    %scan3A_142 = arith.constant 256 : i32
    %scan3A_143 = arith.addi %scan3A_141, %scan3A_142 : i32
    %scan3A_144 = arith.constant 1 : i32
    %scan3A_145 = scf.for %scan3A_286 = %scan3A_141 to %scan3A_143 step %scan3A_144 iter_args(%scan3A_287 = %scan3A_140) -> (i32)  : i32 {
      %get3A_288 = arith.index_cast %scan3A_286 : i32 to index
      %get3A_289 = arith.constant 0 : index
      %get3A_290 = tpu.vector_load %arg6[%get3A_288, %get3A_289] {strides = array<i32>} : memref<256x64xf32, #tpu.memory_space<vmem>>, vector<16xf32>,
      %ge3A = arith.cmpf oge, %get3A_290, %get3A_3 : vector<16xf32>
      %select_n3A = arith.select %ge3A, %broadcast_in_dim3A_70, %broadcast_in_dim3A_72 : vector<16xi1>, vector<16xi32>
      %ge3A_291 = arith.cmpf oge, %get3A_290, %get3A_5 : vector<16xf32>
      %select_n3A_292 = arith.select %ge3A_291, %broadcast_in_dim3A_70, %broadcast_in_dim3A_72 : vector<16xi1>, vector<16xi32>
      %ge3A_293 = arith.cmpf oge, %get3A_290, %get3A_7 : vector<16xf32>
      %select_n3A_294 = arith.select %ge3A_293, %broadcast_in_dim3A_70, %broadcast_in_dim3A_72 : vector<16xi1>, vector<16xi32>
      %ge3A_295 = arith.cmpf oge, %get3A_290, %get3A_9 : vector<16xf32>
      %select_n3A_296 = arith.select %ge3A_295, %broadcast_in_dim3A_70, %broadcast_in_dim3A_72 : vector<16xi1>, vector<16xi32>
      %ge3A_297 = arith.cmpf oge, %get3A_290, %get3A_11 : vector<16xf32>
      %select_n3A_298 = arith.select %ge3A_297, %broadcast_in_dim3A_70, %broadcast_in_dim3A_72 : vector<16xi1>, vector<16xi32>
      %ge3A_299 = arith.cmpf oge, %get3A_290, %get3A_13 : vector<16xf32>
      %select_n3A_300 = arith.select %ge3A_299, %broadcast_in_dim3A_70, %broadcast_in_dim3A_72 : vector<16xi1>, vector<16xi32>
      %ge3A_301 = arith.cmpf oge, %get3A_290, %get3A_15 : vector<16xf32>
      %select_n3A_302 = arith.select %ge3A_301, %broadcast_in_dim3A_70, %broadcast_in_dim3A_72 : vector<16xi1>, vector<16xi32>
      %add3A_303 = arith.addi %select_n3A, %select_n3A_292 : vector<16xi32>
      %add3A_304 = arith.addi %select_n3A_294, %select_n3A_296 : vector<16xi32>
      %add3A_305 = arith.addi %select_n3A_298, %select_n3A_300 : vector<16xi32>
      %add3A_306 = arith.addi %add3A_303, %add3A_304 : vector<16xi32>
      %add3A_307 = arith.addi %add3A_305, %select_n3A_302 : vector<16xi32>
      %add3A_308 = arith.addi %add3A_306, %add3A_307 : vector<16xi32>
      %add3A_309 = arith.addi %add3A_308, %add3A_60 : vector<16xi32>
      %gather3A = tpu.vector_load_idx %arg9[%add3A_309] : memref<512xf32, #tpu.memory_space<vmem>>[vector<16xi32>], vector<16xf32>,
      %gather3A_310 = tpu.vector_load_idx %arg10[%add3A_309] : memref<512xf32, #tpu.memory_space<vmem>>[vector<16xi32>], vector<16xf32>,
      %gather3A_311 = tpu.vector_load_idx %arg11[%add3A_309] : memref<512xf32, #tpu.memory_space<vmem>>[vector<16xi32>], vector<16xf32>,
      %gather3A_312 = tpu.vector_load_idx %arg12[%add3A_309] : memref<512xf32, #tpu.memory_space<vmem>>[vector<16xi32>], vector<16xf32>,
      %gather3A_313 = tpu.vector_load_idx %arg13[%add3A_309] : memref<512xf32, #tpu.memory_space<vmem>>[vector<16xi32>], vector<16xf32>,
      %gather3A_314 = tpu.vector_load_idx %arg14[%add3A_309] : memref<512xf32, #tpu.memory_space<vmem>>[vector<16xi32>], vector<16xf32>,
      %mul3A_315 = arith.mulf %get3A_290, %gather3A : vector<16xf32>
      %add3A_316 = arith.addf %mul3A_315, %gather3A_310 : vector<16xf32>
      %sub3A = arith.constant 1.000000e+00 : f32
      %sub3A_317 = vector.broadcast %sub3A : f32 to vector<16xf32>
      %sub3A_318 = arith.subf %sub3A_317, %add3A_316 : vector<16xf32>
      %mul3A_319 = arith.mulf %gather3A_312, %gather3A : vector<16xf32>
      %mul3A_320 = arith.mulf %mul3A_319, %add3A_316 : vector<16xf32>
      %mul3A_321 = arith.mulf %gather3A_313, %sub3A_318 : vector<16xf32>
      %add3A_322 = arith.addf %mul3A_320, %mul3A_321 : vector<16xf32>
      %mul3A_323 = arith.mulf %add3A_316, %add3A_322 : vector<16xf32>
      %mul3A_324 = arith.mulf %gather3A_312, %mul3A_323 : vector<16xf32>
      %mul3A_325 = arith.mulf %add3A_316, %sub3A_318 : vector<16xf32>
      %mul3A_326 = arith.mulf %gather3A_314, %mul3A_325 : vector<16xf32>
      %add3A_327 = arith.addf %mul3A_319, %mul3A_326 : vector<16xf32>
      %div3A = arith.divf %mul3A_324, %add3A_327 : vector<16xf32>
      %add3A_328 = arith.addf %gather3A_311, %div3A : vector<16xf32>
      %abs3A = math.absf %get3A_290 : vector<16xf32>
      %gt3A = arith.constant 3.000000e+00 : f32
      %gt3A_329 = vector.broadcast %gt3A : f32 to vector<16xf32>
      %gt3A_330 = arith.cmpf ogt, %abs3A, %gt3A_329 : vector<16xf32>
      %select_n3A_331 = arith.select %gt3A_330, %get3A_290, %add3A_328 : vector<16xi1>, vector<16xf32>
      %swap3A = arith.index_cast %scan3A_286 : i32 to index
      %swap3A_332 = arith.constant 0 : index
      %swap3A_333 = tpu.vector_load %arg6[%swap3A, %swap3A_332] {strides = array<i32>} : memref<256x64xf32, #tpu.memory_space<vmem>>, vector<16xf32>,
      tpu.vector_store %arg6[%swap3A, %swap3A_332], %select_n3A_331 {strides = array<i32>} : memref<256x64xf32, #tpu.memory_space<vmem>>, vector<16xf32>,
      %get3A_334 = arith.index_cast %scan3A_286 : i32 to index
      %get3A_335 = arith.constant 16 : index
      %get3A_336 = tpu.vector_load %arg6[%get3A_334, %get3A_335] {strides = array<i32>} : memref<256x64xf32, #tpu.memory_space<vmem>>, vector<16xf32>,
      %ge3A_337 = arith.cmpf oge, %get3A_336, %get3A_17 : vector<16xf32>
      %select_n3A_338 = arith.select %ge3A_337, %broadcast_in_dim3A_70, %broadcast_in_dim3A_72 : vector<16xi1>, vector<16xi32>
      %ge3A_339 = arith.cmpf oge, %get3A_336, %get3A_19 : vector<16xf32>
      %select_n3A_340 = arith.select %ge3A_339, %broadcast_in_dim3A_70, %broadcast_in_dim3A_72 : vector<16xi1>, vector<16xi32>
      %ge3A_341 = arith.cmpf oge, %get3A_336, %get3A_21 : vector<16xf32>
      %select_n3A_342 = arith.select %ge3A_341, %broadcast_in_dim3A_70, %broadcast_in_dim3A_72 : vector<16xi1>, vector<16xi32>
      %ge3A_343 = arith.cmpf oge, %get3A_336, %get3A_23 : vector<16xf32>
      %select_n3A_344 = arith.select %ge3A_343, %broadcast_in_dim3A_70, %broadcast_in_dim3A_72 : vector<16xi1>, vector<16xi32>
      %ge3A_345 = arith.cmpf oge, %get3A_336, %get3A_25 : vector<16xf32>
      %select_n3A_346 = arith.select %ge3A_345, %broadcast_in_dim3A_70, %broadcast_in_dim3A_72 : vector<16xi1>, vector<16xi32>
      %ge3A_347 = arith.cmpf oge, %get3A_336, %get3A_27 : vector<16xf32>
      %select_n3A_348 = arith.select %ge3A_347, %broadcast_in_dim3A_70, %broadcast_in_dim3A_72 : vector<16xi1>, vector<16xi32>
      %ge3A_349 = arith.cmpf oge, %get3A_336, %get3A_29 : vector<16xf32>
      %select_n3A_350 = arith.select %ge3A_349, %broadcast_in_dim3A_70, %broadcast_in_dim3A_72 : vector<16xi1>, vector<16xi32>
      %add3A_351 = arith.addi %select_n3A_338, %select_n3A_340 : vector<16xi32>
      %add3A_352 = arith.addi %select_n3A_342, %select_n3A_344 : vector<16xi32>
      %add3A_353 = arith.addi %select_n3A_346, %select_n3A_348 : vector<16xi32>
      %add3A_354 = arith.addi %add3A_351, %add3A_352 : vector<16xi32>
      %add3A_355 = arith.addi %add3A_353, %select_n3A_350 : vector<16xi32>
      %add3A_356 = arith.addi %add3A_354, %add3A_355 : vector<16xi32>
      %add3A_357 = arith.addi %add3A_356, %add3A_63 : vector<16xi32>
      %gather3A_358 = tpu.vector_load_idx %arg9[%add3A_357] : memref<512xf32, #tpu.memory_space<vmem>>[vector<16xi32>], vector<16xf32>,
      %gather3A_359 = tpu.vector_load_idx %arg10[%add3A_357] : memref<512xf32, #tpu.memory_space<vmem>>[vector<16xi32>], vector<16xf32>,
      %gather3A_360 = tpu.vector_load_idx %arg11[%add3A_357] : memref<512xf32, #tpu.memory_space<vmem>>[vector<16xi32>], vector<16xf32>,
      %gather3A_361 = tpu.vector_load_idx %arg12[%add3A_357] : memref<512xf32, #tpu.memory_space<vmem>>[vector<16xi32>], vector<16xf32>,
      %gather3A_362 = tpu.vector_load_idx %arg13[%add3A_357] : memref<512xf32, #tpu.memory_space<vmem>>[vector<16xi32>], vector<16xf32>,
      %gather3A_363 = tpu.vector_load_idx %arg14[%add3A_357] : memref<512xf32, #tpu.memory_space<vmem>>[vector<16xi32>], vector<16xf32>,
      %mul3A_364 = arith.mulf %get3A_336, %gather3A_358 : vector<16xf32>
      %add3A_365 = arith.addf %mul3A_364, %gather3A_359 : vector<16xf32>
      %sub3A_366 = arith.constant 1.000000e+00 : f32
      %sub3A_367 = vector.broadcast %sub3A_366 : f32 to vector<16xf32>
      %sub3A_368 = arith.subf %sub3A_367, %add3A_365 : vector<16xf32>
      %mul3A_369 = arith.mulf %gather3A_361, %gather3A_358 : vector<16xf32>
      %mul3A_370 = arith.mulf %mul3A_369, %add3A_365 : vector<16xf32>
      %mul3A_371 = arith.mulf %gather3A_362, %sub3A_368 : vector<16xf32>
      %add3A_372 = arith.addf %mul3A_370, %mul3A_371 : vector<16xf32>
      %mul3A_373 = arith.mulf %add3A_365, %add3A_372 : vector<16xf32>
      %mul3A_374 = arith.mulf %gather3A_361, %mul3A_373 : vector<16xf32>
      %mul3A_375 = arith.mulf %add3A_365, %sub3A_368 : vector<16xf32>
      %mul3A_376 = arith.mulf %gather3A_363, %mul3A_375 : vector<16xf32>
      %add3A_377 = arith.addf %mul3A_369, %mul3A_376 : vector<16xf32>
      %div3A_378 = arith.divf %mul3A_374, %add3A_377 : vector<16xf32>
      %add3A_379 = arith.addf %gather3A_360, %div3A_378 : vector<16xf32>
      %abs3A_380 = math.absf %get3A_336 : vector<16xf32>
      %gt3A_381 = arith.constant 3.000000e+00 : f32
      %gt3A_382 = vector.broadcast %gt3A_381 : f32 to vector<16xf32>
      %gt3A_383 = arith.cmpf ogt, %abs3A_380, %gt3A_382 : vector<16xf32>
      %select_n3A_384 = arith.select %gt3A_383, %get3A_336, %add3A_379 : vector<16xi1>, vector<16xf32>
      %swap3A_385 = arith.index_cast %scan3A_286 : i32 to index
      %swap3A_386 = arith.constant 16 : index
      %swap3A_387 = tpu.vector_load %arg6[%swap3A_385, %swap3A_386] {strides = array<i32>} : memref<256x64xf32, #tpu.memory_space<vmem>>, vector<16xf32>,
      tpu.vector_store %arg6[%swap3A_385, %swap3A_386], %select_n3A_384 {strides = array<i32>} : memref<256x64xf32, #tpu.memory_space<vmem>>, vector<16xf32>,
      %get3A_388 = arith.index_cast %scan3A_286 : i32 to index
      %get3A_389 = arith.constant 32 : index
      %get3A_390 = tpu.vector_load %arg6[%get3A_388, %get3A_389] {strides = array<i32>} : memref<256x64xf32, #tpu.memory_space<vmem>>, vector<16xf32>,
      %ge3A_391 = arith.cmpf oge, %get3A_390, %get3A_31 : vector<16xf32>
      %select_n3A_392 = arith.select %ge3A_391, %broadcast_in_dim3A_70, %broadcast_in_dim3A_72 : vector<16xi1>, vector<16xi32>
      %ge3A_393 = arith.cmpf oge, %get3A_390, %get3A_33 : vector<16xf32>
      %select_n3A_394 = arith.select %ge3A_393, %broadcast_in_dim3A_70, %broadcast_in_dim3A_72 : vector<16xi1>, vector<16xi32>
      %ge3A_395 = arith.cmpf oge, %get3A_390, %get3A_35 : vector<16xf32>
      %select_n3A_396 = arith.select %ge3A_395, %broadcast_in_dim3A_70, %broadcast_in_dim3A_72 : vector<16xi1>, vector<16xi32>
      %ge3A_397 = arith.cmpf oge, %get3A_390, %get3A_37 : vector<16xf32>
      %select_n3A_398 = arith.select %ge3A_397, %broadcast_in_dim3A_70, %broadcast_in_dim3A_72 : vector<16xi1>, vector<16xi32>
      %ge3A_399 = arith.cmpf oge, %get3A_390, %get3A_39 : vector<16xf32>
      %select_n3A_400 = arith.select %ge3A_399, %broadcast_in_dim3A_70, %broadcast_in_dim3A_72 : vector<16xi1>, vector<16xi32>
      %ge3A_401 = arith.cmpf oge, %get3A_390, %get3A_41 : vector<16xf32>
      %select_n3A_402 = arith.select %ge3A_401, %broadcast_in_dim3A_70, %broadcast_in_dim3A_72 : vector<16xi1>, vector<16xi32>
      %ge3A_403 = arith.cmpf oge, %get3A_390, %get3A_43 : vector<16xf32>
      %select_n3A_404 = arith.select %ge3A_403, %broadcast_in_dim3A_70, %broadcast_in_dim3A_72 : vector<16xi1>, vector<16xi32>
      %add3A_405 = arith.addi %select_n3A_392, %select_n3A_394 : vector<16xi32>
      %add3A_406 = arith.addi %select_n3A_396, %select_n3A_398 : vector<16xi32>
      %add3A_407 = arith.addi %select_n3A_400, %select_n3A_402 : vector<16xi32>
      %add3A_408 = arith.addi %add3A_405, %add3A_406 : vector<16xi32>
      %add3A_409 = arith.addi %add3A_407, %select_n3A_404 : vector<16xi32>
      %add3A_410 = arith.addi %add3A_408, %add3A_409 : vector<16xi32>
      %add3A_411 = arith.addi %add3A_410, %add3A_66 : vector<16xi32>
      %gather3A_412 = tpu.vector_load_idx %arg9[%add3A_411] : memref<512xf32, #tpu.memory_space<vmem>>[vector<16xi32>], vector<16xf32>,
      %gather3A_413 = tpu.vector_load_idx %arg10[%add3A_411] : memref<512xf32, #tpu.memory_space<vmem>>[vector<16xi32>], vector<16xf32>,
      %gather3A_414 = tpu.vector_load_idx %arg11[%add3A_411] : memref<512xf32, #tpu.memory_space<vmem>>[vector<16xi32>], vector<16xf32>,
      %gather3A_415 = tpu.vector_load_idx %arg12[%add3A_411] : memref<512xf32, #tpu.memory_space<vmem>>[vector<16xi32>], vector<16xf32>,
      %gather3A_416 = tpu.vector_load_idx %arg13[%add3A_411] : memref<512xf32, #tpu.memory_space<vmem>>[vector<16xi32>], vector<16xf32>,
      %gather3A_417 = tpu.vector_load_idx %arg14[%add3A_411] : memref<512xf32, #tpu.memory_space<vmem>>[vector<16xi32>], vector<16xf32>,
      %mul3A_418 = arith.mulf %get3A_390, %gather3A_412 : vector<16xf32>
      %add3A_419 = arith.addf %mul3A_418, %gather3A_413 : vector<16xf32>
      %sub3A_420 = arith.constant 1.000000e+00 : f32
      %sub3A_421 = vector.broadcast %sub3A_420 : f32 to vector<16xf32>
      %sub3A_422 = arith.subf %sub3A_421, %add3A_419 : vector<16xf32>
      %mul3A_423 = arith.mulf %gather3A_415, %gather3A_412 : vector<16xf32>
      %mul3A_424 = arith.mulf %mul3A_423, %add3A_419 : vector<16xf32>
      %mul3A_425 = arith.mulf %gather3A_416, %sub3A_422 : vector<16xf32>
      %add3A_426 = arith.addf %mul3A_424, %mul3A_425 : vector<16xf32>
      %mul3A_427 = arith.mulf %add3A_419, %add3A_426 : vector<16xf32>
      %mul3A_428 = arith.mulf %gather3A_415, %mul3A_427 : vector<16xf32>
      %mul3A_429 = arith.mulf %add3A_419, %sub3A_422 : vector<16xf32>
      %mul3A_430 = arith.mulf %gather3A_417, %mul3A_429 : vector<16xf32>
      %add3A_431 = arith.addf %mul3A_423, %mul3A_430 : vector<16xf32>
      %div3A_432 = arith.divf %mul3A_428, %add3A_431 : vector<16xf32>
      %add3A_433 = arith.addf %gather3A_414, %div3A_432 : vector<16xf32>
      %abs3A_434 = math.absf %get3A_390 : vector<16xf32>
      %gt3A_435 = arith.constant 3.000000e+00 : f32
      %gt3A_436 = vector.broadcast %gt3A_435 : f32 to vector<16xf32>
      %gt3A_437 = arith.cmpf ogt, %abs3A_434, %gt3A_436 : vector<16xf32>
      %select_n3A_438 = arith.select %gt3A_437, %get3A_390, %add3A_433 : vector<16xi1>, vector<16xf32>
      %swap3A_439 = arith.index_cast %scan3A_286 : i32 to index
      %swap3A_440 = arith.constant 32 : index
      %swap3A_441 = tpu.vector_load %arg6[%swap3A_439, %swap3A_440] {strides = array<i32>} : memref<256x64xf32, #tpu.memory_space<vmem>>, vector<16xf32>,
      tpu.vector_store %arg6[%swap3A_439, %swap3A_440], %select_n3A_438 {strides = array<i32>} : memref<256x64xf32, #tpu.memory_space<vmem>>, vector<16xf32>,
      %get3A_442 = arith.index_cast %scan3A_286 : i32 to index
      %get3A_443 = arith.constant 48 : index
      %get3A_444 = tpu.vector_load %arg6[%get3A_442, %get3A_443] {strides = array<i32>} : memref<256x64xf32, #tpu.memory_space<vmem>>, vector<16xf32>,
      %ge3A_445 = arith.cmpf oge, %get3A_444, %get3A_45 : vector<16xf32>
      %select_n3A_446 = arith.select %ge3A_445, %broadcast_in_dim3A_70, %broadcast_in_dim3A_72 : vector<16xi1>, vector<16xi32>
      %ge3A_447 = arith.cmpf oge, %get3A_444, %get3A_47 : vector<16xf32>
      %select_n3A_448 = arith.select %ge3A_447, %broadcast_in_dim3A_70, %broadcast_in_dim3A_72 : vector<16xi1>, vector<16xi32>
      %ge3A_449 = arith.cmpf oge, %get3A_444, %get3A_49 : vector<16xf32>
      %select_n3A_450 = arith.select %ge3A_449, %broadcast_in_dim3A_70, %broadcast_in_dim3A_72 : vector<16xi1>, vector<16xi32>
      %ge3A_451 = arith.cmpf oge, %get3A_444, %get3A_51 : vector<16xf32>
      %select_n3A_452 = arith.select %ge3A_451, %broadcast_in_dim3A_70, %broadcast_in_dim3A_72 : vector<16xi1>, vector<16xi32>
      %ge3A_453 = arith.cmpf oge, %get3A_444, %get3A_53 : vector<16xf32>
      %select_n3A_454 = arith.select %ge3A_453, %broadcast_in_dim3A_70, %broadcast_in_dim3A_72 : vector<16xi1>, vector<16xi32>
      %ge3A_455 = arith.cmpf oge, %get3A_444, %get3A_55 : vector<16xf32>
      %select_n3A_456 = arith.select %ge3A_455, %broadcast_in_dim3A_70, %broadcast_in_dim3A_72 : vector<16xi1>, vector<16xi32>
      %ge3A_457 = arith.cmpf oge, %get3A_444, %get3A_57 : vector<16xf32>
      %select_n3A_458 = arith.select %ge3A_457, %broadcast_in_dim3A_70, %broadcast_in_dim3A_72 : vector<16xi1>, vector<16xi32>
      %add3A_459 = arith.addi %select_n3A_446, %select_n3A_448 : vector<16xi32>
      %add3A_460 = arith.addi %select_n3A_450, %select_n3A_452 : vector<16xi32>
      %add3A_461 = arith.addi %select_n3A_454, %select_n3A_456 : vector<16xi32>
      %add3A_462 = arith.addi %add3A_459, %add3A_460 : vector<16xi32>
      %add3A_463 = arith.addi %add3A_461, %select_n3A_458 : vector<16xi32>
      %add3A_464 = arith.addi %add3A_462, %add3A_463 : vector<16xi32>
      %add3A_465 = arith.addi %add3A_464, %add3A_69 : vector<16xi32>
      %gather3A_466 = tpu.vector_load_idx %arg9[%add3A_465] : memref<512xf32, #tpu.memory_space<vmem>>[vector<16xi32>], vector<16xf32>,
      %gather3A_467 = tpu.vector_load_idx %arg10[%add3A_465] : memref<512xf32, #tpu.memory_space<vmem>>[vector<16xi32>], vector<16xf32>,
      %gather3A_468 = tpu.vector_load_idx %arg11[%add3A_465] : memref<512xf32, #tpu.memory_space<vmem>>[vector<16xi32>], vector<16xf32>,
      %gather3A_469 = tpu.vector_load_idx %arg12[%add3A_465] : memref<512xf32, #tpu.memory_space<vmem>>[vector<16xi32>], vector<16xf32>,
      %gather3A_470 = tpu.vector_load_idx %arg13[%add3A_465] : memref<512xf32, #tpu.memory_space<vmem>>[vector<16xi32>], vector<16xf32>,
      %gather3A_471 = tpu.vector_load_idx %arg14[%add3A_465] : memref<512xf32, #tpu.memory_space<vmem>>[vector<16xi32>], vector<16xf32>,
      %mul3A_472 = arith.mulf %get3A_444, %gather3A_466 : vector<16xf32>
      %add3A_473 = arith.addf %mul3A_472, %gather3A_467 : vector<16xf32>
      %sub3A_474 = arith.constant 1.000000e+00 : f32
      %sub3A_475 = vector.broadcast %sub3A_474 : f32 to vector<16xf32>
      %sub3A_476 = arith.subf %sub3A_475, %add3A_473 : vector<16xf32>
      %mul3A_477 = arith.mulf %gather3A_469, %gather3A_466 : vector<16xf32>
      %mul3A_478 = arith.mulf %mul3A_477, %add3A_473 : vector<16xf32>
      %mul3A_479 = arith.mulf %gather3A_470, %sub3A_476 : vector<16xf32>
      %add3A_480 = arith.addf %mul3A_478, %mul3A_479 : vector<16xf32>
      %mul3A_481 = arith.mulf %add3A_473, %add3A_480 : vector<16xf32>
      %mul3A_482 = arith.mulf %gather3A_469, %mul3A_481 : vector<16xf32>
      %mul3A_483 = arith.mulf %add3A_473, %sub3A_476 : vector<16xf32>
      %mul3A_484 = arith.mulf %gather3A_471, %mul3A_483 : vector<16xf32>
      %add3A_485 = arith.addf %mul3A_477, %mul3A_484 : vector<16xf32>
      %div3A_486 = arith.divf %mul3A_482, %add3A_485 : vector<16xf32>
      %add3A_487 = arith.addf %gather3A_468, %div3A_486 : vector<16xf32>
      %abs3A_488 = math.absf %get3A_444 : vector<16xf32>
      %gt3A_489 = arith.constant 3.000000e+00 : f32
      %gt3A_490 = vector.broadcast %gt3A_489 : f32 to vector<16xf32>
      %gt3A_491 = arith.cmpf ogt, %abs3A_488, %gt3A_490 : vector<16xf32>
      %select_n3A_492 = arith.select %gt3A_491, %get3A_444, %add3A_487 : vector<16xi1>, vector<16xf32>
      %swap3A_493 = arith.index_cast %scan3A_286 : i32 to index
      %swap3A_494 = arith.constant 48 : index
      %swap3A_495 = tpu.vector_load %arg6[%swap3A_493, %swap3A_494] {strides = array<i32>} : memref<256x64xf32, #tpu.memory_space<vmem>>, vector<16xf32>,
      tpu.vector_store %arg6[%swap3A_493, %swap3A_494], %select_n3A_492 {strides = array<i32>} : memref<256x64xf32, #tpu.memory_space<vmem>>, vector<16xf32>,
      %scan3A_496 = arith.constant 0 : i32
      scf.yield %scan3A_496 : i32
    }
    %scan3A_146 = arith.constant 256 : i32
    %add3A_147 = arith.constant 512 : i32
    %add3A_148 = arith.addi %mul3A_2, %add3A_147 : i32
    %dma_start3A_149 = arith.constant 0 : i32
    %dma_start3A_150 = tpu.memref_slice %arg5[%add3A_148, %dma_start3A_149] : memref<65536x64xf32, #tpu.memory_space<hbm>> -> memref<256x64xf32, #tpu.memory_space<hbm>>
    %dma_start3A_151 = arith.constant 0 : i32
    %dma_start3A_152 = tpu.memref_slice %arg5[%add3A_148, %dma_start3A_151] : memref<65536x64xf32, #tpu.memory_space<hbm>> -> memref<256x64xf32, #tpu.memory_space<hbm>>
    tpu.enqueue_dma source(%arg6 : memref<256x64xf32, #tpu.memory_space<vmem>>) target(%dma_start3A_152 : memref<256x64xf32, #tpu.memory_space<hbm>>) target_semaphore(%arg17 : memref<!tpu.dma_semaphore, #tpu.memory_space<semaphore_mem>>)
    %dma_wait3A_153 = arith.constant 0 : i32
    %dma_wait3A_154 = tpu.memref_slice %arg2[%add3A_135, %dma_wait3A_153] : memref<65536x64xf32, #tpu.memory_space<hbm>> -> memref<256x64xf32, #tpu.memory_space<hbm>>
    %dma_wait3A_155 = arith.constant 0 : i32
    %dma_wait3A_156 = tpu.memref_slice %arg2[%add3A_135, %dma_wait3A_155] : memref<65536x64xf32, #tpu.memory_space<hbm>> -> memref<256x64xf32, #tpu.memory_space<hbm>>
    tpu.wait_dma2 semaphore(%arg16 : memref<!tpu.dma_semaphore, #tpu.memory_space<semaphore_mem>>) src(%dma_wait3A_156 : memref<256x64xf32, #tpu.memory_space<hbm>>) dst(%arg7 : memref<256x64xf32, #tpu.memory_space<vmem>>)
    %dma_wait3A_157 = arith.constant 0 : i32
    %dma_wait3A_158 = tpu.memref_slice %arg5[%add3A_148, %dma_wait3A_157] : memref<65536x64xf32, #tpu.memory_space<hbm>> -> memref<256x64xf32, #tpu.memory_space<hbm>>
    %dma_wait3A_159 = arith.constant 0 : i32
    %dma_wait3A_160 = tpu.memref_slice %arg5[%add3A_148, %dma_wait3A_159] : memref<65536x64xf32, #tpu.memory_space<hbm>> -> memref<256x64xf32, #tpu.memory_space<hbm>>
    tpu.wait_dma2 semaphore(%arg17 : memref<!tpu.dma_semaphore, #tpu.memory_space<semaphore_mem>>) src(%arg6 : memref<256x64xf32, #tpu.memory_space<vmem>>) dst(%dma_wait3A_160 : memref<256x64xf32, #tpu.memory_space<hbm>>)
    %add3A_161 = arith.constant 1024 : i32
    %add3A_162 = arith.addi %mul3A_2, %add3A_161 : i32
    %dma_start3A_163 = arith.constant 0 : i32
    %dma_start3A_164 = tpu.memref_slice %arg2[%add3A_162, %dma_start3A_163] : memref<65536x64xf32, #tpu.memory_space<hbm>> -> memref<256x64xf32, #tpu.memory_space<hbm>>
    %dma_start3A_165 = arith.constant 0 : i32
    %dma_start3A_166 = tpu.memref_slice %arg2[%add3A_162, %dma_start3A_165] : memref<65536x64xf32, #tpu.memory_space<hbm>> -> memref<256x64xf32, #tpu.memory_space<hbm>>
    tpu.enqueue_dma source(%dma_start3A_166 : memref<256x64xf32, #tpu.memory_space<hbm>>) target(%arg6 : memref<256x64xf32, #tpu.memory_space<vmem>>) target_semaphore(%arg15 : memref<!tpu.dma_semaphore, #tpu.memory_space<semaphore_mem>>)
    %scan3A_167 = arith.constant 0 : i32
    %scan3A_168 = arith.constant 0 : i32
    %scan3A_169 = arith.constant 256 : i32
    %scan3A_170 = arith.addi %scan3A_168, %scan3A_169 : i32
    %scan3A_171 = arith.constant 1 : i32
    %scan3A_172 = scf.for %scan3A_286 = %scan3A_168 to %scan3A_170 step %scan3A_171 iter_args(%scan3A_287 = %scan3A_167) -> (i32)  : i32 {
      %get3A_288 = arith.index_cast %scan3A_286 : i32 to index
      %get3A_289 = arith.constant 0 : index
      %get3A_290 = tpu.vector_load %arg7[%get3A_288, %get3A_289] {strides = array<i32>} : memref<256x64xf32, #tpu.memory_space<vmem>>, vector<16xf32>,
      %ge3A = arith.cmpf oge, %get3A_290, %get3A_3 : vector<16xf32>
      %select_n3A = arith.select %ge3A, %broadcast_in_dim3A_70, %broadcast_in_dim3A_72 : vector<16xi1>, vector<16xi32>
      %ge3A_291 = arith.cmpf oge, %get3A_290, %get3A_5 : vector<16xf32>
      %select_n3A_292 = arith.select %ge3A_291, %broadcast_in_dim3A_70, %broadcast_in_dim3A_72 : vector<16xi1>, vector<16xi32>
      %ge3A_293 = arith.cmpf oge, %get3A_290, %get3A_7 : vector<16xf32>
      %select_n3A_294 = arith.select %ge3A_293, %broadcast_in_dim3A_70, %broadcast_in_dim3A_72 : vector<16xi1>, vector<16xi32>
      %ge3A_295 = arith.cmpf oge, %get3A_290, %get3A_9 : vector<16xf32>
      %select_n3A_296 = arith.select %ge3A_295, %broadcast_in_dim3A_70, %broadcast_in_dim3A_72 : vector<16xi1>, vector<16xi32>
      %ge3A_297 = arith.cmpf oge, %get3A_290, %get3A_11 : vector<16xf32>
      %select_n3A_298 = arith.select %ge3A_297, %broadcast_in_dim3A_70, %broadcast_in_dim3A_72 : vector<16xi1>, vector<16xi32>
      %ge3A_299 = arith.cmpf oge, %get3A_290, %get3A_13 : vector<16xf32>
      %select_n3A_300 = arith.select %ge3A_299, %broadcast_in_dim3A_70, %broadcast_in_dim3A_72 : vector<16xi1>, vector<16xi32>
      %ge3A_301 = arith.cmpf oge, %get3A_290, %get3A_15 : vector<16xf32>
      %select_n3A_302 = arith.select %ge3A_301, %broadcast_in_dim3A_70, %broadcast_in_dim3A_72 : vector<16xi1>, vector<16xi32>
      %add3A_303 = arith.addi %select_n3A, %select_n3A_292 : vector<16xi32>
      %add3A_304 = arith.addi %select_n3A_294, %select_n3A_296 : vector<16xi32>
      %add3A_305 = arith.addi %select_n3A_298, %select_n3A_300 : vector<16xi32>
      %add3A_306 = arith.addi %add3A_303, %add3A_304 : vector<16xi32>
      %add3A_307 = arith.addi %add3A_305, %select_n3A_302 : vector<16xi32>
      %add3A_308 = arith.addi %add3A_306, %add3A_307 : vector<16xi32>
      %add3A_309 = arith.addi %add3A_308, %add3A_60 : vector<16xi32>
      %gather3A = tpu.vector_load_idx %arg9[%add3A_309] : memref<512xf32, #tpu.memory_space<vmem>>[vector<16xi32>], vector<16xf32>,
      %gather3A_310 = tpu.vector_load_idx %arg10[%add3A_309] : memref<512xf32, #tpu.memory_space<vmem>>[vector<16xi32>], vector<16xf32>,
      %gather3A_311 = tpu.vector_load_idx %arg11[%add3A_309] : memref<512xf32, #tpu.memory_space<vmem>>[vector<16xi32>], vector<16xf32>,
      %gather3A_312 = tpu.vector_load_idx %arg12[%add3A_309] : memref<512xf32, #tpu.memory_space<vmem>>[vector<16xi32>], vector<16xf32>,
      %gather3A_313 = tpu.vector_load_idx %arg13[%add3A_309] : memref<512xf32, #tpu.memory_space<vmem>>[vector<16xi32>], vector<16xf32>,
      %gather3A_314 = tpu.vector_load_idx %arg14[%add3A_309] : memref<512xf32, #tpu.memory_space<vmem>>[vector<16xi32>], vector<16xf32>,
      %mul3A_315 = arith.mulf %get3A_290, %gather3A : vector<16xf32>
      %add3A_316 = arith.addf %mul3A_315, %gather3A_310 : vector<16xf32>
      %sub3A = arith.constant 1.000000e+00 : f32
      %sub3A_317 = vector.broadcast %sub3A : f32 to vector<16xf32>
      %sub3A_318 = arith.subf %sub3A_317, %add3A_316 : vector<16xf32>
      %mul3A_319 = arith.mulf %gather3A_312, %gather3A : vector<16xf32>
      %mul3A_320 = arith.mulf %mul3A_319, %add3A_316 : vector<16xf32>
      %mul3A_321 = arith.mulf %gather3A_313, %sub3A_318 : vector<16xf32>
      %add3A_322 = arith.addf %mul3A_320, %mul3A_321 : vector<16xf32>
      %mul3A_323 = arith.mulf %add3A_316, %add3A_322 : vector<16xf32>
      %mul3A_324 = arith.mulf %gather3A_312, %mul3A_323 : vector<16xf32>
      %mul3A_325 = arith.mulf %add3A_316, %sub3A_318 : vector<16xf32>
      %mul3A_326 = arith.mulf %gather3A_314, %mul3A_325 : vector<16xf32>
      %add3A_327 = arith.addf %mul3A_319, %mul3A_326 : vector<16xf32>
      %div3A = arith.divf %mul3A_324, %add3A_327 : vector<16xf32>
      %add3A_328 = arith.addf %gather3A_311, %div3A : vector<16xf32>
      %abs3A = math.absf %get3A_290 : vector<16xf32>
      %gt3A = arith.constant 3.000000e+00 : f32
      %gt3A_329 = vector.broadcast %gt3A : f32 to vector<16xf32>
      %gt3A_330 = arith.cmpf ogt, %abs3A, %gt3A_329 : vector<16xf32>
      %select_n3A_331 = arith.select %gt3A_330, %get3A_290, %add3A_328 : vector<16xi1>, vector<16xf32>
      %swap3A = arith.index_cast %scan3A_286 : i32 to index
      %swap3A_332 = arith.constant 0 : index
      %swap3A_333 = tpu.vector_load %arg7[%swap3A, %swap3A_332] {strides = array<i32>} : memref<256x64xf32, #tpu.memory_space<vmem>>, vector<16xf32>,
      tpu.vector_store %arg7[%swap3A, %swap3A_332], %select_n3A_331 {strides = array<i32>} : memref<256x64xf32, #tpu.memory_space<vmem>>, vector<16xf32>,
      %get3A_334 = arith.index_cast %scan3A_286 : i32 to index
      %get3A_335 = arith.constant 16 : index
      %get3A_336 = tpu.vector_load %arg7[%get3A_334, %get3A_335] {strides = array<i32>} : memref<256x64xf32, #tpu.memory_space<vmem>>, vector<16xf32>,
      %ge3A_337 = arith.cmpf oge, %get3A_336, %get3A_17 : vector<16xf32>
      %select_n3A_338 = arith.select %ge3A_337, %broadcast_in_dim3A_70, %broadcast_in_dim3A_72 : vector<16xi1>, vector<16xi32>
      %ge3A_339 = arith.cmpf oge, %get3A_336, %get3A_19 : vector<16xf32>
      %select_n3A_340 = arith.select %ge3A_339, %broadcast_in_dim3A_70, %broadcast_in_dim3A_72 : vector<16xi1>, vector<16xi32>
      %ge3A_341 = arith.cmpf oge, %get3A_336, %get3A_21 : vector<16xf32>
      %select_n3A_342 = arith.select %ge3A_341, %broadcast_in_dim3A_70, %broadcast_in_dim3A_72 : vector<16xi1>, vector<16xi32>
      %ge3A_343 = arith.cmpf oge, %get3A_336, %get3A_23 : vector<16xf32>
      %select_n3A_344 = arith.select %ge3A_343, %broadcast_in_dim3A_70, %broadcast_in_dim3A_72 : vector<16xi1>, vector<16xi32>
      %ge3A_345 = arith.cmpf oge, %get3A_336, %get3A_25 : vector<16xf32>
      %select_n3A_346 = arith.select %ge3A_345, %broadcast_in_dim3A_70, %broadcast_in_dim3A_72 : vector<16xi1>, vector<16xi32>
      %ge3A_347 = arith.cmpf oge, %get3A_336, %get3A_27 : vector<16xf32>
      %select_n3A_348 = arith.select %ge3A_347, %broadcast_in_dim3A_70, %broadcast_in_dim3A_72 : vector<16xi1>, vector<16xi32>
      %ge3A_349 = arith.cmpf oge, %get3A_336, %get3A_29 : vector<16xf32>
      %select_n3A_350 = arith.select %ge3A_349, %broadcast_in_dim3A_70, %broadcast_in_dim3A_72 : vector<16xi1>, vector<16xi32>
      %add3A_351 = arith.addi %select_n3A_338, %select_n3A_340 : vector<16xi32>
      %add3A_352 = arith.addi %select_n3A_342, %select_n3A_344 : vector<16xi32>
      %add3A_353 = arith.addi %select_n3A_346, %select_n3A_348 : vector<16xi32>
      %add3A_354 = arith.addi %add3A_351, %add3A_352 : vector<16xi32>
      %add3A_355 = arith.addi %add3A_353, %select_n3A_350 : vector<16xi32>
      %add3A_356 = arith.addi %add3A_354, %add3A_355 : vector<16xi32>
      %add3A_357 = arith.addi %add3A_356, %add3A_63 : vector<16xi32>
      %gather3A_358 = tpu.vector_load_idx %arg9[%add3A_357] : memref<512xf32, #tpu.memory_space<vmem>>[vector<16xi32>], vector<16xf32>,
      %gather3A_359 = tpu.vector_load_idx %arg10[%add3A_357] : memref<512xf32, #tpu.memory_space<vmem>>[vector<16xi32>], vector<16xf32>,
      %gather3A_360 = tpu.vector_load_idx %arg11[%add3A_357] : memref<512xf32, #tpu.memory_space<vmem>>[vector<16xi32>], vector<16xf32>,
      %gather3A_361 = tpu.vector_load_idx %arg12[%add3A_357] : memref<512xf32, #tpu.memory_space<vmem>>[vector<16xi32>], vector<16xf32>,
      %gather3A_362 = tpu.vector_load_idx %arg13[%add3A_357] : memref<512xf32, #tpu.memory_space<vmem>>[vector<16xi32>], vector<16xf32>,
      %gather3A_363 = tpu.vector_load_idx %arg14[%add3A_357] : memref<512xf32, #tpu.memory_space<vmem>>[vector<16xi32>], vector<16xf32>,
      %mul3A_364 = arith.mulf %get3A_336, %gather3A_358 : vector<16xf32>
      %add3A_365 = arith.addf %mul3A_364, %gather3A_359 : vector<16xf32>
      %sub3A_366 = arith.constant 1.000000e+00 : f32
      %sub3A_367 = vector.broadcast %sub3A_366 : f32 to vector<16xf32>
      %sub3A_368 = arith.subf %sub3A_367, %add3A_365 : vector<16xf32>
      %mul3A_369 = arith.mulf %gather3A_361, %gather3A_358 : vector<16xf32>
      %mul3A_370 = arith.mulf %mul3A_369, %add3A_365 : vector<16xf32>
      %mul3A_371 = arith.mulf %gather3A_362, %sub3A_368 : vector<16xf32>
      %add3A_372 = arith.addf %mul3A_370, %mul3A_371 : vector<16xf32>
      %mul3A_373 = arith.mulf %add3A_365, %add3A_372 : vector<16xf32>
      %mul3A_374 = arith.mulf %gather3A_361, %mul3A_373 : vector<16xf32>
      %mul3A_375 = arith.mulf %add3A_365, %sub3A_368 : vector<16xf32>
      %mul3A_376 = arith.mulf %gather3A_363, %mul3A_375 : vector<16xf32>
      %add3A_377 = arith.addf %mul3A_369, %mul3A_376 : vector<16xf32>
      %div3A_378 = arith.divf %mul3A_374, %add3A_377 : vector<16xf32>
      %add3A_379 = arith.addf %gather3A_360, %div3A_378 : vector<16xf32>
      %abs3A_380 = math.absf %get3A_336 : vector<16xf32>
      %gt3A_381 = arith.constant 3.000000e+00 : f32
      %gt3A_382 = vector.broadcast %gt3A_381 : f32 to vector<16xf32>
      %gt3A_383 = arith.cmpf ogt, %abs3A_380, %gt3A_382 : vector<16xf32>
      %select_n3A_384 = arith.select %gt3A_383, %get3A_336, %add3A_379 : vector<16xi1>, vector<16xf32>
      %swap3A_385 = arith.index_cast %scan3A_286 : i32 to index
      %swap3A_386 = arith.constant 16 : index
      %swap3A_387 = tpu.vector_load %arg7[%swap3A_385, %swap3A_386] {strides = array<i32>} : memref<256x64xf32, #tpu.memory_space<vmem>>, vector<16xf32>,
      tpu.vector_store %arg7[%swap3A_385, %swap3A_386], %select_n3A_384 {strides = array<i32>} : memref<256x64xf32, #tpu.memory_space<vmem>>, vector<16xf32>,
      %get3A_388 = arith.index_cast %scan3A_286 : i32 to index
      %get3A_389 = arith.constant 32 : index
      %get3A_390 = tpu.vector_load %arg7[%get3A_388, %get3A_389] {strides = array<i32>} : memref<256x64xf32, #tpu.memory_space<vmem>>, vector<16xf32>,
      %ge3A_391 = arith.cmpf oge, %get3A_390, %get3A_31 : vector<16xf32>
      %select_n3A_392 = arith.select %ge3A_391, %broadcast_in_dim3A_70, %broadcast_in_dim3A_72 : vector<16xi1>, vector<16xi32>
      %ge3A_393 = arith.cmpf oge, %get3A_390, %get3A_33 : vector<16xf32>
      %select_n3A_394 = arith.select %ge3A_393, %broadcast_in_dim3A_70, %broadcast_in_dim3A_72 : vector<16xi1>, vector<16xi32>
      %ge3A_395 = arith.cmpf oge, %get3A_390, %get3A_35 : vector<16xf32>
      %select_n3A_396 = arith.select %ge3A_395, %broadcast_in_dim3A_70, %broadcast_in_dim3A_72 : vector<16xi1>, vector<16xi32>
      %ge3A_397 = arith.cmpf oge, %get3A_390, %get3A_37 : vector<16xf32>
      %select_n3A_398 = arith.select %ge3A_397, %broadcast_in_dim3A_70, %broadcast_in_dim3A_72 : vector<16xi1>, vector<16xi32>
      %ge3A_399 = arith.cmpf oge, %get3A_390, %get3A_39 : vector<16xf32>
      %select_n3A_400 = arith.select %ge3A_399, %broadcast_in_dim3A_70, %broadcast_in_dim3A_72 : vector<16xi1>, vector<16xi32>
      %ge3A_401 = arith.cmpf oge, %get3A_390, %get3A_41 : vector<16xf32>
      %select_n3A_402 = arith.select %ge3A_401, %broadcast_in_dim3A_70, %broadcast_in_dim3A_72 : vector<16xi1>, vector<16xi32>
      %ge3A_403 = arith.cmpf oge, %get3A_390, %get3A_43 : vector<16xf32>
      %select_n3A_404 = arith.select %ge3A_403, %broadcast_in_dim3A_70, %broadcast_in_dim3A_72 : vector<16xi1>, vector<16xi32>
      %add3A_405 = arith.addi %select_n3A_392, %select_n3A_394 : vector<16xi32>
      %add3A_406 = arith.addi %select_n3A_396, %select_n3A_398 : vector<16xi32>
      %add3A_407 = arith.addi %select_n3A_400, %select_n3A_402 : vector<16xi32>
      %add3A_408 = arith.addi %add3A_405, %add3A_406 : vector<16xi32>
      %add3A_409 = arith.addi %add3A_407, %select_n3A_404 : vector<16xi32>
      %add3A_410 = arith.addi %add3A_408, %add3A_409 : vector<16xi32>
      %add3A_411 = arith.addi %add3A_410, %add3A_66 : vector<16xi32>
      %gather3A_412 = tpu.vector_load_idx %arg9[%add3A_411] : memref<512xf32, #tpu.memory_space<vmem>>[vector<16xi32>], vector<16xf32>,
      %gather3A_413 = tpu.vector_load_idx %arg10[%add3A_411] : memref<512xf32, #tpu.memory_space<vmem>>[vector<16xi32>], vector<16xf32>,
      %gather3A_414 = tpu.vector_load_idx %arg11[%add3A_411] : memref<512xf32, #tpu.memory_space<vmem>>[vector<16xi32>], vector<16xf32>,
      %gather3A_415 = tpu.vector_load_idx %arg12[%add3A_411] : memref<512xf32, #tpu.memory_space<vmem>>[vector<16xi32>], vector<16xf32>,
      %gather3A_416 = tpu.vector_load_idx %arg13[%add3A_411] : memref<512xf32, #tpu.memory_space<vmem>>[vector<16xi32>], vector<16xf32>,
      %gather3A_417 = tpu.vector_load_idx %arg14[%add3A_411] : memref<512xf32, #tpu.memory_space<vmem>>[vector<16xi32>], vector<16xf32>,
      %mul3A_418 = arith.mulf %get3A_390, %gather3A_412 : vector<16xf32>
      %add3A_419 = arith.addf %mul3A_418, %gather3A_413 : vector<16xf32>
      %sub3A_420 = arith.constant 1.000000e+00 : f32
      %sub3A_421 = vector.broadcast %sub3A_420 : f32 to vector<16xf32>
      %sub3A_422 = arith.subf %sub3A_421, %add3A_419 : vector<16xf32>
      %mul3A_423 = arith.mulf %gather3A_415, %gather3A_412 : vector<16xf32>
      %mul3A_424 = arith.mulf %mul3A_423, %add3A_419 : vector<16xf32>
      %mul3A_425 = arith.mulf %gather3A_416, %sub3A_422 : vector<16xf32>
      %add3A_426 = arith.addf %mul3A_424, %mul3A_425 : vector<16xf32>
      %mul3A_427 = arith.mulf %add3A_419, %add3A_426 : vector<16xf32>
      %mul3A_428 = arith.mulf %gather3A_415, %mul3A_427 : vector<16xf32>
      %mul3A_429 = arith.mulf %add3A_419, %sub3A_422 : vector<16xf32>
      %mul3A_430 = arith.mulf %gather3A_417, %mul3A_429 : vector<16xf32>
      %add3A_431 = arith.addf %mul3A_423, %mul3A_430 : vector<16xf32>
      %div3A_432 = arith.divf %mul3A_428, %add3A_431 : vector<16xf32>
      %add3A_433 = arith.addf %gather3A_414, %div3A_432 : vector<16xf32>
      %abs3A_434 = math.absf %get3A_390 : vector<16xf32>
      %gt3A_435 = arith.constant 3.000000e+00 : f32
      %gt3A_436 = vector.broadcast %gt3A_435 : f32 to vector<16xf32>
      %gt3A_437 = arith.cmpf ogt, %abs3A_434, %gt3A_436 : vector<16xf32>
      %select_n3A_438 = arith.select %gt3A_437, %get3A_390, %add3A_433 : vector<16xi1>, vector<16xf32>
      %swap3A_439 = arith.index_cast %scan3A_286 : i32 to index
      %swap3A_440 = arith.constant 32 : index
      %swap3A_441 = tpu.vector_load %arg7[%swap3A_439, %swap3A_440] {strides = array<i32>} : memref<256x64xf32, #tpu.memory_space<vmem>>, vector<16xf32>,
      tpu.vector_store %arg7[%swap3A_439, %swap3A_440], %select_n3A_438 {strides = array<i32>} : memref<256x64xf32, #tpu.memory_space<vmem>>, vector<16xf32>,
      %get3A_442 = arith.index_cast %scan3A_286 : i32 to index
      %get3A_443 = arith.constant 48 : index
      %get3A_444 = tpu.vector_load %arg7[%get3A_442, %get3A_443] {strides = array<i32>} : memref<256x64xf32, #tpu.memory_space<vmem>>, vector<16xf32>,
      %ge3A_445 = arith.cmpf oge, %get3A_444, %get3A_45 : vector<16xf32>
      %select_n3A_446 = arith.select %ge3A_445, %broadcast_in_dim3A_70, %broadcast_in_dim3A_72 : vector<16xi1>, vector<16xi32>
      %ge3A_447 = arith.cmpf oge, %get3A_444, %get3A_47 : vector<16xf32>
      %select_n3A_448 = arith.select %ge3A_447, %broadcast_in_dim3A_70, %broadcast_in_dim3A_72 : vector<16xi1>, vector<16xi32>
      %ge3A_449 = arith.cmpf oge, %get3A_444, %get3A_49 : vector<16xf32>
      %select_n3A_450 = arith.select %ge3A_449, %broadcast_in_dim3A_70, %broadcast_in_dim3A_72 : vector<16xi1>, vector<16xi32>
      %ge3A_451 = arith.cmpf oge, %get3A_444, %get3A_51 : vector<16xf32>
      %select_n3A_452 = arith.select %ge3A_451, %broadcast_in_dim3A_70, %broadcast_in_dim3A_72 : vector<16xi1>, vector<16xi32>
      %ge3A_453 = arith.cmpf oge, %get3A_444, %get3A_53 : vector<16xf32>
      %select_n3A_454 = arith.select %ge3A_453, %broadcast_in_dim3A_70, %broadcast_in_dim3A_72 : vector<16xi1>, vector<16xi32>
      %ge3A_455 = arith.cmpf oge, %get3A_444, %get3A_55 : vector<16xf32>
      %select_n3A_456 = arith.select %ge3A_455, %broadcast_in_dim3A_70, %broadcast_in_dim3A_72 : vector<16xi1>, vector<16xi32>
      %ge3A_457 = arith.cmpf oge, %get3A_444, %get3A_57 : vector<16xf32>
      %select_n3A_458 = arith.select %ge3A_457, %broadcast_in_dim3A_70, %broadcast_in_dim3A_72 : vector<16xi1>, vector<16xi32>
      %add3A_459 = arith.addi %select_n3A_446, %select_n3A_448 : vector<16xi32>
      %add3A_460 = arith.addi %select_n3A_450, %select_n3A_452 : vector<16xi32>
      %add3A_461 = arith.addi %select_n3A_454, %select_n3A_456 : vector<16xi32>
      %add3A_462 = arith.addi %add3A_459, %add3A_460 : vector<16xi32>
      %add3A_463 = arith.addi %add3A_461, %select_n3A_458 : vector<16xi32>
      %add3A_464 = arith.addi %add3A_462, %add3A_463 : vector<16xi32>
      %add3A_465 = arith.addi %add3A_464, %add3A_69 : vector<16xi32>
      %gather3A_466 = tpu.vector_load_idx %arg9[%add3A_465] : memref<512xf32, #tpu.memory_space<vmem>>[vector<16xi32>], vector<16xf32>,
      %gather3A_467 = tpu.vector_load_idx %arg10[%add3A_465] : memref<512xf32, #tpu.memory_space<vmem>>[vector<16xi32>], vector<16xf32>,
      %gather3A_468 = tpu.vector_load_idx %arg11[%add3A_465] : memref<512xf32, #tpu.memory_space<vmem>>[vector<16xi32>], vector<16xf32>,
      %gather3A_469 = tpu.vector_load_idx %arg12[%add3A_465] : memref<512xf32, #tpu.memory_space<vmem>>[vector<16xi32>], vector<16xf32>,
      %gather3A_470 = tpu.vector_load_idx %arg13[%add3A_465] : memref<512xf32, #tpu.memory_space<vmem>>[vector<16xi32>], vector<16xf32>,
      %gather3A_471 = tpu.vector_load_idx %arg14[%add3A_465] : memref<512xf32, #tpu.memory_space<vmem>>[vector<16xi32>], vector<16xf32>,
      %mul3A_472 = arith.mulf %get3A_444, %gather3A_466 : vector<16xf32>
      %add3A_473 = arith.addf %mul3A_472, %gather3A_467 : vector<16xf32>
      %sub3A_474 = arith.constant 1.000000e+00 : f32
      %sub3A_475 = vector.broadcast %sub3A_474 : f32 to vector<16xf32>
      %sub3A_476 = arith.subf %sub3A_475, %add3A_473 : vector<16xf32>
      %mul3A_477 = arith.mulf %gather3A_469, %gather3A_466 : vector<16xf32>
      %mul3A_478 = arith.mulf %mul3A_477, %add3A_473 : vector<16xf32>
      %mul3A_479 = arith.mulf %gather3A_470, %sub3A_476 : vector<16xf32>
      %add3A_480 = arith.addf %mul3A_478, %mul3A_479 : vector<16xf32>
      %mul3A_481 = arith.mulf %add3A_473, %add3A_480 : vector<16xf32>
      %mul3A_482 = arith.mulf %gather3A_469, %mul3A_481 : vector<16xf32>
      %mul3A_483 = arith.mulf %add3A_473, %sub3A_476 : vector<16xf32>
      %mul3A_484 = arith.mulf %gather3A_471, %mul3A_483 : vector<16xf32>
      %add3A_485 = arith.addf %mul3A_477, %mul3A_484 : vector<16xf32>
      %div3A_486 = arith.divf %mul3A_482, %add3A_485 : vector<16xf32>
      %add3A_487 = arith.addf %gather3A_468, %div3A_486 : vector<16xf32>
      %abs3A_488 = math.absf %get3A_444 : vector<16xf32>
      %gt3A_489 = arith.constant 3.000000e+00 : f32
      %gt3A_490 = vector.broadcast %gt3A_489 : f32 to vector<16xf32>
      %gt3A_491 = arith.cmpf ogt, %abs3A_488, %gt3A_490 : vector<16xf32>
      %select_n3A_492 = arith.select %gt3A_491, %get3A_444, %add3A_487 : vector<16xi1>, vector<16xf32>
      %swap3A_493 = arith.index_cast %scan3A_286 : i32 to index
      %swap3A_494 = arith.constant 48 : index
      %swap3A_495 = tpu.vector_load %arg7[%swap3A_493, %swap3A_494] {strides = array<i32>} : memref<256x64xf32, #tpu.memory_space<vmem>>, vector<16xf32>,
      tpu.vector_store %arg7[%swap3A_493, %swap3A_494], %select_n3A_492 {strides = array<i32>} : memref<256x64xf32, #tpu.memory_space<vmem>>, vector<16xf32>,
      %scan3A_496 = arith.constant 0 : i32
      scf.yield %scan3A_496 : i32
    }
    %scan3A_173 = arith.constant 256 : i32
    %add3A_174 = arith.constant 768 : i32
    %add3A_175 = arith.addi %mul3A_2, %add3A_174 : i32
    %dma_start3A_176 = arith.constant 0 : i32
    %dma_start3A_177 = tpu.memref_slice %arg5[%add3A_175, %dma_start3A_176] : memref<65536x64xf32, #tpu.memory_space<hbm>> -> memref<256x64xf32, #tpu.memory_space<hbm>>
    %dma_start3A_178 = arith.constant 0 : i32
    %dma_start3A_179 = tpu.memref_slice %arg5[%add3A_175, %dma_start3A_178] : memref<65536x64xf32, #tpu.memory_space<hbm>> -> memref<256x64xf32, #tpu.memory_space<hbm>>
    tpu.enqueue_dma source(%arg7 : memref<256x64xf32, #tpu.memory_space<vmem>>) target(%dma_start3A_179 : memref<256x64xf32, #tpu.memory_space<hbm>>) target_semaphore(%arg18 : memref<!tpu.dma_semaphore, #tpu.memory_space<semaphore_mem>>)
    %dma_wait3A_180 = arith.constant 0 : i32
    %dma_wait3A_181 = tpu.memref_slice %arg2[%add3A_162, %dma_wait3A_180] : memref<65536x64xf32, #tpu.memory_space<hbm>> -> memref<256x64xf32, #tpu.memory_space<hbm>>
    %dma_wait3A_182 = arith.constant 0 : i32
    %dma_wait3A_183 = tpu.memref_slice %arg2[%add3A_162, %dma_wait3A_182] : memref<65536x64xf32, #tpu.memory_space<hbm>> -> memref<256x64xf32, #tpu.memory_space<hbm>>
    tpu.wait_dma2 semaphore(%arg15 : memref<!tpu.dma_semaphore, #tpu.memory_space<semaphore_mem>>) src(%dma_wait3A_183 : memref<256x64xf32, #tpu.memory_space<hbm>>) dst(%arg6 : memref<256x64xf32, #tpu.memory_space<vmem>>)
    %dma_wait3A_184 = arith.constant 0 : i32
    %dma_wait3A_185 = tpu.memref_slice %arg5[%add3A_175, %dma_wait3A_184] : memref<65536x64xf32, #tpu.memory_space<hbm>> -> memref<256x64xf32, #tpu.memory_space<hbm>>
    %dma_wait3A_186 = arith.constant 0 : i32
    %dma_wait3A_187 = tpu.memref_slice %arg5[%add3A_175, %dma_wait3A_186] : memref<65536x64xf32, #tpu.memory_space<hbm>> -> memref<256x64xf32, #tpu.memory_space<hbm>>
    tpu.wait_dma2 semaphore(%arg18 : memref<!tpu.dma_semaphore, #tpu.memory_space<semaphore_mem>>) src(%arg7 : memref<256x64xf32, #tpu.memory_space<vmem>>) dst(%dma_wait3A_187 : memref<256x64xf32, #tpu.memory_space<hbm>>)
    %add3A_188 = arith.constant 1280 : i32
    %add3A_189 = arith.addi %mul3A_2, %add3A_188 : i32
    %dma_start3A_190 = arith.constant 0 : i32
    %dma_start3A_191 = tpu.memref_slice %arg2[%add3A_189, %dma_start3A_190] : memref<65536x64xf32, #tpu.memory_space<hbm>> -> memref<256x64xf32, #tpu.memory_space<hbm>>
    %dma_start3A_192 = arith.constant 0 : i32
    %dma_start3A_193 = tpu.memref_slice %arg2[%add3A_189, %dma_start3A_192] : memref<65536x64xf32, #tpu.memory_space<hbm>> -> memref<256x64xf32, #tpu.memory_space<hbm>>
    tpu.enqueue_dma source(%dma_start3A_193 : memref<256x64xf32, #tpu.memory_space<hbm>>) target(%arg7 : memref<256x64xf32, #tpu.memory_space<vmem>>) target_semaphore(%arg16 : memref<!tpu.dma_semaphore, #tpu.memory_space<semaphore_mem>>)
    %scan3A_194 = arith.constant 0 : i32
    %scan3A_195 = arith.constant 0 : i32
    %scan3A_196 = arith.constant 256 : i32
    %scan3A_197 = arith.addi %scan3A_195, %scan3A_196 : i32
    %scan3A_198 = arith.constant 1 : i32
    %scan3A_199 = scf.for %scan3A_286 = %scan3A_195 to %scan3A_197 step %scan3A_198 iter_args(%scan3A_287 = %scan3A_194) -> (i32)  : i32 {
      %get3A_288 = arith.index_cast %scan3A_286 : i32 to index
      %get3A_289 = arith.constant 0 : index
      %get3A_290 = tpu.vector_load %arg6[%get3A_288, %get3A_289] {strides = array<i32>} : memref<256x64xf32, #tpu.memory_space<vmem>>, vector<16xf32>,
      %ge3A = arith.cmpf oge, %get3A_290, %get3A_3 : vector<16xf32>
      %select_n3A = arith.select %ge3A, %broadcast_in_dim3A_70, %broadcast_in_dim3A_72 : vector<16xi1>, vector<16xi32>
      %ge3A_291 = arith.cmpf oge, %get3A_290, %get3A_5 : vector<16xf32>
      %select_n3A_292 = arith.select %ge3A_291, %broadcast_in_dim3A_70, %broadcast_in_dim3A_72 : vector<16xi1>, vector<16xi32>
      %ge3A_293 = arith.cmpf oge, %get3A_290, %get3A_7 : vector<16xf32>
      %select_n3A_294 = arith.select %ge3A_293, %broadcast_in_dim3A_70, %broadcast_in_dim3A_72 : vector<16xi1>, vector<16xi32>
      %ge3A_295 = arith.cmpf oge, %get3A_290, %get3A_9 : vector<16xf32>
      %select_n3A_296 = arith.select %ge3A_295, %broadcast_in_dim3A_70, %broadcast_in_dim3A_72 : vector<16xi1>, vector<16xi32>
      %ge3A_297 = arith.cmpf oge, %get3A_290, %get3A_11 : vector<16xf32>
      %select_n3A_298 = arith.select %ge3A_297, %broadcast_in_dim3A_70, %broadcast_in_dim3A_72 : vector<16xi1>, vector<16xi32>
      %ge3A_299 = arith.cmpf oge, %get3A_290, %get3A_13 : vector<16xf32>
      %select_n3A_300 = arith.select %ge3A_299, %broadcast_in_dim3A_70, %broadcast_in_dim3A_72 : vector<16xi1>, vector<16xi32>
      %ge3A_301 = arith.cmpf oge, %get3A_290, %get3A_15 : vector<16xf32>
      %select_n3A_302 = arith.select %ge3A_301, %broadcast_in_dim3A_70, %broadcast_in_dim3A_72 : vector<16xi1>, vector<16xi32>
      %add3A_303 = arith.addi %select_n3A, %select_n3A_292 : vector<16xi32>
      %add3A_304 = arith.addi %select_n3A_294, %select_n3A_296 : vector<16xi32>
      %add3A_305 = arith.addi %select_n3A_298, %select_n3A_300 : vector<16xi32>
      %add3A_306 = arith.addi %add3A_303, %add3A_304 : vector<16xi32>
      %add3A_307 = arith.addi %add3A_305, %select_n3A_302 : vector<16xi32>
      %add3A_308 = arith.addi %add3A_306, %add3A_307 : vector<16xi32>
      %add3A_309 = arith.addi %add3A_308, %add3A_60 : vector<16xi32>
      %gather3A = tpu.vector_load_idx %arg9[%add3A_309] : memref<512xf32, #tpu.memory_space<vmem>>[vector<16xi32>], vector<16xf32>,
      %gather3A_310 = tpu.vector_load_idx %arg10[%add3A_309] : memref<512xf32, #tpu.memory_space<vmem>>[vector<16xi32>], vector<16xf32>,
      %gather3A_311 = tpu.vector_load_idx %arg11[%add3A_309] : memref<512xf32, #tpu.memory_space<vmem>>[vector<16xi32>], vector<16xf32>,
      %gather3A_312 = tpu.vector_load_idx %arg12[%add3A_309] : memref<512xf32, #tpu.memory_space<vmem>>[vector<16xi32>], vector<16xf32>,
      %gather3A_313 = tpu.vector_load_idx %arg13[%add3A_309] : memref<512xf32, #tpu.memory_space<vmem>>[vector<16xi32>], vector<16xf32>,
      %gather3A_314 = tpu.vector_load_idx %arg14[%add3A_309] : memref<512xf32, #tpu.memory_space<vmem>>[vector<16xi32>], vector<16xf32>,
      %mul3A_315 = arith.mulf %get3A_290, %gather3A : vector<16xf32>
      %add3A_316 = arith.addf %mul3A_315, %gather3A_310 : vector<16xf32>
      %sub3A = arith.constant 1.000000e+00 : f32
      %sub3A_317 = vector.broadcast %sub3A : f32 to vector<16xf32>
      %sub3A_318 = arith.subf %sub3A_317, %add3A_316 : vector<16xf32>
      %mul3A_319 = arith.mulf %gather3A_312, %gather3A : vector<16xf32>
      %mul3A_320 = arith.mulf %mul3A_319, %add3A_316 : vector<16xf32>
      %mul3A_321 = arith.mulf %gather3A_313, %sub3A_318 : vector<16xf32>
      %add3A_322 = arith.addf %mul3A_320, %mul3A_321 : vector<16xf32>
      %mul3A_323 = arith.mulf %add3A_316, %add3A_322 : vector<16xf32>
      %mul3A_324 = arith.mulf %gather3A_312, %mul3A_323 : vector<16xf32>
      %mul3A_325 = arith.mulf %add3A_316, %sub3A_318 : vector<16xf32>
      %mul3A_326 = arith.mulf %gather3A_314, %mul3A_325 : vector<16xf32>
      %add3A_327 = arith.addf %mul3A_319, %mul3A_326 : vector<16xf32>
      %div3A = arith.divf %mul3A_324, %add3A_327 : vector<16xf32>
      %add3A_328 = arith.addf %gather3A_311, %div3A : vector<16xf32>
      %abs3A = math.absf %get3A_290 : vector<16xf32>
      %gt3A = arith.constant 3.000000e+00 : f32
      %gt3A_329 = vector.broadcast %gt3A : f32 to vector<16xf32>
      %gt3A_330 = arith.cmpf ogt, %abs3A, %gt3A_329 : vector<16xf32>
      %select_n3A_331 = arith.select %gt3A_330, %get3A_290, %add3A_328 : vector<16xi1>, vector<16xf32>
      %swap3A = arith.index_cast %scan3A_286 : i32 to index
      %swap3A_332 = arith.constant 0 : index
      %swap3A_333 = tpu.vector_load %arg6[%swap3A, %swap3A_332] {strides = array<i32>} : memref<256x64xf32, #tpu.memory_space<vmem>>, vector<16xf32>,
      tpu.vector_store %arg6[%swap3A, %swap3A_332], %select_n3A_331 {strides = array<i32>} : memref<256x64xf32, #tpu.memory_space<vmem>>, vector<16xf32>,
      %get3A_334 = arith.index_cast %scan3A_286 : i32 to index
      %get3A_335 = arith.constant 16 : index
      %get3A_336 = tpu.vector_load %arg6[%get3A_334, %get3A_335] {strides = array<i32>} : memref<256x64xf32, #tpu.memory_space<vmem>>, vector<16xf32>,
      %ge3A_337 = arith.cmpf oge, %get3A_336, %get3A_17 : vector<16xf32>
      %select_n3A_338 = arith.select %ge3A_337, %broadcast_in_dim3A_70, %broadcast_in_dim3A_72 : vector<16xi1>, vector<16xi32>
      %ge3A_339 = arith.cmpf oge, %get3A_336, %get3A_19 : vector<16xf32>
      %select_n3A_340 = arith.select %ge3A_339, %broadcast_in_dim3A_70, %broadcast_in_dim3A_72 : vector<16xi1>, vector<16xi32>
      %ge3A_341 = arith.cmpf oge, %get3A_336, %get3A_21 : vector<16xf32>
      %select_n3A_342 = arith.select %ge3A_341, %broadcast_in_dim3A_70, %broadcast_in_dim3A_72 : vector<16xi1>, vector<16xi32>
      %ge3A_343 = arith.cmpf oge, %get3A_336, %get3A_23 : vector<16xf32>
      %select_n3A_344 = arith.select %ge3A_343, %broadcast_in_dim3A_70, %broadcast_in_dim3A_72 : vector<16xi1>, vector<16xi32>
      %ge3A_345 = arith.cmpf oge, %get3A_336, %get3A_25 : vector<16xf32>
      %select_n3A_346 = arith.select %ge3A_345, %broadcast_in_dim3A_70, %broadcast_in_dim3A_72 : vector<16xi1>, vector<16xi32>
      %ge3A_347 = arith.cmpf oge, %get3A_336, %get3A_27 : vector<16xf32>
      %select_n3A_348 = arith.select %ge3A_347, %broadcast_in_dim3A_70, %broadcast_in_dim3A_72 : vector<16xi1>, vector<16xi32>
      %ge3A_349 = arith.cmpf oge, %get3A_336, %get3A_29 : vector<16xf32>
      %select_n3A_350 = arith.select %ge3A_349, %broadcast_in_dim3A_70, %broadcast_in_dim3A_72 : vector<16xi1>, vector<16xi32>
      %add3A_351 = arith.addi %select_n3A_338, %select_n3A_340 : vector<16xi32>
      %add3A_352 = arith.addi %select_n3A_342, %select_n3A_344 : vector<16xi32>
      %add3A_353 = arith.addi %select_n3A_346, %select_n3A_348 : vector<16xi32>
      %add3A_354 = arith.addi %add3A_351, %add3A_352 : vector<16xi32>
      %add3A_355 = arith.addi %add3A_353, %select_n3A_350 : vector<16xi32>
      %add3A_356 = arith.addi %add3A_354, %add3A_355 : vector<16xi32>
      %add3A_357 = arith.addi %add3A_356, %add3A_63 : vector<16xi32>
      %gather3A_358 = tpu.vector_load_idx %arg9[%add3A_357] : memref<512xf32, #tpu.memory_space<vmem>>[vector<16xi32>], vector<16xf32>,
      %gather3A_359 = tpu.vector_load_idx %arg10[%add3A_357] : memref<512xf32, #tpu.memory_space<vmem>>[vector<16xi32>], vector<16xf32>,
      %gather3A_360 = tpu.vector_load_idx %arg11[%add3A_357] : memref<512xf32, #tpu.memory_space<vmem>>[vector<16xi32>], vector<16xf32>,
      %gather3A_361 = tpu.vector_load_idx %arg12[%add3A_357] : memref<512xf32, #tpu.memory_space<vmem>>[vector<16xi32>], vector<16xf32>,
      %gather3A_362 = tpu.vector_load_idx %arg13[%add3A_357] : memref<512xf32, #tpu.memory_space<vmem>>[vector<16xi32>], vector<16xf32>,
      %gather3A_363 = tpu.vector_load_idx %arg14[%add3A_357] : memref<512xf32, #tpu.memory_space<vmem>>[vector<16xi32>], vector<16xf32>,
      %mul3A_364 = arith.mulf %get3A_336, %gather3A_358 : vector<16xf32>
      %add3A_365 = arith.addf %mul3A_364, %gather3A_359 : vector<16xf32>
      %sub3A_366 = arith.constant 1.000000e+00 : f32
      %sub3A_367 = vector.broadcast %sub3A_366 : f32 to vector<16xf32>
      %sub3A_368 = arith.subf %sub3A_367, %add3A_365 : vector<16xf32>
      %mul3A_369 = arith.mulf %gather3A_361, %gather3A_358 : vector<16xf32>
      %mul3A_370 = arith.mulf %mul3A_369, %add3A_365 : vector<16xf32>
      %mul3A_371 = arith.mulf %gather3A_362, %sub3A_368 : vector<16xf32>
      %add3A_372 = arith.addf %mul3A_370, %mul3A_371 : vector<16xf32>
      %mul3A_373 = arith.mulf %add3A_365, %add3A_372 : vector<16xf32>
      %mul3A_374 = arith.mulf %gather3A_361, %mul3A_373 : vector<16xf32>
      %mul3A_375 = arith.mulf %add3A_365, %sub3A_368 : vector<16xf32>
      %mul3A_376 = arith.mulf %gather3A_363, %mul3A_375 : vector<16xf32>
      %add3A_377 = arith.addf %mul3A_369, %mul3A_376 : vector<16xf32>
      %div3A_378 = arith.divf %mul3A_374, %add3A_377 : vector<16xf32>
      %add3A_379 = arith.addf %gather3A_360, %div3A_378 : vector<16xf32>
      %abs3A_380 = math.absf %get3A_336 : vector<16xf32>
      %gt3A_381 = arith.constant 3.000000e+00 : f32
      %gt3A_382 = vector.broadcast %gt3A_381 : f32 to vector<16xf32>
      %gt3A_383 = arith.cmpf ogt, %abs3A_380, %gt3A_382 : vector<16xf32>
      %select_n3A_384 = arith.select %gt3A_383, %get3A_336, %add3A_379 : vector<16xi1>, vector<16xf32>
      %swap3A_385 = arith.index_cast %scan3A_286 : i32 to index
      %swap3A_386 = arith.constant 16 : index
      %swap3A_387 = tpu.vector_load %arg6[%swap3A_385, %swap3A_386] {strides = array<i32>} : memref<256x64xf32, #tpu.memory_space<vmem>>, vector<16xf32>,
      tpu.vector_store %arg6[%swap3A_385, %swap3A_386], %select_n3A_384 {strides = array<i32>} : memref<256x64xf32, #tpu.memory_space<vmem>>, vector<16xf32>,
      %get3A_388 = arith.index_cast %scan3A_286 : i32 to index
      %get3A_389 = arith.constant 32 : index
      %get3A_390 = tpu.vector_load %arg6[%get3A_388, %get3A_389] {strides = array<i32>} : memref<256x64xf32, #tpu.memory_space<vmem>>, vector<16xf32>,
      %ge3A_391 = arith.cmpf oge, %get3A_390, %get3A_31 : vector<16xf32>
      %select_n3A_392 = arith.select %ge3A_391, %broadcast_in_dim3A_70, %broadcast_in_dim3A_72 : vector<16xi1>, vector<16xi32>
      %ge3A_393 = arith.cmpf oge, %get3A_390, %get3A_33 : vector<16xf32>
      %select_n3A_394 = arith.select %ge3A_393, %broadcast_in_dim3A_70, %broadcast_in_dim3A_72 : vector<16xi1>, vector<16xi32>
      %ge3A_395 = arith.cmpf oge, %get3A_390, %get3A_35 : vector<16xf32>
      %select_n3A_396 = arith.select %ge3A_395, %broadcast_in_dim3A_70, %broadcast_in_dim3A_72 : vector<16xi1>, vector<16xi32>
      %ge3A_397 = arith.cmpf oge, %get3A_390, %get3A_37 : vector<16xf32>
      %select_n3A_398 = arith.select %ge3A_397, %broadcast_in_dim3A_70, %broadcast_in_dim3A_72 : vector<16xi1>, vector<16xi32>
      %ge3A_399 = arith.cmpf oge, %get3A_390, %get3A_39 : vector<16xf32>
      %select_n3A_400 = arith.select %ge3A_399, %broadcast_in_dim3A_70, %broadcast_in_dim3A_72 : vector<16xi1>, vector<16xi32>
      %ge3A_401 = arith.cmpf oge, %get3A_390, %get3A_41 : vector<16xf32>
      %select_n3A_402 = arith.select %ge3A_401, %broadcast_in_dim3A_70, %broadcast_in_dim3A_72 : vector<16xi1>, vector<16xi32>
      %ge3A_403 = arith.cmpf oge, %get3A_390, %get3A_43 : vector<16xf32>
      %select_n3A_404 = arith.select %ge3A_403, %broadcast_in_dim3A_70, %broadcast_in_dim3A_72 : vector<16xi1>, vector<16xi32>
      %add3A_405 = arith.addi %select_n3A_392, %select_n3A_394 : vector<16xi32>
      %add3A_406 = arith.addi %select_n3A_396, %select_n3A_398 : vector<16xi32>
      %add3A_407 = arith.addi %select_n3A_400, %select_n3A_402 : vector<16xi32>
      %add3A_408 = arith.addi %add3A_405, %add3A_406 : vector<16xi32>
      %add3A_409 = arith.addi %add3A_407, %select_n3A_404 : vector<16xi32>
      %add3A_410 = arith.addi %add3A_408, %add3A_409 : vector<16xi32>
      %add3A_411 = arith.addi %add3A_410, %add3A_66 : vector<16xi32>
      %gather3A_412 = tpu.vector_load_idx %arg9[%add3A_411] : memref<512xf32, #tpu.memory_space<vmem>>[vector<16xi32>], vector<16xf32>,
      %gather3A_413 = tpu.vector_load_idx %arg10[%add3A_411] : memref<512xf32, #tpu.memory_space<vmem>>[vector<16xi32>], vector<16xf32>,
      %gather3A_414 = tpu.vector_load_idx %arg11[%add3A_411] : memref<512xf32, #tpu.memory_space<vmem>>[vector<16xi32>], vector<16xf32>,
      %gather3A_415 = tpu.vector_load_idx %arg12[%add3A_411] : memref<512xf32, #tpu.memory_space<vmem>>[vector<16xi32>], vector<16xf32>,
      %gather3A_416 = tpu.vector_load_idx %arg13[%add3A_411] : memref<512xf32, #tpu.memory_space<vmem>>[vector<16xi32>], vector<16xf32>,
      %gather3A_417 = tpu.vector_load_idx %arg14[%add3A_411] : memref<512xf32, #tpu.memory_space<vmem>>[vector<16xi32>], vector<16xf32>,
      %mul3A_418 = arith.mulf %get3A_390, %gather3A_412 : vector<16xf32>
      %add3A_419 = arith.addf %mul3A_418, %gather3A_413 : vector<16xf32>
      %sub3A_420 = arith.constant 1.000000e+00 : f32
      %sub3A_421 = vector.broadcast %sub3A_420 : f32 to vector<16xf32>
      %sub3A_422 = arith.subf %sub3A_421, %add3A_419 : vector<16xf32>
      %mul3A_423 = arith.mulf %gather3A_415, %gather3A_412 : vector<16xf32>
      %mul3A_424 = arith.mulf %mul3A_423, %add3A_419 : vector<16xf32>
      %mul3A_425 = arith.mulf %gather3A_416, %sub3A_422 : vector<16xf32>
      %add3A_426 = arith.addf %mul3A_424, %mul3A_425 : vector<16xf32>
      %mul3A_427 = arith.mulf %add3A_419, %add3A_426 : vector<16xf32>
      %mul3A_428 = arith.mulf %gather3A_415, %mul3A_427 : vector<16xf32>
      %mul3A_429 = arith.mulf %add3A_419, %sub3A_422 : vector<16xf32>
      %mul3A_430 = arith.mulf %gather3A_417, %mul3A_429 : vector<16xf32>
      %add3A_431 = arith.addf %mul3A_423, %mul3A_430 : vector<16xf32>
      %div3A_432 = arith.divf %mul3A_428, %add3A_431 : vector<16xf32>
      %add3A_433 = arith.addf %gather3A_414, %div3A_432 : vector<16xf32>
      %abs3A_434 = math.absf %get3A_390 : vector<16xf32>
      %gt3A_435 = arith.constant 3.000000e+00 : f32
      %gt3A_436 = vector.broadcast %gt3A_435 : f32 to vector<16xf32>
      %gt3A_437 = arith.cmpf ogt, %abs3A_434, %gt3A_436 : vector<16xf32>
      %select_n3A_438 = arith.select %gt3A_437, %get3A_390, %add3A_433 : vector<16xi1>, vector<16xf32>
      %swap3A_439 = arith.index_cast %scan3A_286 : i32 to index
      %swap3A_440 = arith.constant 32 : index
      %swap3A_441 = tpu.vector_load %arg6[%swap3A_439, %swap3A_440] {strides = array<i32>} : memref<256x64xf32, #tpu.memory_space<vmem>>, vector<16xf32>,
      tpu.vector_store %arg6[%swap3A_439, %swap3A_440], %select_n3A_438 {strides = array<i32>} : memref<256x64xf32, #tpu.memory_space<vmem>>, vector<16xf32>,
      %get3A_442 = arith.index_cast %scan3A_286 : i32 to index
      %get3A_443 = arith.constant 48 : index
      %get3A_444 = tpu.vector_load %arg6[%get3A_442, %get3A_443] {strides = array<i32>} : memref<256x64xf32, #tpu.memory_space<vmem>>, vector<16xf32>,
      %ge3A_445 = arith.cmpf oge, %get3A_444, %get3A_45 : vector<16xf32>
      %select_n3A_446 = arith.select %ge3A_445, %broadcast_in_dim3A_70, %broadcast_in_dim3A_72 : vector<16xi1>, vector<16xi32>
      %ge3A_447 = arith.cmpf oge, %get3A_444, %get3A_47 : vector<16xf32>
      %select_n3A_448 = arith.select %ge3A_447, %broadcast_in_dim3A_70, %broadcast_in_dim3A_72 : vector<16xi1>, vector<16xi32>
      %ge3A_449 = arith.cmpf oge, %get3A_444, %get3A_49 : vector<16xf32>
      %select_n3A_450 = arith.select %ge3A_449, %broadcast_in_dim3A_70, %broadcast_in_dim3A_72 : vector<16xi1>, vector<16xi32>
      %ge3A_451 = arith.cmpf oge, %get3A_444, %get3A_51 : vector<16xf32>
      %select_n3A_452 = arith.select %ge3A_451, %broadcast_in_dim3A_70, %broadcast_in_dim3A_72 : vector<16xi1>, vector<16xi32>
      %ge3A_453 = arith.cmpf oge, %get3A_444, %get3A_53 : vector<16xf32>
      %select_n3A_454 = arith.select %ge3A_453, %broadcast_in_dim3A_70, %broadcast_in_dim3A_72 : vector<16xi1>, vector<16xi32>
      %ge3A_455 = arith.cmpf oge, %get3A_444, %get3A_55 : vector<16xf32>
      %select_n3A_456 = arith.select %ge3A_455, %broadcast_in_dim3A_70, %broadcast_in_dim3A_72 : vector<16xi1>, vector<16xi32>
      %ge3A_457 = arith.cmpf oge, %get3A_444, %get3A_57 : vector<16xf32>
      %select_n3A_458 = arith.select %ge3A_457, %broadcast_in_dim3A_70, %broadcast_in_dim3A_72 : vector<16xi1>, vector<16xi32>
      %add3A_459 = arith.addi %select_n3A_446, %select_n3A_448 : vector<16xi32>
      %add3A_460 = arith.addi %select_n3A_450, %select_n3A_452 : vector<16xi32>
      %add3A_461 = arith.addi %select_n3A_454, %select_n3A_456 : vector<16xi32>
      %add3A_462 = arith.addi %add3A_459, %add3A_460 : vector<16xi32>
      %add3A_463 = arith.addi %add3A_461, %select_n3A_458 : vector<16xi32>
      %add3A_464 = arith.addi %add3A_462, %add3A_463 : vector<16xi32>
      %add3A_465 = arith.addi %add3A_464, %add3A_69 : vector<16xi32>
      %gather3A_466 = tpu.vector_load_idx %arg9[%add3A_465] : memref<512xf32, #tpu.memory_space<vmem>>[vector<16xi32>], vector<16xf32>,
      %gather3A_467 = tpu.vector_load_idx %arg10[%add3A_465] : memref<512xf32, #tpu.memory_space<vmem>>[vector<16xi32>], vector<16xf32>,
      %gather3A_468 = tpu.vector_load_idx %arg11[%add3A_465] : memref<512xf32, #tpu.memory_space<vmem>>[vector<16xi32>], vector<16xf32>,
      %gather3A_469 = tpu.vector_load_idx %arg12[%add3A_465] : memref<512xf32, #tpu.memory_space<vmem>>[vector<16xi32>], vector<16xf32>,
      %gather3A_470 = tpu.vector_load_idx %arg13[%add3A_465] : memref<512xf32, #tpu.memory_space<vmem>>[vector<16xi32>], vector<16xf32>,
      %gather3A_471 = tpu.vector_load_idx %arg14[%add3A_465] : memref<512xf32, #tpu.memory_space<vmem>>[vector<16xi32>], vector<16xf32>,
      %mul3A_472 = arith.mulf %get3A_444, %gather3A_466 : vector<16xf32>
      %add3A_473 = arith.addf %mul3A_472, %gather3A_467 : vector<16xf32>
      %sub3A_474 = arith.constant 1.000000e+00 : f32
      %sub3A_475 = vector.broadcast %sub3A_474 : f32 to vector<16xf32>
      %sub3A_476 = arith.subf %sub3A_475, %add3A_473 : vector<16xf32>
      %mul3A_477 = arith.mulf %gather3A_469, %gather3A_466 : vector<16xf32>
      %mul3A_478 = arith.mulf %mul3A_477, %add3A_473 : vector<16xf32>
      %mul3A_479 = arith.mulf %gather3A_470, %sub3A_476 : vector<16xf32>
      %add3A_480 = arith.addf %mul3A_478, %mul3A_479 : vector<16xf32>
      %mul3A_481 = arith.mulf %add3A_473, %add3A_480 : vector<16xf32>
      %mul3A_482 = arith.mulf %gather3A_469, %mul3A_481 : vector<16xf32>
      %mul3A_483 = arith.mulf %add3A_473, %sub3A_476 : vector<16xf32>
      %mul3A_484 = arith.mulf %gather3A_471, %mul3A_483 : vector<16xf32>
      %add3A_485 = arith.addf %mul3A_477, %mul3A_484 : vector<16xf32>
      %div3A_486 = arith.divf %mul3A_482, %add3A_485 : vector<16xf32>
      %add3A_487 = arith.addf %gather3A_468, %div3A_486 : vector<16xf32>
      %abs3A_488 = math.absf %get3A_444 : vector<16xf32>
      %gt3A_489 = arith.constant 3.000000e+00 : f32
      %gt3A_490 = vector.broadcast %gt3A_489 : f32 to vector<16xf32>
      %gt3A_491 = arith.cmpf ogt, %abs3A_488, %gt3A_490 : vector<16xf32>
      %select_n3A_492 = arith.select %gt3A_491, %get3A_444, %add3A_487 : vector<16xi1>, vector<16xf32>
      %swap3A_493 = arith.index_cast %scan3A_286 : i32 to index
      %swap3A_494 = arith.constant 48 : index
      %swap3A_495 = tpu.vector_load %arg6[%swap3A_493, %swap3A_494] {strides = array<i32>} : memref<256x64xf32, #tpu.memory_space<vmem>>, vector<16xf32>,
      tpu.vector_store %arg6[%swap3A_493, %swap3A_494], %select_n3A_492 {strides = array<i32>} : memref<256x64xf32, #tpu.memory_space<vmem>>, vector<16xf32>,
      %scan3A_496 = arith.constant 0 : i32
      scf.yield %scan3A_496 : i32
    }
    %scan3A_200 = arith.constant 256 : i32
    %add3A_201 = arith.constant 1024 : i32
    %add3A_202 = arith.addi %mul3A_2, %add3A_201 : i32
    %dma_start3A_203 = arith.constant 0 : i32
    %dma_start3A_204 = tpu.memref_slice %arg5[%add3A_202, %dma_start3A_203] : memref<65536x64xf32, #tpu.memory_space<hbm>> -> memref<256x64xf32, #tpu.memory_space<hbm>>
    %dma_start3A_205 = arith.constant 0 : i32
    %dma_start3A_206 = tpu.memref_slice %arg5[%add3A_202, %dma_start3A_205] : memref<65536x64xf32, #tpu.memory_space<hbm>> -> memref<256x64xf32, #tpu.memory_space<hbm>>
    tpu.enqueue_dma source(%arg6 : memref<256x64xf32, #tpu.memory_space<vmem>>) target(%dma_start3A_206 : memref<256x64xf32, #tpu.memory_space<hbm>>) target_semaphore(%arg17 : memref<!tpu.dma_semaphore, #tpu.memory_space<semaphore_mem>>)
    %dma_wait3A_207 = arith.constant 0 : i32
    %dma_wait3A_208 = tpu.memref_slice %arg2[%add3A_189, %dma_wait3A_207] : memref<65536x64xf32, #tpu.memory_space<hbm>> -> memref<256x64xf32, #tpu.memory_space<hbm>>
    %dma_wait3A_209 = arith.constant 0 : i32
    %dma_wait3A_210 = tpu.memref_slice %arg2[%add3A_189, %dma_wait3A_209] : memref<65536x64xf32, #tpu.memory_space<hbm>> -> memref<256x64xf32, #tpu.memory_space<hbm>>
    tpu.wait_dma2 semaphore(%arg16 : memref<!tpu.dma_semaphore, #tpu.memory_space<semaphore_mem>>) src(%dma_wait3A_210 : memref<256x64xf32, #tpu.memory_space<hbm>>) dst(%arg7 : memref<256x64xf32, #tpu.memory_space<vmem>>)
    %dma_wait3A_211 = arith.constant 0 : i32
    %dma_wait3A_212 = tpu.memref_slice %arg5[%add3A_202, %dma_wait3A_211] : memref<65536x64xf32, #tpu.memory_space<hbm>> -> memref<256x64xf32, #tpu.memory_space<hbm>>
    %dma_wait3A_213 = arith.constant 0 : i32
    %dma_wait3A_214 = tpu.memref_slice %arg5[%add3A_202, %dma_wait3A_213] : memref<65536x64xf32, #tpu.memory_space<hbm>> -> memref<256x64xf32, #tpu.memory_space<hbm>>
    tpu.wait_dma2 semaphore(%arg17 : memref<!tpu.dma_semaphore, #tpu.memory_space<semaphore_mem>>) src(%arg6 : memref<256x64xf32, #tpu.memory_space<vmem>>) dst(%dma_wait3A_214 : memref<256x64xf32, #tpu.memory_space<hbm>>)
    %add3A_215 = arith.constant 1536 : i32
    %add3A_216 = arith.addi %mul3A_2, %add3A_215 : i32
    %dma_start3A_217 = arith.constant 0 : i32
    %dma_start3A_218 = tpu.memref_slice %arg2[%add3A_216, %dma_start3A_217] : memref<65536x64xf32, #tpu.memory_space<hbm>> -> memref<256x64xf32, #tpu.memory_space<hbm>>
    %dma_start3A_219 = arith.constant 0 : i32
    %dma_start3A_220 = tpu.memref_slice %arg2[%add3A_216, %dma_start3A_219] : memref<65536x64xf32, #tpu.memory_space<hbm>> -> memref<256x64xf32, #tpu.memory_space<hbm>>
    tpu.enqueue_dma source(%dma_start3A_220 : memref<256x64xf32, #tpu.memory_space<hbm>>) target(%arg6 : memref<256x64xf32, #tpu.memory_space<vmem>>) target_semaphore(%arg15 : memref<!tpu.dma_semaphore, #tpu.memory_space<semaphore_mem>>)
    %scan3A_221 = arith.constant 0 : i32
    %scan3A_222 = arith.constant 0 : i32
    %scan3A_223 = arith.constant 256 : i32
    %scan3A_224 = arith.addi %scan3A_222, %scan3A_223 : i32
    %scan3A_225 = arith.constant 1 : i32
    %scan3A_226 = scf.for %scan3A_286 = %scan3A_222 to %scan3A_224 step %scan3A_225 iter_args(%scan3A_287 = %scan3A_221) -> (i32)  : i32 {
      %get3A_288 = arith.index_cast %scan3A_286 : i32 to index
      %get3A_289 = arith.constant 0 : index
      %get3A_290 = tpu.vector_load %arg7[%get3A_288, %get3A_289] {strides = array<i32>} : memref<256x64xf32, #tpu.memory_space<vmem>>, vector<16xf32>,
      %ge3A = arith.cmpf oge, %get3A_290, %get3A_3 : vector<16xf32>
      %select_n3A = arith.select %ge3A, %broadcast_in_dim3A_70, %broadcast_in_dim3A_72 : vector<16xi1>, vector<16xi32>
      %ge3A_291 = arith.cmpf oge, %get3A_290, %get3A_5 : vector<16xf32>
      %select_n3A_292 = arith.select %ge3A_291, %broadcast_in_dim3A_70, %broadcast_in_dim3A_72 : vector<16xi1>, vector<16xi32>
      %ge3A_293 = arith.cmpf oge, %get3A_290, %get3A_7 : vector<16xf32>
      %select_n3A_294 = arith.select %ge3A_293, %broadcast_in_dim3A_70, %broadcast_in_dim3A_72 : vector<16xi1>, vector<16xi32>
      %ge3A_295 = arith.cmpf oge, %get3A_290, %get3A_9 : vector<16xf32>
      %select_n3A_296 = arith.select %ge3A_295, %broadcast_in_dim3A_70, %broadcast_in_dim3A_72 : vector<16xi1>, vector<16xi32>
      %ge3A_297 = arith.cmpf oge, %get3A_290, %get3A_11 : vector<16xf32>
      %select_n3A_298 = arith.select %ge3A_297, %broadcast_in_dim3A_70, %broadcast_in_dim3A_72 : vector<16xi1>, vector<16xi32>
      %ge3A_299 = arith.cmpf oge, %get3A_290, %get3A_13 : vector<16xf32>
      %select_n3A_300 = arith.select %ge3A_299, %broadcast_in_dim3A_70, %broadcast_in_dim3A_72 : vector<16xi1>, vector<16xi32>
      %ge3A_301 = arith.cmpf oge, %get3A_290, %get3A_15 : vector<16xf32>
      %select_n3A_302 = arith.select %ge3A_301, %broadcast_in_dim3A_70, %broadcast_in_dim3A_72 : vector<16xi1>, vector<16xi32>
      %add3A_303 = arith.addi %select_n3A, %select_n3A_292 : vector<16xi32>
      %add3A_304 = arith.addi %select_n3A_294, %select_n3A_296 : vector<16xi32>
      %add3A_305 = arith.addi %select_n3A_298, %select_n3A_300 : vector<16xi32>
      %add3A_306 = arith.addi %add3A_303, %add3A_304 : vector<16xi32>
      %add3A_307 = arith.addi %add3A_305, %select_n3A_302 : vector<16xi32>
      %add3A_308 = arith.addi %add3A_306, %add3A_307 : vector<16xi32>
      %add3A_309 = arith.addi %add3A_308, %add3A_60 : vector<16xi32>
      %gather3A = tpu.vector_load_idx %arg9[%add3A_309] : memref<512xf32, #tpu.memory_space<vmem>>[vector<16xi32>], vector<16xf32>,
      %gather3A_310 = tpu.vector_load_idx %arg10[%add3A_309] : memref<512xf32, #tpu.memory_space<vmem>>[vector<16xi32>], vector<16xf32>,
      %gather3A_311 = tpu.vector_load_idx %arg11[%add3A_309] : memref<512xf32, #tpu.memory_space<vmem>>[vector<16xi32>], vector<16xf32>,
      %gather3A_312 = tpu.vector_load_idx %arg12[%add3A_309] : memref<512xf32, #tpu.memory_space<vmem>>[vector<16xi32>], vector<16xf32>,
      %gather3A_313 = tpu.vector_load_idx %arg13[%add3A_309] : memref<512xf32, #tpu.memory_space<vmem>>[vector<16xi32>], vector<16xf32>,
      %gather3A_314 = tpu.vector_load_idx %arg14[%add3A_309] : memref<512xf32, #tpu.memory_space<vmem>>[vector<16xi32>], vector<16xf32>,
      %mul3A_315 = arith.mulf %get3A_290, %gather3A : vector<16xf32>
      %add3A_316 = arith.addf %mul3A_315, %gather3A_310 : vector<16xf32>
      %sub3A = arith.constant 1.000000e+00 : f32
      %sub3A_317 = vector.broadcast %sub3A : f32 to vector<16xf32>
      %sub3A_318 = arith.subf %sub3A_317, %add3A_316 : vector<16xf32>
      %mul3A_319 = arith.mulf %gather3A_312, %gather3A : vector<16xf32>
      %mul3A_320 = arith.mulf %mul3A_319, %add3A_316 : vector<16xf32>
      %mul3A_321 = arith.mulf %gather3A_313, %sub3A_318 : vector<16xf32>
      %add3A_322 = arith.addf %mul3A_320, %mul3A_321 : vector<16xf32>
      %mul3A_323 = arith.mulf %add3A_316, %add3A_322 : vector<16xf32>
      %mul3A_324 = arith.mulf %gather3A_312, %mul3A_323 : vector<16xf32>
      %mul3A_325 = arith.mulf %add3A_316, %sub3A_318 : vector<16xf32>
      %mul3A_326 = arith.mulf %gather3A_314, %mul3A_325 : vector<16xf32>
      %add3A_327 = arith.addf %mul3A_319, %mul3A_326 : vector<16xf32>
      %div3A = arith.divf %mul3A_324, %add3A_327 : vector<16xf32>
      %add3A_328 = arith.addf %gather3A_311, %div3A : vector<16xf32>
      %abs3A = math.absf %get3A_290 : vector<16xf32>
      %gt3A = arith.constant 3.000000e+00 : f32
      %gt3A_329 = vector.broadcast %gt3A : f32 to vector<16xf32>
      %gt3A_330 = arith.cmpf ogt, %abs3A, %gt3A_329 : vector<16xf32>
      %select_n3A_331 = arith.select %gt3A_330, %get3A_290, %add3A_328 : vector<16xi1>, vector<16xf32>
      %swap3A = arith.index_cast %scan3A_286 : i32 to index
      %swap3A_332 = arith.constant 0 : index
      %swap3A_333 = tpu.vector_load %arg7[%swap3A, %swap3A_332] {strides = array<i32>} : memref<256x64xf32, #tpu.memory_space<vmem>>, vector<16xf32>,
      tpu.vector_store %arg7[%swap3A, %swap3A_332], %select_n3A_331 {strides = array<i32>} : memref<256x64xf32, #tpu.memory_space<vmem>>, vector<16xf32>,
      %get3A_334 = arith.index_cast %scan3A_286 : i32 to index
      %get3A_335 = arith.constant 16 : index
      %get3A_336 = tpu.vector_load %arg7[%get3A_334, %get3A_335] {strides = array<i32>} : memref<256x64xf32, #tpu.memory_space<vmem>>, vector<16xf32>,
      %ge3A_337 = arith.cmpf oge, %get3A_336, %get3A_17 : vector<16xf32>
      %select_n3A_338 = arith.select %ge3A_337, %broadcast_in_dim3A_70, %broadcast_in_dim3A_72 : vector<16xi1>, vector<16xi32>
      %ge3A_339 = arith.cmpf oge, %get3A_336, %get3A_19 : vector<16xf32>
      %select_n3A_340 = arith.select %ge3A_339, %broadcast_in_dim3A_70, %broadcast_in_dim3A_72 : vector<16xi1>, vector<16xi32>
      %ge3A_341 = arith.cmpf oge, %get3A_336, %get3A_21 : vector<16xf32>
      %select_n3A_342 = arith.select %ge3A_341, %broadcast_in_dim3A_70, %broadcast_in_dim3A_72 : vector<16xi1>, vector<16xi32>
      %ge3A_343 = arith.cmpf oge, %get3A_336, %get3A_23 : vector<16xf32>
      %select_n3A_344 = arith.select %ge3A_343, %broadcast_in_dim3A_70, %broadcast_in_dim3A_72 : vector<16xi1>, vector<16xi32>
      %ge3A_345 = arith.cmpf oge, %get3A_336, %get3A_25 : vector<16xf32>
      %select_n3A_346 = arith.select %ge3A_345, %broadcast_in_dim3A_70, %broadcast_in_dim3A_72 : vector<16xi1>, vector<16xi32>
      %ge3A_347 = arith.cmpf oge, %get3A_336, %get3A_27 : vector<16xf32>
      %select_n3A_348 = arith.select %ge3A_347, %broadcast_in_dim3A_70, %broadcast_in_dim3A_72 : vector<16xi1>, vector<16xi32>
      %ge3A_349 = arith.cmpf oge, %get3A_336, %get3A_29 : vector<16xf32>
      %select_n3A_350 = arith.select %ge3A_349, %broadcast_in_dim3A_70, %broadcast_in_dim3A_72 : vector<16xi1>, vector<16xi32>
      %add3A_351 = arith.addi %select_n3A_338, %select_n3A_340 : vector<16xi32>
      %add3A_352 = arith.addi %select_n3A_342, %select_n3A_344 : vector<16xi32>
      %add3A_353 = arith.addi %select_n3A_346, %select_n3A_348 : vector<16xi32>
      %add3A_354 = arith.addi %add3A_351, %add3A_352 : vector<16xi32>
      %add3A_355 = arith.addi %add3A_353, %select_n3A_350 : vector<16xi32>
      %add3A_356 = arith.addi %add3A_354, %add3A_355 : vector<16xi32>
      %add3A_357 = arith.addi %add3A_356, %add3A_63 : vector<16xi32>
      %gather3A_358 = tpu.vector_load_idx %arg9[%add3A_357] : memref<512xf32, #tpu.memory_space<vmem>>[vector<16xi32>], vector<16xf32>,
      %gather3A_359 = tpu.vector_load_idx %arg10[%add3A_357] : memref<512xf32, #tpu.memory_space<vmem>>[vector<16xi32>], vector<16xf32>,
      %gather3A_360 = tpu.vector_load_idx %arg11[%add3A_357] : memref<512xf32, #tpu.memory_space<vmem>>[vector<16xi32>], vector<16xf32>,
      %gather3A_361 = tpu.vector_load_idx %arg12[%add3A_357] : memref<512xf32, #tpu.memory_space<vmem>>[vector<16xi32>], vector<16xf32>,
      %gather3A_362 = tpu.vector_load_idx %arg13[%add3A_357] : memref<512xf32, #tpu.memory_space<vmem>>[vector<16xi32>], vector<16xf32>,
      %gather3A_363 = tpu.vector_load_idx %arg14[%add3A_357] : memref<512xf32, #tpu.memory_space<vmem>>[vector<16xi32>], vector<16xf32>,
      %mul3A_364 = arith.mulf %get3A_336, %gather3A_358 : vector<16xf32>
      %add3A_365 = arith.addf %mul3A_364, %gather3A_359 : vector<16xf32>
      %sub3A_366 = arith.constant 1.000000e+00 : f32
      %sub3A_367 = vector.broadcast %sub3A_366 : f32 to vector<16xf32>
      %sub3A_368 = arith.subf %sub3A_367, %add3A_365 : vector<16xf32>
      %mul3A_369 = arith.mulf %gather3A_361, %gather3A_358 : vector<16xf32>
      %mul3A_370 = arith.mulf %mul3A_369, %add3A_365 : vector<16xf32>
      %mul3A_371 = arith.mulf %gather3A_362, %sub3A_368 : vector<16xf32>
      %add3A_372 = arith.addf %mul3A_370, %mul3A_371 : vector<16xf32>
      %mul3A_373 = arith.mulf %add3A_365, %add3A_372 : vector<16xf32>
      %mul3A_374 = arith.mulf %gather3A_361, %mul3A_373 : vector<16xf32>
      %mul3A_375 = arith.mulf %add3A_365, %sub3A_368 : vector<16xf32>
      %mul3A_376 = arith.mulf %gather3A_363, %mul3A_375 : vector<16xf32>
      %add3A_377 = arith.addf %mul3A_369, %mul3A_376 : vector<16xf32>
      %div3A_378 = arith.divf %mul3A_374, %add3A_377 : vector<16xf32>
      %add3A_379 = arith.addf %gather3A_360, %div3A_378 : vector<16xf32>
      %abs3A_380 = math.absf %get3A_336 : vector<16xf32>
      %gt3A_381 = arith.constant 3.000000e+00 : f32
      %gt3A_382 = vector.broadcast %gt3A_381 : f32 to vector<16xf32>
      %gt3A_383 = arith.cmpf ogt, %abs3A_380, %gt3A_382 : vector<16xf32>
      %select_n3A_384 = arith.select %gt3A_383, %get3A_336, %add3A_379 : vector<16xi1>, vector<16xf32>
      %swap3A_385 = arith.index_cast %scan3A_286 : i32 to index
      %swap3A_386 = arith.constant 16 : index
      %swap3A_387 = tpu.vector_load %arg7[%swap3A_385, %swap3A_386] {strides = array<i32>} : memref<256x64xf32, #tpu.memory_space<vmem>>, vector<16xf32>,
      tpu.vector_store %arg7[%swap3A_385, %swap3A_386], %select_n3A_384 {strides = array<i32>} : memref<256x64xf32, #tpu.memory_space<vmem>>, vector<16xf32>,
      %get3A_388 = arith.index_cast %scan3A_286 : i32 to index
      %get3A_389 = arith.constant 32 : index
      %get3A_390 = tpu.vector_load %arg7[%get3A_388, %get3A_389] {strides = array<i32>} : memref<256x64xf32, #tpu.memory_space<vmem>>, vector<16xf32>,
      %ge3A_391 = arith.cmpf oge, %get3A_390, %get3A_31 : vector<16xf32>
      %select_n3A_392 = arith.select %ge3A_391, %broadcast_in_dim3A_70, %broadcast_in_dim3A_72 : vector<16xi1>, vector<16xi32>
      %ge3A_393 = arith.cmpf oge, %get3A_390, %get3A_33 : vector<16xf32>
      %select_n3A_394 = arith.select %ge3A_393, %broadcast_in_dim3A_70, %broadcast_in_dim3A_72 : vector<16xi1>, vector<16xi32>
      %ge3A_395 = arith.cmpf oge, %get3A_390, %get3A_35 : vector<16xf32>
      %select_n3A_396 = arith.select %ge3A_395, %broadcast_in_dim3A_70, %broadcast_in_dim3A_72 : vector<16xi1>, vector<16xi32>
      %ge3A_397 = arith.cmpf oge, %get3A_390, %get3A_37 : vector<16xf32>
      %select_n3A_398 = arith.select %ge3A_397, %broadcast_in_dim3A_70, %broadcast_in_dim3A_72 : vector<16xi1>, vector<16xi32>
      %ge3A_399 = arith.cmpf oge, %get3A_390, %get3A_39 : vector<16xf32>
      %select_n3A_400 = arith.select %ge3A_399, %broadcast_in_dim3A_70, %broadcast_in_dim3A_72 : vector<16xi1>, vector<16xi32>
      %ge3A_401 = arith.cmpf oge, %get3A_390, %get3A_41 : vector<16xf32>
      %select_n3A_402 = arith.select %ge3A_401, %broadcast_in_dim3A_70, %broadcast_in_dim3A_72 : vector<16xi1>, vector<16xi32>
      %ge3A_403 = arith.cmpf oge, %get3A_390, %get3A_43 : vector<16xf32>
      %select_n3A_404 = arith.select %ge3A_403, %broadcast_in_dim3A_70, %broadcast_in_dim3A_72 : vector<16xi1>, vector<16xi32>
      %add3A_405 = arith.addi %select_n3A_392, %select_n3A_394 : vector<16xi32>
      %add3A_406 = arith.addi %select_n3A_396, %select_n3A_398 : vector<16xi32>
      %add3A_407 = arith.addi %select_n3A_400, %select_n3A_402 : vector<16xi32>
      %add3A_408 = arith.addi %add3A_405, %add3A_406 : vector<16xi32>
      %add3A_409 = arith.addi %add3A_407, %select_n3A_404 : vector<16xi32>
      %add3A_410 = arith.addi %add3A_408, %add3A_409 : vector<16xi32>
      %add3A_411 = arith.addi %add3A_410, %add3A_66 : vector<16xi32>
      %gather3A_412 = tpu.vector_load_idx %arg9[%add3A_411] : memref<512xf32, #tpu.memory_space<vmem>>[vector<16xi32>], vector<16xf32>,
      %gather3A_413 = tpu.vector_load_idx %arg10[%add3A_411] : memref<512xf32, #tpu.memory_space<vmem>>[vector<16xi32>], vector<16xf32>,
      %gather3A_414 = tpu.vector_load_idx %arg11[%add3A_411] : memref<512xf32, #tpu.memory_space<vmem>>[vector<16xi32>], vector<16xf32>,
      %gather3A_415 = tpu.vector_load_idx %arg12[%add3A_411] : memref<512xf32, #tpu.memory_space<vmem>>[vector<16xi32>], vector<16xf32>,
      %gather3A_416 = tpu.vector_load_idx %arg13[%add3A_411] : memref<512xf32, #tpu.memory_space<vmem>>[vector<16xi32>], vector<16xf32>,
      %gather3A_417 = tpu.vector_load_idx %arg14[%add3A_411] : memref<512xf32, #tpu.memory_space<vmem>>[vector<16xi32>], vector<16xf32>,
      %mul3A_418 = arith.mulf %get3A_390, %gather3A_412 : vector<16xf32>
      %add3A_419 = arith.addf %mul3A_418, %gather3A_413 : vector<16xf32>
      %sub3A_420 = arith.constant 1.000000e+00 : f32
      %sub3A_421 = vector.broadcast %sub3A_420 : f32 to vector<16xf32>
      %sub3A_422 = arith.subf %sub3A_421, %add3A_419 : vector<16xf32>
      %mul3A_423 = arith.mulf %gather3A_415, %gather3A_412 : vector<16xf32>
      %mul3A_424 = arith.mulf %mul3A_423, %add3A_419 : vector<16xf32>
      %mul3A_425 = arith.mulf %gather3A_416, %sub3A_422 : vector<16xf32>
      %add3A_426 = arith.addf %mul3A_424, %mul3A_425 : vector<16xf32>
      %mul3A_427 = arith.mulf %add3A_419, %add3A_426 : vector<16xf32>
      %mul3A_428 = arith.mulf %gather3A_415, %mul3A_427 : vector<16xf32>
      %mul3A_429 = arith.mulf %add3A_419, %sub3A_422 : vector<16xf32>
      %mul3A_430 = arith.mulf %gather3A_417, %mul3A_429 : vector<16xf32>
      %add3A_431 = arith.addf %mul3A_423, %mul3A_430 : vector<16xf32>
      %div3A_432 = arith.divf %mul3A_428, %add3A_431 : vector<16xf32>
      %add3A_433 = arith.addf %gather3A_414, %div3A_432 : vector<16xf32>
      %abs3A_434 = math.absf %get3A_390 : vector<16xf32>
      %gt3A_435 = arith.constant 3.000000e+00 : f32
      %gt3A_436 = vector.broadcast %gt3A_435 : f32 to vector<16xf32>
      %gt3A_437 = arith.cmpf ogt, %abs3A_434, %gt3A_436 : vector<16xf32>
      %select_n3A_438 = arith.select %gt3A_437, %get3A_390, %add3A_433 : vector<16xi1>, vector<16xf32>
      %swap3A_439 = arith.index_cast %scan3A_286 : i32 to index
      %swap3A_440 = arith.constant 32 : index
      %swap3A_441 = tpu.vector_load %arg7[%swap3A_439, %swap3A_440] {strides = array<i32>} : memref<256x64xf32, #tpu.memory_space<vmem>>, vector<16xf32>,
      tpu.vector_store %arg7[%swap3A_439, %swap3A_440], %select_n3A_438 {strides = array<i32>} : memref<256x64xf32, #tpu.memory_space<vmem>>, vector<16xf32>,
      %get3A_442 = arith.index_cast %scan3A_286 : i32 to index
      %get3A_443 = arith.constant 48 : index
      %get3A_444 = tpu.vector_load %arg7[%get3A_442, %get3A_443] {strides = array<i32>} : memref<256x64xf32, #tpu.memory_space<vmem>>, vector<16xf32>,
      %ge3A_445 = arith.cmpf oge, %get3A_444, %get3A_45 : vector<16xf32>
      %select_n3A_446 = arith.select %ge3A_445, %broadcast_in_dim3A_70, %broadcast_in_dim3A_72 : vector<16xi1>, vector<16xi32>
      %ge3A_447 = arith.cmpf oge, %get3A_444, %get3A_47 : vector<16xf32>
      %select_n3A_448 = arith.select %ge3A_447, %broadcast_in_dim3A_70, %broadcast_in_dim3A_72 : vector<16xi1>, vector<16xi32>
      %ge3A_449 = arith.cmpf oge, %get3A_444, %get3A_49 : vector<16xf32>
      %select_n3A_450 = arith.select %ge3A_449, %broadcast_in_dim3A_70, %broadcast_in_dim3A_72 : vector<16xi1>, vector<16xi32>
      %ge3A_451 = arith.cmpf oge, %get3A_444, %get3A_51 : vector<16xf32>
      %select_n3A_452 = arith.select %ge3A_451, %broadcast_in_dim3A_70, %broadcast_in_dim3A_72 : vector<16xi1>, vector<16xi32>
      %ge3A_453 = arith.cmpf oge, %get3A_444, %get3A_53 : vector<16xf32>
      %select_n3A_454 = arith.select %ge3A_453, %broadcast_in_dim3A_70, %broadcast_in_dim3A_72 : vector<16xi1>, vector<16xi32>
      %ge3A_455 = arith.cmpf oge, %get3A_444, %get3A_55 : vector<16xf32>
      %select_n3A_456 = arith.select %ge3A_455, %broadcast_in_dim3A_70, %broadcast_in_dim3A_72 : vector<16xi1>, vector<16xi32>
      %ge3A_457 = arith.cmpf oge, %get3A_444, %get3A_57 : vector<16xf32>
      %select_n3A_458 = arith.select %ge3A_457, %broadcast_in_dim3A_70, %broadcast_in_dim3A_72 : vector<16xi1>, vector<16xi32>
      %add3A_459 = arith.addi %select_n3A_446, %select_n3A_448 : vector<16xi32>
      %add3A_460 = arith.addi %select_n3A_450, %select_n3A_452 : vector<16xi32>
      %add3A_461 = arith.addi %select_n3A_454, %select_n3A_456 : vector<16xi32>
      %add3A_462 = arith.addi %add3A_459, %add3A_460 : vector<16xi32>
      %add3A_463 = arith.addi %add3A_461, %select_n3A_458 : vector<16xi32>
      %add3A_464 = arith.addi %add3A_462, %add3A_463 : vector<16xi32>
      %add3A_465 = arith.addi %add3A_464, %add3A_69 : vector<16xi32>
      %gather3A_466 = tpu.vector_load_idx %arg9[%add3A_465] : memref<512xf32, #tpu.memory_space<vmem>>[vector<16xi32>], vector<16xf32>,
      %gather3A_467 = tpu.vector_load_idx %arg10[%add3A_465] : memref<512xf32, #tpu.memory_space<vmem>>[vector<16xi32>], vector<16xf32>,
      %gather3A_468 = tpu.vector_load_idx %arg11[%add3A_465] : memref<512xf32, #tpu.memory_space<vmem>>[vector<16xi32>], vector<16xf32>,
      %gather3A_469 = tpu.vector_load_idx %arg12[%add3A_465] : memref<512xf32, #tpu.memory_space<vmem>>[vector<16xi32>], vector<16xf32>,
      %gather3A_470 = tpu.vector_load_idx %arg13[%add3A_465] : memref<512xf32, #tpu.memory_space<vmem>>[vector<16xi32>], vector<16xf32>,
      %gather3A_471 = tpu.vector_load_idx %arg14[%add3A_465] : memref<512xf32, #tpu.memory_space<vmem>>[vector<16xi32>], vector<16xf32>,
      %mul3A_472 = arith.mulf %get3A_444, %gather3A_466 : vector<16xf32>
      %add3A_473 = arith.addf %mul3A_472, %gather3A_467 : vector<16xf32>
      %sub3A_474 = arith.constant 1.000000e+00 : f32
      %sub3A_475 = vector.broadcast %sub3A_474 : f32 to vector<16xf32>
      %sub3A_476 = arith.subf %sub3A_475, %add3A_473 : vector<16xf32>
      %mul3A_477 = arith.mulf %gather3A_469, %gather3A_466 : vector<16xf32>
      %mul3A_478 = arith.mulf %mul3A_477, %add3A_473 : vector<16xf32>
      %mul3A_479 = arith.mulf %gather3A_470, %sub3A_476 : vector<16xf32>
      %add3A_480 = arith.addf %mul3A_478, %mul3A_479 : vector<16xf32>
      %mul3A_481 = arith.mulf %add3A_473, %add3A_480 : vector<16xf32>
      %mul3A_482 = arith.mulf %gather3A_469, %mul3A_481 : vector<16xf32>
      %mul3A_483 = arith.mulf %add3A_473, %sub3A_476 : vector<16xf32>
      %mul3A_484 = arith.mulf %gather3A_471, %mul3A_483 : vector<16xf32>
      %add3A_485 = arith.addf %mul3A_477, %mul3A_484 : vector<16xf32>
      %div3A_486 = arith.divf %mul3A_482, %add3A_485 : vector<16xf32>
      %add3A_487 = arith.addf %gather3A_468, %div3A_486 : vector<16xf32>
      %abs3A_488 = math.absf %get3A_444 : vector<16xf32>
      %gt3A_489 = arith.constant 3.000000e+00 : f32
      %gt3A_490 = vector.broadcast %gt3A_489 : f32 to vector<16xf32>
      %gt3A_491 = arith.cmpf ogt, %abs3A_488, %gt3A_490 : vector<16xf32>
      %select_n3A_492 = arith.select %gt3A_491, %get3A_444, %add3A_487 : vector<16xi1>, vector<16xf32>
      %swap3A_493 = arith.index_cast %scan3A_286 : i32 to index
      %swap3A_494 = arith.constant 48 : index
      %swap3A_495 = tpu.vector_load %arg7[%swap3A_493, %swap3A_494] {strides = array<i32>} : memref<256x64xf32, #tpu.memory_space<vmem>>, vector<16xf32>,
      tpu.vector_store %arg7[%swap3A_493, %swap3A_494], %select_n3A_492 {strides = array<i32>} : memref<256x64xf32, #tpu.memory_space<vmem>>, vector<16xf32>,
      %scan3A_496 = arith.constant 0 : i32
      scf.yield %scan3A_496 : i32
    }
    %scan3A_227 = arith.constant 256 : i32
    %add3A_228 = arith.constant 1280 : i32
    %add3A_229 = arith.addi %mul3A_2, %add3A_228 : i32
    %dma_start3A_230 = arith.constant 0 : i32
    %dma_start3A_231 = tpu.memref_slice %arg5[%add3A_229, %dma_start3A_230] : memref<65536x64xf32, #tpu.memory_space<hbm>> -> memref<256x64xf32, #tpu.memory_space<hbm>>
    %dma_start3A_232 = arith.constant 0 : i32
    %dma_start3A_233 = tpu.memref_slice %arg5[%add3A_229, %dma_start3A_232] : memref<65536x64xf32, #tpu.memory_space<hbm>> -> memref<256x64xf32, #tpu.memory_space<hbm>>
    tpu.enqueue_dma source(%arg7 : memref<256x64xf32, #tpu.memory_space<vmem>>) target(%dma_start3A_233 : memref<256x64xf32, #tpu.memory_space<hbm>>) target_semaphore(%arg18 : memref<!tpu.dma_semaphore, #tpu.memory_space<semaphore_mem>>)
    %dma_wait3A_234 = arith.constant 0 : i32
    %dma_wait3A_235 = tpu.memref_slice %arg2[%add3A_216, %dma_wait3A_234] : memref<65536x64xf32, #tpu.memory_space<hbm>> -> memref<256x64xf32, #tpu.memory_space<hbm>>
    %dma_wait3A_236 = arith.constant 0 : i32
    %dma_wait3A_237 = tpu.memref_slice %arg2[%add3A_216, %dma_wait3A_236] : memref<65536x64xf32, #tpu.memory_space<hbm>> -> memref<256x64xf32, #tpu.memory_space<hbm>>
    tpu.wait_dma2 semaphore(%arg15 : memref<!tpu.dma_semaphore, #tpu.memory_space<semaphore_mem>>) src(%dma_wait3A_237 : memref<256x64xf32, #tpu.memory_space<hbm>>) dst(%arg6 : memref<256x64xf32, #tpu.memory_space<vmem>>)
    %dma_wait3A_238 = arith.constant 0 : i32
    %dma_wait3A_239 = tpu.memref_slice %arg5[%add3A_229, %dma_wait3A_238] : memref<65536x64xf32, #tpu.memory_space<hbm>> -> memref<256x64xf32, #tpu.memory_space<hbm>>
    %dma_wait3A_240 = arith.constant 0 : i32
    %dma_wait3A_241 = tpu.memref_slice %arg5[%add3A_229, %dma_wait3A_240] : memref<65536x64xf32, #tpu.memory_space<hbm>> -> memref<256x64xf32, #tpu.memory_space<hbm>>
    tpu.wait_dma2 semaphore(%arg18 : memref<!tpu.dma_semaphore, #tpu.memory_space<semaphore_mem>>) src(%arg7 : memref<256x64xf32, #tpu.memory_space<vmem>>) dst(%dma_wait3A_241 : memref<256x64xf32, #tpu.memory_space<hbm>>)
    %add3A_242 = arith.constant 1792 : i32
    %add3A_243 = arith.addi %mul3A_2, %add3A_242 : i32
    %dma_start3A_244 = arith.constant 0 : i32
    %dma_start3A_245 = tpu.memref_slice %arg2[%add3A_243, %dma_start3A_244] : memref<65536x64xf32, #tpu.memory_space<hbm>> -> memref<256x64xf32, #tpu.memory_space<hbm>>
    %dma_start3A_246 = arith.constant 0 : i32
    %dma_start3A_247 = tpu.memref_slice %arg2[%add3A_243, %dma_start3A_246] : memref<65536x64xf32, #tpu.memory_space<hbm>> -> memref<256x64xf32, #tpu.memory_space<hbm>>
    tpu.enqueue_dma source(%dma_start3A_247 : memref<256x64xf32, #tpu.memory_space<hbm>>) target(%arg7 : memref<256x64xf32, #tpu.memory_space<vmem>>) target_semaphore(%arg16 : memref<!tpu.dma_semaphore, #tpu.memory_space<semaphore_mem>>)
    %scan3A_248 = arith.constant 0 : i32
    %scan3A_249 = arith.constant 0 : i32
    %scan3A_250 = arith.constant 256 : i32
    %scan3A_251 = arith.addi %scan3A_249, %scan3A_250 : i32
    %scan3A_252 = arith.constant 1 : i32
    %scan3A_253 = scf.for %scan3A_286 = %scan3A_249 to %scan3A_251 step %scan3A_252 iter_args(%scan3A_287 = %scan3A_248) -> (i32)  : i32 {
      %get3A_288 = arith.index_cast %scan3A_286 : i32 to index
      %get3A_289 = arith.constant 0 : index
      %get3A_290 = tpu.vector_load %arg6[%get3A_288, %get3A_289] {strides = array<i32>} : memref<256x64xf32, #tpu.memory_space<vmem>>, vector<16xf32>,
      %ge3A = arith.cmpf oge, %get3A_290, %get3A_3 : vector<16xf32>
      %select_n3A = arith.select %ge3A, %broadcast_in_dim3A_70, %broadcast_in_dim3A_72 : vector<16xi1>, vector<16xi32>
      %ge3A_291 = arith.cmpf oge, %get3A_290, %get3A_5 : vector<16xf32>
      %select_n3A_292 = arith.select %ge3A_291, %broadcast_in_dim3A_70, %broadcast_in_dim3A_72 : vector<16xi1>, vector<16xi32>
      %ge3A_293 = arith.cmpf oge, %get3A_290, %get3A_7 : vector<16xf32>
      %select_n3A_294 = arith.select %ge3A_293, %broadcast_in_dim3A_70, %broadcast_in_dim3A_72 : vector<16xi1>, vector<16xi32>
      %ge3A_295 = arith.cmpf oge, %get3A_290, %get3A_9 : vector<16xf32>
      %select_n3A_296 = arith.select %ge3A_295, %broadcast_in_dim3A_70, %broadcast_in_dim3A_72 : vector<16xi1>, vector<16xi32>
      %ge3A_297 = arith.cmpf oge, %get3A_290, %get3A_11 : vector<16xf32>
      %select_n3A_298 = arith.select %ge3A_297, %broadcast_in_dim3A_70, %broadcast_in_dim3A_72 : vector<16xi1>, vector<16xi32>
      %ge3A_299 = arith.cmpf oge, %get3A_290, %get3A_13 : vector<16xf32>
      %select_n3A_300 = arith.select %ge3A_299, %broadcast_in_dim3A_70, %broadcast_in_dim3A_72 : vector<16xi1>, vector<16xi32>
      %ge3A_301 = arith.cmpf oge, %get3A_290, %get3A_15 : vector<16xf32>
      %select_n3A_302 = arith.select %ge3A_301, %broadcast_in_dim3A_70, %broadcast_in_dim3A_72 : vector<16xi1>, vector<16xi32>
      %add3A_303 = arith.addi %select_n3A, %select_n3A_292 : vector<16xi32>
      %add3A_304 = arith.addi %select_n3A_294, %select_n3A_296 : vector<16xi32>
      %add3A_305 = arith.addi %select_n3A_298, %select_n3A_300 : vector<16xi32>
      %add3A_306 = arith.addi %add3A_303, %add3A_304 : vector<16xi32>
      %add3A_307 = arith.addi %add3A_305, %select_n3A_302 : vector<16xi32>
      %add3A_308 = arith.addi %add3A_306, %add3A_307 : vector<16xi32>
      %add3A_309 = arith.addi %add3A_308, %add3A_60 : vector<16xi32>
      %gather3A = tpu.vector_load_idx %arg9[%add3A_309] : memref<512xf32, #tpu.memory_space<vmem>>[vector<16xi32>], vector<16xf32>,
      %gather3A_310 = tpu.vector_load_idx %arg10[%add3A_309] : memref<512xf32, #tpu.memory_space<vmem>>[vector<16xi32>], vector<16xf32>,
      %gather3A_311 = tpu.vector_load_idx %arg11[%add3A_309] : memref<512xf32, #tpu.memory_space<vmem>>[vector<16xi32>], vector<16xf32>,
      %gather3A_312 = tpu.vector_load_idx %arg12[%add3A_309] : memref<512xf32, #tpu.memory_space<vmem>>[vector<16xi32>], vector<16xf32>,
      %gather3A_313 = tpu.vector_load_idx %arg13[%add3A_309] : memref<512xf32, #tpu.memory_space<vmem>>[vector<16xi32>], vector<16xf32>,
      %gather3A_314 = tpu.vector_load_idx %arg14[%add3A_309] : memref<512xf32, #tpu.memory_space<vmem>>[vector<16xi32>], vector<16xf32>,
      %mul3A_315 = arith.mulf %get3A_290, %gather3A : vector<16xf32>
      %add3A_316 = arith.addf %mul3A_315, %gather3A_310 : vector<16xf32>
      %sub3A = arith.constant 1.000000e+00 : f32
      %sub3A_317 = vector.broadcast %sub3A : f32 to vector<16xf32>
      %sub3A_318 = arith.subf %sub3A_317, %add3A_316 : vector<16xf32>
      %mul3A_319 = arith.mulf %gather3A_312, %gather3A : vector<16xf32>
      %mul3A_320 = arith.mulf %mul3A_319, %add3A_316 : vector<16xf32>
      %mul3A_321 = arith.mulf %gather3A_313, %sub3A_318 : vector<16xf32>
      %add3A_322 = arith.addf %mul3A_320, %mul3A_321 : vector<16xf32>
      %mul3A_323 = arith.mulf %add3A_316, %add3A_322 : vector<16xf32>
      %mul3A_324 = arith.mulf %gather3A_312, %mul3A_323 : vector<16xf32>
      %mul3A_325 = arith.mulf %add3A_316, %sub3A_318 : vector<16xf32>
      %mul3A_326 = arith.mulf %gather3A_314, %mul3A_325 : vector<16xf32>
      %add3A_327 = arith.addf %mul3A_319, %mul3A_326 : vector<16xf32>
      %div3A = arith.divf %mul3A_324, %add3A_327 : vector<16xf32>
      %add3A_328 = arith.addf %gather3A_311, %div3A : vector<16xf32>
      %abs3A = math.absf %get3A_290 : vector<16xf32>
      %gt3A = arith.constant 3.000000e+00 : f32
      %gt3A_329 = vector.broadcast %gt3A : f32 to vector<16xf32>
      %gt3A_330 = arith.cmpf ogt, %abs3A, %gt3A_329 : vector<16xf32>
      %select_n3A_331 = arith.select %gt3A_330, %get3A_290, %add3A_328 : vector<16xi1>, vector<16xf32>
      %swap3A = arith.index_cast %scan3A_286 : i32 to index
      %swap3A_332 = arith.constant 0 : index
      %swap3A_333 = tpu.vector_load %arg6[%swap3A, %swap3A_332] {strides = array<i32>} : memref<256x64xf32, #tpu.memory_space<vmem>>, vector<16xf32>,
      tpu.vector_store %arg6[%swap3A, %swap3A_332], %select_n3A_331 {strides = array<i32>} : memref<256x64xf32, #tpu.memory_space<vmem>>, vector<16xf32>,
      %get3A_334 = arith.index_cast %scan3A_286 : i32 to index
      %get3A_335 = arith.constant 16 : index
      %get3A_336 = tpu.vector_load %arg6[%get3A_334, %get3A_335] {strides = array<i32>} : memref<256x64xf32, #tpu.memory_space<vmem>>, vector<16xf32>,
      %ge3A_337 = arith.cmpf oge, %get3A_336, %get3A_17 : vector<16xf32>
      %select_n3A_338 = arith.select %ge3A_337, %broadcast_in_dim3A_70, %broadcast_in_dim3A_72 : vector<16xi1>, vector<16xi32>
      %ge3A_339 = arith.cmpf oge, %get3A_336, %get3A_19 : vector<16xf32>
      %select_n3A_340 = arith.select %ge3A_339, %broadcast_in_dim3A_70, %broadcast_in_dim3A_72 : vector<16xi1>, vector<16xi32>
      %ge3A_341 = arith.cmpf oge, %get3A_336, %get3A_21 : vector<16xf32>
      %select_n3A_342 = arith.select %ge3A_341, %broadcast_in_dim3A_70, %broadcast_in_dim3A_72 : vector<16xi1>, vector<16xi32>
      %ge3A_343 = arith.cmpf oge, %get3A_336, %get3A_23 : vector<16xf32>
      %select_n3A_344 = arith.select %ge3A_343, %broadcast_in_dim3A_70, %broadcast_in_dim3A_72 : vector<16xi1>, vector<16xi32>
      %ge3A_345 = arith.cmpf oge, %get3A_336, %get3A_25 : vector<16xf32>
      %select_n3A_346 = arith.select %ge3A_345, %broadcast_in_dim3A_70, %broadcast_in_dim3A_72 : vector<16xi1>, vector<16xi32>
      %ge3A_347 = arith.cmpf oge, %get3A_336, %get3A_27 : vector<16xf32>
      %select_n3A_348 = arith.select %ge3A_347, %broadcast_in_dim3A_70, %broadcast_in_dim3A_72 : vector<16xi1>, vector<16xi32>
      %ge3A_349 = arith.cmpf oge, %get3A_336, %get3A_29 : vector<16xf32>
      %select_n3A_350 = arith.select %ge3A_349, %broadcast_in_dim3A_70, %broadcast_in_dim3A_72 : vector<16xi1>, vector<16xi32>
      %add3A_351 = arith.addi %select_n3A_338, %select_n3A_340 : vector<16xi32>
      %add3A_352 = arith.addi %select_n3A_342, %select_n3A_344 : vector<16xi32>
      %add3A_353 = arith.addi %select_n3A_346, %select_n3A_348 : vector<16xi32>
      %add3A_354 = arith.addi %add3A_351, %add3A_352 : vector<16xi32>
      %add3A_355 = arith.addi %add3A_353, %select_n3A_350 : vector<16xi32>
      %add3A_356 = arith.addi %add3A_354, %add3A_355 : vector<16xi32>
      %add3A_357 = arith.addi %add3A_356, %add3A_63 : vector<16xi32>
      %gather3A_358 = tpu.vector_load_idx %arg9[%add3A_357] : memref<512xf32, #tpu.memory_space<vmem>>[vector<16xi32>], vector<16xf32>,
      %gather3A_359 = tpu.vector_load_idx %arg10[%add3A_357] : memref<512xf32, #tpu.memory_space<vmem>>[vector<16xi32>], vector<16xf32>,
      %gather3A_360 = tpu.vector_load_idx %arg11[%add3A_357] : memref<512xf32, #tpu.memory_space<vmem>>[vector<16xi32>], vector<16xf32>,
      %gather3A_361 = tpu.vector_load_idx %arg12[%add3A_357] : memref<512xf32, #tpu.memory_space<vmem>>[vector<16xi32>], vector<16xf32>,
      %gather3A_362 = tpu.vector_load_idx %arg13[%add3A_357] : memref<512xf32, #tpu.memory_space<vmem>>[vector<16xi32>], vector<16xf32>,
      %gather3A_363 = tpu.vector_load_idx %arg14[%add3A_357] : memref<512xf32, #tpu.memory_space<vmem>>[vector<16xi32>], vector<16xf32>,
      %mul3A_364 = arith.mulf %get3A_336, %gather3A_358 : vector<16xf32>
      %add3A_365 = arith.addf %mul3A_364, %gather3A_359 : vector<16xf32>
      %sub3A_366 = arith.constant 1.000000e+00 : f32
      %sub3A_367 = vector.broadcast %sub3A_366 : f32 to vector<16xf32>
      %sub3A_368 = arith.subf %sub3A_367, %add3A_365 : vector<16xf32>
      %mul3A_369 = arith.mulf %gather3A_361, %gather3A_358 : vector<16xf32>
      %mul3A_370 = arith.mulf %mul3A_369, %add3A_365 : vector<16xf32>
      %mul3A_371 = arith.mulf %gather3A_362, %sub3A_368 : vector<16xf32>
      %add3A_372 = arith.addf %mul3A_370, %mul3A_371 : vector<16xf32>
      %mul3A_373 = arith.mulf %add3A_365, %add3A_372 : vector<16xf32>
      %mul3A_374 = arith.mulf %gather3A_361, %mul3A_373 : vector<16xf32>
      %mul3A_375 = arith.mulf %add3A_365, %sub3A_368 : vector<16xf32>
      %mul3A_376 = arith.mulf %gather3A_363, %mul3A_375 : vector<16xf32>
      %add3A_377 = arith.addf %mul3A_369, %mul3A_376 : vector<16xf32>
      %div3A_378 = arith.divf %mul3A_374, %add3A_377 : vector<16xf32>
      %add3A_379 = arith.addf %gather3A_360, %div3A_378 : vector<16xf32>
      %abs3A_380 = math.absf %get3A_336 : vector<16xf32>
      %gt3A_381 = arith.constant 3.000000e+00 : f32
      %gt3A_382 = vector.broadcast %gt3A_381 : f32 to vector<16xf32>
      %gt3A_383 = arith.cmpf ogt, %abs3A_380, %gt3A_382 : vector<16xf32>
      %select_n3A_384 = arith.select %gt3A_383, %get3A_336, %add3A_379 : vector<16xi1>, vector<16xf32>
      %swap3A_385 = arith.index_cast %scan3A_286 : i32 to index
      %swap3A_386 = arith.constant 16 : index
      %swap3A_387 = tpu.vector_load %arg6[%swap3A_385, %swap3A_386] {strides = array<i32>} : memref<256x64xf32, #tpu.memory_space<vmem>>, vector<16xf32>,
      tpu.vector_store %arg6[%swap3A_385, %swap3A_386], %select_n3A_384 {strides = array<i32>} : memref<256x64xf32, #tpu.memory_space<vmem>>, vector<16xf32>,
      %get3A_388 = arith.index_cast %scan3A_286 : i32 to index
      %get3A_389 = arith.constant 32 : index
      %get3A_390 = tpu.vector_load %arg6[%get3A_388, %get3A_389] {strides = array<i32>} : memref<256x64xf32, #tpu.memory_space<vmem>>, vector<16xf32>,
      %ge3A_391 = arith.cmpf oge, %get3A_390, %get3A_31 : vector<16xf32>
      %select_n3A_392 = arith.select %ge3A_391, %broadcast_in_dim3A_70, %broadcast_in_dim3A_72 : vector<16xi1>, vector<16xi32>
      %ge3A_393 = arith.cmpf oge, %get3A_390, %get3A_33 : vector<16xf32>
      %select_n3A_394 = arith.select %ge3A_393, %broadcast_in_dim3A_70, %broadcast_in_dim3A_72 : vector<16xi1>, vector<16xi32>
      %ge3A_395 = arith.cmpf oge, %get3A_390, %get3A_35 : vector<16xf32>
      %select_n3A_396 = arith.select %ge3A_395, %broadcast_in_dim3A_70, %broadcast_in_dim3A_72 : vector<16xi1>, vector<16xi32>
      %ge3A_397 = arith.cmpf oge, %get3A_390, %get3A_37 : vector<16xf32>
      %select_n3A_398 = arith.select %ge3A_397, %broadcast_in_dim3A_70, %broadcast_in_dim3A_72 : vector<16xi1>, vector<16xi32>
      %ge3A_399 = arith.cmpf oge, %get3A_390, %get3A_39 : vector<16xf32>
      %select_n3A_400 = arith.select %ge3A_399, %broadcast_in_dim3A_70, %broadcast_in_dim3A_72 : vector<16xi1>, vector<16xi32>
      %ge3A_401 = arith.cmpf oge, %get3A_390, %get3A_41 : vector<16xf32>
      %select_n3A_402 = arith.select %ge3A_401, %broadcast_in_dim3A_70, %broadcast_in_dim3A_72 : vector<16xi1>, vector<16xi32>
      %ge3A_403 = arith.cmpf oge, %get3A_390, %get3A_43 : vector<16xf32>
      %select_n3A_404 = arith.select %ge3A_403, %broadcast_in_dim3A_70, %broadcast_in_dim3A_72 : vector<16xi1>, vector<16xi32>
      %add3A_405 = arith.addi %select_n3A_392, %select_n3A_394 : vector<16xi32>
      %add3A_406 = arith.addi %select_n3A_396, %select_n3A_398 : vector<16xi32>
      %add3A_407 = arith.addi %select_n3A_400, %select_n3A_402 : vector<16xi32>
      %add3A_408 = arith.addi %add3A_405, %add3A_406 : vector<16xi32>
      %add3A_409 = arith.addi %add3A_407, %select_n3A_404 : vector<16xi32>
      %add3A_410 = arith.addi %add3A_408, %add3A_409 : vector<16xi32>
      %add3A_411 = arith.addi %add3A_410, %add3A_66 : vector<16xi32>
      %gather3A_412 = tpu.vector_load_idx %arg9[%add3A_411] : memref<512xf32, #tpu.memory_space<vmem>>[vector<16xi32>], vector<16xf32>,
      %gather3A_413 = tpu.vector_load_idx %arg10[%add3A_411] : memref<512xf32, #tpu.memory_space<vmem>>[vector<16xi32>], vector<16xf32>,
      %gather3A_414 = tpu.vector_load_idx %arg11[%add3A_411] : memref<512xf32, #tpu.memory_space<vmem>>[vector<16xi32>], vector<16xf32>,
      %gather3A_415 = tpu.vector_load_idx %arg12[%add3A_411] : memref<512xf32, #tpu.memory_space<vmem>>[vector<16xi32>], vector<16xf32>,
      %gather3A_416 = tpu.vector_load_idx %arg13[%add3A_411] : memref<512xf32, #tpu.memory_space<vmem>>[vector<16xi32>], vector<16xf32>,
      %gather3A_417 = tpu.vector_load_idx %arg14[%add3A_411] : memref<512xf32, #tpu.memory_space<vmem>>[vector<16xi32>], vector<16xf32>,
      %mul3A_418 = arith.mulf %get3A_390, %gather3A_412 : vector<16xf32>
      %add3A_419 = arith.addf %mul3A_418, %gather3A_413 : vector<16xf32>
      %sub3A_420 = arith.constant 1.000000e+00 : f32
      %sub3A_421 = vector.broadcast %sub3A_420 : f32 to vector<16xf32>
      %sub3A_422 = arith.subf %sub3A_421, %add3A_419 : vector<16xf32>
      %mul3A_423 = arith.mulf %gather3A_415, %gather3A_412 : vector<16xf32>
      %mul3A_424 = arith.mulf %mul3A_423, %add3A_419 : vector<16xf32>
      %mul3A_425 = arith.mulf %gather3A_416, %sub3A_422 : vector<16xf32>
      %add3A_426 = arith.addf %mul3A_424, %mul3A_425 : vector<16xf32>
      %mul3A_427 = arith.mulf %add3A_419, %add3A_426 : vector<16xf32>
      %mul3A_428 = arith.mulf %gather3A_415, %mul3A_427 : vector<16xf32>
      %mul3A_429 = arith.mulf %add3A_419, %sub3A_422 : vector<16xf32>
      %mul3A_430 = arith.mulf %gather3A_417, %mul3A_429 : vector<16xf32>
      %add3A_431 = arith.addf %mul3A_423, %mul3A_430 : vector<16xf32>
      %div3A_432 = arith.divf %mul3A_428, %add3A_431 : vector<16xf32>
      %add3A_433 = arith.addf %gather3A_414, %div3A_432 : vector<16xf32>
      %abs3A_434 = math.absf %get3A_390 : vector<16xf32>
      %gt3A_435 = arith.constant 3.000000e+00 : f32
      %gt3A_436 = vector.broadcast %gt3A_435 : f32 to vector<16xf32>
      %gt3A_437 = arith.cmpf ogt, %abs3A_434, %gt3A_436 : vector<16xf32>
      %select_n3A_438 = arith.select %gt3A_437, %get3A_390, %add3A_433 : vector<16xi1>, vector<16xf32>
      %swap3A_439 = arith.index_cast %scan3A_286 : i32 to index
      %swap3A_440 = arith.constant 32 : index
      %swap3A_441 = tpu.vector_load %arg6[%swap3A_439, %swap3A_440] {strides = array<i32>} : memref<256x64xf32, #tpu.memory_space<vmem>>, vector<16xf32>,
      tpu.vector_store %arg6[%swap3A_439, %swap3A_440], %select_n3A_438 {strides = array<i32>} : memref<256x64xf32, #tpu.memory_space<vmem>>, vector<16xf32>,
      %get3A_442 = arith.index_cast %scan3A_286 : i32 to index
      %get3A_443 = arith.constant 48 : index
      %get3A_444 = tpu.vector_load %arg6[%get3A_442, %get3A_443] {strides = array<i32>} : memref<256x64xf32, #tpu.memory_space<vmem>>, vector<16xf32>,
      %ge3A_445 = arith.cmpf oge, %get3A_444, %get3A_45 : vector<16xf32>
      %select_n3A_446 = arith.select %ge3A_445, %broadcast_in_dim3A_70, %broadcast_in_dim3A_72 : vector<16xi1>, vector<16xi32>
      %ge3A_447 = arith.cmpf oge, %get3A_444, %get3A_47 : vector<16xf32>
      %select_n3A_448 = arith.select %ge3A_447, %broadcast_in_dim3A_70, %broadcast_in_dim3A_72 : vector<16xi1>, vector<16xi32>
      %ge3A_449 = arith.cmpf oge, %get3A_444, %get3A_49 : vector<16xf32>
      %select_n3A_450 = arith.select %ge3A_449, %broadcast_in_dim3A_70, %broadcast_in_dim3A_72 : vector<16xi1>, vector<16xi32>
      %ge3A_451 = arith.cmpf oge, %get3A_444, %get3A_51 : vector<16xf32>
      %select_n3A_452 = arith.select %ge3A_451, %broadcast_in_dim3A_70, %broadcast_in_dim3A_72 : vector<16xi1>, vector<16xi32>
      %ge3A_453 = arith.cmpf oge, %get3A_444, %get3A_53 : vector<16xf32>
      %select_n3A_454 = arith.select %ge3A_453, %broadcast_in_dim3A_70, %broadcast_in_dim3A_72 : vector<16xi1>, vector<16xi32>
      %ge3A_455 = arith.cmpf oge, %get3A_444, %get3A_55 : vector<16xf32>
      %select_n3A_456 = arith.select %ge3A_455, %broadcast_in_dim3A_70, %broadcast_in_dim3A_72 : vector<16xi1>, vector<16xi32>
      %ge3A_457 = arith.cmpf oge, %get3A_444, %get3A_57 : vector<16xf32>
      %select_n3A_458 = arith.select %ge3A_457, %broadcast_in_dim3A_70, %broadcast_in_dim3A_72 : vector<16xi1>, vector<16xi32>
      %add3A_459 = arith.addi %select_n3A_446, %select_n3A_448 : vector<16xi32>
      %add3A_460 = arith.addi %select_n3A_450, %select_n3A_452 : vector<16xi32>
      %add3A_461 = arith.addi %select_n3A_454, %select_n3A_456 : vector<16xi32>
      %add3A_462 = arith.addi %add3A_459, %add3A_460 : vector<16xi32>
      %add3A_463 = arith.addi %add3A_461, %select_n3A_458 : vector<16xi32>
      %add3A_464 = arith.addi %add3A_462, %add3A_463 : vector<16xi32>
      %add3A_465 = arith.addi %add3A_464, %add3A_69 : vector<16xi32>
      %gather3A_466 = tpu.vector_load_idx %arg9[%add3A_465] : memref<512xf32, #tpu.memory_space<vmem>>[vector<16xi32>], vector<16xf32>,
      %gather3A_467 = tpu.vector_load_idx %arg10[%add3A_465] : memref<512xf32, #tpu.memory_space<vmem>>[vector<16xi32>], vector<16xf32>,
      %gather3A_468 = tpu.vector_load_idx %arg11[%add3A_465] : memref<512xf32, #tpu.memory_space<vmem>>[vector<16xi32>], vector<16xf32>,
      %gather3A_469 = tpu.vector_load_idx %arg12[%add3A_465] : memref<512xf32, #tpu.memory_space<vmem>>[vector<16xi32>], vector<16xf32>,
      %gather3A_470 = tpu.vector_load_idx %arg13[%add3A_465] : memref<512xf32, #tpu.memory_space<vmem>>[vector<16xi32>], vector<16xf32>,
      %gather3A_471 = tpu.vector_load_idx %arg14[%add3A_465] : memref<512xf32, #tpu.memory_space<vmem>>[vector<16xi32>], vector<16xf32>,
      %mul3A_472 = arith.mulf %get3A_444, %gather3A_466 : vector<16xf32>
      %add3A_473 = arith.addf %mul3A_472, %gather3A_467 : vector<16xf32>
      %sub3A_474 = arith.constant 1.000000e+00 : f32
      %sub3A_475 = vector.broadcast %sub3A_474 : f32 to vector<16xf32>
      %sub3A_476 = arith.subf %sub3A_475, %add3A_473 : vector<16xf32>
      %mul3A_477 = arith.mulf %gather3A_469, %gather3A_466 : vector<16xf32>
      %mul3A_478 = arith.mulf %mul3A_477, %add3A_473 : vector<16xf32>
      %mul3A_479 = arith.mulf %gather3A_470, %sub3A_476 : vector<16xf32>
      %add3A_480 = arith.addf %mul3A_478, %mul3A_479 : vector<16xf32>
      %mul3A_481 = arith.mulf %add3A_473, %add3A_480 : vector<16xf32>
      %mul3A_482 = arith.mulf %gather3A_469, %mul3A_481 : vector<16xf32>
      %mul3A_483 = arith.mulf %add3A_473, %sub3A_476 : vector<16xf32>
      %mul3A_484 = arith.mulf %gather3A_471, %mul3A_483 : vector<16xf32>
      %add3A_485 = arith.addf %mul3A_477, %mul3A_484 : vector<16xf32>
      %div3A_486 = arith.divf %mul3A_482, %add3A_485 : vector<16xf32>
      %add3A_487 = arith.addf %gather3A_468, %div3A_486 : vector<16xf32>
      %abs3A_488 = math.absf %get3A_444 : vector<16xf32>
      %gt3A_489 = arith.constant 3.000000e+00 : f32
      %gt3A_490 = vector.broadcast %gt3A_489 : f32 to vector<16xf32>
      %gt3A_491 = arith.cmpf ogt, %abs3A_488, %gt3A_490 : vector<16xf32>
      %select_n3A_492 = arith.select %gt3A_491, %get3A_444, %add3A_487 : vector<16xi1>, vector<16xf32>
      %swap3A_493 = arith.index_cast %scan3A_286 : i32 to index
      %swap3A_494 = arith.constant 48 : index
      %swap3A_495 = tpu.vector_load %arg6[%swap3A_493, %swap3A_494] {strides = array<i32>} : memref<256x64xf32, #tpu.memory_space<vmem>>, vector<16xf32>,
      tpu.vector_store %arg6[%swap3A_493, %swap3A_494], %select_n3A_492 {strides = array<i32>} : memref<256x64xf32, #tpu.memory_space<vmem>>, vector<16xf32>,
      %scan3A_496 = arith.constant 0 : i32
      scf.yield %scan3A_496 : i32
    }
    %scan3A_254 = arith.constant 256 : i32
    %add3A_255 = arith.constant 1536 : i32
    %add3A_256 = arith.addi %mul3A_2, %add3A_255 : i32
    %dma_start3A_257 = arith.constant 0 : i32
    %dma_start3A_258 = tpu.memref_slice %arg5[%add3A_256, %dma_start3A_257] : memref<65536x64xf32, #tpu.memory_space<hbm>> -> memref<256x64xf32, #tpu.memory_space<hbm>>
    %dma_start3A_259 = arith.constant 0 : i32
    %dma_start3A_260 = tpu.memref_slice %arg5[%add3A_256, %dma_start3A_259] : memref<65536x64xf32, #tpu.memory_space<hbm>> -> memref<256x64xf32, #tpu.memory_space<hbm>>
    tpu.enqueue_dma source(%arg6 : memref<256x64xf32, #tpu.memory_space<vmem>>) target(%dma_start3A_260 : memref<256x64xf32, #tpu.memory_space<hbm>>) target_semaphore(%arg17 : memref<!tpu.dma_semaphore, #tpu.memory_space<semaphore_mem>>)
    %dma_wait3A_261 = arith.constant 0 : i32
    %dma_wait3A_262 = tpu.memref_slice %arg2[%add3A_243, %dma_wait3A_261] : memref<65536x64xf32, #tpu.memory_space<hbm>> -> memref<256x64xf32, #tpu.memory_space<hbm>>
    %dma_wait3A_263 = arith.constant 0 : i32
    %dma_wait3A_264 = tpu.memref_slice %arg2[%add3A_243, %dma_wait3A_263] : memref<65536x64xf32, #tpu.memory_space<hbm>> -> memref<256x64xf32, #tpu.memory_space<hbm>>
    tpu.wait_dma2 semaphore(%arg16 : memref<!tpu.dma_semaphore, #tpu.memory_space<semaphore_mem>>) src(%dma_wait3A_264 : memref<256x64xf32, #tpu.memory_space<hbm>>) dst(%arg7 : memref<256x64xf32, #tpu.memory_space<vmem>>)
    %scan3A_265 = arith.constant 0 : i32
    %scan3A_266 = arith.constant 0 : i32
    %scan3A_267 = arith.constant 256 : i32
    %scan3A_268 = arith.addi %scan3A_266, %scan3A_267 : i32
    %scan3A_269 = arith.constant 1 : i32
    %scan3A_270 = scf.for %scan3A_286 = %scan3A_266 to %scan3A_268 step %scan3A_269 iter_args(%scan3A_287 = %scan3A_265) -> (i32)  : i32 {
      %get3A_288 = arith.index_cast %scan3A_286 : i32 to index
      %get3A_289 = arith.constant 0 : index
      %get3A_290 = tpu.vector_load %arg7[%get3A_288, %get3A_289] {strides = array<i32>} : memref<256x64xf32, #tpu.memory_space<vmem>>, vector<16xf32>,
      %ge3A = arith.cmpf oge, %get3A_290, %get3A_3 : vector<16xf32>
      %select_n3A = arith.select %ge3A, %broadcast_in_dim3A_70, %broadcast_in_dim3A_72 : vector<16xi1>, vector<16xi32>
      %ge3A_291 = arith.cmpf oge, %get3A_290, %get3A_5 : vector<16xf32>
      %select_n3A_292 = arith.select %ge3A_291, %broadcast_in_dim3A_70, %broadcast_in_dim3A_72 : vector<16xi1>, vector<16xi32>
      %ge3A_293 = arith.cmpf oge, %get3A_290, %get3A_7 : vector<16xf32>
      %select_n3A_294 = arith.select %ge3A_293, %broadcast_in_dim3A_70, %broadcast_in_dim3A_72 : vector<16xi1>, vector<16xi32>
      %ge3A_295 = arith.cmpf oge, %get3A_290, %get3A_9 : vector<16xf32>
      %select_n3A_296 = arith.select %ge3A_295, %broadcast_in_dim3A_70, %broadcast_in_dim3A_72 : vector<16xi1>, vector<16xi32>
      %ge3A_297 = arith.cmpf oge, %get3A_290, %get3A_11 : vector<16xf32>
      %select_n3A_298 = arith.select %ge3A_297, %broadcast_in_dim3A_70, %broadcast_in_dim3A_72 : vector<16xi1>, vector<16xi32>
      %ge3A_299 = arith.cmpf oge, %get3A_290, %get3A_13 : vector<16xf32>
      %select_n3A_300 = arith.select %ge3A_299, %broadcast_in_dim3A_70, %broadcast_in_dim3A_72 : vector<16xi1>, vector<16xi32>
      %ge3A_301 = arith.cmpf oge, %get3A_290, %get3A_15 : vector<16xf32>
      %select_n3A_302 = arith.select %ge3A_301, %broadcast_in_dim3A_70, %broadcast_in_dim3A_72 : vector<16xi1>, vector<16xi32>
      %add3A_303 = arith.addi %select_n3A, %select_n3A_292 : vector<16xi32>
      %add3A_304 = arith.addi %select_n3A_294, %select_n3A_296 : vector<16xi32>
      %add3A_305 = arith.addi %select_n3A_298, %select_n3A_300 : vector<16xi32>
      %add3A_306 = arith.addi %add3A_303, %add3A_304 : vector<16xi32>
      %add3A_307 = arith.addi %add3A_305, %select_n3A_302 : vector<16xi32>
      %add3A_308 = arith.addi %add3A_306, %add3A_307 : vector<16xi32>
      %add3A_309 = arith.addi %add3A_308, %add3A_60 : vector<16xi32>
      %gather3A = tpu.vector_load_idx %arg9[%add3A_309] : memref<512xf32, #tpu.memory_space<vmem>>[vector<16xi32>], vector<16xf32>,
      %gather3A_310 = tpu.vector_load_idx %arg10[%add3A_309] : memref<512xf32, #tpu.memory_space<vmem>>[vector<16xi32>], vector<16xf32>,
      %gather3A_311 = tpu.vector_load_idx %arg11[%add3A_309] : memref<512xf32, #tpu.memory_space<vmem>>[vector<16xi32>], vector<16xf32>,
      %gather3A_312 = tpu.vector_load_idx %arg12[%add3A_309] : memref<512xf32, #tpu.memory_space<vmem>>[vector<16xi32>], vector<16xf32>,
      %gather3A_313 = tpu.vector_load_idx %arg13[%add3A_309] : memref<512xf32, #tpu.memory_space<vmem>>[vector<16xi32>], vector<16xf32>,
      %gather3A_314 = tpu.vector_load_idx %arg14[%add3A_309] : memref<512xf32, #tpu.memory_space<vmem>>[vector<16xi32>], vector<16xf32>,
      %mul3A_315 = arith.mulf %get3A_290, %gather3A : vector<16xf32>
      %add3A_316 = arith.addf %mul3A_315, %gather3A_310 : vector<16xf32>
      %sub3A = arith.constant 1.000000e+00 : f32
      %sub3A_317 = vector.broadcast %sub3A : f32 to vector<16xf32>
      %sub3A_318 = arith.subf %sub3A_317, %add3A_316 : vector<16xf32>
      %mul3A_319 = arith.mulf %gather3A_312, %gather3A : vector<16xf32>
      %mul3A_320 = arith.mulf %mul3A_319, %add3A_316 : vector<16xf32>
      %mul3A_321 = arith.mulf %gather3A_313, %sub3A_318 : vector<16xf32>
      %add3A_322 = arith.addf %mul3A_320, %mul3A_321 : vector<16xf32>
      %mul3A_323 = arith.mulf %add3A_316, %add3A_322 : vector<16xf32>
      %mul3A_324 = arith.mulf %gather3A_312, %mul3A_323 : vector<16xf32>
      %mul3A_325 = arith.mulf %add3A_316, %sub3A_318 : vector<16xf32>
      %mul3A_326 = arith.mulf %gather3A_314, %mul3A_325 : vector<16xf32>
      %add3A_327 = arith.addf %mul3A_319, %mul3A_326 : vector<16xf32>
      %div3A = arith.divf %mul3A_324, %add3A_327 : vector<16xf32>
      %add3A_328 = arith.addf %gather3A_311, %div3A : vector<16xf32>
      %abs3A = math.absf %get3A_290 : vector<16xf32>
      %gt3A = arith.constant 3.000000e+00 : f32
      %gt3A_329 = vector.broadcast %gt3A : f32 to vector<16xf32>
      %gt3A_330 = arith.cmpf ogt, %abs3A, %gt3A_329 : vector<16xf32>
      %select_n3A_331 = arith.select %gt3A_330, %get3A_290, %add3A_328 : vector<16xi1>, vector<16xf32>
      %swap3A = arith.index_cast %scan3A_286 : i32 to index
      %swap3A_332 = arith.constant 0 : index
      %swap3A_333 = tpu.vector_load %arg7[%swap3A, %swap3A_332] {strides = array<i32>} : memref<256x64xf32, #tpu.memory_space<vmem>>, vector<16xf32>,
      tpu.vector_store %arg7[%swap3A, %swap3A_332], %select_n3A_331 {strides = array<i32>} : memref<256x64xf32, #tpu.memory_space<vmem>>, vector<16xf32>,
      %get3A_334 = arith.index_cast %scan3A_286 : i32 to index
      %get3A_335 = arith.constant 16 : index
      %get3A_336 = tpu.vector_load %arg7[%get3A_334, %get3A_335] {strides = array<i32>} : memref<256x64xf32, #tpu.memory_space<vmem>>, vector<16xf32>,
      %ge3A_337 = arith.cmpf oge, %get3A_336, %get3A_17 : vector<16xf32>
      %select_n3A_338 = arith.select %ge3A_337, %broadcast_in_dim3A_70, %broadcast_in_dim3A_72 : vector<16xi1>, vector<16xi32>
      %ge3A_339 = arith.cmpf oge, %get3A_336, %get3A_19 : vector<16xf32>
      %select_n3A_340 = arith.select %ge3A_339, %broadcast_in_dim3A_70, %broadcast_in_dim3A_72 : vector<16xi1>, vector<16xi32>
      %ge3A_341 = arith.cmpf oge, %get3A_336, %get3A_21 : vector<16xf32>
      %select_n3A_342 = arith.select %ge3A_341, %broadcast_in_dim3A_70, %broadcast_in_dim3A_72 : vector<16xi1>, vector<16xi32>
      %ge3A_343 = arith.cmpf oge, %get3A_336, %get3A_23 : vector<16xf32>
      %select_n3A_344 = arith.select %ge3A_343, %broadcast_in_dim3A_70, %broadcast_in_dim3A_72 : vector<16xi1>, vector<16xi32>
      %ge3A_345 = arith.cmpf oge, %get3A_336, %get3A_25 : vector<16xf32>
      %select_n3A_346 = arith.select %ge3A_345, %broadcast_in_dim3A_70, %broadcast_in_dim3A_72 : vector<16xi1>, vector<16xi32>
      %ge3A_347 = arith.cmpf oge, %get3A_336, %get3A_27 : vector<16xf32>
      %select_n3A_348 = arith.select %ge3A_347, %broadcast_in_dim3A_70, %broadcast_in_dim3A_72 : vector<16xi1>, vector<16xi32>
      %ge3A_349 = arith.cmpf oge, %get3A_336, %get3A_29 : vector<16xf32>
      %select_n3A_350 = arith.select %ge3A_349, %broadcast_in_dim3A_70, %broadcast_in_dim3A_72 : vector<16xi1>, vector<16xi32>
      %add3A_351 = arith.addi %select_n3A_338, %select_n3A_340 : vector<16xi32>
      %add3A_352 = arith.addi %select_n3A_342, %select_n3A_344 : vector<16xi32>
      %add3A_353 = arith.addi %select_n3A_346, %select_n3A_348 : vector<16xi32>
      %add3A_354 = arith.addi %add3A_351, %add3A_352 : vector<16xi32>
      %add3A_355 = arith.addi %add3A_353, %select_n3A_350 : vector<16xi32>
      %add3A_356 = arith.addi %add3A_354, %add3A_355 : vector<16xi32>
      %add3A_357 = arith.addi %add3A_356, %add3A_63 : vector<16xi32>
      %gather3A_358 = tpu.vector_load_idx %arg9[%add3A_357] : memref<512xf32, #tpu.memory_space<vmem>>[vector<16xi32>], vector<16xf32>,
      %gather3A_359 = tpu.vector_load_idx %arg10[%add3A_357] : memref<512xf32, #tpu.memory_space<vmem>>[vector<16xi32>], vector<16xf32>,
      %gather3A_360 = tpu.vector_load_idx %arg11[%add3A_357] : memref<512xf32, #tpu.memory_space<vmem>>[vector<16xi32>], vector<16xf32>,
      %gather3A_361 = tpu.vector_load_idx %arg12[%add3A_357] : memref<512xf32, #tpu.memory_space<vmem>>[vector<16xi32>], vector<16xf32>,
      %gather3A_362 = tpu.vector_load_idx %arg13[%add3A_357] : memref<512xf32, #tpu.memory_space<vmem>>[vector<16xi32>], vector<16xf32>,
      %gather3A_363 = tpu.vector_load_idx %arg14[%add3A_357] : memref<512xf32, #tpu.memory_space<vmem>>[vector<16xi32>], vector<16xf32>,
      %mul3A_364 = arith.mulf %get3A_336, %gather3A_358 : vector<16xf32>
      %add3A_365 = arith.addf %mul3A_364, %gather3A_359 : vector<16xf32>
      %sub3A_366 = arith.constant 1.000000e+00 : f32
      %sub3A_367 = vector.broadcast %sub3A_366 : f32 to vector<16xf32>
      %sub3A_368 = arith.subf %sub3A_367, %add3A_365 : vector<16xf32>
      %mul3A_369 = arith.mulf %gather3A_361, %gather3A_358 : vector<16xf32>
      %mul3A_370 = arith.mulf %mul3A_369, %add3A_365 : vector<16xf32>
      %mul3A_371 = arith.mulf %gather3A_362, %sub3A_368 : vector<16xf32>
      %add3A_372 = arith.addf %mul3A_370, %mul3A_371 : vector<16xf32>
      %mul3A_373 = arith.mulf %add3A_365, %add3A_372 : vector<16xf32>
      %mul3A_374 = arith.mulf %gather3A_361, %mul3A_373 : vector<16xf32>
      %mul3A_375 = arith.mulf %add3A_365, %sub3A_368 : vector<16xf32>
      %mul3A_376 = arith.mulf %gather3A_363, %mul3A_375 : vector<16xf32>
      %add3A_377 = arith.addf %mul3A_369, %mul3A_376 : vector<16xf32>
      %div3A_378 = arith.divf %mul3A_374, %add3A_377 : vector<16xf32>
      %add3A_379 = arith.addf %gather3A_360, %div3A_378 : vector<16xf32>
      %abs3A_380 = math.absf %get3A_336 : vector<16xf32>
      %gt3A_381 = arith.constant 3.000000e+00 : f32
      %gt3A_382 = vector.broadcast %gt3A_381 : f32 to vector<16xf32>
      %gt3A_383 = arith.cmpf ogt, %abs3A_380, %gt3A_382 : vector<16xf32>
      %select_n3A_384 = arith.select %gt3A_383, %get3A_336, %add3A_379 : vector<16xi1>, vector<16xf32>
      %swap3A_385 = arith.index_cast %scan3A_286 : i32 to index
      %swap3A_386 = arith.constant 16 : index
      %swap3A_387 = tpu.vector_load %arg7[%swap3A_385, %swap3A_386] {strides = array<i32>} : memref<256x64xf32, #tpu.memory_space<vmem>>, vector<16xf32>,
      tpu.vector_store %arg7[%swap3A_385, %swap3A_386], %select_n3A_384 {strides = array<i32>} : memref<256x64xf32, #tpu.memory_space<vmem>>, vector<16xf32>,
      %get3A_388 = arith.index_cast %scan3A_286 : i32 to index
      %get3A_389 = arith.constant 32 : index
      %get3A_390 = tpu.vector_load %arg7[%get3A_388, %get3A_389] {strides = array<i32>} : memref<256x64xf32, #tpu.memory_space<vmem>>, vector<16xf32>,
      %ge3A_391 = arith.cmpf oge, %get3A_390, %get3A_31 : vector<16xf32>
      %select_n3A_392 = arith.select %ge3A_391, %broadcast_in_dim3A_70, %broadcast_in_dim3A_72 : vector<16xi1>, vector<16xi32>
      %ge3A_393 = arith.cmpf oge, %get3A_390, %get3A_33 : vector<16xf32>
      %select_n3A_394 = arith.select %ge3A_393, %broadcast_in_dim3A_70, %broadcast_in_dim3A_72 : vector<16xi1>, vector<16xi32>
      %ge3A_395 = arith.cmpf oge, %get3A_390, %get3A_35 : vector<16xf32>
      %select_n3A_396 = arith.select %ge3A_395, %broadcast_in_dim3A_70, %broadcast_in_dim3A_72 : vector<16xi1>, vector<16xi32>
      %ge3A_397 = arith.cmpf oge, %get3A_390, %get3A_37 : vector<16xf32>
      %select_n3A_398 = arith.select %ge3A_397, %broadcast_in_dim3A_70, %broadcast_in_dim3A_72 : vector<16xi1>, vector<16xi32>
      %ge3A_399 = arith.cmpf oge, %get3A_390, %get3A_39 : vector<16xf32>
      %select_n3A_400 = arith.select %ge3A_399, %broadcast_in_dim3A_70, %broadcast_in_dim3A_72 : vector<16xi1>, vector<16xi32>
      %ge3A_401 = arith.cmpf oge, %get3A_390, %get3A_41 : vector<16xf32>
      %select_n3A_402 = arith.select %ge3A_401, %broadcast_in_dim3A_70, %broadcast_in_dim3A_72 : vector<16xi1>, vector<16xi32>
      %ge3A_403 = arith.cmpf oge, %get3A_390, %get3A_43 : vector<16xf32>
      %select_n3A_404 = arith.select %ge3A_403, %broadcast_in_dim3A_70, %broadcast_in_dim3A_72 : vector<16xi1>, vector<16xi32>
      %add3A_405 = arith.addi %select_n3A_392, %select_n3A_394 : vector<16xi32>
      %add3A_406 = arith.addi %select_n3A_396, %select_n3A_398 : vector<16xi32>
      %add3A_407 = arith.addi %select_n3A_400, %select_n3A_402 : vector<16xi32>
      %add3A_408 = arith.addi %add3A_405, %add3A_406 : vector<16xi32>
      %add3A_409 = arith.addi %add3A_407, %select_n3A_404 : vector<16xi32>
      %add3A_410 = arith.addi %add3A_408, %add3A_409 : vector<16xi32>
      %add3A_411 = arith.addi %add3A_410, %add3A_66 : vector<16xi32>
      %gather3A_412 = tpu.vector_load_idx %arg9[%add3A_411] : memref<512xf32, #tpu.memory_space<vmem>>[vector<16xi32>], vector<16xf32>,
      %gather3A_413 = tpu.vector_load_idx %arg10[%add3A_411] : memref<512xf32, #tpu.memory_space<vmem>>[vector<16xi32>], vector<16xf32>,
      %gather3A_414 = tpu.vector_load_idx %arg11[%add3A_411] : memref<512xf32, #tpu.memory_space<vmem>>[vector<16xi32>], vector<16xf32>,
      %gather3A_415 = tpu.vector_load_idx %arg12[%add3A_411] : memref<512xf32, #tpu.memory_space<vmem>>[vector<16xi32>], vector<16xf32>,
      %gather3A_416 = tpu.vector_load_idx %arg13[%add3A_411] : memref<512xf32, #tpu.memory_space<vmem>>[vector<16xi32>], vector<16xf32>,
      %gather3A_417 = tpu.vector_load_idx %arg14[%add3A_411] : memref<512xf32, #tpu.memory_space<vmem>>[vector<16xi32>], vector<16xf32>,
      %mul3A_418 = arith.mulf %get3A_390, %gather3A_412 : vector<16xf32>
      %add3A_419 = arith.addf %mul3A_418, %gather3A_413 : vector<16xf32>
      %sub3A_420 = arith.constant 1.000000e+00 : f32
      %sub3A_421 = vector.broadcast %sub3A_420 : f32 to vector<16xf32>
      %sub3A_422 = arith.subf %sub3A_421, %add3A_419 : vector<16xf32>
      %mul3A_423 = arith.mulf %gather3A_415, %gather3A_412 : vector<16xf32>
      %mul3A_424 = arith.mulf %mul3A_423, %add3A_419 : vector<16xf32>
      %mul3A_425 = arith.mulf %gather3A_416, %sub3A_422 : vector<16xf32>
      %add3A_426 = arith.addf %mul3A_424, %mul3A_425 : vector<16xf32>
      %mul3A_427 = arith.mulf %add3A_419, %add3A_426 : vector<16xf32>
      %mul3A_428 = arith.mulf %gather3A_415, %mul3A_427 : vector<16xf32>
      %mul3A_429 = arith.mulf %add3A_419, %sub3A_422 : vector<16xf32>
      %mul3A_430 = arith.mulf %gather3A_417, %mul3A_429 : vector<16xf32>
      %add3A_431 = arith.addf %mul3A_423, %mul3A_430 : vector<16xf32>
      %div3A_432 = arith.divf %mul3A_428, %add3A_431 : vector<16xf32>
      %add3A_433 = arith.addf %gather3A_414, %div3A_432 : vector<16xf32>
      %abs3A_434 = math.absf %get3A_390 : vector<16xf32>
      %gt3A_435 = arith.constant 3.000000e+00 : f32
      %gt3A_436 = vector.broadcast %gt3A_435 : f32 to vector<16xf32>
      %gt3A_437 = arith.cmpf ogt, %abs3A_434, %gt3A_436 : vector<16xf32>
      %select_n3A_438 = arith.select %gt3A_437, %get3A_390, %add3A_433 : vector<16xi1>, vector<16xf32>
      %swap3A_439 = arith.index_cast %scan3A_286 : i32 to index
      %swap3A_440 = arith.constant 32 : index
      %swap3A_441 = tpu.vector_load %arg7[%swap3A_439, %swap3A_440] {strides = array<i32>} : memref<256x64xf32, #tpu.memory_space<vmem>>, vector<16xf32>,
      tpu.vector_store %arg7[%swap3A_439, %swap3A_440], %select_n3A_438 {strides = array<i32>} : memref<256x64xf32, #tpu.memory_space<vmem>>, vector<16xf32>,
      %get3A_442 = arith.index_cast %scan3A_286 : i32 to index
      %get3A_443 = arith.constant 48 : index
      %get3A_444 = tpu.vector_load %arg7[%get3A_442, %get3A_443] {strides = array<i32>} : memref<256x64xf32, #tpu.memory_space<vmem>>, vector<16xf32>,
      %ge3A_445 = arith.cmpf oge, %get3A_444, %get3A_45 : vector<16xf32>
      %select_n3A_446 = arith.select %ge3A_445, %broadcast_in_dim3A_70, %broadcast_in_dim3A_72 : vector<16xi1>, vector<16xi32>
      %ge3A_447 = arith.cmpf oge, %get3A_444, %get3A_47 : vector<16xf32>
      %select_n3A_448 = arith.select %ge3A_447, %broadcast_in_dim3A_70, %broadcast_in_dim3A_72 : vector<16xi1>, vector<16xi32>
      %ge3A_449 = arith.cmpf oge, %get3A_444, %get3A_49 : vector<16xf32>
      %select_n3A_450 = arith.select %ge3A_449, %broadcast_in_dim3A_70, %broadcast_in_dim3A_72 : vector<16xi1>, vector<16xi32>
      %ge3A_451 = arith.cmpf oge, %get3A_444, %get3A_51 : vector<16xf32>
      %select_n3A_452 = arith.select %ge3A_451, %broadcast_in_dim3A_70, %broadcast_in_dim3A_72 : vector<16xi1>, vector<16xi32>
      %ge3A_453 = arith.cmpf oge, %get3A_444, %get3A_53 : vector<16xf32>
      %select_n3A_454 = arith.select %ge3A_453, %broadcast_in_dim3A_70, %broadcast_in_dim3A_72 : vector<16xi1>, vector<16xi32>
      %ge3A_455 = arith.cmpf oge, %get3A_444, %get3A_55 : vector<16xf32>
      %select_n3A_456 = arith.select %ge3A_455, %broadcast_in_dim3A_70, %broadcast_in_dim3A_72 : vector<16xi1>, vector<16xi32>
      %ge3A_457 = arith.cmpf oge, %get3A_444, %get3A_57 : vector<16xf32>
      %select_n3A_458 = arith.select %ge3A_457, %broadcast_in_dim3A_70, %broadcast_in_dim3A_72 : vector<16xi1>, vector<16xi32>
      %add3A_459 = arith.addi %select_n3A_446, %select_n3A_448 : vector<16xi32>
      %add3A_460 = arith.addi %select_n3A_450, %select_n3A_452 : vector<16xi32>
      %add3A_461 = arith.addi %select_n3A_454, %select_n3A_456 : vector<16xi32>
      %add3A_462 = arith.addi %add3A_459, %add3A_460 : vector<16xi32>
      %add3A_463 = arith.addi %add3A_461, %select_n3A_458 : vector<16xi32>
      %add3A_464 = arith.addi %add3A_462, %add3A_463 : vector<16xi32>
      %add3A_465 = arith.addi %add3A_464, %add3A_69 : vector<16xi32>
      %gather3A_466 = tpu.vector_load_idx %arg9[%add3A_465] : memref<512xf32, #tpu.memory_space<vmem>>[vector<16xi32>], vector<16xf32>,
      %gather3A_467 = tpu.vector_load_idx %arg10[%add3A_465] : memref<512xf32, #tpu.memory_space<vmem>>[vector<16xi32>], vector<16xf32>,
      %gather3A_468 = tpu.vector_load_idx %arg11[%add3A_465] : memref<512xf32, #tpu.memory_space<vmem>>[vector<16xi32>], vector<16xf32>,
      %gather3A_469 = tpu.vector_load_idx %arg12[%add3A_465] : memref<512xf32, #tpu.memory_space<vmem>>[vector<16xi32>], vector<16xf32>,
      %gather3A_470 = tpu.vector_load_idx %arg13[%add3A_465] : memref<512xf32, #tpu.memory_space<vmem>>[vector<16xi32>], vector<16xf32>,
      %gather3A_471 = tpu.vector_load_idx %arg14[%add3A_465] : memref<512xf32, #tpu.memory_space<vmem>>[vector<16xi32>], vector<16xf32>,
      %mul3A_472 = arith.mulf %get3A_444, %gather3A_466 : vector<16xf32>
      %add3A_473 = arith.addf %mul3A_472, %gather3A_467 : vector<16xf32>
      %sub3A_474 = arith.constant 1.000000e+00 : f32
      %sub3A_475 = vector.broadcast %sub3A_474 : f32 to vector<16xf32>
      %sub3A_476 = arith.subf %sub3A_475, %add3A_473 : vector<16xf32>
      %mul3A_477 = arith.mulf %gather3A_469, %gather3A_466 : vector<16xf32>
      %mul3A_478 = arith.mulf %mul3A_477, %add3A_473 : vector<16xf32>
      %mul3A_479 = arith.mulf %gather3A_470, %sub3A_476 : vector<16xf32>
      %add3A_480 = arith.addf %mul3A_478, %mul3A_479 : vector<16xf32>
      %mul3A_481 = arith.mulf %add3A_473, %add3A_480 : vector<16xf32>
      %mul3A_482 = arith.mulf %gather3A_469, %mul3A_481 : vector<16xf32>
      %mul3A_483 = arith.mulf %add3A_473, %sub3A_476 : vector<16xf32>
      %mul3A_484 = arith.mulf %gather3A_471, %mul3A_483 : vector<16xf32>
      %add3A_485 = arith.addf %mul3A_477, %mul3A_484 : vector<16xf32>
      %div3A_486 = arith.divf %mul3A_482, %add3A_485 : vector<16xf32>
      %add3A_487 = arith.addf %gather3A_468, %div3A_486 : vector<16xf32>
      %abs3A_488 = math.absf %get3A_444 : vector<16xf32>
      %gt3A_489 = arith.constant 3.000000e+00 : f32
      %gt3A_490 = vector.broadcast %gt3A_489 : f32 to vector<16xf32>
      %gt3A_491 = arith.cmpf ogt, %abs3A_488, %gt3A_490 : vector<16xf32>
      %select_n3A_492 = arith.select %gt3A_491, %get3A_444, %add3A_487 : vector<16xi1>, vector<16xf32>
      %swap3A_493 = arith.index_cast %scan3A_286 : i32 to index
      %swap3A_494 = arith.constant 48 : index
      %swap3A_495 = tpu.vector_load %arg7[%swap3A_493, %swap3A_494] {strides = array<i32>} : memref<256x64xf32, #tpu.memory_space<vmem>>, vector<16xf32>,
      tpu.vector_store %arg7[%swap3A_493, %swap3A_494], %select_n3A_492 {strides = array<i32>} : memref<256x64xf32, #tpu.memory_space<vmem>>, vector<16xf32>,
      %scan3A_496 = arith.constant 0 : i32
      scf.yield %scan3A_496 : i32
    }
    %scan3A_271 = arith.constant 256 : i32
    %add3A_272 = arith.constant 1792 : i32
    %add3A_273 = arith.addi %mul3A_2, %add3A_272 : i32
    %dma_start3A_274 = arith.constant 0 : i32
    %dma_start3A_275 = tpu.memref_slice %arg5[%add3A_273, %dma_start3A_274] : memref<65536x64xf32, #tpu.memory_space<hbm>> -> memref<256x64xf32, #tpu.memory_space<hbm>>
    %dma_start3A_276 = arith.constant 0 : i32
    %dma_start3A_277 = tpu.memref_slice %arg5[%add3A_273, %dma_start3A_276] : memref<65536x64xf32, #tpu.memory_space<hbm>> -> memref<256x64xf32, #tpu.memory_space<hbm>>
    tpu.enqueue_dma source(%arg7 : memref<256x64xf32, #tpu.memory_space<vmem>>) target(%dma_start3A_277 : memref<256x64xf32, #tpu.memory_space<hbm>>) target_semaphore(%arg18 : memref<!tpu.dma_semaphore, #tpu.memory_space<semaphore_mem>>)
    %dma_wait3A_278 = arith.constant 0 : i32
    %dma_wait3A_279 = tpu.memref_slice %arg5[%add3A_256, %dma_wait3A_278] : memref<65536x64xf32, #tpu.memory_space<hbm>> -> memref<256x64xf32, #tpu.memory_space<hbm>>
    %dma_wait3A_280 = arith.constant 0 : i32
    %dma_wait3A_281 = tpu.memref_slice %arg5[%add3A_256, %dma_wait3A_280] : memref<65536x64xf32, #tpu.memory_space<hbm>> -> memref<256x64xf32, #tpu.memory_space<hbm>>
    tpu.wait_dma2 semaphore(%arg17 : memref<!tpu.dma_semaphore, #tpu.memory_space<semaphore_mem>>) src(%arg6 : memref<256x64xf32, #tpu.memory_space<vmem>>) dst(%dma_wait3A_281 : memref<256x64xf32, #tpu.memory_space<hbm>>)
    %dma_wait3A_282 = arith.constant 0 : i32
    %dma_wait3A_283 = tpu.memref_slice %arg5[%add3A_273, %dma_wait3A_282] : memref<65536x64xf32, #tpu.memory_space<hbm>> -> memref<256x64xf32, #tpu.memory_space<hbm>>
    %dma_wait3A_284 = arith.constant 0 : i32
    %dma_wait3A_285 = tpu.memref_slice %arg5[%add3A_273, %dma_wait3A_284] : memref<65536x64xf32, #tpu.memory_space<hbm>> -> memref<256x64xf32, #tpu.memory_space<hbm>>
    tpu.wait_dma2 semaphore(%arg18 : memref<!tpu.dma_semaphore, #tpu.memory_space<semaphore_mem>>) src(%arg7 : memref<256x64xf32, #tpu.memory_space<vmem>>) dst(%dma_wait3A_285 : memref<256x64xf32, #tpu.memory_space<hbm>>)
    return
  }
}

</mosaic_0001>

<sc_bundles>
// kernel: kernel.3.cloned.1.call-start
scs
__scs_entry_jumppad:
0x0: {  	(pc) =	sbr.rel $0x88, $3  }
0x1: {  	(tag) =	ssettag $0x0;
	lr =	simm.s32 $0x1  }
0x2: {  	[smem:$0x3F9D] =	sst lr;
	_ =	strace $0xD0000000  }
0x3: {  	_ = 	snop  }
0x4: {  	_ = 	snop  }
0x5: {  	_ = 	snop  }
0x6: {  	_ = 	snop  }
0x7: {  	_ = 	snop  }
__scs_overlays_trampoline_lowered:
0x8: {  	[smem:$0x3FAC] =	sst s0  }
0x9: {  	[smem:$0x3FAD] =	sst s1  }
0xa: {  	[smem:$0x3FAE] =	sst s2  }
0xb: {  	[smem:$0x3FAF] =	sst s3  }
0xc: {  	[smem:$0x3FB0] =	sst s4  }
0xd: {  	[smem:$0x3FB1] =	sst s5  }
0xe: {  	[smem:$0x3FB2] =	sst s6  }
0xf: {  	[smem:$0x3FB3] =	sst s7  }
0x10: {  	[smem:$0x3FB4] =	sst s8  }
0x11: {  	[smem:$0x3FB5] =	sst s9;
	s0 =	simm.s32 @!p0 $0x0  }
0x12: {  	s1 =	sld [smem:$0x3F9B];
	s0 =	simm.s32 @p0 $0x1  }
0x13: {  	[smem:$0x3FB6] =	sst s0;
	s0 =	simm.s32 @!p1 $0x0  }
0x14: {  	s2 =	sld [smem:$0x3F9A];
	s0 =	simm.s32 @p1 $0x1  }
0x15: {  	[smem:$0x3FB7] =	sst s0;
	s0 =	simm.s32 @!p2 $0x0  }
0x16: {  	s3 =	sld [smem:$0x3FDB];
	s0 =	simm.s32 @p2 $0x1  }
0x17: {  	s4 =	simm.s32 $0x1BF5;
	[smem:$0x3FB9] =	sst s0  }
0x18: {  	s0 =	sld [smem:$0x3F9C];
	_ =	swait.ge [sflag:s4], $0x0  }
0x19: {  	s7 =	sld [smem:$0x3F9D]  }
0x1a: {  	s8 =	sadd.s32 $0xFFFFE003, lr  }
0x1b: {  	s9 =	sadd.s32 $0xFFFFFEF7, lr;
	s5 =	simm.s32 $0xFFFFFFFF;
	p2 =	slt.u32 s8, $0xFFFFF086  }
0x1c: {  	p1 =	slt.u32 s9, $0xF7A;
	s5 =	simm.s32 @!p2 $0x0  }
0x1d: {  	s5 =	simm.s32 @p1 $0x1;
	p0 =	seq.s32 s7, s2  }
0x1e: {  	s7 =	smul.u32 @!p0 $0xF7A, s2;
	p2 =	seq.s32 @!p0 s5, $0x0  }
0x1f: {  	s9 =	smul.u32 $0xF7A, s1;
	s8 =	simm.s32 @!p0 $0x1BF5;
	p2 =	por !p2, p0  }
0x20: {  	[sflag:s8] =	ssyncset.s32 @!p0 $0xFFFFF086;
	s6 =	sadd.s32 @!p0 s3, s7;
	s7 =	simm.s32 @!p0 $0x108  }
0x21: {  	s3 =	sadd.s32 s3, s9;
	s6 =	sadd.s32 @!p0 $0x88, s6;
	s7 =	simm.s32 @p2 $0x1082  }
0x22: {  	[simem:s7], [sflag:s8] =	dma.local @!p0 [hbm:s6], $0xF7A  }
0x23: {  	s9 =	sor.u32 $0xD0000000, s2;
	s6 =	simm.s32 $0x108;
	_ =	swait.ge @!p0 [sflag:s8], $0x0  }
0x24: {  	s3 =	sadd.s32 $0x88, s3;
	s6 =	simm.s32 @!p1 $0x1082;
	[sflag:s4] =	ssyncset.s32 $0xFFFFF086  }
0x25: {  	[simem:s6], [sflag:s4] =	dma.local [hbm:s3], $0xF7A  }
0x26: {  	[smem:$0x3F9D] =	sst s1;
	(tag) =	ssettag s2;
	_ =	strace s9  }
0x27: {  	s1 =	sld [smem:$0x3FAD]  }
0x28: {  	s2 =	sld [smem:$0x3FAE]  }
0x29: {  	s4 =	sld [smem:$0x3FB0]  }
0x2a: {  	p0 =	seq.s32 s5, $0x0;
	s5 =	sld [smem:$0x3FB1]  }
0x2b: {  	s6 =	sld [smem:$0x3FB2]  }
0x2c: {  	s7 =	sld [smem:$0x3FB3]  }
0x2d: {  	s3 =	simm.s32 $0x108;
	s8 =	sld [smem:$0x3FB4]  }
0x2e: {  	s3 =	simm.s32 @!p0 $0x1082;
	s9 =	sld [smem:$0x3FB5]  }
0x2f: {  	lr =	sadd.s32 s0, s3;
	s0 =	sld [smem:$0x3FAC]  }
0x30: {  	s3 =	sld [smem:$0x3FAF]  }
0x31: {  	[smem:$0x3FB8] =	sst s10  }
0x32: {  	s10 =	sld [smem:$0x3FB6];
	_ =	sdelay $0x3  }
0x33: {  	p0 =	seq.s32 s10, $0x1;
	s10 =	sld [smem:$0x3FB8];
	_ =	sdelay $0x3  }
0x34: {  	[smem:$0x3FB8] =	sst s10  }
0x35: {  	s10 =	sld [smem:$0x3FB7];
	_ =	sdelay $0x3  }
0x36: {  	p1 =	seq.s32 s10, $0x1;
	s10 =	sld [smem:$0x3FB8];
	_ =	sdelay $0x3  }
0x37: {  	[smem:$0x3FB8] =	sst s10  }
0x38: {  	s10 =	sld [smem:$0x3FB9]  }
0x39: {  	_ = 	snop;
	(pc) =	sbr.ind lr, $3  }
0x3a: {  	_ = 	snop  }
0x3b: {  	_ = 	snop  }
0x3c: {  	p2 =	seq.s32 s10, $0x1;
	s10 =	sld [smem:$0x3FB8]  }
0x3d: {  	_ =	shalt  }
0x3e: {  	_ =	shalt  }
0x3f: {  	_ =	shalt  }
0x40: {  	_ =	shalt  }
0x41: {  	_ =	shalt  }
0x42: {  	_ =	shalt  }
0x43: {  	_ =	shalt  }
0x44: {  	_ =	shalt  }
0x45: {  	_ =	shalt  }
0x46: {  	_ =	shalt  }
0x47: {  	_ =	shalt  }
0x48: {  	_ =	shalt  }
0x49: {  	_ =	shalt  }
0x4a: {  	_ =	shalt  }
0x4b: {  	_ =	shalt  }
0x4c: {  	_ =	shalt  }
0x4d: {  	_ =	shalt  }
0x4e: {  	_ =	shalt  }
0x4f: {  	_ =	shalt  }
0x50: {  	_ =	shalt  }
0x51: {  	_ =	shalt  }
0x52: {  	_ =	shalt  }
0x53: {  	_ =	shalt  }
0x54: {  	_ =	shalt  }
0x55: {  	_ =	shalt  }
0x56: {  	_ =	shalt  }
0x57: {  	_ =	shalt  }
0x58: {  	_ =	shalt  }
0x59: {  	_ =	shalt  }
0x5a: {  	_ =	shalt  }
0x5b: {  	_ =	shalt  }
0x5c: {  	_ =	shalt  }
0x5d: {  	_ =	shalt  }
0x5e: {  	_ =	shalt  }
0x5f: {  	_ =	shalt  }
0x60: {  	_ =	shalt  }
0x61: {  	_ =	shalt  }
0x62: {  	_ =	shalt  }
0x63: {  	_ =	shalt  }
0x64: {  	_ =	shalt  }
0x65: {  	_ =	shalt  }
0x66: {  	_ =	shalt  }
0x67: {  	_ =	shalt  }
0x68: {  	_ =	shalt  }
0x69: {  	_ =	shalt  }
0x6a: {  	_ =	shalt  }
0x6b: {  	_ =	shalt  }
0x6c: {  	_ =	shalt  }
0x6d: {  	_ =	shalt  }
0x6e: {  	_ =	shalt  }
0x6f: {  	_ =	shalt  }
0x70: {  	_ =	shalt  }
0x71: {  	_ =	shalt  }
0x72: {  	_ =	shalt  }
0x73: {  	_ =	shalt  }
0x74: {  	_ =	shalt  }
0x75: {  	_ =	shalt  }
0x76: {  	_ =	shalt  }
0x77: {  	_ =	shalt  }
0x78: {  	_ =	shalt  }
0x79: {  	_ =	shalt  }
0x7a: {  	_ =	shalt  }
0x7b: {  	_ =	shalt  }
0x7c: {  	_ =	shalt  }
0x7d: {  	_ =	shalt  }
0x7e: {  	_ =	shalt  }
0x7f: {  	_ =	shalt  }
0x80: {  	_ =	shalt  }
0x81: {  	_ =	shalt  }
0x82: {  	_ =	shalt  }
0x83: {  	_ =	shalt  }
0x84: {  	_ =	shalt  }
0x85: {  	_ =	shalt  }
0x86: {  	_ =	shalt  }
0x87: {  	_ =	shalt  }
.Lfunc_end0:
.L_simem_size_0:
called_computation_lowered:
.L_overlay_start_0:
0x88: {  	s2 =	sld [smem:$0x3FD9]  }
0x89: {  	s3 =	sld [smem:$0x3FFE];
	_ =	sdelay $0x1  }
0x8a: {  	s1 =	srdreg.scid  }
0x8b: {  	s0 =	sand.u32 $0x1, s1  }
0x8c: {  	s17 =	sshll.u32 s0, $0xA;
	s2 =	sadd.s32 s3, s2  }
0x8d: {  	s2 =	sadd.s32 s2, s17  }
0x8e: {  	[smem:$0x3FC4] =	sst s2  }
0x8f: {  	_ = 	snop  }
0x90: {  	s2 =	sld [smem:$0x3FD0];
	(tm) =	ssettm $0x1  }
0x91: {  	s18 =	sld [smem:$0x3FFB];
	_ =	sdelay $0x3  }
0x92: {  	_ =	strace s18  }
0x93: {  	s3 =	sld [smem:$0x3FFC];
	_ =	sdelay $0x3  }
0x94: {  	_ =	strace s3  }
0x95: {  	s3 =	sld [smem:$0x3FFD];
	_ =	sdelay $0x3  }
0x96: {  	_ =	strace s3  }
0x97: {  	_ =	strace $0x8FFFFFFF  }
0x98: {  	s19 =	sld [smem:$0x3FDB];
	_ =	sdelay $0x1  }
0x99: {  	s4 =	simm.s32 $_scs_section_size  }
0x9a: {  	s5 =	simm.s32 $_size__tile_overlayer_lowered;
	s6 =	simm.s32 $_tile_overlayer_lowered  }
0x9b: {  	s22 =	simm.s32 $0x1BFF;
	s21 =	sshll.u32 s6, $0x1;
	s3 =	sadd.s32 s4, s19  }
0x9c: {  	s7 =	simm.s32 $0x0;
	s20 =	sshll.u32 s5, $0x1;
	s5 =	sadd.s32 s21, s3  }
0x9d: {  	[timem:s7], [sflag:s22] =	dma.local [hbm:s5], s20  }
0x9e: {  	_ =	swait.ge [sflag:s22], s20  }
0x9f: {  	s4 =	ssub.s32 $0x0, s20;
	[sflag:s22] =	ssyncset.done $0x0  }
0xa0: {  	[sflag:s22] =	ssyncadd.s32 s4;
	_ =	sdelay $0x1  }
0xa1: {  	s23 =	simm.s32 $0x1B8B  }
0xa2: {  	_ =	swait.ge [sflag:s23], $0x1  }
0xa3: {  	[sflag:s23] =	ssyncset.done $0x0  }
0xa4: {  	s25 =	simm.s32 $0x1B8E;
	s24 =	sld [smem:$0x3FFE];
	[sflag:s23] =	ssyncadd.s32 $0xFFFFFFFF  }
0xa5: {  	s26 =	simm.s32 $execute0_lowered;
	[smem:$0x3FD2] =	sst s25  }
0xa6: {  	s5 =	sshll.u32 s26, $0x1;
	_ =	strace $0x80000046;
	[dreg:$0x1] =	wrdreg $0xFFFFFFFF  }
0xa7: {  	s28 =	simm.s32 $_size_execute0_lowered;
	s3 =	sadd.s32 s3, s5;
	[dreg:$0x0] =	wrdreg $0x0  }
0xa8: {  	s5 =	sshll.u32 s28, $0x1;
	[dreg:$0x2] =	wrdreg s3  }
0xa9: {  	[dreg:$0x3] =	wrdreg s5  }
0xaa: {  	[dreg:$0x4] =	wrdreg $0xC0  }
0xab: {  	_ =	task [dreg:s7], $0x5FFFF  }
0xac: {  	[dreg:$0x1] =	wrdreg $0xFFFFFFFF  }
0xad: {  	[dreg:$0x0] =	wrdreg $0x60  }
0xae: {  	[dreg:$0x2] =	wrdreg s24  }
0xaf: {  	[dreg:$0x3] =	wrdreg s2  }
0xb0: {  	[dreg:$0x4] =	wrdreg $0x9  }
0xb1: {  	_ =	task.clear_ibuf [dreg:s7], $0x5FFFF;
	_ =	strace $0x90000046  }
0xb2: {  	s29 =	simm.s32 $0x9;
	_ =	strace $0x80000048  }
0xb3: {  	_ =	swait.ge [sflag:s29], $0x1  }
0xb4: {  	[sflag:s29] =	ssyncadd.s32 $0xFFFFFFFF  }
0xb5: {  	_ =	strace $0x90000048  }
0xb6: {  	_ =	sfence  }
0xb7: {  	s30 =	sld [smem:$0x0];
	_ =	sdelay $0x2  }
0xb8: {  	s31 =	sshll.u32 s1, $0xD;
	s1 =	sshrl.u32 s1, $0x2  }
0xb9: {  	s3 =	sand.u32 $0x4000, s31;
	s1 =	sadd.s32 s1, s30  }
0xba: {  	s0 =	sor.u32 s3, s0;
	s1 =	sshll.u32 s1, $0x11  }
0xbb: {  	s0 =	sor.u32 s1, s0  }
0xbc: {  	s0 =	sadd.s32 $0x8F2B, s0  }
0xbd: {  	[sflag:s0] =	ssyncadd.remote.s32 $0x1  }
0xbe: {  	_ =	sfence.sel $0xFFFF  }
0xbf: {  	[dreg:$0x0] =	wrdreg $0xFFFFFFFF;
	(pc) =	sbr.abs _section_cstart, $3  }
0xc0: {  	[dreg:$0x1] =	wrdreg $0xFFFFFFFF  }
0xc1: {  	_ =	task.clear_ibuf [dreg:s7], $0x2FFFF;
	_ =	strace $0x9FFFFFFF  }
0xc2: {  	(tm) =	ssettm $0x7FFFFFFF  }
0xc3: {  	_ =	shalt  }
tec
execute0_lowered:
.L_overlay_start_1:
0x0: {  	(tag) =	ssettag $0x1  }
0x1: {  	s2 =	rddreg [dreg:$0x0]  }
0x2: {  	s8 =	rddreg [dreg:$0x1];
	s3 =	simm.s32 $0x0;
	s0 =	srdreg.scid  }
0x3: {  	s6 =	stileid.u32;
	s29 =	simm.s32 $0x5;
	s30 =	simm.s32 $0x10200  }
0x4: {  	s31 =	simm.s32 $0x10400;
	s28 =	simm.s32 $0x10A00;
	s9 =	simm.s32 $0x0  }
0x5: {  	[smem:$0x7FF] =	sst s3;
	s1 =	sadd.s32 $0x200, s2;
	s0 =	sand.u32 $0x1, s0  }
0x6: {  	s2 =	sadd.s32 $0x100200, s2;
	s6 =	sshll.u32 s6, $0x10;
	s15 =	sadd.s32 $0x40, s8  }
0x7: {  	s16 =	sadd.s32 $0x80, s8;
	s17 =	sadd.s32 $0xC0, s8;
	_ =	strace $0x80000047  }
0x8: {  	s4 =	ssub.s32 $0x2, s0;
	s0 =	sshll.u32 s0, $0xF;
	[dreg:$0x3] =	wrdreg s15  }
0x9: {  	[dreg:$0x4] =	wrdreg s16;
	s5 =	sshrl.u32 s4, $0x1;
	s0 =	sor.u32 s0, s6  }
0xa: {  	[dreg:$0x5] =	wrdreg s17;
	s4 =	ssub.s32 s4, s5;
	s18 =	sor.u32 $0x1000, s0  }
0xb: {  	s6 =	sadd.s32 s1, s0;
	s20 =	sor.u32 $0x2000, s0;
	s7 =	sadd.s32 s2, s0  }
0xc: {  	s22 =	sor.u32 $0x3000, s0;
	s24 =	sor.u32 $0x4000, s0;
	s25 =	sor.u32 $0x5000, s0  }
0xd: {  	s26 =	sor.u32 $0x6000, s0;
	s0 =	sor.u32 $0x7000, s0;
	[dreg:$0x6] =	wrdreg s6  }
0xe: {  	s19 =	sadd.s32 s1, s18;
	[dreg:$0x8] =	wrdreg s7;
	s21 =	sadd.s32 s1, s20  }
0xf: {  	s5 =	sadd.s32 s2, s18;
	s23 =	sadd.s32 s1, s22;
	s14 =	sadd.s32 s2, s20  }
0x10: {  	s15 =	sadd.s32 s1, s24;
	s16 =	sadd.s32 s2, s22;
	s17 =	sadd.s32 s1, s25  }
0x11: {  	s18 =	sadd.s32 s2, s24;
	s20 =	sadd.s32 s2, s25;
	[dreg:$0x7] =	wrdreg s19  }
0x12: {  	s22 =	sadd.s32 s2, s26;
	s24 =	sadd.s32 $0x100, s8;
	[dreg:$0x9] =	wrdreg s21  }
0x13: {  	s25 =	smax.u32 s4, $0x1;
	s4 =	simm.s32 $0x10800;
	[dreg:$0xa] =	wrdreg s5  }
0x14: {  	v0 =	vlaneseq.u32;
	s6 =	simm.s32 $0x2;
	s7 =	simm.s32 $0x3;
	[dreg:$0xb] =	wrdreg s23  }
0x15: {  	v1 =	vimm.s32 $0x0;
	v2 =	vor.u32 $0x40, v0;
	s19 =	sadd.s32 s1, s26;
	s21 =	sadd.s32 s1, s0;
	s23 =	sadd.s32 s2, s0  }
0x16: {  	v3 =	vor.u32 $0x10, v0;
	v4 =	vor.u32 $0x50, v0;
	v5 =	vor.u32 $0x20, v0;
	s26 =	sadd.s32 $0x140, s8;
	s0 =	simm.s32 $0x10600;
	s1 =	simm.s32 $0x10C00  }
0x17: {  	v6 =	vor.u32 $0x60, v0;
	v7 =	vor.u32 $0x30, v0;
	v8 =	vor.u32 $0x70, v0;
	s2 =	simm.s32 $0x1;
	s5 =	simm.s32 $0x8000;
	s8 =	simm.s32 $0x4  }
.LBB2_1:
0x18: {  	s10 =	rddreg [dreg:$0x0];
	s11 =	simm.s32 $0x10000  }
0x19: {  	[tilespmem:s11], [sflag:$0x5] =	stream.linear.gather [hbm4b:s10+s3], $0x200, $0x38;
	[tilespmem:$0x10E00] =	vst v63  }
0x1a: {  	_ =	swait.ge [sflag:s29], $0x200  }
0x1b: {  	[sflag:s29] =	ssyncset.done $0x0  }
0x1c: {  	[sflag:s29] =	ssyncadd.s32 $0xFFFFFE00  }
0x1d: {  	s11 =	rddreg [dreg:$0x1]  }
0x1e: {  	[tilespmem:s30], [sflag:$0x5] =	stream.linear.gather [hbm4b:s11+s3], $0x200, $0x38;
	[tilespmem:$0x10E00] =	vst v63  }
0x1f: {  	_ =	swait.ge [sflag:s29], $0x200  }
0x20: {  	[sflag:s29] =	ssyncset.done $0x0  }
0x21: {  	s12 =	rddreg [dreg:$0x3];
	[sflag:s29] =	ssyncadd.s32 $0xFFFFFE00  }
0x22: {  	[tilespmem:s31], [sflag:$0x5] =	stream.linear.gather [hbm4b:s12+s3], $0x200, $0x38;
	[tilespmem:$0x10E00] =	vst v63  }
0x23: {  	_ =	swait.ge [sflag:s29], $0x200  }
0x24: {  	[sflag:s29] =	ssyncset.done $0x0  }
0x25: {  	s13 =	rddreg [dreg:$0x4];
	[sflag:s29] =	ssyncadd.s32 $0xFFFFFE00  }
0x26: {  	[tilespmem:s0], [sflag:$0x5] =	stream.linear.gather [hbm4b:s13+s3], $0x200, $0x38;
	[tilespmem:$0x10E00] =	vst v63  }
0x27: {  	_ =	swait.ge [sflag:s29], $0x200  }
0x28: {  	[sflag:s29] =	ssyncset.done $0x0  }
0x29: {  	s11 =	rddreg [dreg:$0x5];
	[sflag:s29] =	ssyncadd.s32 $0xFFFFFE00  }
0x2a: {  	[tilespmem:s4], [sflag:$0x5] =	stream.linear.gather [hbm4b:s11+s3], $0x200, $0x38;
	[tilespmem:$0x10E00] =	vst v63  }
0x2b: {  	_ =	swait.ge [sflag:s29], $0x200  }
0x2c: {  	[sflag:s29] =	ssyncset.done $0x0  }
0x2d: {  	[sflag:s29] =	ssyncadd.s32 $0xFFFFFE00  }
0x2e: {  	[tilespmem:s28], [sflag:$0x5] =	stream.linear.gather [hbm4b:s24+s3], $0x200, $0x38;
	[tilespmem:$0x10E00] =	vst v63  }
0x2f: {  	_ =	swait.ge [sflag:s29], $0x200  }
0x30: {  	[sflag:s29] =	ssyncset.done $0x0  }
0x31: {  	[sflag:s29] =	ssyncadd.s32 $0xFFFFFE00  }
0x32: {  	[tilespmem:s1], [sflag:$0x5] =	stream.linear.gather [hbm4b:s26+s3], $0x200, $0x38;
	[tilespmem:$0x10E00] =	vst v63  }
0x33: {  	_ =	swait.ge [sflag:s29], $0x200  }
0x34: {  	[sflag:s29] =	ssyncset.done $0x0  }
0x35: {  	[sflag:s29] =	ssyncadd.s32 $0xFFFFFE00  }
0x36: {  	v30 =	vld [tilespmem:$0x10040]  }
0x37: {  	v31 =	vld [tilespmem:$0x10080]  }
0x38: {  	v32 =	vld [tilespmem:$0x100C0]  }
0x39: {  	v33 =	vld [tilespmem:$0x10100]  }
0x3a: {  	v34 =	vld [tilespmem:$0x10140]  }
0x3b: {  	v35 =	vld [tilespmem:$0x10180]  }
0x3c: {  	v36 =	vld [tilespmem:$0x101C0]  }
0x3d: {  	v27 =	vld [tilespmem:$0x10050]  }
0x3e: {  	v28 =	vld [tilespmem:$0x10090]  }
0x3f: {  	v26 =	vld [tilespmem:$0x100D0]  }
0x40: {  	v29 =	vld [tilespmem:$0x10110]  }
0x41: {  	v24 =	vld [tilespmem:$0x10150]  }
0x42: {  	v25 =	vld [tilespmem:$0x10190]  }
0x43: {  	v23 =	vld [tilespmem:$0x101D0]  }
0x44: {  	v21 =	vld [tilespmem:$0x10060]  }
0x45: {  	v22 =	vld [tilespmem:$0x100A0]  }
0x46: {  	v19 =	vld [tilespmem:$0x100E0]  }
0x47: {  	v20 =	vld [tilespmem:$0x10120]  }
0x48: {  	v17 =	vld [tilespmem:$0x10160]  }
0x49: {  	v18 =	vld [tilespmem:$0x101A0]  }
0x4a: {  	v16 =	vld [tilespmem:$0x101E0]  }
0x4b: {  	v13 =	vld [tilespmem:$0x10070]  }
0x4c: {  	v14 =	vld [tilespmem:$0x100B0]  }
0x4d: {  	v12 =	vld [tilespmem:$0x100F0]  }
0x4e: {  	v15 =	vld [tilespmem:$0x10130]  }
0x4f: {  	v10 =	vld [tilespmem:$0x10170]  }
0x50: {  	s12 =	rddreg [dreg:$0x6];
	v11 =	vld [tilespmem:$0x101B0]  }
0x51: {  	v9 =	vld [tilespmem:$0x101F0];
	[tilespmem:s3], [sflag:$0x1] =	stream.linear.gather [hbm4b:s12+s3], $0x8000, $0x38  }
0x52: {  	_ =	swait.ge [sflag:s2], $0x8000  }
0x53: {  	[sflag:s2] =	ssyncset.done $0x0  }
0x54: {  	s10 =	simm.s32 $0x0;
	s13 =	rddreg [dreg:$0x7];
	[sflag:s2] =	ssyncadd.s32 $0xFFFF8000  }
0x55: {  	[tilespmem:s5], [sflag:$0x2] =	stream.linear.gather [hbm4b:s13+s3], $0x8000, $0x38;
	[tilespmem:$0x10E00] =	vst v63  }
0x56: {  	v37 =	vld [tilespmem:s10+$0x0];
	_ =	sdelay $0x4  }
0x57: {  	vm0 =	vge.f32 v37, v30;
	vm1 =	vge.f32 v37, v31  }
0x58: {  	vm2 =	vge.f32 v37, v33;
	v38 =	vsel vm0, $0x40, v1;
	v39 =	vsel vm1, v2, v0  }
0x59: {  	vm0 =	vge.f32 v37, v32;
	v40 =	vsel vm2, $0x40, v1;
	v38 =	vadd.s32 v38, v39  }
0x5a: {  	vm1 =	vge.f32 v37, v35;
	v48 =	vsel vm0, $0x40, v1;
	v38 =	vadd.s32 v40, v38  }
0x5b: {  	vm0 =	vge.f32 v37, v34;
	v49 =	vsel vm1, $0x40, v1;
	v38 =	vadd.s32 v48, v38  }
0x5c: {  	vm1 =	vge.f32 v37, v36;
	v50 =	vsel vm0, $0x40, v1;
	v38 =	vadd.s32 v49, v38  }
0x5d: {  	v51 =	vsel vm1, $0x40, v1;
	v38 =	vadd.s32 v50, v38  }
0x5e: {  	v38 =	vadd.s32 v51, v38;
	_ =	sdelay $0x4  }
0x5f: {  	v52 =	vld.idx.msk [tilespmem:v38+s30+$0x0], $0xffff;
	_ =	sdelay $0x1  }
0x60: {  	v40 =	vld.idx.msk [tilespmem:v38+s31+$0x0], $0xffff;
	_ =	sdelay $0x2  }
0x61: {  	v41 =	vmul.f32 v52, v37;
	_ =	sdelay $0x1  }
0x62: {  	v42 =	vld.idx.msk [tilespmem:v38+s1+$0x0], $0xffff;
	v40 =	vadd.f32 v40, v41  }
0x63: {  	v53 =	vld.idx.msk [tilespmem:v38+s4+$0x0], $0xffff  }
0x64: {  	v43 =	vsub.f32 $1.000000000e+00, v40  }
0x65: {  	v44 =	vld.idx.msk [tilespmem:v38+s28+$0x0], $0xffff  }
0x66: {  	v45 =	vmul.f32 v43, v40;
	_ =	sdelay $0x1  }
0x67: {  	v39 =	vmul.f32 v53, v52;
	v42 =	vmul.f32 v42, v45;
	_ =	sdelay $0x1  }
0x68: {  	v54 =	vmul.f32 v39, v40;
	v43 =	vmul.f32 v44, v43;
	v39 =	vadd.f32 v42, v39  }
0x69: {  	v42 =	vld [tilespmem:s10+$0x10]  }
0x6a: {  	v43 =	vadd.f32 v43, v54;
	(erf) = vrcp.f32 v39;
	_ =	sdelay $0x1  }
0x6b: {  	v55 =	vmul.f32 v43, v40;
	_ =	sdelay $0x1  }
0x6c: {  	v39 =	vmul.f32 v55, v53;
	vm0 =	vge.f32 v42, v27;
	vm1 =	vge.f32 v42, v28  }
0x6d: {  	v56 =	vsel vm0, $0x40, v1;
	vm0 =	vge.f32 v42, v29;
	v57 =	vsel vm1, v4, v3  }
0x6e: {  	vm1 =	vge.f32 v42, v26;
	v58 =	vsel vm0, $0x40, v1;
	v40 =	vadd.s32 v56, v57  }
0x6f: {  	v38 =	vld.idx.msk [tilespmem:v38+s0+$0x0], $0xffff;
	v59 =	vsel vm1, $0x40, v1;
	vm0 =	vge.f32 v42, v25;
	v40 =	vadd.s32 v58, v40  }
0x70: {  	vm1 =	vge.f32 v42, v24;
	v60 =	vsel vm0, $0x40, v1;
	v40 =	vadd.s32 v59, v40  }
0x71: {  	v61 =	vsel vm1, $0x40, v1;
	vm0 =	vge.f32 v42, v23;
	v40 =	vadd.s32 v60, v40;
	v62 =	vpop (erf)  }
0x72: {  	v63 =	vsel vm0, $0x40, v1;
	v40 =	vadd.s32 v61, v40;
	v39 =	vmul.f32 v62, v39  }
0x73: {  	v40 =	vadd.s32 v63, v40  }
0x74: {  	v47 =	vand.u32 $0x7FFFFFFF, v37;
	v38 =	vadd.f32 v39, v38  }
0x75: {  	vm0 =	vgt.f32 v47, $3.000000000e+00  }
0x76: {  	v37 =	vsel vm0, v37, v38  }
0x77: {  	[tilespmem:s10+$0x0] =	vst v37  }
0x78: {  	v37 =	vld.idx.msk [tilespmem:v40+s30+$0x0], $0xffff;
	_ =	sdelay $0x1  }
0x79: {  	v48 =	vld.idx.msk [tilespmem:v40+s31+$0x0], $0xffff;
	_ =	sdelay $0x2  }
0x7a: {  	v49 =	vmul.f32 v37, v42;
	_ =	sdelay $0x1  }
0x7b: {  	v50 =	vld.idx.msk [tilespmem:v40+s1+$0x0], $0xffff;
	v38 =	vadd.f32 v48, v49  }
0x7c: {  	v51 =	vld.idx.msk [tilespmem:v40+s4+$0x0], $0xffff  }
0x7d: {  	v52 =	vsub.f32 $1.000000000e+00, v38  }
0x7e: {  	v44 =	vld.idx.msk [tilespmem:v40+s28+$0x0], $0xffff  }
0x7f: {  	v53 =	vmul.f32 v52, v38;
	_ =	sdelay $0x1  }
0x80: {  	v37 =	vmul.f32 v51, v37;
	v41 =	vmul.f32 v50, v53;
	_ =	sdelay $0x1  }
0x81: {  	v54 =	vmul.f32 v37, v38;
	v43 =	vmul.f32 v44, v52;
	v37 =	vadd.f32 v41, v37  }
0x82: {  	v41 =	vld [tilespmem:s10+$0x20]  }
0x83: {  	v43 =	vadd.f32 v43, v54;
	(erf) = vrcp.f32 v37;
	_ =	sdelay $0x1  }
0x84: {  	v55 =	vmul.f32 v43, v38;
	_ =	sdelay $0x1  }
0x85: {  	v37 =	vmul.f32 v55, v51;
	vm0 =	vge.f32 v41, v21;
	vm1 =	vge.f32 v41, v22  }
0x86: {  	v56 =	vsel vm0, $0x40, v1;
	v57 =	vsel vm1, v6, v5;
	vm0 =	vge.f32 v41, v20  }
0x87: {  	vm1 =	vge.f32 v41, v19;
	v38 =	vadd.s32 v56, v57;
	v58 =	vsel vm0, $0x40, v1  }
0x88: {  	v40 =	vld.idx.msk [tilespmem:v40+s0+$0x0], $0xffff;
	v59 =	vsel vm1, $0x40, v1;
	vm0 =	vge.f32 v41, v18;
	v38 =	vadd.s32 v58, v38  }
0x89: {  	vm1 =	vge.f32 v41, v17;
	v60 =	vsel vm0, $0x40, v1;
	v38 =	vadd.s32 v59, v38  }
0x8a: {  	vm0 =	vge.f32 v41, v16;
	v61 =	vsel vm1, $0x40, v1;
	v38 =	vadd.s32 v60, v38;
	v62 =	vpop (erf)  }
0x8b: {  	v63 =	vsel vm0, $0x40, v1;
	v38 =	vadd.s32 v61, v38;
	v37 =	vmul.f32 v62, v37  }
0x8c: {  	v38 =	vadd.s32 v63, v38  }
0x8d: {  	v48 =	vand.u32 $0x7FFFFFFF, v42;
	v37 =	vadd.f32 v37, v40  }
0x8e: {  	vm0 =	vgt.f32 v48, $3.000000000e+00  }
0x8f: {  	v37 =	vsel vm0, v42, v37  }
0x90: {  	[tilespmem:s10+$0x10] =	vst v37  }
0x91: {  	v37 =	vld.idx.msk [tilespmem:v38+s30+$0x0], $0xffff;
	_ =	sdelay $0x1  }
0x92: {  	v49 =	vld.idx.msk [tilespmem:v38+s31+$0x0], $0xffff;
	_ =	sdelay $0x2  }
0x93: {  	v50 =	vmul.f32 v37, v41;
	_ =	sdelay $0x1  }
0x94: {  	v51 =	vld.idx.msk [tilespmem:v38+s4+$0x0], $0xffff;
	v39 =	vadd.f32 v49, v50  }
0x95: {  	v52 =	vld.idx.msk [tilespmem:v38+s1+$0x0], $0xffff  }
0x96: {  	v53 =	vsub.f32 $1.000000000e+00, v39  }
0x97: {  	v44 =	vld.idx.msk [tilespmem:v38+s28+$0x0], $0xffff  }
0x98: {  	v54 =	vmul.f32 v53, v39;
	_ =	sdelay $0x1  }
0x99: {  	v37 =	vmul.f32 v51, v37;
	v40 =	vmul.f32 v52, v54;
	_ =	sdelay $0x1  }
0x9a: {  	v55 =	vmul.f32 v37, v39;
	v43 =	vmul.f32 v44, v53;
	v40 =	vadd.f32 v40, v37  }
0x9b: {  	v37 =	vld [tilespmem:s10+$0x30]  }
0x9c: {  	v43 =	vadd.f32 v43, v55;
	(erf) = vrcp.f32 v40;
	_ =	sdelay $0x1  }
0x9d: {  	v39 =	vmul.f32 v43, v39;
	_ =	sdelay $0x1  }
0x9e: {  	v39 =	vmul.f32 v39, v51;
	vm0 =	vge.f32 v37, v13;
	vm1 =	vge.f32 v37, v14  }
0x9f: {  	vm2 =	vge.f32 v37, v15;
	v56 =	vsel vm0, $0x40, v1;
	v57 =	vsel vm1, v8, v7  }
0xa0: {  	vm0 =	vge.f32 v37, v12;
	v58 =	vsel vm2, $0x40, v1;
	v40 =	vadd.s32 v56, v57  }
0xa1: {  	v38 =	vld.idx.msk [tilespmem:v38+s0+$0x0], $0xffff;
	vm1 =	vge.f32 v37, v11;
	v59 =	vsel vm0, $0x40, v1;
	v40 =	vadd.s32 v58, v40  }
0xa2: {  	vm0 =	vge.f32 v37, v10;
	v60 =	vsel vm1, $0x40, v1;
	v40 =	vadd.s32 v59, v40  }
0xa3: {  	vm1 =	vge.f32 v37, v9;
	v61 =	vsel vm0, $0x40, v1;
	v40 =	vadd.s32 v60, v40;
	v62 =	vpop (erf)  }
0xa4: {  	v63 =	vsel vm1, $0x40, v1;
	v40 =	vadd.s32 v61, v40;
	v39 =	vmul.f32 v62, v39  }
0xa5: {  	v40 =	vadd.s32 v63, v40  }
0xa6: {  	v45 =	vand.u32 $0x7FFFFFFF, v41;
	v38 =	vadd.f32 v39, v38  }
0xa7: {  	vm0 =	vgt.f32 v45, $3.000000000e+00  }
0xa8: {  	v38 =	vsel vm0, v41, v38  }
0xa9: {  	[tilespmem:s10+$0x20] =	vst v38  }
0xaa: {  	v38 =	vld.idx.msk [tilespmem:v40+s30+$0x0], $0xffff;
	_ =	sdelay $0x1  }
0xab: {  	v46 =	vld.idx.msk [tilespmem:v40+s31+$0x0], $0xffff;
	_ =	sdelay $0x2  }
0xac: {  	v47 =	vmul.f32 v38, v37;
	_ =	sdelay $0x1  }
0xad: {  	v48 =	vld.idx.msk [tilespmem:v40+s4+$0x0], $0xffff;
	v39 =	vadd.f32 v46, v47  }
0xae: {  	v49 =	vld.idx.msk [tilespmem:v40+s1+$0x0], $0xffff  }
0xaf: {  	v50 =	vsub.f32 $1.000000000e+00, v39  }
0xb0: {  	v44 =	vld.idx.msk [tilespmem:v40+s28+$0x0], $0xffff  }
0xb1: {  	v51 =	vmul.f32 v50, v39;
	_ =	sdelay $0x1  }
0xb2: {  	v38 =	vmul.f32 v48, v38;
	v41 =	vmul.f32 v49, v51;
	_ =	sdelay $0x1  }
0xb3: {  	s13 =	simm.s32 $0x80;
	v52 =	vmul.f32 v38, v39;
	v43 =	vmul.f32 v44, v50;
	v41 =	vadd.f32 v41, v38  }
0xb4: {  	v38 =	vld [tilespmem:s13+$0x0]  }
0xb5: {  	v43 =	vadd.f32 v43, v52;
	(erf) = vrcp.f32 v41;
	_ =	sdelay $0x1  }
0xb6: {  	v39 =	vmul.f32 v43, v39;
	_ =	sdelay $0x1  }
0xb7: {  	v39 =	vmul.f32 v39, v48;
	vm0 =	vge.f32 v38, v30;
	vm1 =	vge.f32 v38, v31  }
0xb8: {  	vm2 =	vge.f32 v38, v33;
	v54 =	vsel vm0, $0x40, v1;
	v55 =	vsel vm1, v2, v0  }
0xb9: {  	vm0 =	vge.f32 v38, v32;
	v57 =	vsel vm2, $0x40, v1;
	v41 =	vadd.s32 v54, v55  }
0xba: {  	v56 =	vld.idx.msk [tilespmem:v40+s0+$0x0], $0xffff;
	vm1 =	vge.f32 v38, v35;
	v58 =	vsel vm0, $0x40, v1;
	v40 =	vadd.s32 v57, v41  }
0xbb: {  	vm0 =	vge.f32 v38, v34;
	v59 =	vsel vm1, $0x40, v1;
	v40 =	vadd.s32 v58, v40  }
0xbc: {  	vm1 =	vge.f32 v38, v36;
	v61 =	vsel vm0, $0x40, v1;
	v40 =	vadd.s32 v59, v40;
	v60 =	vpop (erf)  }
0xbd: {  	v63 =	vsel vm1, $0x40, v1;
	v40 =	vadd.s32 v61, v40;
	v62 =	vmul.f32 v60, v39  }
0xbe: {  	v53 =	vand.u32 $0x7FFFFFFF, v37;
	v40 =	vadd.s32 v63, v40  }
0xbf: {  	s11 =	simm.s32 $0x400;
	vm0 =	vgt.f32 v53, $3.000000000e+00;
	v39 =	vand.u32 $0x7FFFFFFF, v38;
	v41 =	vadd.f32 v62, v56  }
.LBB2_2:
0xc0: {  	_ = 	snop  }
0xc1: {  	p0 =	sne.s32 s11, $0x1FE00;
	s12 =	smov.u32 s11;
	s11 =	sadd.s32 $0x200, s11;
	v37 =	vsel vm0, v37, v41  }
0xc2: {  	[tilespmem:s10+$0x30] =	vst v37;
	s10 =	smov.u32 s13  }
0xc3: {  	v37 =	vld.idx.msk [tilespmem:v40+s30+$0x0], $0xffff  }
0xc4: {  	v41 =	vld.idx.msk [tilespmem:v40+s31+$0x0], $0xffff;
	_ =	sdelay $0x3  }
0xc5: {  	v42 =	vld.idx.msk [tilespmem:v40+s28+$0x0], $0xffff  }
0xc6: {  	v44 =	vmul.f32 v37, v38;
	v43 =	vld.idx.msk [tilespmem:v40+s1+$0x0], $0xffff  }
0xc7: {  	v45 =	vld.idx.msk [tilespmem:v40+s4+$0x0], $0xffff  }
0xc8: {  	v41 =	vadd.f32 v41, v44;
	_ =	sdelay $0x1  }
0xc9: {  	v44 =	vsub.f32 $1.000000000e+00, v41;
	_ =	sdelay $0x1  }
0xca: {  	v42 =	vmul.f32 v42, v44;
	v44 =	vmul.f32 v44, v41  }
0xcb: {  	v37 =	vmul.f32 v45, v37  }
0xcc: {  	v43 =	vmul.f32 v43, v44  }
0xcd: {  	v44 =	vmul.f32 v37, v41  }
0xce: {  	v37 =	vadd.f32 v43, v37;
	v43 =	vld [tilespmem:s10+$0x10]  }
0xcf: {  	v42 =	vadd.f32 v42, v44  }
0xd0: {  	(erf) = vrcp.f32 v37  }
0xd1: {  	v37 =	vmul.f32 v42, v41;
	_ =	sdelay $0x1  }
0xd2: {  	v37 =	vmul.f32 v37, v45;
	vm0 =	vge.f32 v43, v27;
	vm1 =	vge.f32 v43, v28  }
0xd3: {  	v41 =	vsel vm0, $0x40, v1;
	vm0 =	vge.f32 v43, v29;
	v42 =	vsel vm1, v4, v3  }
0xd4: {  	vm1 =	vge.f32 v43, v26;
	v40 =	vld.idx.msk [tilespmem:v40+s0+$0x0], $0xffff;
	v44 =	vsel vm0, $0x40, v1;
	v41 =	vadd.s32 v41, v42  }
0xd5: {  	v42 =	vsel vm1, $0x40, v1;
	vm0 =	vge.f32 v43, v25;
	v41 =	vadd.s32 v44, v41  }
0xd6: {  	vm1 =	vge.f32 v43, v24;
	v44 =	vsel vm0, $0x40, v1;
	v41 =	vadd.s32 v42, v41  }
0xd7: {  	v45 =	vsel vm1, $0x40, v1;
	vm0 =	vge.f32 v43, v23;
	v41 =	vadd.s32 v44, v41  }
0xd8: {  	v44 =	vsel vm0, $0x40, v1;
	v41 =	vadd.s32 v45, v41;
	v42 =	vpop (erf)  }
0xd9: {  	v37 =	vmul.f32 v42, v37;
	v41 =	vadd.s32 v44, v41;
	v42 =	vand.u32 $0x7FFFFFFF, v43;
	_ =	sdelay $0x1  }
0xda: {  	vm0 =	vgt.f32 v39, $3.000000000e+00;
	v37 =	vadd.f32 v37, v40;
	_ =	sdelay $0x1  }
0xdb: {  	v37 =	vsel vm0, v38, v37  }
0xdc: {  	[tilespmem:s10+$0x0] =	vst v37  }
0xdd: {  	v37 =	vld.idx.msk [tilespmem:v41+s30+$0x0], $0xffff  }
0xde: {  	v38 =	vld.idx.msk [tilespmem:v41+s31+$0x0], $0xffff;
	_ =	sdelay $0x4  }
0xdf: {  	v40 =	vmul.f32 v37, v43;
	v39 =	vld.idx.msk [tilespmem:v41+s1+$0x0], $0xffff  }
0xe0: {  	v44 =	vld.idx.msk [tilespmem:v41+s4+$0x0], $0xffff  }
0xe1: {  	v38 =	vadd.f32 v38, v40  }
0xe2: {  	v40 =	vld.idx.msk [tilespmem:v41+s28+$0x0], $0xffff  }
0xe3: {  	v45 =	vsub.f32 $1.000000000e+00, v38;
	_ =	sdelay $0x1  }
0xe4: {  	v46 =	vmul.f32 v45, v38  }
0xe5: {  	v37 =	vmul.f32 v44, v37  }
0xe6: {  	v39 =	vmul.f32 v39, v46  }
0xe7: {  	v46 =	vmul.f32 v37, v38;
	v40 =	vmul.f32 v40, v45  }
0xe8: {  	v37 =	vadd.f32 v39, v37;
	v39 =	vld [tilespmem:s10+$0x20]  }
0xe9: {  	v40 =	vadd.f32 v40, v46  }
0xea: {  	(erf) = vrcp.f32 v37  }
0xeb: {  	v37 =	vmul.f32 v40, v38;
	_ =	sdelay $0x1  }
0xec: {  	v37 =	vmul.f32 v37, v44;
	vm0 =	vge.f32 v39, v21;
	vm1 =	vge.f32 v39, v22  }
0xed: {  	v38 =	vsel vm0, $0x40, v1;
	vm0 =	vge.f32 v39, v17;
	v40 =	vsel vm1, v6, v5  }
0xee: {  	vm2 =	vge.f32 v39, v20;
	vm1 =	vge.f32 v39, v19;
	v41 =	vld.idx.msk [tilespmem:v41+s0+$0x0], $0xffff;
	v38 =	vadd.s32 v38, v40  }
0xef: {  	v44 =	vsel vm2, $0x40, v1;
	v40 =	vsel vm1, $0x40, v1;
	vm1 =	vge.f32 v39, v18  }
0xf0: {  	v47 =	vsel vm1, $0x40, v1;
	vm1 =	vge.f32 v39, v16;
	v38 =	vadd.s32 v44, v38  }
0xf1: {  	v44 =	vsel vm0, $0x40, v1;
	v38 =	vadd.s32 v40, v38;
	v40 =	vand.u32 $0x7FFFFFFF, v39  }
0xf2: {  	v46 =	vsel vm1, $0x40, v1;
	v38 =	vadd.s32 v47, v38;
	v45 =	vpop (erf)  }
0xf3: {  	v38 =	vadd.s32 v44, v38;
	v37 =	vmul.f32 v45, v37  }
0xf4: {  	v38 =	vadd.s32 v46, v38  }
0xf5: {  	vm0 =	vgt.f32 v42, $3.000000000e+00;
	v37 =	vadd.f32 v37, v41;
	_ =	sdelay $0x1  }
0xf6: {  	v37 =	vsel vm0, v43, v37  }
0xf7: {  	[tilespmem:s10+$0x10] =	vst v37  }
0xf8: {  	v37 =	vld.idx.msk [tilespmem:v38+s30+$0x0], $0xffff  }
0xf9: {  	v41 =	vld.idx.msk [tilespmem:v38+s31+$0x0], $0xffff  }
0xfa: {  	v42 =	vld.idx.msk [tilespmem:v38+s4+$0x0], $0xffff;
	_ =	sdelay $0x3  }
0xfb: {  	v44 =	vmul.f32 v37, v39;
	v43 =	vld.idx.msk [tilespmem:v38+s28+$0x0], $0xffff  }
0xfc: {  	v45 =	vld.idx.msk [tilespmem:v38+s1+$0x0], $0xffff  }
0xfd: {  	v41 =	vadd.f32 v41, v44;
	v37 =	vmul.f32 v42, v37;
	_ =	sdelay $0x1  }
0xfe: {  	v44 =	vsub.f32 $1.000000000e+00, v41;
	v46 =	vmul.f32 v37, v41;
	_ =	sdelay $0x1  }
0xff: {  	v43 =	vmul.f32 v43, v44;
	v44 =	vmul.f32 v44, v41;
	_ =	sdelay $0x1  }
0x100: {  	v43 =	vadd.f32 v43, v46;
	v44 =	vmul.f32 v45, v44;
	_ =	sdelay $0x1  }
0x101: {  	v41 =	vmul.f32 v43, v41;
	v43 =	vadd.f32 v44, v37;
	v37 =	vld [tilespmem:s10+$0x30];
	_ =	sdelay $0x1  }
0x102: {  	v41 =	vmul.f32 v41, v42;
	(erf) = vrcp.f32 v43;
	_ =	sdelay $0x2  }
0x103: {  	vm0 =	vge.f32 v37, v13;
	vm1 =	vge.f32 v37, v14;
	vm2 =	vge.f32 v37, v15  }
0x104: {  	v42 =	vsel vm0, $0x40, v1;
	vm0 =	vge.f32 v37, v12;
	v43 =	vsel vm1, v8, v7  }
0x105: {  	v44 =	vsel vm2, $0x40, v1;
	vm1 =	vge.f32 v37, v11;
	v38 =	vld.idx.msk [tilespmem:v38+s0+$0x0], $0xffff;
	v42 =	vadd.s32 v42, v43  }
0x106: {  	v43 =	vsel vm0, $0x40, v1;
	vm0 =	vge.f32 v37, v10;
	v42 =	vadd.s32 v44, v42  }
0x107: {  	v44 =	vsel vm1, $0x40, v1;
	vm1 =	vge.f32 v37, v9;
	v42 =	vadd.s32 v43, v42  }
0x108: {  	v46 =	vsel vm0, $0x40, v1;
	v42 =	vadd.s32 v44, v42;
	v44 =	vand.u32 $0x7FFFFFFF, v37  }
0x109: {  	v45 =	vsel vm1, $0x40, v1;
	v42 =	vadd.s32 v46, v42;
	v43 =	vpop (erf)  }
0x10a: {  	v41 =	vmul.f32 v43, v41;
	v42 =	vadd.s32 v45, v42;
	_ =	sdelay $0x1  }
0x10b: {  	vm0 =	vgt.f32 v40, $3.000000000e+00;
	v38 =	vadd.f32 v41, v38;
	_ =	sdelay $0x1  }
0x10c: {  	v38 =	vsel vm0, v39, v38  }
0x10d: {  	[tilespmem:s10+$0x20] =	vst v38  }
0x10e: {  	v38 =	vld.idx.msk [tilespmem:v42+s30+$0x0], $0xffff  }
0x10f: {  	v39 =	vld.idx.msk [tilespmem:v42+s31+$0x0], $0xffff  }
0x110: {  	v40 =	vld.idx.msk [tilespmem:v42+s4+$0x0], $0xffff  }
0x111: {  	v41 =	vld.idx.msk [tilespmem:v42+s1+$0x0], $0xffff  }
0x112: {  	v43 =	vld.idx.msk [tilespmem:v42+s28+$0x0], $0xffff  }
0x113: {  	v42 =	vld.idx.msk [tilespmem:v42+s0+$0x0], $0xffff  }
0x114: {  	v45 =	vmul.f32 v38, v37;
	_ =	sdelay $0x1  }
0x115: {  	v39 =	vadd.f32 v39, v45;
	v45 =	vmul.f32 v40, v38;
	_ =	sdelay $0x1  }
0x116: {  	v38 =	vsub.f32 $1.000000000e+00, v39;
	v46 =	vmul.f32 v45, v39;
	_ =	sdelay $0x1  }
0x117: {  	v43 =	vmul.f32 v43, v38;
	v38 =	vmul.f32 v38, v39;
	_ =	sdelay $0x1  }
0x118: {  	v43 =	vadd.f32 v43, v46;
	v41 =	vmul.f32 v41, v38  }
0x119: {  	s13 =	sshra.s32 s12, $0x2  }
0x11a: {  	v39 =	vmul.f32 v43, v39;
	v41 =	vadd.f32 v41, v45;
	v38 =	vld [tilespmem:s13+$0x0];
	_ =	sdelay $0x1  }
0x11b: {  	v43 =	vmul.f32 v39, v40;
	(erf) = vrcp.f32 v41;
	_ =	sdelay $0x2  }
0x11c: {  	vm0 =	vge.f32 v38, v30;
	vm1 =	vge.f32 v38, v31;
	vm2 =	vge.f32 v38, v33  }
0x11d: {  	v39 =	vsel vm0, $0x40, v1;
	vm0 =	vge.f32 v38, v32;
	v40 =	vsel vm1, v2, v0  }
0x11e: {  	v41 =	vsel vm2, $0x40, v1;
	vm1 =	vge.f32 v38, v35;
	v39 =	vadd.s32 v39, v40  }
0x11f: {  	v40 =	vsel vm0, $0x40, v1;
	vm0 =	vge.f32 v38, v34;
	v39 =	vadd.s32 v41, v39  }
0x120: {  	v47 =	vsel vm1, $0x40, v1;
	vm1 =	vge.f32 v38, v36;
	v39 =	vadd.s32 v40, v39  }
.Ltmp0:
0x121: {  	v40 =	vsel vm0, $0x40, v1;
	v46 =	vadd.s32 v47, v39;
	v39 =	vand.u32 $0x7FFFFFFF, v38;
	(pc) =	sbr.rel @p0 .LBB2_2-.Ltmp0, $3  }
0x122: {  	v45 =	vsel vm1, $0x40, v1;
	v40 =	vadd.s32 v40, v46;
	v41 =	vpop (erf)  }
0x123: {  	v40 =	vadd.s32 v45, v40;
	v41 =	vmul.f32 v41, v43;
	_ =	sdelay $0x1  }
0x124: {  	vm0 =	vgt.f32 v44, $3.000000000e+00;
	v41 =	vadd.f32 v41, v42  }
0x125: {  	_ =	sdelay $0x1  }
0x126: {  	v37 =	vsel vm0, v37, v41  }
0x127: {  	[tilespmem:s10+$0x30] =	vst v37  }
0x128: {  	v37 =	vld.idx.msk [tilespmem:v40+s30+$0x0], $0xffff;
	_ =	sdelay $0x1  }
0x129: {  	v61 =	vld.idx.msk [tilespmem:v40+s31+$0x0], $0xffff;
	_ =	sdelay $0x2  }
0x12a: {  	v42 =	vmul.f32 v37, v38;
	_ =	sdelay $0x1  }
0x12b: {  	v43 =	vld.idx.msk [tilespmem:v40+s1+$0x0], $0xffff;
	v41 =	vadd.f32 v61, v42  }
0x12c: {  	v62 =	vld.idx.msk [tilespmem:v40+s4+$0x0], $0xffff  }
0x12d: {  	v44 =	vsub.f32 $1.000000000e+00, v41  }
0x12e: {  	v45 =	vld.idx.msk [tilespmem:v40+s28+$0x0], $0xffff  }
0x12f: {  	v46 =	vmul.f32 v44, v41;
	_ =	sdelay $0x1  }
0x130: {  	v37 =	vmul.f32 v62, v37;
	v43 =	vmul.f32 v43, v46;
	_ =	sdelay $0x1  }
0x131: {  	v63 =	vmul.f32 v37, v41;
	v44 =	vmul.f32 v45, v44;
	v37 =	vadd.f32 v43, v37  }
0x132: {  	v43 =	vld [tilespmem:s13+$0x10]  }
0x133: {  	v44 =	vadd.f32 v44, v63;
	(erf) = vrcp.f32 v37;
	_ =	sdelay $0x1  }
0x134: {  	v48 =	vmul.f32 v44, v41;
	_ =	sdelay $0x1  }
0x135: {  	v37 =	vmul.f32 v48, v62;
	vm0 =	vge.f32 v43, v27;
	vm1 =	vge.f32 v43, v28  }
0x136: {  	v49 =	vsel vm0, $0x40, v1;
	vm0 =	vge.f32 v43, v29;
	v50 =	vsel vm1, v4, v3  }
0x137: {  	vm1 =	vge.f32 v43, v26;
	v51 =	vsel vm0, $0x40, v1;
	v41 =	vadd.s32 v49, v50  }
0x138: {  	v52 =	vld.idx.msk [tilespmem:v40+s0+$0x0], $0xffff;
	v53 =	vsel vm1, $0x40, v1;
	vm0 =	vge.f32 v43, v25;
	v41 =	vadd.s32 v51, v41  }
0x139: {  	vm1 =	vge.f32 v43, v24;
	v54 =	vsel vm0, $0x40, v1;
	v41 =	vadd.s32 v53, v41  }
0x13a: {  	v55 =	vsel vm1, $0x40, v1;
	vm0 =	vge.f32 v43, v23;
	v41 =	vadd.s32 v54, v41;
	v56 =	vpop (erf)  }
0x13b: {  	v57 =	vsel vm0, $0x40, v1;
	v41 =	vadd.s32 v55, v41;
	v37 =	vmul.f32 v56, v37  }
0x13c: {  	v41 =	vadd.s32 v57, v41  }
0x13d: {  	v37 =	vadd.f32 v37, v52  }
0x13e: {  	vm0 =	vgt.f32 v39, $3.000000000e+00  }
0x13f: {  	v37 =	vsel vm0, v38, v37  }
0x140: {  	[tilespmem:s13+$0x0] =	vst v37  }
0x141: {  	v37 =	vld.idx.msk [tilespmem:v41+s30+$0x0], $0xffff;
	_ =	sdelay $0x1  }
0x142: {  	v58 =	vld.idx.msk [tilespmem:v41+s31+$0x0], $0xffff;
	_ =	sdelay $0x2  }
0x143: {  	v59 =	vmul.f32 v37, v43;
	_ =	sdelay $0x1  }
0x144: {  	v60 =	vld.idx.msk [tilespmem:v41+s1+$0x0], $0xffff;
	v38 =	vadd.f32 v58, v59  }
0x145: {  	v61 =	vld.idx.msk [tilespmem:v41+s4+$0x0], $0xffff  }
0x146: {  	v62 =	vsub.f32 $1.000000000e+00, v38  }
0x147: {  	v63 =	vld.idx.msk [tilespmem:v41+s28+$0x0], $0xffff  }
0x148: {  	v48 =	vmul.f32 v62, v38;
	_ =	sdelay $0x1  }
0x149: {  	v37 =	vmul.f32 v61, v37;
	v40 =	vmul.f32 v60, v48;
	_ =	sdelay $0x1  }
0x14a: {  	v49 =	vmul.f32 v37, v38;
	v42 =	vmul.f32 v63, v62;
	v37 =	vadd.f32 v40, v37  }
0x14b: {  	v40 =	vld [tilespmem:s13+$0x20]  }
0x14c: {  	v42 =	vadd.f32 v42, v49;
	(erf) = vrcp.f32 v37;
	_ =	sdelay $0x1  }
0x14d: {  	v50 =	vmul.f32 v42, v38;
	_ =	sdelay $0x1  }
0x14e: {  	v37 =	vmul.f32 v50, v61;
	vm0 =	vge.f32 v40, v21;
	vm1 =	vge.f32 v40, v22  }
0x14f: {  	v51 =	vsel vm0, $0x40, v1;
	v52 =	vsel vm1, v6, v5;
	vm0 =	vge.f32 v40, v20  }
0x150: {  	vm1 =	vge.f32 v40, v19;
	v38 =	vadd.s32 v51, v52;
	v53 =	vsel vm0, $0x40, v1  }
0x151: {  	v41 =	vld.idx.msk [tilespmem:v41+s0+$0x0], $0xffff;
	v54 =	vsel vm1, $0x40, v1;
	vm0 =	vge.f32 v40, v18;
	v38 =	vadd.s32 v53, v38  }
0x152: {  	vm1 =	vge.f32 v40, v17;
	v55 =	vsel vm0, $0x40, v1;
	v38 =	vadd.s32 v54, v38  }
0x153: {  	vm0 =	vge.f32 v40, v16;
	v56 =	vsel vm1, $0x40, v1;
	v38 =	vadd.s32 v55, v38;
	v57 =	vpop (erf)  }
0x154: {  	v58 =	vsel vm0, $0x40, v1;
	v38 =	vadd.s32 v56, v38;
	v37 =	vmul.f32 v57, v37  }
0x155: {  	v38 =	vadd.s32 v58, v38  }
0x156: {  	v59 =	vand.u32 $0x7FFFFFFF, v43;
	v37 =	vadd.f32 v37, v41  }
0x157: {  	vm0 =	vgt.f32 v59, $3.000000000e+00  }
0x158: {  	v37 =	vsel vm0, v43, v37  }
0x159: {  	[tilespmem:s13+$0x10] =	vst v37  }
0x15a: {  	v37 =	vld.idx.msk [tilespmem:v38+s30+$0x0], $0xffff;
	_ =	sdelay $0x1  }
0x15b: {  	v60 =	vld.idx.msk [tilespmem:v38+s31+$0x0], $0xffff;
	_ =	sdelay $0x2  }
0x15c: {  	v61 =	vmul.f32 v37, v40;
	_ =	sdelay $0x1  }
0x15d: {  	v62 =	vld.idx.msk [tilespmem:v38+s4+$0x0], $0xffff;
	v39 =	vadd.f32 v60, v61  }
0x15e: {  	v63 =	vld.idx.msk [tilespmem:v38+s1+$0x0], $0xffff  }
0x15f: {  	v48 =	vsub.f32 $1.000000000e+00, v39  }
0x160: {  	v44 =	vld.idx.msk [tilespmem:v38+s28+$0x0], $0xffff  }
0x161: {  	v49 =	vmul.f32 v48, v39;
	_ =	sdelay $0x1  }
0x162: {  	v37 =	vmul.f32 v62, v37;
	v41 =	vmul.f32 v63, v49;
	_ =	sdelay $0x1  }
0x163: {  	v50 =	vmul.f32 v37, v39;
	v43 =	vmul.f32 v44, v48;
	v37 =	vadd.f32 v41, v37  }
0x164: {  	v41 =	vld [tilespmem:s13+$0x30]  }
0x165: {  	v43 =	vadd.f32 v43, v50;
	(erf) = vrcp.f32 v37;
	_ =	sdelay $0x1  }
0x166: {  	v51 =	vmul.f32 v43, v39;
	_ =	sdelay $0x1  }
0x167: {  	v37 =	vmul.f32 v51, v62;
	vm0 =	vge.f32 v41, v13;
	vm1 =	vge.f32 v41, v14  }
0x168: {  	vm2 =	vge.f32 v41, v15;
	v52 =	vsel vm0, $0x40, v1;
	v53 =	vsel vm1, v8, v7  }
0x169: {  	vm0 =	vge.f32 v41, v12;
	v54 =	vsel vm2, $0x40, v1;
	v39 =	vadd.s32 v52, v53  }
0x16a: {  	v38 =	vld.idx.msk [tilespmem:v38+s0+$0x0], $0xffff;
	vm1 =	vge.f32 v41, v11;
	v55 =	vsel vm0, $0x40, v1;
	v39 =	vadd.s32 v54, v39  }
0x16b: {  	vm0 =	vge.f32 v41, v10;
	v56 =	vsel vm1, $0x40, v1;
	v39 =	vadd.s32 v55, v39  }
0x16c: {  	vm1 =	vge.f32 v41, v9;
	v57 =	vsel vm0, $0x40, v1;
	v39 =	vadd.s32 v56, v39;
	v58 =	vpop (erf)  }
0x16d: {  	v59 =	vsel vm1, $0x40, v1;
	v39 =	vadd.s32 v57, v39;
	v37 =	vmul.f32 v58, v37  }
0x16e: {  	v39 =	vadd.s32 v59, v39  }
0x16f: {  	v60 =	vand.u32 $0x7FFFFFFF, v40;
	v37 =	vadd.f32 v37, v38  }
0x170: {  	vm0 =	vgt.f32 v60, $3.000000000e+00  }
0x171: {  	v37 =	vsel vm0, v40, v37  }
0x172: {  	[tilespmem:s13+$0x20] =	vst v37  }
0x173: {  	v37 =	vld.idx.msk [tilespmem:v39+s30+$0x0], $0xffff;
	_ =	sdelay $0x1  }
0x174: {  	v61 =	vld.idx.msk [tilespmem:v39+s31+$0x0], $0xffff;
	_ =	sdelay $0x2  }
0x175: {  	v62 =	vmul.f32 v37, v41;
	_ =	sdelay $0x1  }
0x176: {  	v63 =	vld.idx.msk [tilespmem:v39+s4+$0x0], $0xffff;
	v38 =	vadd.f32 v61, v62  }
0x177: {  	v48 =	vld.idx.msk [tilespmem:v39+s1+$0x0], $0xffff  }
0x178: {  	v49 =	vsub.f32 $1.000000000e+00, v38;
	_ =	sdelay $0x1  }
0x179: {  	v50 =	vmul.f32 v49, v38;
	_ =	sdelay $0x1  }
0x17a: {  	v37 =	vmul.f32 v63, v37;
	v40 =	vmul.f32 v48, v50  }
0x17b: {  	v51 =	vld.idx.msk [tilespmem:v39+s28+$0x0], $0xffff  }
0x17c: {  	v40 =	vadd.f32 v40, v37;
	_ =	sdelay $0x1  }
0x17d: {  	(erf) = vrcp.f32 v40;
	_ =	sdelay $0x1  }
0x17e: {  	v52 =	vmul.f32 v51, v49;
	v37 =	vmul.f32 v37, v38;
	_ =	sdelay $0x1  }
0x17f: {  	v37 =	vadd.f32 v52, v37;
	_ =	sdelay $0x1  }
0x180: {  	v37 =	vmul.f32 v37, v38  }
0x181: {  	v53 =	vld.idx.msk [tilespmem:v39+s0+$0x0], $0xffff  }
0x182: {  	v37 =	vmul.f32 v37, v63  }
0x183: {  	v54 =	vpop (erf)  }
0x184: {  	v37 =	vmul.f32 v54, v37;
	_ =	sdelay $0x1  }
0x185: {  	v55 =	vand.u32 $0x7FFFFFFF, v41;
	v37 =	vadd.f32 v37, v53  }
0x186: {  	vm0 =	vgt.f32 v55, $3.000000000e+00  }
0x187: {  	v37 =	vsel vm0, v41, v37  }
0x188: {  	s12 =	simm.s32 $0x0;
	s11 =	rddreg [dreg:$0x8];
	[tilespmem:s13+$0x30] =	vst v37  }
0x189: {  	[hbm4b:s11+s12] =	stream.linear.scatter [tilespmem:s12], [sflag:$0x3], $0x8000, $0x38;
	[tilespmem:$0x10E00] =	vst v63  }
0x18a: {  	_ =	swait.ge [sflag:s6], $0x8000  }
0x18b: {  	[sflag:s6] =	ssyncset.done $0x0  }
0x18c: {  	[sflag:s6] =	ssyncadd.s32 $0xFFFF8000  }
0x18d: {  	_ =	swait.ge [sflag:s7], $0x8000  }
0x18e: {  	[sflag:s7] =	ssyncset.done $0x0  }
0x18f: {  	s10 =	simm.s32 $0x0;
	s13 =	rddreg [dreg:$0x9];
	[sflag:s7] =	ssyncadd.s32 $0xFFFF8000  }
0x190: {  	[tilespmem:s12], [sflag:$0x1] =	stream.linear.gather [hbm4b:s13+s12], $0x8000, $0x38;
	[tilespmem:$0x10E00] =	vst v63  }
0x191: {  	v37 =	vld [tilespmem:s10+$0x8000];
	_ =	sdelay $0x4  }
0x192: {  	vm0 =	vge.f32 v37, v30;
	vm1 =	vge.f32 v37, v31  }
0x193: {  	vm2 =	vge.f32 v37, v33;
	v56 =	vsel vm0, $0x40, v1;
	v57 =	vsel vm1, v2, v0  }
0x194: {  	vm0 =	vge.f32 v37, v32;
	v58 =	vsel vm2, $0x40, v1;
	v38 =	vadd.s32 v56, v57  }
0x195: {  	vm1 =	vge.f32 v37, v35;
	v59 =	vsel vm0, $0x40, v1;
	v38 =	vadd.s32 v58, v38  }
0x196: {  	vm0 =	vge.f32 v37, v34;
	v60 =	vsel vm1, $0x40, v1;
	v38 =	vadd.s32 v59, v38  }
0x197: {  	vm1 =	vge.f32 v37, v36;
	v61 =	vsel vm0, $0x40, v1;
	v38 =	vadd.s32 v60, v38  }
0x198: {  	v62 =	vsel vm1, $0x40, v1;
	v38 =	vadd.s32 v61, v38  }
0x199: {  	v38 =	vadd.s32 v62, v38;
	_ =	sdelay $0x4  }
0x19a: {  	v63 =	vld.idx.msk [tilespmem:v38+s30+$0x0], $0xffff;
	_ =	sdelay $0x1  }
0x19b: {  	v40 =	vld.idx.msk [tilespmem:v38+s31+$0x0], $0xffff;
	_ =	sdelay $0x2  }
0x19c: {  	v48 =	vmul.f32 v63, v37;
	_ =	sdelay $0x1  }
0x19d: {  	v49 =	vld.idx.msk [tilespmem:v38+s1+$0x0], $0xffff;
	v40 =	vadd.f32 v40, v48  }
0x19e: {  	v50 =	vld.idx.msk [tilespmem:v38+s4+$0x0], $0xffff  }
0x19f: {  	v51 =	vsub.f32 $1.000000000e+00, v40  }
0x1a0: {  	v52 =	vld.idx.msk [tilespmem:v38+s28+$0x0], $0xffff  }
0x1a1: {  	v53 =	vmul.f32 v51, v40;
	_ =	sdelay $0x1  }
0x1a2: {  	v39 =	vmul.f32 v50, v63;
	v42 =	vmul.f32 v49, v53;
	_ =	sdelay $0x1  }
0x1a3: {  	v54 =	vmul.f32 v39, v40;
	v43 =	vmul.f32 v52, v51;
	v39 =	vadd.f32 v42, v39  }
0x1a4: {  	v42 =	vld [tilespmem:s10+$0x8010]  }
0x1a5: {  	v43 =	vadd.f32 v43, v54;
	(erf) = vrcp.f32 v39;
	_ =	sdelay $0x1  }
0x1a6: {  	v55 =	vmul.f32 v43, v40;
	_ =	sdelay $0x1  }
0x1a7: {  	v39 =	vmul.f32 v55, v50;
	vm0 =	vge.f32 v42, v27;
	vm1 =	vge.f32 v42, v28  }
0x1a8: {  	v56 =	vsel vm0, $0x40, v1;
	vm0 =	vge.f32 v42, v29;
	v57 =	vsel vm1, v4, v3  }
0x1a9: {  	vm1 =	vge.f32 v42, v26;
	v58 =	vsel vm0, $0x40, v1;
	v40 =	vadd.s32 v56, v57  }
0x1aa: {  	v38 =	vld.idx.msk [tilespmem:v38+s0+$0x0], $0xffff;
	v59 =	vsel vm1, $0x40, v1;
	vm0 =	vge.f32 v42, v25;
	v40 =	vadd.s32 v58, v40  }
0x1ab: {  	vm1 =	vge.f32 v42, v24;
	v60 =	vsel vm0, $0x40, v1;
	v40 =	vadd.s32 v59, v40  }
0x1ac: {  	v61 =	vsel vm1, $0x40, v1;
	vm0 =	vge.f32 v42, v23;
	v40 =	vadd.s32 v60, v40;
	v62 =	vpop (erf)  }
0x1ad: {  	v63 =	vsel vm0, $0x40, v1;
	v40 =	vadd.s32 v61, v40;
	v39 =	vmul.f32 v62, v39  }
0x1ae: {  	v40 =	vadd.s32 v63, v40  }
0x1af: {  	v47 =	vand.u32 $0x7FFFFFFF, v37;
	v38 =	vadd.f32 v39, v38  }
0x1b0: {  	vm0 =	vgt.f32 v47, $3.000000000e+00  }
0x1b1: {  	v37 =	vsel vm0, v37, v38  }
0x1b2: {  	[tilespmem:s10+$0x8000] =	vst v37  }
0x1b3: {  	v37 =	vld.idx.msk [tilespmem:v40+s30+$0x0], $0xffff;
	_ =	sdelay $0x1  }
0x1b4: {  	v48 =	vld.idx.msk [tilespmem:v40+s31+$0x0], $0xffff;
	_ =	sdelay $0x2  }
0x1b5: {  	v49 =	vmul.f32 v37, v42;
	_ =	sdelay $0x1  }
0x1b6: {  	v50 =	vld.idx.msk [tilespmem:v40+s1+$0x0], $0xffff;
	v38 =	vadd.f32 v48, v49  }
0x1b7: {  	v51 =	vld.idx.msk [tilespmem:v40+s4+$0x0], $0xffff  }
0x1b8: {  	v52 =	vsub.f32 $1.000000000e+00, v38  }
0x1b9: {  	v44 =	vld.idx.msk [tilespmem:v40+s28+$0x0], $0xffff  }
0x1ba: {  	v53 =	vmul.f32 v52, v38;
	_ =	sdelay $0x1  }
0x1bb: {  	v37 =	vmul.f32 v51, v37;
	v41 =	vmul.f32 v50, v53;
	_ =	sdelay $0x1  }
0x1bc: {  	v54 =	vmul.f32 v37, v38;
	v43 =	vmul.f32 v44, v52;
	v37 =	vadd.f32 v41, v37  }
0x1bd: {  	v41 =	vld [tilespmem:s10+$0x8020]  }
0x1be: {  	v43 =	vadd.f32 v43, v54;
	(erf) = vrcp.f32 v37;
	_ =	sdelay $0x1  }
0x1bf: {  	v55 =	vmul.f32 v43, v38;
	_ =	sdelay $0x1  }
0x1c0: {  	v37 =	vmul.f32 v55, v51;
	vm0 =	vge.f32 v41, v21;
	vm1 =	vge.f32 v41, v22  }
0x1c1: {  	v56 =	vsel vm0, $0x40, v1;
	v57 =	vsel vm1, v6, v5;
	vm0 =	vge.f32 v41, v20  }
0x1c2: {  	vm1 =	vge.f32 v41, v19;
	v38 =	vadd.s32 v56, v57;
	v58 =	vsel vm0, $0x40, v1  }
0x1c3: {  	v40 =	vld.idx.msk [tilespmem:v40+s0+$0x0], $0xffff;
	v59 =	vsel vm1, $0x40, v1;
	vm0 =	vge.f32 v41, v18;
	v38 =	vadd.s32 v58, v38  }
0x1c4: {  	vm1 =	vge.f32 v41, v17;
	v60 =	vsel vm0, $0x40, v1;
	v38 =	vadd.s32 v59, v38  }
0x1c5: {  	vm0 =	vge.f32 v41, v16;
	v61 =	vsel vm1, $0x40, v1;
	v38 =	vadd.s32 v60, v38;
	v62 =	vpop (erf)  }
0x1c6: {  	v63 =	vsel vm0, $0x40, v1;
	v38 =	vadd.s32 v61, v38;
	v37 =	vmul.f32 v62, v37  }
0x1c7: {  	v38 =	vadd.s32 v63, v38  }
0x1c8: {  	v48 =	vand.u32 $0x7FFFFFFF, v42;
	v37 =	vadd.f32 v37, v40  }
0x1c9: {  	vm0 =	vgt.f32 v48, $3.000000000e+00  }
0x1ca: {  	v37 =	vsel vm0, v42, v37  }
0x1cb: {  	[tilespmem:s10+$0x8010] =	vst v37  }
0x1cc: {  	v37 =	vld.idx.msk [tilespmem:v38+s30+$0x0], $0xffff;
	_ =	sdelay $0x1  }
0x1cd: {  	v49 =	vld.idx.msk [tilespmem:v38+s31+$0x0], $0xffff;
	_ =	sdelay $0x2  }
0x1ce: {  	v50 =	vmul.f32 v37, v41;
	_ =	sdelay $0x1  }
0x1cf: {  	v51 =	vld.idx.msk [tilespmem:v38+s4+$0x0], $0xffff;
	v39 =	vadd.f32 v49, v50  }
0x1d0: {  	v52 =	vld.idx.msk [tilespmem:v38+s1+$0x0], $0xffff  }
0x1d1: {  	v53 =	vsub.f32 $1.000000000e+00, v39  }
0x1d2: {  	v44 =	vld.idx.msk [tilespmem:v38+s28+$0x0], $0xffff  }
0x1d3: {  	v54 =	vmul.f32 v53, v39;
	_ =	sdelay $0x1  }
0x1d4: {  	v37 =	vmul.f32 v51, v37;
	v40 =	vmul.f32 v52, v54;
	_ =	sdelay $0x1  }
0x1d5: {  	v55 =	vmul.f32 v37, v39;
	v43 =	vmul.f32 v44, v53;
	v40 =	vadd.f32 v40, v37  }
0x1d6: {  	v37 =	vld [tilespmem:s10+$0x8030]  }
0x1d7: {  	v43 =	vadd.f32 v43, v55;
	(erf) = vrcp.f32 v40;
	_ =	sdelay $0x1  }
0x1d8: {  	v39 =	vmul.f32 v43, v39;
	_ =	sdelay $0x1  }
0x1d9: {  	v39 =	vmul.f32 v39, v51;
	vm0 =	vge.f32 v37, v13;
	vm1 =	vge.f32 v37, v14  }
0x1da: {  	vm2 =	vge.f32 v37, v15;
	v56 =	vsel vm0, $0x40, v1;
	v57 =	vsel vm1, v8, v7  }
0x1db: {  	vm0 =	vge.f32 v37, v12;
	v58 =	vsel vm2, $0x40, v1;
	v40 =	vadd.s32 v56, v57  }
0x1dc: {  	v38 =	vld.idx.msk [tilespmem:v38+s0+$0x0], $0xffff;
	vm1 =	vge.f32 v37, v11;
	v59 =	vsel vm0, $0x40, v1;
	v40 =	vadd.s32 v58, v40  }
0x1dd: {  	vm0 =	vge.f32 v37, v10;
	v60 =	vsel vm1, $0x40, v1;
	v40 =	vadd.s32 v59, v40  }
0x1de: {  	vm1 =	vge.f32 v37, v9;
	v61 =	vsel vm0, $0x40, v1;
	v40 =	vadd.s32 v60, v40;
	v62 =	vpop (erf)  }
0x1df: {  	v63 =	vsel vm1, $0x40, v1;
	v40 =	vadd.s32 v61, v40;
	v39 =	vmul.f32 v62, v39  }
0x1e0: {  	v40 =	vadd.s32 v63, v40  }
0x1e1: {  	v45 =	vand.u32 $0x7FFFFFFF, v41;
	v38 =	vadd.f32 v39, v38  }
0x1e2: {  	vm0 =	vgt.f32 v45, $3.000000000e+00  }
0x1e3: {  	v38 =	vsel vm0, v41, v38  }
0x1e4: {  	[tilespmem:s10+$0x8020] =	vst v38  }
0x1e5: {  	v38 =	vld.idx.msk [tilespmem:v40+s30+$0x0], $0xffff;
	_ =	sdelay $0x1  }
0x1e6: {  	v46 =	vld.idx.msk [tilespmem:v40+s31+$0x0], $0xffff;
	_ =	sdelay $0x2  }
0x1e7: {  	v47 =	vmul.f32 v38, v37;
	_ =	sdelay $0x1  }
0x1e8: {  	v48 =	vld.idx.msk [tilespmem:v40+s4+$0x0], $0xffff;
	v39 =	vadd.f32 v46, v47  }
0x1e9: {  	v49 =	vld.idx.msk [tilespmem:v40+s1+$0x0], $0xffff  }
0x1ea: {  	v50 =	vsub.f32 $1.000000000e+00, v39  }
0x1eb: {  	v44 =	vld.idx.msk [tilespmem:v40+s28+$0x0], $0xffff  }
0x1ec: {  	v51 =	vmul.f32 v50, v39;
	_ =	sdelay $0x1  }
0x1ed: {  	v38 =	vmul.f32 v48, v38;
	v41 =	vmul.f32 v49, v51;
	_ =	sdelay $0x1  }
0x1ee: {  	s13 =	simm.s32 $0x80;
	v52 =	vmul.f32 v38, v39;
	v43 =	vmul.f32 v44, v50;
	v41 =	vadd.f32 v41, v38  }
0x1ef: {  	v38 =	vld [tilespmem:s13+$0x8000]  }
0x1f0: {  	v43 =	vadd.f32 v43, v52;
	(erf) = vrcp.f32 v41;
	_ =	sdelay $0x1  }
0x1f1: {  	v39 =	vmul.f32 v43, v39;
	_ =	sdelay $0x1  }
0x1f2: {  	v39 =	vmul.f32 v39, v48;
	vm0 =	vge.f32 v38, v30;
	vm1 =	vge.f32 v38, v31  }
0x1f3: {  	vm2 =	vge.f32 v38, v33;
	v54 =	vsel vm0, $0x40, v1;
	v55 =	vsel vm1, v2, v0  }
0x1f4: {  	vm0 =	vge.f32 v38, v32;
	v57 =	vsel vm2, $0x40, v1;
	v41 =	vadd.s32 v54, v55  }
0x1f5: {  	v56 =	vld.idx.msk [tilespmem:v40+s0+$0x0], $0xffff;
	vm1 =	vge.f32 v38, v35;
	v58 =	vsel vm0, $0x40, v1;
	v40 =	vadd.s32 v57, v41  }
0x1f6: {  	vm0 =	vge.f32 v38, v34;
	v59 =	vsel vm1, $0x40, v1;
	v40 =	vadd.s32 v58, v40  }
0x1f7: {  	vm1 =	vge.f32 v38, v36;
	v61 =	vsel vm0, $0x40, v1;
	v40 =	vadd.s32 v59, v40;
	v60 =	vpop (erf)  }
0x1f8: {  	v63 =	vsel vm1, $0x40, v1;
	v40 =	vadd.s32 v61, v40;
	v62 =	vmul.f32 v60, v39  }
0x1f9: {  	v53 =	vand.u32 $0x7FFFFFFF, v37;
	v40 =	vadd.s32 v63, v40  }
0x1fa: {  	s11 =	simm.s32 $0x400;
	vm0 =	vgt.f32 v53, $3.000000000e+00;
	v39 =	vand.u32 $0x7FFFFFFF, v38;
	v41 =	vadd.f32 v62, v56  }
.LBB2_4:
0x1fb: {  	_ = 	snop  }
0x1fc: {  	p0 =	sne.s32 s11, $0x1FE00;
	s12 =	smov.u32 s11;
	s11 =	sadd.s32 $0x200, s11;
	v37 =	vsel vm0, v37, v41  }
0x1fd: {  	[tilespmem:s10+$0x8030] =	vst v37;
	s10 =	smov.u32 s13  }
0x1fe: {  	v37 =	vld.idx.msk [tilespmem:v40+s30+$0x0], $0xffff  }
0x1ff: {  	v41 =	vld.idx.msk [tilespmem:v40+s31+$0x0], $0xffff;
	_ =	sdelay $0x3  }
0x200: {  	v42 =	vld.idx.msk [tilespmem:v40+s28+$0x0], $0xffff  }
0x201: {  	v44 =	vmul.f32 v37, v38;
	v43 =	vld.idx.msk [tilespmem:v40+s1+$0x0], $0xffff  }
0x202: {  	v45 =	vld.idx.msk [tilespmem:v40+s4+$0x0], $0xffff  }
0x203: {  	v41 =	vadd.f32 v41, v44;
	_ =	sdelay $0x1  }
0x204: {  	v44 =	vsub.f32 $1.000000000e+00, v41;
	_ =	sdelay $0x1  }
0x205: {  	v42 =	vmul.f32 v42, v44;
	v44 =	vmul.f32 v44, v41  }
0x206: {  	v37 =	vmul.f32 v45, v37  }
0x207: {  	v43 =	vmul.f32 v43, v44  }
0x208: {  	v44 =	vmul.f32 v37, v41  }
0x209: {  	v37 =	vadd.f32 v43, v37;
	v43 =	vld [tilespmem:s10+$0x8010]  }
0x20a: {  	v42 =	vadd.f32 v42, v44  }
0x20b: {  	(erf) = vrcp.f32 v37  }
0x20c: {  	v37 =	vmul.f32 v42, v41;
	_ =	sdelay $0x1  }
0x20d: {  	v37 =	vmul.f32 v37, v45;
	vm0 =	vge.f32 v43, v27;
	vm1 =	vge.f32 v43, v28  }
0x20e: {  	v41 =	vsel vm0, $0x40, v1;
	vm0 =	vge.f32 v43, v29;
	v42 =	vsel vm1, v4, v3  }
0x20f: {  	vm1 =	vge.f32 v43, v26;
	v40 =	vld.idx.msk [tilespmem:v40+s0+$0x0], $0xffff;
	v44 =	vsel vm0, $0x40, v1;
	v41 =	vadd.s32 v41, v42  }
0x210: {  	v42 =	vsel vm1, $0x40, v1;
	vm0 =	vge.f32 v43, v25;
	v41 =	vadd.s32 v44, v41  }
0x211: {  	vm1 =	vge.f32 v43, v24;
	v44 =	vsel vm0, $0x40, v1;
	v41 =	vadd.s32 v42, v41  }
0x212: {  	v45 =	vsel vm1, $0x40, v1;
	vm0 =	vge.f32 v43, v23;
	v41 =	vadd.s32 v44, v41  }
0x213: {  	v44 =	vsel vm0, $0x40, v1;
	v41 =	vadd.s32 v45, v41;
	v42 =	vpop (erf)  }
0x214: {  	v37 =	vmul.f32 v42, v37;
	v41 =	vadd.s32 v44, v41;
	v42 =	vand.u32 $0x7FFFFFFF, v43;
	_ =	sdelay $0x1  }
0x215: {  	vm0 =	vgt.f32 v39, $3.000000000e+00;
	v37 =	vadd.f32 v37, v40;
	_ =	sdelay $0x1  }
0x216: {  	v37 =	vsel vm0, v38, v37  }
0x217: {  	[tilespmem:s10+$0x8000] =	vst v37  }
0x218: {  	v37 =	vld.idx.msk [tilespmem:v41+s30+$0x0], $0xffff  }
0x219: {  	v38 =	vld.idx.msk [tilespmem:v41+s31+$0x0], $0xffff;
	_ =	sdelay $0x4  }
0x21a: {  	v40 =	vmul.f32 v37, v43;
	v39 =	vld.idx.msk [tilespmem:v41+s1+$0x0], $0xffff  }
0x21b: {  	v44 =	vld.idx.msk [tilespmem:v41+s4+$0x0], $0xffff  }
0x21c: {  	v38 =	vadd.f32 v38, v40  }
0x21d: {  	v40 =	vld.idx.msk [tilespmem:v41+s28+$0x0], $0xffff  }
0x21e: {  	v45 =	vsub.f32 $1.000000000e+00, v38;
	_ =	sdelay $0x1  }
0x21f: {  	v46 =	vmul.f32 v45, v38  }
0x220: {  	v37 =	vmul.f32 v44, v37  }
0x221: {  	v39 =	vmul.f32 v39, v46  }
0x222: {  	v46 =	vmul.f32 v37, v38;
	v40 =	vmul.f32 v40, v45  }
0x223: {  	v37 =	vadd.f32 v39, v37;
	v39 =	vld [tilespmem:s10+$0x8020]  }
0x224: {  	v40 =	vadd.f32 v40, v46  }
0x225: {  	(erf) = vrcp.f32 v37  }
0x226: {  	v37 =	vmul.f32 v40, v38;
	_ =	sdelay $0x1  }
0x227: {  	v37 =	vmul.f32 v37, v44;
	vm0 =	vge.f32 v39, v21;
	vm1 =	vge.f32 v39, v22  }
0x228: {  	v38 =	vsel vm0, $0x40, v1;
	vm0 =	vge.f32 v39, v17;
	v40 =	vsel vm1, v6, v5  }
0x229: {  	vm2 =	vge.f32 v39, v20;
	vm1 =	vge.f32 v39, v19;
	v41 =	vld.idx.msk [tilespmem:v41+s0+$0x0], $0xffff;
	v38 =	vadd.s32 v38, v40  }
0x22a: {  	v44 =	vsel vm2, $0x40, v1;
	v40 =	vsel vm1, $0x40, v1;
	vm1 =	vge.f32 v39, v18  }
0x22b: {  	v47 =	vsel vm1, $0x40, v1;
	vm1 =	vge.f32 v39, v16;
	v38 =	vadd.s32 v44, v38  }
0x22c: {  	v44 =	vsel vm0, $0x40, v1;
	v38 =	vadd.s32 v40, v38;
	v40 =	vand.u32 $0x7FFFFFFF, v39  }
0x22d: {  	v46 =	vsel vm1, $0x40, v1;
	v38 =	vadd.s32 v47, v38;
	v45 =	vpop (erf)  }
0x22e: {  	v38 =	vadd.s32 v44, v38;
	v37 =	vmul.f32 v45, v37  }
0x22f: {  	v38 =	vadd.s32 v46, v38  }
0x230: {  	vm0 =	vgt.f32 v42, $3.000000000e+00;
	v37 =	vadd.f32 v37, v41;
	_ =	sdelay $0x1  }
0x231: {  	v37 =	vsel vm0, v43, v37  }
0x232: {  	[tilespmem:s10+$0x8010] =	vst v37  }
0x233: {  	v37 =	vld.idx.msk [tilespmem:v38+s30+$0x0], $0xffff  }
0x234: {  	v41 =	vld.idx.msk [tilespmem:v38+s31+$0x0], $0xffff  }
0x235: {  	v42 =	vld.idx.msk [tilespmem:v38+s4+$0x0], $0xffff;
	_ =	sdelay $0x3  }
0x236: {  	v44 =	vmul.f32 v37, v39;
	v43 =	vld.idx.msk [tilespmem:v38+s28+$0x0], $0xffff  }
0x237: {  	v45 =	vld.idx.msk [tilespmem:v38+s1+$0x0], $0xffff  }
0x238: {  	v41 =	vadd.f32 v41, v44;
	v37 =	vmul.f32 v42, v37;
	_ =	sdelay $0x1  }
0x239: {  	v44 =	vsub.f32 $1.000000000e+00, v41;
	v46 =	vmul.f32 v37, v41;
	_ =	sdelay $0x1  }
0x23a: {  	v43 =	vmul.f32 v43, v44;
	v44 =	vmul.f32 v44, v41;
	_ =	sdelay $0x1  }
0x23b: {  	v43 =	vadd.f32 v43, v46;
	v44 =	vmul.f32 v45, v44;
	_ =	sdelay $0x1  }
0x23c: {  	v41 =	vmul.f32 v43, v41;
	v43 =	vadd.f32 v44, v37;
	v37 =	vld [tilespmem:s10+$0x8030];
	_ =	sdelay $0x1  }
0x23d: {  	v41 =	vmul.f32 v41, v42;
	(erf) = vrcp.f32 v43;
	_ =	sdelay $0x2  }
0x23e: {  	vm0 =	vge.f32 v37, v13;
	vm1 =	vge.f32 v37, v14;
	vm2 =	vge.f32 v37, v15  }
0x23f: {  	v42 =	vsel vm0, $0x40, v1;
	vm0 =	vge.f32 v37, v12;
	v43 =	vsel vm1, v8, v7  }
0x240: {  	v44 =	vsel vm2, $0x40, v1;
	vm1 =	vge.f32 v37, v11;
	v38 =	vld.idx.msk [tilespmem:v38+s0+$0x0], $0xffff;
	v42 =	vadd.s32 v42, v43  }
0x241: {  	v43 =	vsel vm0, $0x40, v1;
	vm0 =	vge.f32 v37, v10;
	v42 =	vadd.s32 v44, v42  }
0x242: {  	v44 =	vsel vm1, $0x40, v1;
	vm1 =	vge.f32 v37, v9;
	v42 =	vadd.s32 v43, v42  }
0x243: {  	v46 =	vsel vm0, $0x40, v1;
	v42 =	vadd.s32 v44, v42;
	v44 =	vand.u32 $0x7FFFFFFF, v37  }
0x244: {  	v45 =	vsel vm1, $0x40, v1;
	v42 =	vadd.s32 v46, v42;
	v43 =	vpop (erf)  }
0x245: {  	v41 =	vmul.f32 v43, v41;
	v42 =	vadd.s32 v45, v42;
	_ =	sdelay $0x1  }
0x246: {  	vm0 =	vgt.f32 v40, $3.000000000e+00;
	v38 =	vadd.f32 v41, v38;
	_ =	sdelay $0x1  }
0x247: {  	v38 =	vsel vm0, v39, v38  }
0x248: {  	[tilespmem:s10+$0x8020] =	vst v38  }
0x249: {  	v38 =	vld.idx.msk [tilespmem:v42+s30+$0x0], $0xffff  }
0x24a: {  	v39 =	vld.idx.msk [tilespmem:v42+s31+$0x0], $0xffff  }
0x24b: {  	v40 =	vld.idx.msk [tilespmem:v42+s4+$0x0], $0xffff  }
0x24c: {  	v41 =	vld.idx.msk [tilespmem:v42+s1+$0x0], $0xffff  }
0x24d: {  	v43 =	vld.idx.msk [tilespmem:v42+s28+$0x0], $0xffff  }
0x24e: {  	v42 =	vld.idx.msk [tilespmem:v42+s0+$0x0], $0xffff  }
0x24f: {  	v45 =	vmul.f32 v38, v37;
	_ =	sdelay $0x1  }
0x250: {  	v39 =	vadd.f32 v39, v45;
	v45 =	vmul.f32 v40, v38;
	_ =	sdelay $0x1  }
0x251: {  	v38 =	vsub.f32 $1.000000000e+00, v39;
	v46 =	vmul.f32 v45, v39;
	_ =	sdelay $0x1  }
0x252: {  	v43 =	vmul.f32 v43, v38;
	v38 =	vmul.f32 v38, v39;
	_ =	sdelay $0x1  }
0x253: {  	v43 =	vadd.f32 v43, v46;
	v41 =	vmul.f32 v41, v38  }
0x254: {  	s13 =	sshra.s32 s12, $0x2  }
0x255: {  	v39 =	vmul.f32 v43, v39;
	v41 =	vadd.f32 v41, v45;
	v38 =	vld [tilespmem:s13+$0x8000];
	_ =	sdelay $0x1  }
0x256: {  	v43 =	vmul.f32 v39, v40;
	(erf) = vrcp.f32 v41;
	_ =	sdelay $0x2  }
0x257: {  	vm0 =	vge.f32 v38, v30;
	vm1 =	vge.f32 v38, v31;
	vm2 =	vge.f32 v38, v33  }
0x258: {  	v39 =	vsel vm0, $0x40, v1;
	vm0 =	vge.f32 v38, v32;
	v40 =	vsel vm1, v2, v0  }
0x259: {  	v41 =	vsel vm2, $0x40, v1;
	vm1 =	vge.f32 v38, v35;
	v39 =	vadd.s32 v39, v40  }
0x25a: {  	v40 =	vsel vm0, $0x40, v1;
	vm0 =	vge.f32 v38, v34;
	v39 =	vadd.s32 v41, v39  }
0x25b: {  	v47 =	vsel vm1, $0x40, v1;
	vm1 =	vge.f32 v38, v36;
	v39 =	vadd.s32 v40, v39  }
.Ltmp1:
0x25c: {  	v40 =	vsel vm0, $0x40, v1;
	v46 =	vadd.s32 v47, v39;
	v39 =	vand.u32 $0x7FFFFFFF, v38;
	(pc) =	sbr.rel @p0 .LBB2_4-.Ltmp1, $3  }
0x25d: {  	v45 =	vsel vm1, $0x40, v1;
	v40 =	vadd.s32 v40, v46;
	v41 =	vpop (erf)  }
0x25e: {  	v40 =	vadd.s32 v45, v40;
	v41 =	vmul.f32 v41, v43;
	_ =	sdelay $0x1  }
0x25f: {  	vm0 =	vgt.f32 v44, $3.000000000e+00;
	v41 =	vadd.f32 v41, v42  }
0x260: {  	_ =	sdelay $0x1  }
0x261: {  	v37 =	vsel vm0, v37, v41  }
0x262: {  	[tilespmem:s10+$0x8030] =	vst v37  }
0x263: {  	v37 =	vld.idx.msk [tilespmem:v40+s30+$0x0], $0xffff;
	_ =	sdelay $0x1  }
0x264: {  	v61 =	vld.idx.msk [tilespmem:v40+s31+$0x0], $0xffff;
	_ =	sdelay $0x2  }
0x265: {  	v42 =	vmul.f32 v37, v38;
	_ =	sdelay $0x1  }
0x266: {  	v43 =	vld.idx.msk [tilespmem:v40+s1+$0x0], $0xffff;
	v41 =	vadd.f32 v61, v42  }
0x267: {  	v62 =	vld.idx.msk [tilespmem:v40+s4+$0x0], $0xffff  }
0x268: {  	v44 =	vsub.f32 $1.000000000e+00, v41  }
0x269: {  	v45 =	vld.idx.msk [tilespmem:v40+s28+$0x0], $0xffff  }
0x26a: {  	v46 =	vmul.f32 v44, v41;
	_ =	sdelay $0x1  }
0x26b: {  	v37 =	vmul.f32 v62, v37;
	v43 =	vmul.f32 v43, v46;
	_ =	sdelay $0x1  }
0x26c: {  	v63 =	vmul.f32 v37, v41;
	v44 =	vmul.f32 v45, v44;
	v37 =	vadd.f32 v43, v37  }
0x26d: {  	v43 =	vld [tilespmem:s13+$0x8010]  }
0x26e: {  	v44 =	vadd.f32 v44, v63;
	(erf) = vrcp.f32 v37;
	_ =	sdelay $0x1  }
0x26f: {  	v48 =	vmul.f32 v44, v41;
	_ =	sdelay $0x1  }
0x270: {  	v37 =	vmul.f32 v48, v62;
	vm0 =	vge.f32 v43, v27;
	vm1 =	vge.f32 v43, v28  }
0x271: {  	v49 =	vsel vm0, $0x40, v1;
	vm0 =	vge.f32 v43, v29;
	v50 =	vsel vm1, v4, v3  }
0x272: {  	vm1 =	vge.f32 v43, v26;
	v51 =	vsel vm0, $0x40, v1;
	v41 =	vadd.s32 v49, v50  }
0x273: {  	v52 =	vld.idx.msk [tilespmem:v40+s0+$0x0], $0xffff;
	v53 =	vsel vm1, $0x40, v1;
	vm0 =	vge.f32 v43, v25;
	v41 =	vadd.s32 v51, v41  }
0x274: {  	vm1 =	vge.f32 v43, v24;
	v54 =	vsel vm0, $0x40, v1;
	v41 =	vadd.s32 v53, v41  }
0x275: {  	v55 =	vsel vm1, $0x40, v1;
	vm0 =	vge.f32 v43, v23;
	v41 =	vadd.s32 v54, v41;
	v56 =	vpop (erf)  }
0x276: {  	v57 =	vsel vm0, $0x40, v1;
	v41 =	vadd.s32 v55, v41;
	v37 =	vmul.f32 v56, v37  }
0x277: {  	v41 =	vadd.s32 v57, v41  }
0x278: {  	v37 =	vadd.f32 v37, v52  }
0x279: {  	vm0 =	vgt.f32 v39, $3.000000000e+00  }
0x27a: {  	v37 =	vsel vm0, v38, v37  }
0x27b: {  	[tilespmem:s13+$0x8000] =	vst v37  }
0x27c: {  	v37 =	vld.idx.msk [tilespmem:v41+s30+$0x0], $0xffff;
	_ =	sdelay $0x1  }
0x27d: {  	v58 =	vld.idx.msk [tilespmem:v41+s31+$0x0], $0xffff;
	_ =	sdelay $0x2  }
0x27e: {  	v59 =	vmul.f32 v37, v43;
	_ =	sdelay $0x1  }
0x27f: {  	v60 =	vld.idx.msk [tilespmem:v41+s1+$0x0], $0xffff;
	v38 =	vadd.f32 v58, v59  }
0x280: {  	v61 =	vld.idx.msk [tilespmem:v41+s4+$0x0], $0xffff  }
0x281: {  	v62 =	vsub.f32 $1.000000000e+00, v38  }
0x282: {  	v63 =	vld.idx.msk [tilespmem:v41+s28+$0x0], $0xffff  }
0x283: {  	v48 =	vmul.f32 v62, v38;
	_ =	sdelay $0x1  }
0x284: {  	v37 =	vmul.f32 v61, v37;
	v40 =	vmul.f32 v60, v48;
	_ =	sdelay $0x1  }
0x285: {  	v49 =	vmul.f32 v37, v38;
	v42 =	vmul.f32 v63, v62;
	v37 =	vadd.f32 v40, v37  }
0x286: {  	v40 =	vld [tilespmem:s13+$0x8020]  }
0x287: {  	v42 =	vadd.f32 v42, v49;
	(erf) = vrcp.f32 v37;
	_ =	sdelay $0x1  }
0x288: {  	v50 =	vmul.f32 v42, v38;
	_ =	sdelay $0x1  }
0x289: {  	v37 =	vmul.f32 v50, v61;
	vm0 =	vge.f32 v40, v21;
	vm1 =	vge.f32 v40, v22  }
0x28a: {  	v51 =	vsel vm0, $0x40, v1;
	v52 =	vsel vm1, v6, v5;
	vm0 =	vge.f32 v40, v20  }
0x28b: {  	vm1 =	vge.f32 v40, v19;
	v38 =	vadd.s32 v51, v52;
	v53 =	vsel vm0, $0x40, v1  }
0x28c: {  	v41 =	vld.idx.msk [tilespmem:v41+s0+$0x0], $0xffff;
	v54 =	vsel vm1, $0x40, v1;
	vm0 =	vge.f32 v40, v18;
	v38 =	vadd.s32 v53, v38  }
0x28d: {  	vm1 =	vge.f32 v40, v17;
	v55 =	vsel vm0, $0x40, v1;
	v38 =	vadd.s32 v54, v38  }
0x28e: {  	vm0 =	vge.f32 v40, v16;
	v56 =	vsel vm1, $0x40, v1;
	v38 =	vadd.s32 v55, v38;
	v57 =	vpop (erf)  }
0x28f: {  	v58 =	vsel vm0, $0x40, v1;
	v38 =	vadd.s32 v56, v38;
	v37 =	vmul.f32 v57, v37  }
0x290: {  	v38 =	vadd.s32 v58, v38  }
0x291: {  	v59 =	vand.u32 $0x7FFFFFFF, v43;
	v37 =	vadd.f32 v37, v41  }
0x292: {  	vm0 =	vgt.f32 v59, $3.000000000e+00  }
0x293: {  	v37 =	vsel vm0, v43, v37  }
0x294: {  	[tilespmem:s13+$0x8010] =	vst v37  }
0x295: {  	v37 =	vld.idx.msk [tilespmem:v38+s30+$0x0], $0xffff;
	_ =	sdelay $0x1  }
0x296: {  	v60 =	vld.idx.msk [tilespmem:v38+s31+$0x0], $0xffff;
	_ =	sdelay $0x2  }
0x297: {  	v61 =	vmul.f32 v37, v40;
	_ =	sdelay $0x1  }
0x298: {  	v62 =	vld.idx.msk [tilespmem:v38+s4+$0x0], $0xffff;
	v39 =	vadd.f32 v60, v61  }
0x299: {  	v63 =	vld.idx.msk [tilespmem:v38+s1+$0x0], $0xffff  }
0x29a: {  	v48 =	vsub.f32 $1.000000000e+00, v39  }
0x29b: {  	v44 =	vld.idx.msk [tilespmem:v38+s28+$0x0], $0xffff  }
0x29c: {  	v49 =	vmul.f32 v48, v39;
	_ =	sdelay $0x1  }
0x29d: {  	v37 =	vmul.f32 v62, v37;
	v41 =	vmul.f32 v63, v49;
	_ =	sdelay $0x1  }
0x29e: {  	v50 =	vmul.f32 v37, v39;
	v43 =	vmul.f32 v44, v48;
	v37 =	vadd.f32 v41, v37  }
0x29f: {  	v41 =	vld [tilespmem:s13+$0x8030]  }
0x2a0: {  	v43 =	vadd.f32 v43, v50;
	(erf) = vrcp.f32 v37;
	_ =	sdelay $0x1  }
0x2a1: {  	v51 =	vmul.f32 v43, v39;
	_ =	sdelay $0x1  }
0x2a2: {  	v37 =	vmul.f32 v51, v62;
	vm0 =	vge.f32 v41, v13;
	vm1 =	vge.f32 v41, v14  }
0x2a3: {  	vm2 =	vge.f32 v41, v15;
	v52 =	vsel vm0, $0x40, v1;
	v53 =	vsel vm1, v8, v7  }
0x2a4: {  	vm0 =	vge.f32 v41, v12;
	v54 =	vsel vm2, $0x40, v1;
	v39 =	vadd.s32 v52, v53  }
0x2a5: {  	v38 =	vld.idx.msk [tilespmem:v38+s0+$0x0], $0xffff;
	vm1 =	vge.f32 v41, v11;
	v55 =	vsel vm0, $0x40, v1;
	v39 =	vadd.s32 v54, v39  }
0x2a6: {  	vm0 =	vge.f32 v41, v10;
	v56 =	vsel vm1, $0x40, v1;
	v39 =	vadd.s32 v55, v39  }
0x2a7: {  	vm1 =	vge.f32 v41, v9;
	v57 =	vsel vm0, $0x40, v1;
	v39 =	vadd.s32 v56, v39;
	v58 =	vpop (erf)  }
0x2a8: {  	v59 =	vsel vm1, $0x40, v1;
	v39 =	vadd.s32 v57, v39;
	v37 =	vmul.f32 v58, v37  }
0x2a9: {  	v39 =	vadd.s32 v59, v39  }
0x2aa: {  	v60 =	vand.u32 $0x7FFFFFFF, v40;
	v37 =	vadd.f32 v37, v38  }
0x2ab: {  	vm0 =	vgt.f32 v60, $3.000000000e+00  }
0x2ac: {  	v37 =	vsel vm0, v40, v37  }
0x2ad: {  	[tilespmem:s13+$0x8020] =	vst v37  }
0x2ae: {  	v37 =	vld.idx.msk [tilespmem:v39+s30+$0x0], $0xffff;
	_ =	sdelay $0x1  }
0x2af: {  	v61 =	vld.idx.msk [tilespmem:v39+s31+$0x0], $0xffff;
	_ =	sdelay $0x2  }
0x2b0: {  	v62 =	vmul.f32 v37, v41;
	_ =	sdelay $0x1  }
0x2b1: {  	v63 =	vld.idx.msk [tilespmem:v39+s4+$0x0], $0xffff;
	v38 =	vadd.f32 v61, v62  }
0x2b2: {  	v48 =	vld.idx.msk [tilespmem:v39+s1+$0x0], $0xffff  }
0x2b3: {  	v49 =	vsub.f32 $1.000000000e+00, v38;
	_ =	sdelay $0x1  }
0x2b4: {  	v50 =	vmul.f32 v49, v38;
	_ =	sdelay $0x1  }
0x2b5: {  	v37 =	vmul.f32 v63, v37;
	v40 =	vmul.f32 v48, v50  }
0x2b6: {  	v51 =	vld.idx.msk [tilespmem:v39+s28+$0x0], $0xffff  }
0x2b7: {  	v40 =	vadd.f32 v40, v37;
	_ =	sdelay $0x1  }
0x2b8: {  	(erf) = vrcp.f32 v40;
	_ =	sdelay $0x1  }
0x2b9: {  	v52 =	vmul.f32 v51, v49;
	v37 =	vmul.f32 v37, v38;
	_ =	sdelay $0x1  }
0x2ba: {  	v37 =	vadd.f32 v52, v37;
	_ =	sdelay $0x1  }
0x2bb: {  	v37 =	vmul.f32 v37, v38  }
0x2bc: {  	v53 =	vld.idx.msk [tilespmem:v39+s0+$0x0], $0xffff  }
0x2bd: {  	v37 =	vmul.f32 v37, v63  }
0x2be: {  	v54 =	vpop (erf)  }
0x2bf: {  	v37 =	vmul.f32 v54, v37;
	_ =	sdelay $0x1  }
0x2c0: {  	v55 =	vand.u32 $0x7FFFFFFF, v41;
	v37 =	vadd.f32 v37, v53  }
0x2c1: {  	vm0 =	vgt.f32 v55, $3.000000000e+00  }
0x2c2: {  	v37 =	vsel vm0, v41, v37  }
0x2c3: {  	s12 =	simm.s32 $0x0;
	s11 =	rddreg [dreg:$0xa];
	[tilespmem:s13+$0x8030] =	vst v37  }
0x2c4: {  	[hbm4b:s11+s12] =	stream.linear.scatter [tilespmem:s5], [sflag:$0x4], $0x8000, $0x38;
	[tilespmem:$0x10E00] =	vst v63  }
0x2c5: {  	_ =	swait.ge [sflag:s2], $0x8000  }
0x2c6: {  	[sflag:s2] =	ssyncset.done $0x0  }
0x2c7: {  	[sflag:s2] =	ssyncadd.s32 $0xFFFF8000  }
0x2c8: {  	_ =	swait.ge [sflag:s8], $0x8000  }
0x2c9: {  	[sflag:s8] =	ssyncset.done $0x0  }
0x2ca: {  	s10 =	simm.s32 $0x0;
	s13 =	rddreg [dreg:$0xb];
	[sflag:s8] =	ssyncadd.s32 $0xFFFF8000  }
0x2cb: {  	[tilespmem:s5], [sflag:$0x2] =	stream.linear.gather [hbm4b:s13+s12], $0x8000, $0x38;
	[tilespmem:$0x10E00] =	vst v63  }
0x2cc: {  	v37 =	vld [tilespmem:s10+$0x0];
	_ =	sdelay $0x4  }
0x2cd: {  	vm0 =	vge.f32 v37, v30;
	vm1 =	vge.f32 v37, v31  }
0x2ce: {  	vm2 =	vge.f32 v37, v33;
	v56 =	vsel vm0, $0x40, v1;
	v57 =	vsel vm1, v2, v0  }
0x2cf: {  	vm0 =	vge.f32 v37, v32;
	v58 =	vsel vm2, $0x40, v1;
	v38 =	vadd.s32 v56, v57  }
0x2d0: {  	vm1 =	vge.f32 v37, v35;
	v59 =	vsel vm0, $0x40, v1;
	v38 =	vadd.s32 v58, v38  }
0x2d1: {  	vm0 =	vge.f32 v37, v34;
	v60 =	vsel vm1, $0x40, v1;
	v38 =	vadd.s32 v59, v38  }
0x2d2: {  	vm1 =	vge.f32 v37, v36;
	v61 =	vsel vm0, $0x40, v1;
	v38 =	vadd.s32 v60, v38  }
0x2d3: {  	v62 =	vsel vm1, $0x40, v1;
	v38 =	vadd.s32 v61, v38  }
0x2d4: {  	v38 =	vadd.s32 v62, v38;
	_ =	sdelay $0x4  }
0x2d5: {  	v63 =	vld.idx.msk [tilespmem:v38+s30+$0x0], $0xffff;
	_ =	sdelay $0x1  }
0x2d6: {  	v40 =	vld.idx.msk [tilespmem:v38+s31+$0x0], $0xffff;
	_ =	sdelay $0x2  }
0x2d7: {  	v48 =	vmul.f32 v63, v37;
	_ =	sdelay $0x1  }
0x2d8: {  	v49 =	vld.idx.msk [tilespmem:v38+s1+$0x0], $0xffff;
	v40 =	vadd.f32 v40, v48  }
0x2d9: {  	v50 =	vld.idx.msk [tilespmem:v38+s4+$0x0], $0xffff  }
0x2da: {  	v51 =	vsub.f32 $1.000000000e+00, v40  }
0x2db: {  	v52 =	vld.idx.msk [tilespmem:v38+s28+$0x0], $0xffff  }
0x2dc: {  	v53 =	vmul.f32 v51, v40;
	_ =	sdelay $0x1  }
0x2dd: {  	v39 =	vmul.f32 v50, v63;
	v42 =	vmul.f32 v49, v53;
	_ =	sdelay $0x1  }
0x2de: {  	v54 =	vmul.f32 v39, v40;
	v43 =	vmul.f32 v52, v51;
	v39 =	vadd.f32 v42, v39  }
0x2df: {  	v42 =	vld [tilespmem:s10+$0x10]  }
0x2e0: {  	v43 =	vadd.f32 v43, v54;
	(erf) = vrcp.f32 v39;
	_ =	sdelay $0x1  }
0x2e1: {  	v55 =	vmul.f32 v43, v40;
	_ =	sdelay $0x1  }
0x2e2: {  	v39 =	vmul.f32 v55, v50;
	vm0 =	vge.f32 v42, v27;
	vm1 =	vge.f32 v42, v28  }
0x2e3: {  	v56 =	vsel vm0, $0x40, v1;
	vm0 =	vge.f32 v42, v29;
	v57 =	vsel vm1, v4, v3  }
0x2e4: {  	vm1 =	vge.f32 v42, v26;
	v58 =	vsel vm0, $0x40, v1;
	v40 =	vadd.s32 v56, v57  }
0x2e5: {  	v38 =	vld.idx.msk [tilespmem:v38+s0+$0x0], $0xffff;
	v59 =	vsel vm1, $0x40, v1;
	vm0 =	vge.f32 v42, v25;
	v40 =	vadd.s32 v58, v40  }
0x2e6: {  	vm1 =	vge.f32 v42, v24;
	v60 =	vsel vm0, $0x40, v1;
	v40 =	vadd.s32 v59, v40  }
0x2e7: {  	v61 =	vsel vm1, $0x40, v1;
	vm0 =	vge.f32 v42, v23;
	v40 =	vadd.s32 v60, v40;
	v62 =	vpop (erf)  }
0x2e8: {  	v63 =	vsel vm0, $0x40, v1;
	v40 =	vadd.s32 v61, v40;
	v39 =	vmul.f32 v62, v39  }
0x2e9: {  	v40 =	vadd.s32 v63, v40  }
0x2ea: {  	v47 =	vand.u32 $0x7FFFFFFF, v37;
	v38 =	vadd.f32 v39, v38  }
0x2eb: {  	vm0 =	vgt.f32 v47, $3.000000000e+00  }
0x2ec: {  	v37 =	vsel vm0, v37, v38  }
0x2ed: {  	[tilespmem:s10+$0x0] =	vst v37  }
0x2ee: {  	v37 =	vld.idx.msk [tilespmem:v40+s30+$0x0], $0xffff;
	_ =	sdelay $0x1  }
0x2ef: {  	v48 =	vld.idx.msk [tilespmem:v40+s31+$0x0], $0xffff;
	_ =	sdelay $0x2  }
0x2f0: {  	v49 =	vmul.f32 v37, v42;
	_ =	sdelay $0x1  }
0x2f1: {  	v50 =	vld.idx.msk [tilespmem:v40+s1+$0x0], $0xffff;
	v38 =	vadd.f32 v48, v49  }
0x2f2: {  	v51 =	vld.idx.msk [tilespmem:v40+s4+$0x0], $0xffff  }
0x2f3: {  	v52 =	vsub.f32 $1.000000000e+00, v38  }
0x2f4: {  	v44 =	vld.idx.msk [tilespmem:v40+s28+$0x0], $0xffff  }
0x2f5: {  	v53 =	vmul.f32 v52, v38;
	_ =	sdelay $0x1  }
0x2f6: {  	v37 =	vmul.f32 v51, v37;
	v41 =	vmul.f32 v50, v53;
	_ =	sdelay $0x1  }
0x2f7: {  	v54 =	vmul.f32 v37, v38;
	v43 =	vmul.f32 v44, v52;
	v37 =	vadd.f32 v41, v37  }
0x2f8: {  	v41 =	vld [tilespmem:s10+$0x20]  }
0x2f9: {  	v43 =	vadd.f32 v43, v54;
	(erf) = vrcp.f32 v37;
	_ =	sdelay $0x1  }
0x2fa: {  	v55 =	vmul.f32 v43, v38;
	_ =	sdelay $0x1  }
0x2fb: {  	v37 =	vmul.f32 v55, v51;
	vm0 =	vge.f32 v41, v21;
	vm1 =	vge.f32 v41, v22  }
0x2fc: {  	v56 =	vsel vm0, $0x40, v1;
	v57 =	vsel vm1, v6, v5;
	vm0 =	vge.f32 v41, v20  }
0x2fd: {  	vm1 =	vge.f32 v41, v19;
	v38 =	vadd.s32 v56, v57;
	v58 =	vsel vm0, $0x40, v1  }
0x2fe: {  	v40 =	vld.idx.msk [tilespmem:v40+s0+$0x0], $0xffff;
	v59 =	vsel vm1, $0x40, v1;
	vm0 =	vge.f32 v41, v18;
	v38 =	vadd.s32 v58, v38  }
0x2ff: {  	vm1 =	vge.f32 v41, v17;
	v60 =	vsel vm0, $0x40, v1;
	v38 =	vadd.s32 v59, v38  }
0x300: {  	vm0 =	vge.f32 v41, v16;
	v61 =	vsel vm1, $0x40, v1;
	v38 =	vadd.s32 v60, v38;
	v62 =	vpop (erf)  }
0x301: {  	v63 =	vsel vm0, $0x40, v1;
	v38 =	vadd.s32 v61, v38;
	v37 =	vmul.f32 v62, v37  }
0x302: {  	v38 =	vadd.s32 v63, v38  }
0x303: {  	v48 =	vand.u32 $0x7FFFFFFF, v42;
	v37 =	vadd.f32 v37, v40  }
0x304: {  	vm0 =	vgt.f32 v48, $3.000000000e+00  }
0x305: {  	v37 =	vsel vm0, v42, v37  }
0x306: {  	[tilespmem:s10+$0x10] =	vst v37  }
0x307: {  	v37 =	vld.idx.msk [tilespmem:v38+s30+$0x0], $0xffff;
	_ =	sdelay $0x1  }
0x308: {  	v49 =	vld.idx.msk [tilespmem:v38+s31+$0x0], $0xffff;
	_ =	sdelay $0x2  }
0x309: {  	v50 =	vmul.f32 v37, v41;
	_ =	sdelay $0x1  }
0x30a: {  	v51 =	vld.idx.msk [tilespmem:v38+s4+$0x0], $0xffff;
	v39 =	vadd.f32 v49, v50  }
0x30b: {  	v52 =	vld.idx.msk [tilespmem:v38+s1+$0x0], $0xffff  }
0x30c: {  	v53 =	vsub.f32 $1.000000000e+00, v39  }
0x30d: {  	v44 =	vld.idx.msk [tilespmem:v38+s28+$0x0], $0xffff  }
0x30e: {  	v54 =	vmul.f32 v53, v39;
	_ =	sdelay $0x1  }
0x30f: {  	v37 =	vmul.f32 v51, v37;
	v40 =	vmul.f32 v52, v54;
	_ =	sdelay $0x1  }
0x310: {  	v55 =	vmul.f32 v37, v39;
	v43 =	vmul.f32 v44, v53;
	v40 =	vadd.f32 v40, v37  }
0x311: {  	v37 =	vld [tilespmem:s10+$0x30]  }
0x312: {  	v43 =	vadd.f32 v43, v55;
	(erf) = vrcp.f32 v40;
	_ =	sdelay $0x1  }
0x313: {  	v39 =	vmul.f32 v43, v39;
	_ =	sdelay $0x1  }
0x314: {  	v39 =	vmul.f32 v39, v51;
	vm0 =	vge.f32 v37, v13;
	vm1 =	vge.f32 v37, v14  }
0x315: {  	vm2 =	vge.f32 v37, v15;
	v56 =	vsel vm0, $0x40, v1;
	v57 =	vsel vm1, v8, v7  }
0x316: {  	vm0 =	vge.f32 v37, v12;
	v58 =	vsel vm2, $0x40, v1;
	v40 =	vadd.s32 v56, v57  }
0x317: {  	v38 =	vld.idx.msk [tilespmem:v38+s0+$0x0], $0xffff;
	vm1 =	vge.f32 v37, v11;
	v59 =	vsel vm0, $0x40, v1;
	v40 =	vadd.s32 v58, v40  }
0x318: {  	vm0 =	vge.f32 v37, v10;
	v60 =	vsel vm1, $0x40, v1;
	v40 =	vadd.s32 v59, v40  }
0x319: {  	vm1 =	vge.f32 v37, v9;
	v61 =	vsel vm0, $0x40, v1;
	v40 =	vadd.s32 v60, v40;
	v62 =	vpop (erf)  }
0x31a: {  	v63 =	vsel vm1, $0x40, v1;
	v40 =	vadd.s32 v61, v40;
	v39 =	vmul.f32 v62, v39  }
0x31b: {  	v40 =	vadd.s32 v63, v40  }
0x31c: {  	v45 =	vand.u32 $0x7FFFFFFF, v41;
	v38 =	vadd.f32 v39, v38  }
0x31d: {  	vm0 =	vgt.f32 v45, $3.000000000e+00  }
0x31e: {  	v38 =	vsel vm0, v41, v38  }
0x31f: {  	[tilespmem:s10+$0x20] =	vst v38  }
0x320: {  	v38 =	vld.idx.msk [tilespmem:v40+s30+$0x0], $0xffff;
	_ =	sdelay $0x1  }
0x321: {  	v46 =	vld.idx.msk [tilespmem:v40+s31+$0x0], $0xffff;
	_ =	sdelay $0x2  }
0x322: {  	v47 =	vmul.f32 v38, v37;
	_ =	sdelay $0x1  }
0x323: {  	v48 =	vld.idx.msk [tilespmem:v40+s4+$0x0], $0xffff;
	v39 =	vadd.f32 v46, v47  }
0x324: {  	v49 =	vld.idx.msk [tilespmem:v40+s1+$0x0], $0xffff  }
0x325: {  	v50 =	vsub.f32 $1.000000000e+00, v39  }
0x326: {  	v44 =	vld.idx.msk [tilespmem:v40+s28+$0x0], $0xffff  }
0x327: {  	v51 =	vmul.f32 v50, v39;
	_ =	sdelay $0x1  }
0x328: {  	v38 =	vmul.f32 v48, v38;
	v41 =	vmul.f32 v49, v51;
	_ =	sdelay $0x1  }
0x329: {  	s13 =	simm.s32 $0x80;
	v52 =	vmul.f32 v38, v39;
	v43 =	vmul.f32 v44, v50;
	v41 =	vadd.f32 v41, v38  }
0x32a: {  	v38 =	vld [tilespmem:s13+$0x0]  }
0x32b: {  	v43 =	vadd.f32 v43, v52;
	(erf) = vrcp.f32 v41;
	_ =	sdelay $0x1  }
0x32c: {  	v39 =	vmul.f32 v43, v39;
	_ =	sdelay $0x1  }
0x32d: {  	v39 =	vmul.f32 v39, v48;
	vm0 =	vge.f32 v38, v30;
	vm1 =	vge.f32 v38, v31  }
0x32e: {  	vm2 =	vge.f32 v38, v33;
	v54 =	vsel vm0, $0x40, v1;
	v55 =	vsel vm1, v2, v0  }
0x32f: {  	vm0 =	vge.f32 v38, v32;
	v57 =	vsel vm2, $0x40, v1;
	v41 =	vadd.s32 v54, v55  }
0x330: {  	v56 =	vld.idx.msk [tilespmem:v40+s0+$0x0], $0xffff;
	vm1 =	vge.f32 v38, v35;
	v58 =	vsel vm0, $0x40, v1;
	v40 =	vadd.s32 v57, v41  }
0x331: {  	vm0 =	vge.f32 v38, v34;
	v59 =	vsel vm1, $0x40, v1;
	v40 =	vadd.s32 v58, v40  }
0x332: {  	vm1 =	vge.f32 v38, v36;
	v61 =	vsel vm0, $0x40, v1;
	v40 =	vadd.s32 v59, v40;
	v60 =	vpop (erf)  }
0x333: {  	v63 =	vsel vm1, $0x40, v1;
	v40 =	vadd.s32 v61, v40;
	v62 =	vmul.f32 v60, v39  }
0x334: {  	v53 =	vand.u32 $0x7FFFFFFF, v37;
	v40 =	vadd.s32 v63, v40  }
0x335: {  	s11 =	simm.s32 $0x400;
	vm0 =	vgt.f32 v53, $3.000000000e+00;
	v39 =	vand.u32 $0x7FFFFFFF, v38;
	v41 =	vadd.f32 v62, v56  }
.LBB2_6:
0x336: {  	_ = 	snop  }
0x337: {  	p0 =	sne.s32 s11, $0x1FE00;
	s12 =	smov.u32 s11;
	s11 =	sadd.s32 $0x200, s11;
	v37 =	vsel vm0, v37, v41  }
0x338: {  	[tilespmem:s10+$0x30] =	vst v37;
	s10 =	smov.u32 s13  }
0x339: {  	v37 =	vld.idx.msk [tilespmem:v40+s30+$0x0], $0xffff  }
0x33a: {  	v41 =	vld.idx.msk [tilespmem:v40+s31+$0x0], $0xffff;
	_ =	sdelay $0x3  }
0x33b: {  	v42 =	vld.idx.msk [tilespmem:v40+s28+$0x0], $0xffff  }
0x33c: {  	v44 =	vmul.f32 v37, v38;
	v43 =	vld.idx.msk [tilespmem:v40+s1+$0x0], $0xffff  }
0x33d: {  	v45 =	vld.idx.msk [tilespmem:v40+s4+$0x0], $0xffff  }
0x33e: {  	v41 =	vadd.f32 v41, v44;
	_ =	sdelay $0x1  }
0x33f: {  	v44 =	vsub.f32 $1.000000000e+00, v41;
	_ =	sdelay $0x1  }
0x340: {  	v42 =	vmul.f32 v42, v44;
	v44 =	vmul.f32 v44, v41  }
0x341: {  	v37 =	vmul.f32 v45, v37  }
0x342: {  	v43 =	vmul.f32 v43, v44  }
0x343: {  	v44 =	vmul.f32 v37, v41  }
0x344: {  	v37 =	vadd.f32 v43, v37;
	v43 =	vld [tilespmem:s10+$0x10]  }
0x345: {  	v42 =	vadd.f32 v42, v44  }
0x346: {  	(erf) = vrcp.f32 v37  }
0x347: {  	v37 =	vmul.f32 v42, v41;
	_ =	sdelay $0x1  }
0x348: {  	v37 =	vmul.f32 v37, v45;
	vm0 =	vge.f32 v43, v27;
	vm1 =	vge.f32 v43, v28  }
0x349: {  	v41 =	vsel vm0, $0x40, v1;
	vm0 =	vge.f32 v43, v29;
	v42 =	vsel vm1, v4, v3  }
0x34a: {  	vm1 =	vge.f32 v43, v26;
	v40 =	vld.idx.msk [tilespmem:v40+s0+$0x0], $0xffff;
	v44 =	vsel vm0, $0x40, v1;
	v41 =	vadd.s32 v41, v42  }
0x34b: {  	v42 =	vsel vm1, $0x40, v1;
	vm0 =	vge.f32 v43, v25;
	v41 =	vadd.s32 v44, v41  }
0x34c: {  	vm1 =	vge.f32 v43, v24;
	v44 =	vsel vm0, $0x40, v1;
	v41 =	vadd.s32 v42, v41  }
0x34d: {  	v45 =	vsel vm1, $0x40, v1;
	vm0 =	vge.f32 v43, v23;
	v41 =	vadd.s32 v44, v41  }
0x34e: {  	v44 =	vsel vm0, $0x40, v1;
	v41 =	vadd.s32 v45, v41;
	v42 =	vpop (erf)  }
0x34f: {  	v37 =	vmul.f32 v42, v37;
	v41 =	vadd.s32 v44, v41;
	v42 =	vand.u32 $0x7FFFFFFF, v43;
	_ =	sdelay $0x1  }
0x350: {  	vm0 =	vgt.f32 v39, $3.000000000e+00;
	v37 =	vadd.f32 v37, v40;
	_ =	sdelay $0x1  }
0x351: {  	v37 =	vsel vm0, v38, v37  }
0x352: {  	[tilespmem:s10+$0x0] =	vst v37  }
0x353: {  	v37 =	vld.idx.msk [tilespmem:v41+s30+$0x0], $0xffff  }
0x354: {  	v38 =	vld.idx.msk [tilespmem:v41+s31+$0x0], $0xffff;
	_ =	sdelay $0x4  }
0x355: {  	v40 =	vmul.f32 v37, v43;
	v39 =	vld.idx.msk [tilespmem:v41+s1+$0x0], $0xffff  }
0x356: {  	v44 =	vld.idx.msk [tilespmem:v41+s4+$0x0], $0xffff  }
0x357: {  	v38 =	vadd.f32 v38, v40  }
0x358: {  	v40 =	vld.idx.msk [tilespmem:v41+s28+$0x0], $0xffff  }
0x359: {  	v45 =	vsub.f32 $1.000000000e+00, v38;
	_ =	sdelay $0x1  }
0x35a: {  	v46 =	vmul.f32 v45, v38  }
0x35b: {  	v37 =	vmul.f32 v44, v37  }
0x35c: {  	v39 =	vmul.f32 v39, v46  }
0x35d: {  	v46 =	vmul.f32 v37, v38;
	v40 =	vmul.f32 v40, v45  }
0x35e: {  	v37 =	vadd.f32 v39, v37;
	v39 =	vld [tilespmem:s10+$0x20]  }
0x35f: {  	v40 =	vadd.f32 v40, v46  }
0x360: {  	(erf) = vrcp.f32 v37  }
0x361: {  	v37 =	vmul.f32 v40, v38;
	_ =	sdelay $0x1  }
0x362: {  	v37 =	vmul.f32 v37, v44;
	vm0 =	vge.f32 v39, v21;
	vm1 =	vge.f32 v39, v22  }
0x363: {  	v38 =	vsel vm0, $0x40, v1;
	vm0 =	vge.f32 v39, v17;
	v40 =	vsel vm1, v6, v5  }
0x364: {  	vm2 =	vge.f32 v39, v20;
	vm1 =	vge.f32 v39, v19;
	v41 =	vld.idx.msk [tilespmem:v41+s0+$0x0], $0xffff;
	v38 =	vadd.s32 v38, v40  }
0x365: {  	v44 =	vsel vm2, $0x40, v1;
	v40 =	vsel vm1, $0x40, v1;
	vm1 =	vge.f32 v39, v18  }
0x366: {  	v47 =	vsel vm1, $0x40, v1;
	vm1 =	vge.f32 v39, v16;
	v38 =	vadd.s32 v44, v38  }
0x367: {  	v44 =	vsel vm0, $0x40, v1;
	v38 =	vadd.s32 v40, v38;
	v40 =	vand.u32 $0x7FFFFFFF, v39  }
0x368: {  	v46 =	vsel vm1, $0x40, v1;
	v38 =	vadd.s32 v47, v38;
	v45 =	vpop (erf)  }
0x369: {  	v38 =	vadd.s32 v44, v38;
	v37 =	vmul.f32 v45, v37  }
0x36a: {  	v38 =	vadd.s32 v46, v38  }
0x36b: {  	vm0 =	vgt.f32 v42, $3.000000000e+00;
	v37 =	vadd.f32 v37, v41;
	_ =	sdelay $0x1  }
0x36c: {  	v37 =	vsel vm0, v43, v37  }
0x36d: {  	[tilespmem:s10+$0x10] =	vst v37  }
0x36e: {  	v37 =	vld.idx.msk [tilespmem:v38+s30+$0x0], $0xffff  }
0x36f: {  	v41 =	vld.idx.msk [tilespmem:v38+s31+$0x0], $0xffff  }
0x370: {  	v42 =	vld.idx.msk [tilespmem:v38+s4+$0x0], $0xffff;
	_ =	sdelay $0x3  }
0x371: {  	v44 =	vmul.f32 v37, v39;
	v43 =	vld.idx.msk [tilespmem:v38+s28+$0x0], $0xffff  }
0x372: {  	v45 =	vld.idx.msk [tilespmem:v38+s1+$0x0], $0xffff  }
0x373: {  	v41 =	vadd.f32 v41, v44;
	v37 =	vmul.f32 v42, v37;
	_ =	sdelay $0x1  }
0x374: {  	v44 =	vsub.f32 $1.000000000e+00, v41;
	v46 =	vmul.f32 v37, v41;
	_ =	sdelay $0x1  }
0x375: {  	v43 =	vmul.f32 v43, v44;
	v44 =	vmul.f32 v44, v41;
	_ =	sdelay $0x1  }
0x376: {  	v43 =	vadd.f32 v43, v46;
	v44 =	vmul.f32 v45, v44;
	_ =	sdelay $0x1  }
0x377: {  	v41 =	vmul.f32 v43, v41;
	v43 =	vadd.f32 v44, v37;
	v37 =	vld [tilespmem:s10+$0x30];
	_ =	sdelay $0x1  }
0x378: {  	v41 =	vmul.f32 v41, v42;
	(erf) = vrcp.f32 v43;
	_ =	sdelay $0x2  }
0x379: {  	vm0 =	vge.f32 v37, v13;
	vm1 =	vge.f32 v37, v14;
	vm2 =	vge.f32 v37, v15  }
0x37a: {  	v42 =	vsel vm0, $0x40, v1;
	vm0 =	vge.f32 v37, v12;
	v43 =	vsel vm1, v8, v7  }
0x37b: {  	v44 =	vsel vm2, $0x40, v1;
	vm1 =	vge.f32 v37, v11;
	v38 =	vld.idx.msk [tilespmem:v38+s0+$0x0], $0xffff;
	v42 =	vadd.s32 v42, v43  }
0x37c: {  	v43 =	vsel vm0, $0x40, v1;
	vm0 =	vge.f32 v37, v10;
	v42 =	vadd.s32 v44, v42  }
0x37d: {  	v44 =	vsel vm1, $0x40, v1;
	vm1 =	vge.f32 v37, v9;
	v42 =	vadd.s32 v43, v42  }
0x37e: {  	v46 =	vsel vm0, $0x40, v1;
	v42 =	vadd.s32 v44, v42;
	v44 =	vand.u32 $0x7FFFFFFF, v37  }
0x37f: {  	v45 =	vsel vm1, $0x40, v1;
	v42 =	vadd.s32 v46, v42;
	v43 =	vpop (erf)  }
0x380: {  	v41 =	vmul.f32 v43, v41;
	v42 =	vadd.s32 v45, v42;
	_ =	sdelay $0x1  }
0x381: {  	vm0 =	vgt.f32 v40, $3.000000000e+00;
	v38 =	vadd.f32 v41, v38;
	_ =	sdelay $0x1  }
0x382: {  	v38 =	vsel vm0, v39, v38  }
0x383: {  	[tilespmem:s10+$0x20] =	vst v38  }
0x384: {  	v38 =	vld.idx.msk [tilespmem:v42+s30+$0x0], $0xffff  }
0x385: {  	v39 =	vld.idx.msk [tilespmem:v42+s31+$0x0], $0xffff  }
0x386: {  	v40 =	vld.idx.msk [tilespmem:v42+s4+$0x0], $0xffff  }
0x387: {  	v41 =	vld.idx.msk [tilespmem:v42+s1+$0x0], $0xffff  }
0x388: {  	v43 =	vld.idx.msk [tilespmem:v42+s28+$0x0], $0xffff  }
0x389: {  	v42 =	vld.idx.msk [tilespmem:v42+s0+$0x0], $0xffff  }
0x38a: {  	v45 =	vmul.f32 v38, v37;
	_ =	sdelay $0x1  }
0x38b: {  	v39 =	vadd.f32 v39, v45;
	v45 =	vmul.f32 v40, v38;
	_ =	sdelay $0x1  }
0x38c: {  	v38 =	vsub.f32 $1.000000000e+00, v39;
	v46 =	vmul.f32 v45, v39;
	_ =	sdelay $0x1  }
0x38d: {  	v43 =	vmul.f32 v43, v38;
	v38 =	vmul.f32 v38, v39;
	_ =	sdelay $0x1  }
0x38e: {  	v43 =	vadd.f32 v43, v46;
	v41 =	vmul.f32 v41, v38  }
0x38f: {  	s13 =	sshra.s32 s12, $0x2  }
0x390: {  	v39 =	vmul.f32 v43, v39;
	v41 =	vadd.f32 v41, v45;
	v38 =	vld [tilespmem:s13+$0x0];
	_ =	sdelay $0x1  }
0x391: {  	v43 =	vmul.f32 v39, v40;
	(erf) = vrcp.f32 v41;
	_ =	sdelay $0x2  }
0x392: {  	vm0 =	vge.f32 v38, v30;
	vm1 =	vge.f32 v38, v31;
	vm2 =	vge.f32 v38, v33  }
0x393: {  	v39 =	vsel vm0, $0x40, v1;
	vm0 =	vge.f32 v38, v32;
	v40 =	vsel vm1, v2, v0  }
0x394: {  	v41 =	vsel vm2, $0x40, v1;
	vm1 =	vge.f32 v38, v35;
	v39 =	vadd.s32 v39, v40  }
0x395: {  	v40 =	vsel vm0, $0x40, v1;
	vm0 =	vge.f32 v38, v34;
	v39 =	vadd.s32 v41, v39  }
0x396: {  	v47 =	vsel vm1, $0x40, v1;
	vm1 =	vge.f32 v38, v36;
	v39 =	vadd.s32 v40, v39  }
.Ltmp2:
0x397: {  	v40 =	vsel vm0, $0x40, v1;
	v46 =	vadd.s32 v47, v39;
	v39 =	vand.u32 $0x7FFFFFFF, v38;
	(pc) =	sbr.rel @p0 .LBB2_6-.Ltmp2, $3  }
0x398: {  	v45 =	vsel vm1, $0x40, v1;
	v40 =	vadd.s32 v40, v46;
	v41 =	vpop (erf)  }
0x399: {  	v40 =	vadd.s32 v45, v40;
	v41 =	vmul.f32 v41, v43;
	_ =	sdelay $0x1  }
0x39a: {  	vm0 =	vgt.f32 v44, $3.000000000e+00;
	v41 =	vadd.f32 v41, v42  }
0x39b: {  	_ =	sdelay $0x1  }
0x39c: {  	v37 =	vsel vm0, v37, v41  }
0x39d: {  	[tilespmem:s10+$0x30] =	vst v37  }
0x39e: {  	v37 =	vld.idx.msk [tilespmem:v40+s30+$0x0], $0xffff;
	_ =	sdelay $0x1  }
0x39f: {  	v61 =	vld.idx.msk [tilespmem:v40+s31+$0x0], $0xffff;
	_ =	sdelay $0x2  }
0x3a0: {  	v42 =	vmul.f32 v37, v38;
	_ =	sdelay $0x1  }
0x3a1: {  	v43 =	vld.idx.msk [tilespmem:v40+s1+$0x0], $0xffff;
	v41 =	vadd.f32 v61, v42  }
0x3a2: {  	v62 =	vld.idx.msk [tilespmem:v40+s4+$0x0], $0xffff  }
0x3a3: {  	v44 =	vsub.f32 $1.000000000e+00, v41  }
0x3a4: {  	v45 =	vld.idx.msk [tilespmem:v40+s28+$0x0], $0xffff  }
0x3a5: {  	v46 =	vmul.f32 v44, v41;
	_ =	sdelay $0x1  }
0x3a6: {  	v37 =	vmul.f32 v62, v37;
	v43 =	vmul.f32 v43, v46;
	_ =	sdelay $0x1  }
0x3a7: {  	v63 =	vmul.f32 v37, v41;
	v44 =	vmul.f32 v45, v44;
	v37 =	vadd.f32 v43, v37  }
0x3a8: {  	v43 =	vld [tilespmem:s13+$0x10]  }
0x3a9: {  	v44 =	vadd.f32 v44, v63;
	(erf) = vrcp.f32 v37;
	_ =	sdelay $0x1  }
0x3aa: {  	v48 =	vmul.f32 v44, v41;
	_ =	sdelay $0x1  }
0x3ab: {  	v37 =	vmul.f32 v48, v62;
	vm0 =	vge.f32 v43, v27;
	vm1 =	vge.f32 v43, v28  }
0x3ac: {  	v49 =	vsel vm0, $0x40, v1;
	vm0 =	vge.f32 v43, v29;
	v50 =	vsel vm1, v4, v3  }
0x3ad: {  	vm1 =	vge.f32 v43, v26;
	v51 =	vsel vm0, $0x40, v1;
	v41 =	vadd.s32 v49, v50  }
0x3ae: {  	v52 =	vld.idx.msk [tilespmem:v40+s0+$0x0], $0xffff;
	v53 =	vsel vm1, $0x40, v1;
	vm0 =	vge.f32 v43, v25;
	v41 =	vadd.s32 v51, v41  }
0x3af: {  	vm1 =	vge.f32 v43, v24;
	v54 =	vsel vm0, $0x40, v1;
	v41 =	vadd.s32 v53, v41  }
0x3b0: {  	v55 =	vsel vm1, $0x40, v1;
	vm0 =	vge.f32 v43, v23;
	v41 =	vadd.s32 v54, v41;
	v56 =	vpop (erf)  }
0x3b1: {  	v57 =	vsel vm0, $0x40, v1;
	v41 =	vadd.s32 v55, v41;
	v37 =	vmul.f32 v56, v37  }
0x3b2: {  	v41 =	vadd.s32 v57, v41  }
0x3b3: {  	v37 =	vadd.f32 v37, v52  }
0x3b4: {  	vm0 =	vgt.f32 v39, $3.000000000e+00  }
0x3b5: {  	v37 =	vsel vm0, v38, v37  }
0x3b6: {  	[tilespmem:s13+$0x0] =	vst v37  }
0x3b7: {  	v37 =	vld.idx.msk [tilespmem:v41+s30+$0x0], $0xffff;
	_ =	sdelay $0x1  }
0x3b8: {  	v58 =	vld.idx.msk [tilespmem:v41+s31+$0x0], $0xffff;
	_ =	sdelay $0x2  }
0x3b9: {  	v59 =	vmul.f32 v37, v43;
	_ =	sdelay $0x1  }
0x3ba: {  	v60 =	vld.idx.msk [tilespmem:v41+s1+$0x0], $0xffff;
	v38 =	vadd.f32 v58, v59  }
0x3bb: {  	v61 =	vld.idx.msk [tilespmem:v41+s4+$0x0], $0xffff  }
0x3bc: {  	v62 =	vsub.f32 $1.000000000e+00, v38  }
0x3bd: {  	v63 =	vld.idx.msk [tilespmem:v41+s28+$0x0], $0xffff  }
0x3be: {  	v48 =	vmul.f32 v62, v38;
	_ =	sdelay $0x1  }
0x3bf: {  	v37 =	vmul.f32 v61, v37;
	v40 =	vmul.f32 v60, v48;
	_ =	sdelay $0x1  }
0x3c0: {  	v49 =	vmul.f32 v37, v38;
	v42 =	vmul.f32 v63, v62;
	v37 =	vadd.f32 v40, v37  }
0x3c1: {  	v40 =	vld [tilespmem:s13+$0x20]  }
0x3c2: {  	v42 =	vadd.f32 v42, v49;
	(erf) = vrcp.f32 v37;
	_ =	sdelay $0x1  }
0x3c3: {  	v50 =	vmul.f32 v42, v38;
	_ =	sdelay $0x1  }
0x3c4: {  	v37 =	vmul.f32 v50, v61;
	vm0 =	vge.f32 v40, v21;
	vm1 =	vge.f32 v40, v22  }
0x3c5: {  	v51 =	vsel vm0, $0x40, v1;
	v52 =	vsel vm1, v6, v5;
	vm0 =	vge.f32 v40, v20  }
0x3c6: {  	vm1 =	vge.f32 v40, v19;
	v38 =	vadd.s32 v51, v52;
	v53 =	vsel vm0, $0x40, v1  }
0x3c7: {  	v41 =	vld.idx.msk [tilespmem:v41+s0+$0x0], $0xffff;
	v54 =	vsel vm1, $0x40, v1;
	vm0 =	vge.f32 v40, v18;
	v38 =	vadd.s32 v53, v38  }
0x3c8: {  	vm1 =	vge.f32 v40, v17;
	v55 =	vsel vm0, $0x40, v1;
	v38 =	vadd.s32 v54, v38  }
0x3c9: {  	vm0 =	vge.f32 v40, v16;
	v56 =	vsel vm1, $0x40, v1;
	v38 =	vadd.s32 v55, v38;
	v57 =	vpop (erf)  }
0x3ca: {  	v58 =	vsel vm0, $0x40, v1;
	v38 =	vadd.s32 v56, v38;
	v37 =	vmul.f32 v57, v37  }
0x3cb: {  	v38 =	vadd.s32 v58, v38  }
0x3cc: {  	v59 =	vand.u32 $0x7FFFFFFF, v43;
	v37 =	vadd.f32 v37, v41  }
0x3cd: {  	vm0 =	vgt.f32 v59, $3.000000000e+00  }
0x3ce: {  	v37 =	vsel vm0, v43, v37  }
0x3cf: {  	[tilespmem:s13+$0x10] =	vst v37  }
0x3d0: {  	v37 =	vld.idx.msk [tilespmem:v38+s30+$0x0], $0xffff;
	_ =	sdelay $0x1  }
0x3d1: {  	v60 =	vld.idx.msk [tilespmem:v38+s31+$0x0], $0xffff;
	_ =	sdelay $0x2  }
0x3d2: {  	v61 =	vmul.f32 v37, v40;
	_ =	sdelay $0x1  }
0x3d3: {  	v62 =	vld.idx.msk [tilespmem:v38+s4+$0x0], $0xffff;
	v39 =	vadd.f32 v60, v61  }
0x3d4: {  	v63 =	vld.idx.msk [tilespmem:v38+s1+$0x0], $0xffff  }
0x3d5: {  	v48 =	vsub.f32 $1.000000000e+00, v39  }
0x3d6: {  	v44 =	vld.idx.msk [tilespmem:v38+s28+$0x0], $0xffff  }
0x3d7: {  	v49 =	vmul.f32 v48, v39;
	_ =	sdelay $0x1  }
0x3d8: {  	v37 =	vmul.f32 v62, v37;
	v41 =	vmul.f32 v63, v49;
	_ =	sdelay $0x1  }
0x3d9: {  	v50 =	vmul.f32 v37, v39;
	v43 =	vmul.f32 v44, v48;
	v37 =	vadd.f32 v41, v37  }
0x3da: {  	v41 =	vld [tilespmem:s13+$0x30]  }
0x3db: {  	v43 =	vadd.f32 v43, v50;
	(erf) = vrcp.f32 v37;
	_ =	sdelay $0x1  }
0x3dc: {  	v51 =	vmul.f32 v43, v39;
	_ =	sdelay $0x1  }
0x3dd: {  	v37 =	vmul.f32 v51, v62;
	vm0 =	vge.f32 v41, v13;
	vm1 =	vge.f32 v41, v14  }
0x3de: {  	vm2 =	vge.f32 v41, v15;
	v52 =	vsel vm0, $0x40, v1;
	v53 =	vsel vm1, v8, v7  }
0x3df: {  	vm0 =	vge.f32 v41, v12;
	v54 =	vsel vm2, $0x40, v1;
	v39 =	vadd.s32 v52, v53  }
0x3e0: {  	v38 =	vld.idx.msk [tilespmem:v38+s0+$0x0], $0xffff;
	vm1 =	vge.f32 v41, v11;
	v55 =	vsel vm0, $0x40, v1;
	v39 =	vadd.s32 v54, v39  }
0x3e1: {  	vm0 =	vge.f32 v41, v10;
	v56 =	vsel vm1, $0x40, v1;
	v39 =	vadd.s32 v55, v39  }
0x3e2: {  	vm1 =	vge.f32 v41, v9;
	v57 =	vsel vm0, $0x40, v1;
	v39 =	vadd.s32 v56, v39;
	v58 =	vpop (erf)  }
0x3e3: {  	v59 =	vsel vm1, $0x40, v1;
	v39 =	vadd.s32 v57, v39;
	v37 =	vmul.f32 v58, v37  }
0x3e4: {  	v39 =	vadd.s32 v59, v39  }
0x3e5: {  	v60 =	vand.u32 $0x7FFFFFFF, v40;
	v37 =	vadd.f32 v37, v38  }
0x3e6: {  	vm0 =	vgt.f32 v60, $3.000000000e+00  }
0x3e7: {  	v37 =	vsel vm0, v40, v37  }
0x3e8: {  	[tilespmem:s13+$0x20] =	vst v37  }
0x3e9: {  	v37 =	vld.idx.msk [tilespmem:v39+s30+$0x0], $0xffff;
	_ =	sdelay $0x1  }
0x3ea: {  	v61 =	vld.idx.msk [tilespmem:v39+s31+$0x0], $0xffff;
	_ =	sdelay $0x2  }
0x3eb: {  	v62 =	vmul.f32 v37, v41;
	_ =	sdelay $0x1  }
0x3ec: {  	v63 =	vld.idx.msk [tilespmem:v39+s4+$0x0], $0xffff;
	v38 =	vadd.f32 v61, v62  }
0x3ed: {  	v48 =	vld.idx.msk [tilespmem:v39+s1+$0x0], $0xffff  }
0x3ee: {  	v49 =	vsub.f32 $1.000000000e+00, v38;
	_ =	sdelay $0x1  }
0x3ef: {  	v50 =	vmul.f32 v49, v38;
	_ =	sdelay $0x1  }
0x3f0: {  	v37 =	vmul.f32 v63, v37;
	v40 =	vmul.f32 v48, v50  }
0x3f1: {  	v51 =	vld.idx.msk [tilespmem:v39+s28+$0x0], $0xffff  }
0x3f2: {  	v40 =	vadd.f32 v40, v37;
	_ =	sdelay $0x1  }
0x3f3: {  	(erf) = vrcp.f32 v40;
	_ =	sdelay $0x1  }
0x3f4: {  	v52 =	vmul.f32 v51, v49;
	v37 =	vmul.f32 v37, v38;
	_ =	sdelay $0x1  }
0x3f5: {  	v37 =	vadd.f32 v52, v37;
	_ =	sdelay $0x1  }
0x3f6: {  	v37 =	vmul.f32 v37, v38  }
0x3f7: {  	v53 =	vld.idx.msk [tilespmem:v39+s0+$0x0], $0xffff  }
0x3f8: {  	v37 =	vmul.f32 v37, v63  }
0x3f9: {  	v54 =	vpop (erf)  }
0x3fa: {  	v37 =	vmul.f32 v54, v37;
	_ =	sdelay $0x1  }
0x3fb: {  	v55 =	vand.u32 $0x7FFFFFFF, v41;
	v37 =	vadd.f32 v37, v53  }
0x3fc: {  	vm0 =	vgt.f32 v55, $3.000000000e+00  }
0x3fd: {  	v37 =	vsel vm0, v41, v37  }
0x3fe: {  	[tilespmem:s13+$0x30] =	vst v37;
	s13 =	simm.s32 $0x0  }
0x3ff: {  	[hbm4b:s14+s13] =	stream.linear.scatter [tilespmem:s13], [sflag:$0x3], $0x8000, $0x38;
	[tilespmem:$0x10E00] =	vst v63  }
0x400: {  	_ =	swait.ge [sflag:s6], $0x8000  }
0x401: {  	[sflag:s6] =	ssyncset.done $0x0  }
0x402: {  	[sflag:s6] =	ssyncadd.s32 $0xFFFF8000  }
0x403: {  	_ =	swait.ge [sflag:s7], $0x8000  }
0x404: {  	[sflag:s7] =	ssyncset.done $0x0  }
0x405: {  	s10 =	simm.s32 $0x0;
	[sflag:s7] =	ssyncadd.s32 $0xFFFF8000  }
0x406: {  	[tilespmem:s13], [sflag:$0x1] =	stream.linear.gather [hbm4b:s15+s13], $0x8000, $0x38;
	[tilespmem:$0x10E00] =	vst v63  }
0x407: {  	v37 =	vld [tilespmem:s10+$0x8000];
	_ =	sdelay $0x4  }
0x408: {  	vm0 =	vge.f32 v37, v30;
	vm1 =	vge.f32 v37, v31  }
0x409: {  	vm2 =	vge.f32 v37, v33;
	v56 =	vsel vm0, $0x40, v1;
	v57 =	vsel vm1, v2, v0  }
0x40a: {  	vm0 =	vge.f32 v37, v32;
	v58 =	vsel vm2, $0x40, v1;
	v38 =	vadd.s32 v56, v57  }
0x40b: {  	vm1 =	vge.f32 v37, v35;
	v59 =	vsel vm0, $0x40, v1;
	v38 =	vadd.s32 v58, v38  }
0x40c: {  	vm0 =	vge.f32 v37, v34;
	v60 =	vsel vm1, $0x40, v1;
	v38 =	vadd.s32 v59, v38  }
0x40d: {  	vm1 =	vge.f32 v37, v36;
	v61 =	vsel vm0, $0x40, v1;
	v38 =	vadd.s32 v60, v38  }
0x40e: {  	v62 =	vsel vm1, $0x40, v1;
	v38 =	vadd.s32 v61, v38  }
0x40f: {  	v38 =	vadd.s32 v62, v38;
	_ =	sdelay $0x4  }
0x410: {  	v63 =	vld.idx.msk [tilespmem:v38+s30+$0x0], $0xffff;
	_ =	sdelay $0x1  }
0x411: {  	v40 =	vld.idx.msk [tilespmem:v38+s31+$0x0], $0xffff;
	_ =	sdelay $0x2  }
0x412: {  	v48 =	vmul.f32 v63, v37;
	_ =	sdelay $0x1  }
0x413: {  	v49 =	vld.idx.msk [tilespmem:v38+s1+$0x0], $0xffff;
	v40 =	vadd.f32 v40, v48  }
0x414: {  	v50 =	vld.idx.msk [tilespmem:v38+s4+$0x0], $0xffff  }
0x415: {  	v51 =	vsub.f32 $1.000000000e+00, v40  }
0x416: {  	v52 =	vld.idx.msk [tilespmem:v38+s28+$0x0], $0xffff  }
0x417: {  	v53 =	vmul.f32 v51, v40;
	_ =	sdelay $0x1  }
0x418: {  	v39 =	vmul.f32 v50, v63;
	v42 =	vmul.f32 v49, v53;
	_ =	sdelay $0x1  }
0x419: {  	v54 =	vmul.f32 v39, v40;
	v43 =	vmul.f32 v52, v51;
	v39 =	vadd.f32 v42, v39  }
0x41a: {  	v42 =	vld [tilespmem:s10+$0x8010]  }
0x41b: {  	v43 =	vadd.f32 v43, v54;
	(erf) = vrcp.f32 v39;
	_ =	sdelay $0x1  }
0x41c: {  	v55 =	vmul.f32 v43, v40;
	_ =	sdelay $0x1  }
0x41d: {  	v39 =	vmul.f32 v55, v50;
	vm0 =	vge.f32 v42, v27;
	vm1 =	vge.f32 v42, v28  }
0x41e: {  	v56 =	vsel vm0, $0x40, v1;
	vm0 =	vge.f32 v42, v29;
	v57 =	vsel vm1, v4, v3  }
0x41f: {  	vm1 =	vge.f32 v42, v26;
	v58 =	vsel vm0, $0x40, v1;
	v40 =	vadd.s32 v56, v57  }
0x420: {  	v38 =	vld.idx.msk [tilespmem:v38+s0+$0x0], $0xffff;
	v59 =	vsel vm1, $0x40, v1;
	vm0 =	vge.f32 v42, v25;
	v40 =	vadd.s32 v58, v40  }
0x421: {  	vm1 =	vge.f32 v42, v24;
	v60 =	vsel vm0, $0x40, v1;
	v40 =	vadd.s32 v59, v40  }
0x422: {  	v61 =	vsel vm1, $0x40, v1;
	vm0 =	vge.f32 v42, v23;
	v40 =	vadd.s32 v60, v40;
	v62 =	vpop (erf)  }
0x423: {  	v63 =	vsel vm0, $0x40, v1;
	v40 =	vadd.s32 v61, v40;
	v39 =	vmul.f32 v62, v39  }
0x424: {  	v40 =	vadd.s32 v63, v40  }
0x425: {  	v47 =	vand.u32 $0x7FFFFFFF, v37;
	v38 =	vadd.f32 v39, v38  }
0x426: {  	vm0 =	vgt.f32 v47, $3.000000000e+00  }
0x427: {  	v37 =	vsel vm0, v37, v38  }
0x428: {  	[tilespmem:s10+$0x8000] =	vst v37  }
0x429: {  	v37 =	vld.idx.msk [tilespmem:v40+s30+$0x0], $0xffff;
	_ =	sdelay $0x1  }
0x42a: {  	v48 =	vld.idx.msk [tilespmem:v40+s31+$0x0], $0xffff;
	_ =	sdelay $0x2  }
0x42b: {  	v49 =	vmul.f32 v37, v42;
	_ =	sdelay $0x1  }
0x42c: {  	v50 =	vld.idx.msk [tilespmem:v40+s1+$0x0], $0xffff;
	v38 =	vadd.f32 v48, v49  }
0x42d: {  	v51 =	vld.idx.msk [tilespmem:v40+s4+$0x0], $0xffff  }
0x42e: {  	v52 =	vsub.f32 $1.000000000e+00, v38  }
0x42f: {  	v44 =	vld.idx.msk [tilespmem:v40+s28+$0x0], $0xffff  }
0x430: {  	v53 =	vmul.f32 v52, v38;
	_ =	sdelay $0x1  }
0x431: {  	v37 =	vmul.f32 v51, v37;
	v41 =	vmul.f32 v50, v53;
	_ =	sdelay $0x1  }
0x432: {  	v54 =	vmul.f32 v37, v38;
	v43 =	vmul.f32 v44, v52;
	v37 =	vadd.f32 v41, v37  }
0x433: {  	v41 =	vld [tilespmem:s10+$0x8020]  }
0x434: {  	v43 =	vadd.f32 v43, v54;
	(erf) = vrcp.f32 v37;
	_ =	sdelay $0x1  }
0x435: {  	v55 =	vmul.f32 v43, v38;
	_ =	sdelay $0x1  }
0x436: {  	v37 =	vmul.f32 v55, v51;
	vm0 =	vge.f32 v41, v21;
	vm1 =	vge.f32 v41, v22  }
0x437: {  	v56 =	vsel vm0, $0x40, v1;
	v57 =	vsel vm1, v6, v5;
	vm0 =	vge.f32 v41, v20  }
0x438: {  	vm1 =	vge.f32 v41, v19;
	v38 =	vadd.s32 v56, v57;
	v58 =	vsel vm0, $0x40, v1  }
0x439: {  	v40 =	vld.idx.msk [tilespmem:v40+s0+$0x0], $0xffff;
	v59 =	vsel vm1, $0x40, v1;
	vm0 =	vge.f32 v41, v18;
	v38 =	vadd.s32 v58, v38  }
0x43a: {  	vm1 =	vge.f32 v41, v17;
	v60 =	vsel vm0, $0x40, v1;
	v38 =	vadd.s32 v59, v38  }
0x43b: {  	vm0 =	vge.f32 v41, v16;
	v61 =	vsel vm1, $0x40, v1;
	v38 =	vadd.s32 v60, v38;
	v62 =	vpop (erf)  }
0x43c: {  	v63 =	vsel vm0, $0x40, v1;
	v38 =	vadd.s32 v61, v38;
	v37 =	vmul.f32 v62, v37  }
0x43d: {  	v38 =	vadd.s32 v63, v38  }
0x43e: {  	v48 =	vand.u32 $0x7FFFFFFF, v42;
	v37 =	vadd.f32 v37, v40  }
0x43f: {  	vm0 =	vgt.f32 v48, $3.000000000e+00  }
0x440: {  	v37 =	vsel vm0, v42, v37  }
0x441: {  	[tilespmem:s10+$0x8010] =	vst v37  }
0x442: {  	v37 =	vld.idx.msk [tilespmem:v38+s30+$0x0], $0xffff;
	_ =	sdelay $0x1  }
0x443: {  	v49 =	vld.idx.msk [tilespmem:v38+s31+$0x0], $0xffff;
	_ =	sdelay $0x2  }
0x444: {  	v50 =	vmul.f32 v37, v41;
	_ =	sdelay $0x1  }
0x445: {  	v51 =	vld.idx.msk [tilespmem:v38+s4+$0x0], $0xffff;
	v39 =	vadd.f32 v49, v50  }
0x446: {  	v52 =	vld.idx.msk [tilespmem:v38+s1+$0x0], $0xffff  }
0x447: {  	v53 =	vsub.f32 $1.000000000e+00, v39  }
0x448: {  	v44 =	vld.idx.msk [tilespmem:v38+s28+$0x0], $0xffff  }
0x449: {  	v54 =	vmul.f32 v53, v39;
	_ =	sdelay $0x1  }
0x44a: {  	v37 =	vmul.f32 v51, v37;
	v40 =	vmul.f32 v52, v54;
	_ =	sdelay $0x1  }
0x44b: {  	v55 =	vmul.f32 v37, v39;
	v43 =	vmul.f32 v44, v53;
	v40 =	vadd.f32 v40, v37  }
0x44c: {  	v37 =	vld [tilespmem:s10+$0x8030]  }
0x44d: {  	v43 =	vadd.f32 v43, v55;
	(erf) = vrcp.f32 v40;
	_ =	sdelay $0x1  }
0x44e: {  	v39 =	vmul.f32 v43, v39;
	_ =	sdelay $0x1  }
0x44f: {  	v39 =	vmul.f32 v39, v51;
	vm0 =	vge.f32 v37, v13;
	vm1 =	vge.f32 v37, v14  }
0x450: {  	vm2 =	vge.f32 v37, v15;
	v56 =	vsel vm0, $0x40, v1;
	v57 =	vsel vm1, v8, v7  }
0x451: {  	vm0 =	vge.f32 v37, v12;
	v58 =	vsel vm2, $0x40, v1;
	v40 =	vadd.s32 v56, v57  }
0x452: {  	v38 =	vld.idx.msk [tilespmem:v38+s0+$0x0], $0xffff;
	vm1 =	vge.f32 v37, v11;
	v59 =	vsel vm0, $0x40, v1;
	v40 =	vadd.s32 v58, v40  }
0x453: {  	vm0 =	vge.f32 v37, v10;
	v60 =	vsel vm1, $0x40, v1;
	v40 =	vadd.s32 v59, v40  }
0x454: {  	vm1 =	vge.f32 v37, v9;
	v61 =	vsel vm0, $0x40, v1;
	v40 =	vadd.s32 v60, v40;
	v62 =	vpop (erf)  }
0x455: {  	v63 =	vsel vm1, $0x40, v1;
	v40 =	vadd.s32 v61, v40;
	v39 =	vmul.f32 v62, v39  }
0x456: {  	v40 =	vadd.s32 v63, v40  }
0x457: {  	v45 =	vand.u32 $0x7FFFFFFF, v41;
	v38 =	vadd.f32 v39, v38  }
0x458: {  	vm0 =	vgt.f32 v45, $3.000000000e+00  }
0x459: {  	v38 =	vsel vm0, v41, v38  }
0x45a: {  	[tilespmem:s10+$0x8020] =	vst v38  }
0x45b: {  	v38 =	vld.idx.msk [tilespmem:v40+s30+$0x0], $0xffff;
	_ =	sdelay $0x1  }
0x45c: {  	v46 =	vld.idx.msk [tilespmem:v40+s31+$0x0], $0xffff;
	_ =	sdelay $0x2  }
0x45d: {  	v47 =	vmul.f32 v38, v37;
	_ =	sdelay $0x1  }
0x45e: {  	v48 =	vld.idx.msk [tilespmem:v40+s4+$0x0], $0xffff;
	v39 =	vadd.f32 v46, v47  }
0x45f: {  	v49 =	vld.idx.msk [tilespmem:v40+s1+$0x0], $0xffff  }
0x460: {  	v50 =	vsub.f32 $1.000000000e+00, v39  }
0x461: {  	v44 =	vld.idx.msk [tilespmem:v40+s28+$0x0], $0xffff  }
0x462: {  	v51 =	vmul.f32 v50, v39;
	_ =	sdelay $0x1  }
0x463: {  	v38 =	vmul.f32 v48, v38;
	v41 =	vmul.f32 v49, v51;
	_ =	sdelay $0x1  }
0x464: {  	s13 =	simm.s32 $0x80;
	v52 =	vmul.f32 v38, v39;
	v43 =	vmul.f32 v44, v50;
	v41 =	vadd.f32 v41, v38  }
0x465: {  	v38 =	vld [tilespmem:s13+$0x8000]  }
0x466: {  	v43 =	vadd.f32 v43, v52;
	(erf) = vrcp.f32 v41;
	_ =	sdelay $0x1  }
0x467: {  	v39 =	vmul.f32 v43, v39;
	_ =	sdelay $0x1  }
0x468: {  	v39 =	vmul.f32 v39, v48;
	vm0 =	vge.f32 v38, v30;
	vm1 =	vge.f32 v38, v31  }
0x469: {  	vm2 =	vge.f32 v38, v33;
	v54 =	vsel vm0, $0x40, v1;
	v55 =	vsel vm1, v2, v0  }
0x46a: {  	vm0 =	vge.f32 v38, v32;
	v57 =	vsel vm2, $0x40, v1;
	v41 =	vadd.s32 v54, v55  }
0x46b: {  	v56 =	vld.idx.msk [tilespmem:v40+s0+$0x0], $0xffff;
	vm1 =	vge.f32 v38, v35;
	v58 =	vsel vm0, $0x40, v1;
	v40 =	vadd.s32 v57, v41  }
0x46c: {  	vm0 =	vge.f32 v38, v34;
	v59 =	vsel vm1, $0x40, v1;
	v40 =	vadd.s32 v58, v40  }
0x46d: {  	vm1 =	vge.f32 v38, v36;
	v61 =	vsel vm0, $0x40, v1;
	v40 =	vadd.s32 v59, v40;
	v60 =	vpop (erf)  }
0x46e: {  	v63 =	vsel vm1, $0x40, v1;
	v40 =	vadd.s32 v61, v40;
	v62 =	vmul.f32 v60, v39  }
0x46f: {  	v53 =	vand.u32 $0x7FFFFFFF, v37;
	v40 =	vadd.s32 v63, v40  }
0x470: {  	s11 =	simm.s32 $0x400;
	vm0 =	vgt.f32 v53, $3.000000000e+00;
	v39 =	vand.u32 $0x7FFFFFFF, v38;
	v41 =	vadd.f32 v62, v56  }
.LBB2_8:
0x471: {  	_ = 	snop  }
0x472: {  	p0 =	sne.s32 s11, $0x1FE00;
	s12 =	smov.u32 s11;
	s11 =	sadd.s32 $0x200, s11;
	v37 =	vsel vm0, v37, v41  }
0x473: {  	[tilespmem:s10+$0x8030] =	vst v37;
	s10 =	smov.u32 s13  }
0x474: {  	v37 =	vld.idx.msk [tilespmem:v40+s30+$0x0], $0xffff  }
0x475: {  	v41 =	vld.idx.msk [tilespmem:v40+s31+$0x0], $0xffff;
	_ =	sdelay $0x3  }
0x476: {  	v42 =	vld.idx.msk [tilespmem:v40+s28+$0x0], $0xffff  }
0x477: {  	v44 =	vmul.f32 v37, v38;
	v43 =	vld.idx.msk [tilespmem:v40+s1+$0x0], $0xffff  }
0x478: {  	v45 =	vld.idx.msk [tilespmem:v40+s4+$0x0], $0xffff  }
0x479: {  	v41 =	vadd.f32 v41, v44;
	_ =	sdelay $0x1  }
0x47a: {  	v44 =	vsub.f32 $1.000000000e+00, v41;
	_ =	sdelay $0x1  }
0x47b: {  	v42 =	vmul.f32 v42, v44;
	v44 =	vmul.f32 v44, v41  }
0x47c: {  	v37 =	vmul.f32 v45, v37  }
0x47d: {  	v43 =	vmul.f32 v43, v44  }
0x47e: {  	v44 =	vmul.f32 v37, v41  }
0x47f: {  	v37 =	vadd.f32 v43, v37;
	v43 =	vld [tilespmem:s10+$0x8010]  }
0x480: {  	v42 =	vadd.f32 v42, v44  }
0x481: {  	(erf) = vrcp.f32 v37  }
0x482: {  	v37 =	vmul.f32 v42, v41;
	_ =	sdelay $0x1  }
0x483: {  	v37 =	vmul.f32 v37, v45;
	vm0 =	vge.f32 v43, v27;
	vm1 =	vge.f32 v43, v28  }
0x484: {  	v41 =	vsel vm0, $0x40, v1;
	vm0 =	vge.f32 v43, v29;
	v42 =	vsel vm1, v4, v3  }
0x485: {  	vm1 =	vge.f32 v43, v26;
	v40 =	vld.idx.msk [tilespmem:v40+s0+$0x0], $0xffff;
	v44 =	vsel vm0, $0x40, v1;
	v41 =	vadd.s32 v41, v42  }
0x486: {  	v42 =	vsel vm1, $0x40, v1;
	vm0 =	vge.f32 v43, v25;
	v41 =	vadd.s32 v44, v41  }
0x487: {  	vm1 =	vge.f32 v43, v24;
	v44 =	vsel vm0, $0x40, v1;
	v41 =	vadd.s32 v42, v41  }
0x488: {  	v45 =	vsel vm1, $0x40, v1;
	vm0 =	vge.f32 v43, v23;
	v41 =	vadd.s32 v44, v41  }
0x489: {  	v44 =	vsel vm0, $0x40, v1;
	v41 =	vadd.s32 v45, v41;
	v42 =	vpop (erf)  }
0x48a: {  	v37 =	vmul.f32 v42, v37;
	v41 =	vadd.s32 v44, v41;
	v42 =	vand.u32 $0x7FFFFFFF, v43;
	_ =	sdelay $0x1  }
0x48b: {  	vm0 =	vgt.f32 v39, $3.000000000e+00;
	v37 =	vadd.f32 v37, v40;
	_ =	sdelay $0x1  }
0x48c: {  	v37 =	vsel vm0, v38, v37  }
0x48d: {  	[tilespmem:s10+$0x8000] =	vst v37  }
0x48e: {  	v37 =	vld.idx.msk [tilespmem:v41+s30+$0x0], $0xffff  }
0x48f: {  	v38 =	vld.idx.msk [tilespmem:v41+s31+$0x0], $0xffff;
	_ =	sdelay $0x4  }
0x490: {  	v40 =	vmul.f32 v37, v43;
	v39 =	vld.idx.msk [tilespmem:v41+s1+$0x0], $0xffff  }
0x491: {  	v44 =	vld.idx.msk [tilespmem:v41+s4+$0x0], $0xffff  }
0x492: {  	v38 =	vadd.f32 v38, v40  }
0x493: {  	v40 =	vld.idx.msk [tilespmem:v41+s28+$0x0], $0xffff  }
0x494: {  	v45 =	vsub.f32 $1.000000000e+00, v38;
	_ =	sdelay $0x1  }
0x495: {  	v46 =	vmul.f32 v45, v38  }
0x496: {  	v37 =	vmul.f32 v44, v37  }
0x497: {  	v39 =	vmul.f32 v39, v46  }
0x498: {  	v46 =	vmul.f32 v37, v38;
	v40 =	vmul.f32 v40, v45  }
0x499: {  	v37 =	vadd.f32 v39, v37;
	v39 =	vld [tilespmem:s10+$0x8020]  }
0x49a: {  	v40 =	vadd.f32 v40, v46  }
0x49b: {  	(erf) = vrcp.f32 v37  }
0x49c: {  	v37 =	vmul.f32 v40, v38;
	_ =	sdelay $0x1  }
0x49d: {  	v37 =	vmul.f32 v37, v44;
	vm0 =	vge.f32 v39, v21;
	vm1 =	vge.f32 v39, v22  }
0x49e: {  	v38 =	vsel vm0, $0x40, v1;
	vm0 =	vge.f32 v39, v17;
	v40 =	vsel vm1, v6, v5  }
0x49f: {  	vm2 =	vge.f32 v39, v20;
	vm1 =	vge.f32 v39, v19;
	v41 =	vld.idx.msk [tilespmem:v41+s0+$0x0], $0xffff;
	v38 =	vadd.s32 v38, v40  }
0x4a0: {  	v44 =	vsel vm2, $0x40, v1;
	v40 =	vsel vm1, $0x40, v1;
	vm1 =	vge.f32 v39, v18  }
0x4a1: {  	v47 =	vsel vm1, $0x40, v1;
	vm1 =	vge.f32 v39, v16;
	v38 =	vadd.s32 v44, v38  }
0x4a2: {  	v44 =	vsel vm0, $0x40, v1;
	v38 =	vadd.s32 v40, v38;
	v40 =	vand.u32 $0x7FFFFFFF, v39  }
0x4a3: {  	v46 =	vsel vm1, $0x40, v1;
	v38 =	vadd.s32 v47, v38;
	v45 =	vpop (erf)  }
0x4a4: {  	v38 =	vadd.s32 v44, v38;
	v37 =	vmul.f32 v45, v37  }
0x4a5: {  	v38 =	vadd.s32 v46, v38  }
0x4a6: {  	vm0 =	vgt.f32 v42, $3.000000000e+00;
	v37 =	vadd.f32 v37, v41;
	_ =	sdelay $0x1  }
0x4a7: {  	v37 =	vsel vm0, v43, v37  }
0x4a8: {  	[tilespmem:s10+$0x8010] =	vst v37  }
0x4a9: {  	v37 =	vld.idx.msk [tilespmem:v38+s30+$0x0], $0xffff  }
0x4aa: {  	v41 =	vld.idx.msk [tilespmem:v38+s31+$0x0], $0xffff  }
0x4ab: {  	v42 =	vld.idx.msk [tilespmem:v38+s4+$0x0], $0xffff;
	_ =	sdelay $0x3  }
0x4ac: {  	v44 =	vmul.f32 v37, v39;
	v43 =	vld.idx.msk [tilespmem:v38+s28+$0x0], $0xffff  }
0x4ad: {  	v45 =	vld.idx.msk [tilespmem:v38+s1+$0x0], $0xffff  }
0x4ae: {  	v41 =	vadd.f32 v41, v44;
	v37 =	vmul.f32 v42, v37;
	_ =	sdelay $0x1  }
0x4af: {  	v44 =	vsub.f32 $1.000000000e+00, v41;
	v46 =	vmul.f32 v37, v41;
	_ =	sdelay $0x1  }
0x4b0: {  	v43 =	vmul.f32 v43, v44;
	v44 =	vmul.f32 v44, v41;
	_ =	sdelay $0x1  }
0x4b1: {  	v43 =	vadd.f32 v43, v46;
	v44 =	vmul.f32 v45, v44;
	_ =	sdelay $0x1  }
0x4b2: {  	v41 =	vmul.f32 v43, v41;
	v43 =	vadd.f32 v44, v37;
	v37 =	vld [tilespmem:s10+$0x8030];
	_ =	sdelay $0x1  }
0x4b3: {  	v41 =	vmul.f32 v41, v42;
	(erf) = vrcp.f32 v43;
	_ =	sdelay $0x2  }
0x4b4: {  	vm0 =	vge.f32 v37, v13;
	vm1 =	vge.f32 v37, v14;
	vm2 =	vge.f32 v37, v15  }
0x4b5: {  	v42 =	vsel vm0, $0x40, v1;
	vm0 =	vge.f32 v37, v12;
	v43 =	vsel vm1, v8, v7  }
0x4b6: {  	v44 =	vsel vm2, $0x40, v1;
	vm1 =	vge.f32 v37, v11;
	v38 =	vld.idx.msk [tilespmem:v38+s0+$0x0], $0xffff;
	v42 =	vadd.s32 v42, v43  }
0x4b7: {  	v43 =	vsel vm0, $0x40, v1;
	vm0 =	vge.f32 v37, v10;
	v42 =	vadd.s32 v44, v42  }
0x4b8: {  	v44 =	vsel vm1, $0x40, v1;
	vm1 =	vge.f32 v37, v9;
	v42 =	vadd.s32 v43, v42  }
0x4b9: {  	v46 =	vsel vm0, $0x40, v1;
	v42 =	vadd.s32 v44, v42;
	v44 =	vand.u32 $0x7FFFFFFF, v37  }
0x4ba: {  	v45 =	vsel vm1, $0x40, v1;
	v42 =	vadd.s32 v46, v42;
	v43 =	vpop (erf)  }
0x4bb: {  	v41 =	vmul.f32 v43, v41;
	v42 =	vadd.s32 v45, v42;
	_ =	sdelay $0x1  }
0x4bc: {  	vm0 =	vgt.f32 v40, $3.000000000e+00;
	v38 =	vadd.f32 v41, v38;
	_ =	sdelay $0x1  }
0x4bd: {  	v38 =	vsel vm0, v39, v38  }
0x4be: {  	[tilespmem:s10+$0x8020] =	vst v38  }
0x4bf: {  	v38 =	vld.idx.msk [tilespmem:v42+s30+$0x0], $0xffff  }
0x4c0: {  	v39 =	vld.idx.msk [tilespmem:v42+s31+$0x0], $0xffff  }
0x4c1: {  	v40 =	vld.idx.msk [tilespmem:v42+s4+$0x0], $0xffff  }
0x4c2: {  	v41 =	vld.idx.msk [tilespmem:v42+s1+$0x0], $0xffff  }
0x4c3: {  	v43 =	vld.idx.msk [tilespmem:v42+s28+$0x0], $0xffff  }
0x4c4: {  	v42 =	vld.idx.msk [tilespmem:v42+s0+$0x0], $0xffff  }
0x4c5: {  	v45 =	vmul.f32 v38, v37;
	_ =	sdelay $0x1  }
0x4c6: {  	v39 =	vadd.f32 v39, v45;
	v45 =	vmul.f32 v40, v38;
	_ =	sdelay $0x1  }
0x4c7: {  	v38 =	vsub.f32 $1.000000000e+00, v39;
	v46 =	vmul.f32 v45, v39;
	_ =	sdelay $0x1  }
0x4c8: {  	v43 =	vmul.f32 v43, v38;
	v38 =	vmul.f32 v38, v39;
	_ =	sdelay $0x1  }
0x4c9: {  	v43 =	vadd.f32 v43, v46;
	v41 =	vmul.f32 v41, v38  }
0x4ca: {  	s13 =	sshra.s32 s12, $0x2  }
0x4cb: {  	v39 =	vmul.f32 v43, v39;
	v41 =	vadd.f32 v41, v45;
	v38 =	vld [tilespmem:s13+$0x8000];
	_ =	sdelay $0x1  }
0x4cc: {  	v43 =	vmul.f32 v39, v40;
	(erf) = vrcp.f32 v41;
	_ =	sdelay $0x2  }
0x4cd: {  	vm0 =	vge.f32 v38, v30;
	vm1 =	vge.f32 v38, v31;
	vm2 =	vge.f32 v38, v33  }
0x4ce: {  	v39 =	vsel vm0, $0x40, v1;
	vm0 =	vge.f32 v38, v32;
	v40 =	vsel vm1, v2, v0  }
0x4cf: {  	v41 =	vsel vm2, $0x40, v1;
	vm1 =	vge.f32 v38, v35;
	v39 =	vadd.s32 v39, v40  }
0x4d0: {  	v40 =	vsel vm0, $0x40, v1;
	vm0 =	vge.f32 v38, v34;
	v39 =	vadd.s32 v41, v39  }
0x4d1: {  	v47 =	vsel vm1, $0x40, v1;
	vm1 =	vge.f32 v38, v36;
	v39 =	vadd.s32 v40, v39  }
.Ltmp3:
0x4d2: {  	v40 =	vsel vm0, $0x40, v1;
	v46 =	vadd.s32 v47, v39;
	v39 =	vand.u32 $0x7FFFFFFF, v38;
	(pc) =	sbr.rel @p0 .LBB2_8-.Ltmp3, $3  }
0x4d3: {  	v45 =	vsel vm1, $0x40, v1;
	v40 =	vadd.s32 v40, v46;
	v41 =	vpop (erf)  }
0x4d4: {  	v40 =	vadd.s32 v45, v40;
	v41 =	vmul.f32 v41, v43;
	_ =	sdelay $0x1  }
0x4d5: {  	vm0 =	vgt.f32 v44, $3.000000000e+00;
	v41 =	vadd.f32 v41, v42  }
0x4d6: {  	_ =	sdelay $0x1  }
0x4d7: {  	v37 =	vsel vm0, v37, v41  }
0x4d8: {  	[tilespmem:s10+$0x8030] =	vst v37  }
0x4d9: {  	v37 =	vld.idx.msk [tilespmem:v40+s30+$0x0], $0xffff;
	_ =	sdelay $0x1  }
0x4da: {  	v61 =	vld.idx.msk [tilespmem:v40+s31+$0x0], $0xffff;
	_ =	sdelay $0x2  }
0x4db: {  	v42 =	vmul.f32 v37, v38;
	_ =	sdelay $0x1  }
0x4dc: {  	v43 =	vld.idx.msk [tilespmem:v40+s1+$0x0], $0xffff;
	v41 =	vadd.f32 v61, v42  }
0x4dd: {  	v62 =	vld.idx.msk [tilespmem:v40+s4+$0x0], $0xffff  }
0x4de: {  	v44 =	vsub.f32 $1.000000000e+00, v41  }
0x4df: {  	v45 =	vld.idx.msk [tilespmem:v40+s28+$0x0], $0xffff  }
0x4e0: {  	v46 =	vmul.f32 v44, v41;
	_ =	sdelay $0x1  }
0x4e1: {  	v37 =	vmul.f32 v62, v37;
	v43 =	vmul.f32 v43, v46;
	_ =	sdelay $0x1  }
0x4e2: {  	v63 =	vmul.f32 v37, v41;
	v44 =	vmul.f32 v45, v44;
	v37 =	vadd.f32 v43, v37  }
0x4e3: {  	v43 =	vld [tilespmem:s13+$0x8010]  }
0x4e4: {  	v44 =	vadd.f32 v44, v63;
	(erf) = vrcp.f32 v37;
	_ =	sdelay $0x1  }
0x4e5: {  	v48 =	vmul.f32 v44, v41;
	_ =	sdelay $0x1  }
0x4e6: {  	v37 =	vmul.f32 v48, v62;
	vm0 =	vge.f32 v43, v27;
	vm1 =	vge.f32 v43, v28  }
0x4e7: {  	v49 =	vsel vm0, $0x40, v1;
	vm0 =	vge.f32 v43, v29;
	v50 =	vsel vm1, v4, v3  }
0x4e8: {  	vm1 =	vge.f32 v43, v26;
	v51 =	vsel vm0, $0x40, v1;
	v41 =	vadd.s32 v49, v50  }
0x4e9: {  	v52 =	vld.idx.msk [tilespmem:v40+s0+$0x0], $0xffff;
	v53 =	vsel vm1, $0x40, v1;
	vm0 =	vge.f32 v43, v25;
	v41 =	vadd.s32 v51, v41  }
0x4ea: {  	vm1 =	vge.f32 v43, v24;
	v54 =	vsel vm0, $0x40, v1;
	v41 =	vadd.s32 v53, v41  }
0x4eb: {  	v55 =	vsel vm1, $0x40, v1;
	vm0 =	vge.f32 v43, v23;
	v41 =	vadd.s32 v54, v41;
	v56 =	vpop (erf)  }
0x4ec: {  	v57 =	vsel vm0, $0x40, v1;
	v41 =	vadd.s32 v55, v41;
	v37 =	vmul.f32 v56, v37  }
0x4ed: {  	v41 =	vadd.s32 v57, v41  }
0x4ee: {  	v37 =	vadd.f32 v37, v52  }
0x4ef: {  	vm0 =	vgt.f32 v39, $3.000000000e+00  }
0x4f0: {  	v37 =	vsel vm0, v38, v37  }
0x4f1: {  	[tilespmem:s13+$0x8000] =	vst v37  }
0x4f2: {  	v37 =	vld.idx.msk [tilespmem:v41+s30+$0x0], $0xffff;
	_ =	sdelay $0x1  }
0x4f3: {  	v58 =	vld.idx.msk [tilespmem:v41+s31+$0x0], $0xffff;
	_ =	sdelay $0x2  }
0x4f4: {  	v59 =	vmul.f32 v37, v43;
	_ =	sdelay $0x1  }
0x4f5: {  	v60 =	vld.idx.msk [tilespmem:v41+s1+$0x0], $0xffff;
	v38 =	vadd.f32 v58, v59  }
0x4f6: {  	v61 =	vld.idx.msk [tilespmem:v41+s4+$0x0], $0xffff  }
0x4f7: {  	v62 =	vsub.f32 $1.000000000e+00, v38  }
0x4f8: {  	v63 =	vld.idx.msk [tilespmem:v41+s28+$0x0], $0xffff  }
0x4f9: {  	v48 =	vmul.f32 v62, v38;
	_ =	sdelay $0x1  }
0x4fa: {  	v37 =	vmul.f32 v61, v37;
	v40 =	vmul.f32 v60, v48;
	_ =	sdelay $0x1  }
0x4fb: {  	v49 =	vmul.f32 v37, v38;
	v42 =	vmul.f32 v63, v62;
	v37 =	vadd.f32 v40, v37  }
0x4fc: {  	v40 =	vld [tilespmem:s13+$0x8020]  }
0x4fd: {  	v42 =	vadd.f32 v42, v49;
	(erf) = vrcp.f32 v37;
	_ =	sdelay $0x1  }
0x4fe: {  	v50 =	vmul.f32 v42, v38;
	_ =	sdelay $0x1  }
0x4ff: {  	v37 =	vmul.f32 v50, v61;
	vm0 =	vge.f32 v40, v21;
	vm1 =	vge.f32 v40, v22  }
0x500: {  	v51 =	vsel vm0, $0x40, v1;
	v52 =	vsel vm1, v6, v5;
	vm0 =	vge.f32 v40, v20  }
0x501: {  	vm1 =	vge.f32 v40, v19;
	v38 =	vadd.s32 v51, v52;
	v53 =	vsel vm0, $0x40, v1  }
0x502: {  	v41 =	vld.idx.msk [tilespmem:v41+s0+$0x0], $0xffff;
	v54 =	vsel vm1, $0x40, v1;
	vm0 =	vge.f32 v40, v18;
	v38 =	vadd.s32 v53, v38  }
0x503: {  	vm1 =	vge.f32 v40, v17;
	v55 =	vsel vm0, $0x40, v1;
	v38 =	vadd.s32 v54, v38  }
0x504: {  	vm0 =	vge.f32 v40, v16;
	v56 =	vsel vm1, $0x40, v1;
	v38 =	vadd.s32 v55, v38;
	v57 =	vpop (erf)  }
0x505: {  	v58 =	vsel vm0, $0x40, v1;
	v38 =	vadd.s32 v56, v38;
	v37 =	vmul.f32 v57, v37  }
0x506: {  	v38 =	vadd.s32 v58, v38  }
0x507: {  	v59 =	vand.u32 $0x7FFFFFFF, v43;
	v37 =	vadd.f32 v37, v41  }
0x508: {  	vm0 =	vgt.f32 v59, $3.000000000e+00  }
0x509: {  	v37 =	vsel vm0, v43, v37  }
0x50a: {  	[tilespmem:s13+$0x8010] =	vst v37  }
0x50b: {  	v37 =	vld.idx.msk [tilespmem:v38+s30+$0x0], $0xffff;
	_ =	sdelay $0x1  }
0x50c: {  	v60 =	vld.idx.msk [tilespmem:v38+s31+$0x0], $0xffff;
	_ =	sdelay $0x2  }
0x50d: {  	v61 =	vmul.f32 v37, v40;
	_ =	sdelay $0x1  }
0x50e: {  	v62 =	vld.idx.msk [tilespmem:v38+s4+$0x0], $0xffff;
	v39 =	vadd.f32 v60, v61  }
0x50f: {  	v63 =	vld.idx.msk [tilespmem:v38+s1+$0x0], $0xffff  }
0x510: {  	v48 =	vsub.f32 $1.000000000e+00, v39  }
0x511: {  	v44 =	vld.idx.msk [tilespmem:v38+s28+$0x0], $0xffff  }
0x512: {  	v49 =	vmul.f32 v48, v39;
	_ =	sdelay $0x1  }
0x513: {  	v37 =	vmul.f32 v62, v37;
	v41 =	vmul.f32 v63, v49;
	_ =	sdelay $0x1  }
0x514: {  	v50 =	vmul.f32 v37, v39;
	v43 =	vmul.f32 v44, v48;
	v37 =	vadd.f32 v41, v37  }
0x515: {  	v41 =	vld [tilespmem:s13+$0x8030]  }
0x516: {  	v43 =	vadd.f32 v43, v50;
	(erf) = vrcp.f32 v37;
	_ =	sdelay $0x1  }
0x517: {  	v51 =	vmul.f32 v43, v39;
	_ =	sdelay $0x1  }
0x518: {  	v37 =	vmul.f32 v51, v62;
	vm0 =	vge.f32 v41, v13;
	vm1 =	vge.f32 v41, v14  }
0x519: {  	vm2 =	vge.f32 v41, v15;
	v52 =	vsel vm0, $0x40, v1;
	v53 =	vsel vm1, v8, v7  }
0x51a: {  	vm0 =	vge.f32 v41, v12;
	v54 =	vsel vm2, $0x40, v1;
	v39 =	vadd.s32 v52, v53  }
0x51b: {  	v38 =	vld.idx.msk [tilespmem:v38+s0+$0x0], $0xffff;
	vm1 =	vge.f32 v41, v11;
	v55 =	vsel vm0, $0x40, v1;
	v39 =	vadd.s32 v54, v39  }
0x51c: {  	vm0 =	vge.f32 v41, v10;
	v56 =	vsel vm1, $0x40, v1;
	v39 =	vadd.s32 v55, v39  }
0x51d: {  	vm1 =	vge.f32 v41, v9;
	v57 =	vsel vm0, $0x40, v1;
	v39 =	vadd.s32 v56, v39;
	v58 =	vpop (erf)  }
0x51e: {  	v59 =	vsel vm1, $0x40, v1;
	v39 =	vadd.s32 v57, v39;
	v37 =	vmul.f32 v58, v37  }
0x51f: {  	v39 =	vadd.s32 v59, v39  }
0x520: {  	v60 =	vand.u32 $0x7FFFFFFF, v40;
	v37 =	vadd.f32 v37, v38  }
0x521: {  	vm0 =	vgt.f32 v60, $3.000000000e+00  }
0x522: {  	v37 =	vsel vm0, v40, v37  }
0x523: {  	[tilespmem:s13+$0x8020] =	vst v37  }
0x524: {  	v37 =	vld.idx.msk [tilespmem:v39+s30+$0x0], $0xffff;
	_ =	sdelay $0x1  }
0x525: {  	v61 =	vld.idx.msk [tilespmem:v39+s31+$0x0], $0xffff;
	_ =	sdelay $0x2  }
0x526: {  	v62 =	vmul.f32 v37, v41;
	_ =	sdelay $0x1  }
0x527: {  	v63 =	vld.idx.msk [tilespmem:v39+s4+$0x0], $0xffff;
	v38 =	vadd.f32 v61, v62  }
0x528: {  	v48 =	vld.idx.msk [tilespmem:v39+s1+$0x0], $0xffff  }
0x529: {  	v49 =	vsub.f32 $1.000000000e+00, v38;
	_ =	sdelay $0x1  }
0x52a: {  	v50 =	vmul.f32 v49, v38;
	_ =	sdelay $0x1  }
0x52b: {  	v37 =	vmul.f32 v63, v37;
	v40 =	vmul.f32 v48, v50  }
0x52c: {  	v51 =	vld.idx.msk [tilespmem:v39+s28+$0x0], $0xffff  }
0x52d: {  	v40 =	vadd.f32 v40, v37;
	_ =	sdelay $0x1  }
0x52e: {  	(erf) = vrcp.f32 v40;
	_ =	sdelay $0x1  }
0x52f: {  	v52 =	vmul.f32 v51, v49;
	v37 =	vmul.f32 v37, v38;
	_ =	sdelay $0x1  }
0x530: {  	v37 =	vadd.f32 v52, v37;
	_ =	sdelay $0x1  }
0x531: {  	v37 =	vmul.f32 v37, v38  }
0x532: {  	v53 =	vld.idx.msk [tilespmem:v39+s0+$0x0], $0xffff  }
0x533: {  	v37 =	vmul.f32 v37, v63  }
0x534: {  	v54 =	vpop (erf)  }
0x535: {  	v37 =	vmul.f32 v54, v37;
	_ =	sdelay $0x1  }
0x536: {  	v55 =	vand.u32 $0x7FFFFFFF, v41;
	v37 =	vadd.f32 v37, v53  }
0x537: {  	vm0 =	vgt.f32 v55, $3.000000000e+00  }
0x538: {  	v37 =	vsel vm0, v41, v37  }
0x539: {  	[tilespmem:s13+$0x8030] =	vst v37;
	s13 =	simm.s32 $0x0  }
0x53a: {  	[hbm4b:s16+s13] =	stream.linear.scatter [tilespmem:s5], [sflag:$0x4], $0x8000, $0x38;
	[tilespmem:$0x10E00] =	vst v63  }
0x53b: {  	_ =	swait.ge [sflag:s2], $0x8000  }
0x53c: {  	[sflag:s2] =	ssyncset.done $0x0  }
0x53d: {  	[sflag:s2] =	ssyncadd.s32 $0xFFFF8000  }
0x53e: {  	_ =	swait.ge [sflag:s8], $0x8000  }
0x53f: {  	[sflag:s8] =	ssyncset.done $0x0  }
0x540: {  	s10 =	simm.s32 $0x0;
	[sflag:s8] =	ssyncadd.s32 $0xFFFF8000  }
0x541: {  	[tilespmem:s5], [sflag:$0x2] =	stream.linear.gather [hbm4b:s17+s13], $0x8000, $0x38;
	[tilespmem:$0x10E00] =	vst v63  }
0x542: {  	v37 =	vld [tilespmem:s10+$0x0];
	_ =	sdelay $0x4  }
0x543: {  	vm0 =	vge.f32 v37, v30;
	vm1 =	vge.f32 v37, v31  }
0x544: {  	vm2 =	vge.f32 v37, v33;
	v56 =	vsel vm0, $0x40, v1;
	v57 =	vsel vm1, v2, v0  }
0x545: {  	vm0 =	vge.f32 v37, v32;
	v58 =	vsel vm2, $0x40, v1;
	v38 =	vadd.s32 v56, v57  }
0x546: {  	vm1 =	vge.f32 v37, v35;
	v59 =	vsel vm0, $0x40, v1;
	v38 =	vadd.s32 v58, v38  }
0x547: {  	vm0 =	vge.f32 v37, v34;
	v60 =	vsel vm1, $0x40, v1;
	v38 =	vadd.s32 v59, v38  }
0x548: {  	vm1 =	vge.f32 v37, v36;
	v61 =	vsel vm0, $0x40, v1;
	v38 =	vadd.s32 v60, v38  }
0x549: {  	v62 =	vsel vm1, $0x40, v1;
	v38 =	vadd.s32 v61, v38  }
0x54a: {  	v38 =	vadd.s32 v62, v38;
	_ =	sdelay $0x4  }
0x54b: {  	v63 =	vld.idx.msk [tilespmem:v38+s30+$0x0], $0xffff;
	_ =	sdelay $0x1  }
0x54c: {  	v40 =	vld.idx.msk [tilespmem:v38+s31+$0x0], $0xffff;
	_ =	sdelay $0x2  }
0x54d: {  	v48 =	vmul.f32 v63, v37;
	_ =	sdelay $0x1  }
0x54e: {  	v49 =	vld.idx.msk [tilespmem:v38+s1+$0x0], $0xffff;
	v40 =	vadd.f32 v40, v48  }
0x54f: {  	v50 =	vld.idx.msk [tilespmem:v38+s4+$0x0], $0xffff  }
0x550: {  	v51 =	vsub.f32 $1.000000000e+00, v40  }
0x551: {  	v52 =	vld.idx.msk [tilespmem:v38+s28+$0x0], $0xffff  }
0x552: {  	v53 =	vmul.f32 v51, v40;
	_ =	sdelay $0x1  }
0x553: {  	v39 =	vmul.f32 v50, v63;
	v42 =	vmul.f32 v49, v53;
	_ =	sdelay $0x1  }
0x554: {  	v54 =	vmul.f32 v39, v40;
	v43 =	vmul.f32 v52, v51;
	v39 =	vadd.f32 v42, v39  }
0x555: {  	v42 =	vld [tilespmem:s10+$0x10]  }
0x556: {  	v43 =	vadd.f32 v43, v54;
	(erf) = vrcp.f32 v39;
	_ =	sdelay $0x1  }
0x557: {  	v55 =	vmul.f32 v43, v40;
	_ =	sdelay $0x1  }
0x558: {  	v39 =	vmul.f32 v55, v50;
	vm0 =	vge.f32 v42, v27;
	vm1 =	vge.f32 v42, v28  }
0x559: {  	v56 =	vsel vm0, $0x40, v1;
	vm0 =	vge.f32 v42, v29;
	v57 =	vsel vm1, v4, v3  }
0x55a: {  	vm1 =	vge.f32 v42, v26;
	v58 =	vsel vm0, $0x40, v1;
	v40 =	vadd.s32 v56, v57  }
0x55b: {  	v38 =	vld.idx.msk [tilespmem:v38+s0+$0x0], $0xffff;
	v59 =	vsel vm1, $0x40, v1;
	vm0 =	vge.f32 v42, v25;
	v40 =	vadd.s32 v58, v40  }
0x55c: {  	vm1 =	vge.f32 v42, v24;
	v60 =	vsel vm0, $0x40, v1;
	v40 =	vadd.s32 v59, v40  }
0x55d: {  	v61 =	vsel vm1, $0x40, v1;
	vm0 =	vge.f32 v42, v23;
	v40 =	vadd.s32 v60, v40;
	v62 =	vpop (erf)  }
0x55e: {  	v63 =	vsel vm0, $0x40, v1;
	v40 =	vadd.s32 v61, v40;
	v39 =	vmul.f32 v62, v39  }
0x55f: {  	v40 =	vadd.s32 v63, v40  }
0x560: {  	v47 =	vand.u32 $0x7FFFFFFF, v37;
	v38 =	vadd.f32 v39, v38  }
0x561: {  	vm0 =	vgt.f32 v47, $3.000000000e+00  }
0x562: {  	v37 =	vsel vm0, v37, v38  }
0x563: {  	[tilespmem:s10+$0x0] =	vst v37  }
0x564: {  	v37 =	vld.idx.msk [tilespmem:v40+s30+$0x0], $0xffff;
	_ =	sdelay $0x1  }
0x565: {  	v48 =	vld.idx.msk [tilespmem:v40+s31+$0x0], $0xffff;
	_ =	sdelay $0x2  }
0x566: {  	v49 =	vmul.f32 v37, v42;
	_ =	sdelay $0x1  }
0x567: {  	v50 =	vld.idx.msk [tilespmem:v40+s1+$0x0], $0xffff;
	v38 =	vadd.f32 v48, v49  }
0x568: {  	v51 =	vld.idx.msk [tilespmem:v40+s4+$0x0], $0xffff  }
0x569: {  	v52 =	vsub.f32 $1.000000000e+00, v38  }
0x56a: {  	v44 =	vld.idx.msk [tilespmem:v40+s28+$0x0], $0xffff  }
0x56b: {  	v53 =	vmul.f32 v52, v38;
	_ =	sdelay $0x1  }
0x56c: {  	v37 =	vmul.f32 v51, v37;
	v41 =	vmul.f32 v50, v53;
	_ =	sdelay $0x1  }
0x56d: {  	v54 =	vmul.f32 v37, v38;
	v43 =	vmul.f32 v44, v52;
	v37 =	vadd.f32 v41, v37  }
0x56e: {  	v41 =	vld [tilespmem:s10+$0x20]  }
0x56f: {  	v43 =	vadd.f32 v43, v54;
	(erf) = vrcp.f32 v37;
	_ =	sdelay $0x1  }
0x570: {  	v55 =	vmul.f32 v43, v38;
	_ =	sdelay $0x1  }
0x571: {  	v37 =	vmul.f32 v55, v51;
	vm0 =	vge.f32 v41, v21;
	vm1 =	vge.f32 v41, v22  }
0x572: {  	v56 =	vsel vm0, $0x40, v1;
	v57 =	vsel vm1, v6, v5;
	vm0 =	vge.f32 v41, v20  }
0x573: {  	vm1 =	vge.f32 v41, v19;
	v38 =	vadd.s32 v56, v57;
	v58 =	vsel vm0, $0x40, v1  }
0x574: {  	v40 =	vld.idx.msk [tilespmem:v40+s0+$0x0], $0xffff;
	v59 =	vsel vm1, $0x40, v1;
	vm0 =	vge.f32 v41, v18;
	v38 =	vadd.s32 v58, v38  }
0x575: {  	vm1 =	vge.f32 v41, v17;
	v60 =	vsel vm0, $0x40, v1;
	v38 =	vadd.s32 v59, v38  }
0x576: {  	vm0 =	vge.f32 v41, v16;
	v61 =	vsel vm1, $0x40, v1;
	v38 =	vadd.s32 v60, v38;
	v62 =	vpop (erf)  }
0x577: {  	v63 =	vsel vm0, $0x40, v1;
	v38 =	vadd.s32 v61, v38;
	v37 =	vmul.f32 v62, v37  }
0x578: {  	v38 =	vadd.s32 v63, v38  }
0x579: {  	v48 =	vand.u32 $0x7FFFFFFF, v42;
	v37 =	vadd.f32 v37, v40  }
0x57a: {  	vm0 =	vgt.f32 v48, $3.000000000e+00  }
0x57b: {  	v37 =	vsel vm0, v42, v37  }
0x57c: {  	[tilespmem:s10+$0x10] =	vst v37  }
0x57d: {  	v37 =	vld.idx.msk [tilespmem:v38+s30+$0x0], $0xffff;
	_ =	sdelay $0x1  }
0x57e: {  	v49 =	vld.idx.msk [tilespmem:v38+s31+$0x0], $0xffff;
	_ =	sdelay $0x2  }
0x57f: {  	v50 =	vmul.f32 v37, v41;
	_ =	sdelay $0x1  }
0x580: {  	v51 =	vld.idx.msk [tilespmem:v38+s4+$0x0], $0xffff;
	v39 =	vadd.f32 v49, v50  }
0x581: {  	v52 =	vld.idx.msk [tilespmem:v38+s1+$0x0], $0xffff  }
0x582: {  	v53 =	vsub.f32 $1.000000000e+00, v39  }
0x583: {  	v44 =	vld.idx.msk [tilespmem:v38+s28+$0x0], $0xffff  }
0x584: {  	v54 =	vmul.f32 v53, v39;
	_ =	sdelay $0x1  }
0x585: {  	v37 =	vmul.f32 v51, v37;
	v40 =	vmul.f32 v52, v54;
	_ =	sdelay $0x1  }
0x586: {  	v55 =	vmul.f32 v37, v39;
	v43 =	vmul.f32 v44, v53;
	v40 =	vadd.f32 v40, v37  }
0x587: {  	v37 =	vld [tilespmem:s10+$0x30]  }
0x588: {  	v43 =	vadd.f32 v43, v55;
	(erf) = vrcp.f32 v40;
	_ =	sdelay $0x1  }
0x589: {  	v39 =	vmul.f32 v43, v39;
	_ =	sdelay $0x1  }
0x58a: {  	v39 =	vmul.f32 v39, v51;
	vm0 =	vge.f32 v37, v13;
	vm1 =	vge.f32 v37, v14  }
0x58b: {  	vm2 =	vge.f32 v37, v15;
	v56 =	vsel vm0, $0x40, v1;
	v57 =	vsel vm1, v8, v7  }
0x58c: {  	vm0 =	vge.f32 v37, v12;
	v58 =	vsel vm2, $0x40, v1;
	v40 =	vadd.s32 v56, v57  }
0x58d: {  	v38 =	vld.idx.msk [tilespmem:v38+s0+$0x0], $0xffff;
	vm1 =	vge.f32 v37, v11;
	v59 =	vsel vm0, $0x40, v1;
	v40 =	vadd.s32 v58, v40  }
0x58e: {  	vm0 =	vge.f32 v37, v10;
	v60 =	vsel vm1, $0x40, v1;
	v40 =	vadd.s32 v59, v40  }
0x58f: {  	vm1 =	vge.f32 v37, v9;
	v61 =	vsel vm0, $0x40, v1;
	v40 =	vadd.s32 v60, v40;
	v62 =	vpop (erf)  }
0x590: {  	v63 =	vsel vm1, $0x40, v1;
	v40 =	vadd.s32 v61, v40;
	v39 =	vmul.f32 v62, v39  }
0x591: {  	v40 =	vadd.s32 v63, v40  }
0x592: {  	v45 =	vand.u32 $0x7FFFFFFF, v41;
	v38 =	vadd.f32 v39, v38  }
0x593: {  	vm0 =	vgt.f32 v45, $3.000000000e+00  }
0x594: {  	v38 =	vsel vm0, v41, v38  }
0x595: {  	[tilespmem:s10+$0x20] =	vst v38  }
0x596: {  	v38 =	vld.idx.msk [tilespmem:v40+s30+$0x0], $0xffff;
	_ =	sdelay $0x1  }
0x597: {  	v46 =	vld.idx.msk [tilespmem:v40+s31+$0x0], $0xffff;
	_ =	sdelay $0x2  }
0x598: {  	v47 =	vmul.f32 v38, v37;
	_ =	sdelay $0x1  }
0x599: {  	v48 =	vld.idx.msk [tilespmem:v40+s4+$0x0], $0xffff;
	v39 =	vadd.f32 v46, v47  }
0x59a: {  	v49 =	vld.idx.msk [tilespmem:v40+s1+$0x0], $0xffff  }
0x59b: {  	v50 =	vsub.f32 $1.000000000e+00, v39  }
0x59c: {  	v44 =	vld.idx.msk [tilespmem:v40+s28+$0x0], $0xffff  }
0x59d: {  	v51 =	vmul.f32 v50, v39;
	_ =	sdelay $0x1  }
0x59e: {  	v38 =	vmul.f32 v48, v38;
	v41 =	vmul.f32 v49, v51;
	_ =	sdelay $0x1  }
0x59f: {  	s13 =	simm.s32 $0x80;
	v52 =	vmul.f32 v38, v39;
	v43 =	vmul.f32 v44, v50;
	v41 =	vadd.f32 v41, v38  }
0x5a0: {  	v38 =	vld [tilespmem:s13+$0x0]  }
0x5a1: {  	v43 =	vadd.f32 v43, v52;
	(erf) = vrcp.f32 v41;
	_ =	sdelay $0x1  }
0x5a2: {  	v39 =	vmul.f32 v43, v39;
	_ =	sdelay $0x1  }
0x5a3: {  	v39 =	vmul.f32 v39, v48;
	vm0 =	vge.f32 v38, v30;
	vm1 =	vge.f32 v38, v31  }
0x5a4: {  	vm2 =	vge.f32 v38, v33;
	v54 =	vsel vm0, $0x40, v1;
	v55 =	vsel vm1, v2, v0  }
0x5a5: {  	vm0 =	vge.f32 v38, v32;
	v57 =	vsel vm2, $0x40, v1;
	v41 =	vadd.s32 v54, v55  }
0x5a6: {  	v56 =	vld.idx.msk [tilespmem:v40+s0+$0x0], $0xffff;
	vm1 =	vge.f32 v38, v35;
	v58 =	vsel vm0, $0x40, v1;
	v40 =	vadd.s32 v57, v41  }
0x5a7: {  	vm0 =	vge.f32 v38, v34;
	v59 =	vsel vm1, $0x40, v1;
	v40 =	vadd.s32 v58, v40  }
0x5a8: {  	vm1 =	vge.f32 v38, v36;
	v61 =	vsel vm0, $0x40, v1;
	v40 =	vadd.s32 v59, v40;
	v60 =	vpop (erf)  }
0x5a9: {  	v63 =	vsel vm1, $0x40, v1;
	v40 =	vadd.s32 v61, v40;
	v62 =	vmul.f32 v60, v39  }
0x5aa: {  	v53 =	vand.u32 $0x7FFFFFFF, v37;
	v40 =	vadd.s32 v63, v40  }
0x5ab: {  	s11 =	simm.s32 $0x400;
	vm0 =	vgt.f32 v53, $3.000000000e+00;
	v39 =	vand.u32 $0x7FFFFFFF, v38;
	v41 =	vadd.f32 v62, v56  }
.LBB2_10:
0x5ac: {  	_ = 	snop  }
0x5ad: {  	p0 =	sne.s32 s11, $0x1FE00;
	s12 =	smov.u32 s11;
	s11 =	sadd.s32 $0x200, s11;
	v37 =	vsel vm0, v37, v41  }
0x5ae: {  	[tilespmem:s10+$0x30] =	vst v37;
	s10 =	smov.u32 s13  }
0x5af: {  	v37 =	vld.idx.msk [tilespmem:v40+s30+$0x0], $0xffff  }
0x5b0: {  	v41 =	vld.idx.msk [tilespmem:v40+s31+$0x0], $0xffff;
	_ =	sdelay $0x3  }
0x5b1: {  	v42 =	vld.idx.msk [tilespmem:v40+s28+$0x0], $0xffff  }
0x5b2: {  	v44 =	vmul.f32 v37, v38;
	v43 =	vld.idx.msk [tilespmem:v40+s1+$0x0], $0xffff  }
0x5b3: {  	v45 =	vld.idx.msk [tilespmem:v40+s4+$0x0], $0xffff  }
0x5b4: {  	v41 =	vadd.f32 v41, v44;
	_ =	sdelay $0x1  }
0x5b5: {  	v44 =	vsub.f32 $1.000000000e+00, v41;
	_ =	sdelay $0x1  }
0x5b6: {  	v42 =	vmul.f32 v42, v44;
	v44 =	vmul.f32 v44, v41  }
0x5b7: {  	v37 =	vmul.f32 v45, v37  }
0x5b8: {  	v43 =	vmul.f32 v43, v44  }
0x5b9: {  	v44 =	vmul.f32 v37, v41  }
0x5ba: {  	v37 =	vadd.f32 v43, v37;
	v43 =	vld [tilespmem:s10+$0x10]  }
0x5bb: {  	v42 =	vadd.f32 v42, v44  }
0x5bc: {  	(erf) = vrcp.f32 v37  }
0x5bd: {  	v37 =	vmul.f32 v42, v41;
	_ =	sdelay $0x1  }
0x5be: {  	v37 =	vmul.f32 v37, v45;
	vm0 =	vge.f32 v43, v27;
	vm1 =	vge.f32 v43, v28  }
0x5bf: {  	v41 =	vsel vm0, $0x40, v1;
	vm0 =	vge.f32 v43, v29;
	v42 =	vsel vm1, v4, v3  }
0x5c0: {  	vm1 =	vge.f32 v43, v26;
	v40 =	vld.idx.msk [tilespmem:v40+s0+$0x0], $0xffff;
	v44 =	vsel vm0, $0x40, v1;
	v41 =	vadd.s32 v41, v42  }
0x5c1: {  	v42 =	vsel vm1, $0x40, v1;
	vm0 =	vge.f32 v43, v25;
	v41 =	vadd.s32 v44, v41  }
0x5c2: {  	vm1 =	vge.f32 v43, v24;
	v44 =	vsel vm0, $0x40, v1;
	v41 =	vadd.s32 v42, v41  }
0x5c3: {  	v45 =	vsel vm1, $0x40, v1;
	vm0 =	vge.f32 v43, v23;
	v41 =	vadd.s32 v44, v41  }
0x5c4: {  	v44 =	vsel vm0, $0x40, v1;
	v41 =	vadd.s32 v45, v41;
	v42 =	vpop (erf)  }
0x5c5: {  	v37 =	vmul.f32 v42, v37;
	v41 =	vadd.s32 v44, v41;
	v42 =	vand.u32 $0x7FFFFFFF, v43;
	_ =	sdelay $0x1  }
0x5c6: {  	vm0 =	vgt.f32 v39, $3.000000000e+00;
	v37 =	vadd.f32 v37, v40;
	_ =	sdelay $0x1  }
0x5c7: {  	v37 =	vsel vm0, v38, v37  }
0x5c8: {  	[tilespmem:s10+$0x0] =	vst v37  }
0x5c9: {  	v37 =	vld.idx.msk [tilespmem:v41+s30+$0x0], $0xffff  }
0x5ca: {  	v38 =	vld.idx.msk [tilespmem:v41+s31+$0x0], $0xffff;
	_ =	sdelay $0x4  }
0x5cb: {  	v40 =	vmul.f32 v37, v43;
	v39 =	vld.idx.msk [tilespmem:v41+s1+$0x0], $0xffff  }
0x5cc: {  	v44 =	vld.idx.msk [tilespmem:v41+s4+$0x0], $0xffff  }
0x5cd: {  	v38 =	vadd.f32 v38, v40  }
0x5ce: {  	v40 =	vld.idx.msk [tilespmem:v41+s28+$0x0], $0xffff  }
0x5cf: {  	v45 =	vsub.f32 $1.000000000e+00, v38;
	_ =	sdelay $0x1  }
0x5d0: {  	v46 =	vmul.f32 v45, v38  }
0x5d1: {  	v37 =	vmul.f32 v44, v37  }
0x5d2: {  	v39 =	vmul.f32 v39, v46  }
0x5d3: {  	v46 =	vmul.f32 v37, v38;
	v40 =	vmul.f32 v40, v45  }
0x5d4: {  	v37 =	vadd.f32 v39, v37;
	v39 =	vld [tilespmem:s10+$0x20]  }
0x5d5: {  	v40 =	vadd.f32 v40, v46  }
0x5d6: {  	(erf) = vrcp.f32 v37  }
0x5d7: {  	v37 =	vmul.f32 v40, v38;
	_ =	sdelay $0x1  }
0x5d8: {  	v37 =	vmul.f32 v37, v44;
	vm0 =	vge.f32 v39, v21;
	vm1 =	vge.f32 v39, v22  }
0x5d9: {  	v38 =	vsel vm0, $0x40, v1;
	vm0 =	vge.f32 v39, v17;
	v40 =	vsel vm1, v6, v5  }
0x5da: {  	vm2 =	vge.f32 v39, v20;
	vm1 =	vge.f32 v39, v19;
	v41 =	vld.idx.msk [tilespmem:v41+s0+$0x0], $0xffff;
	v38 =	vadd.s32 v38, v40  }
0x5db: {  	v44 =	vsel vm2, $0x40, v1;
	v40 =	vsel vm1, $0x40, v1;
	vm1 =	vge.f32 v39, v18  }
0x5dc: {  	v47 =	vsel vm1, $0x40, v1;
	vm1 =	vge.f32 v39, v16;
	v38 =	vadd.s32 v44, v38  }
0x5dd: {  	v44 =	vsel vm0, $0x40, v1;
	v38 =	vadd.s32 v40, v38;
	v40 =	vand.u32 $0x7FFFFFFF, v39  }
0x5de: {  	v46 =	vsel vm1, $0x40, v1;
	v38 =	vadd.s32 v47, v38;
	v45 =	vpop (erf)  }
0x5df: {  	v38 =	vadd.s32 v44, v38;
	v37 =	vmul.f32 v45, v37  }
0x5e0: {  	v38 =	vadd.s32 v46, v38  }
0x5e1: {  	vm0 =	vgt.f32 v42, $3.000000000e+00;
	v37 =	vadd.f32 v37, v41;
	_ =	sdelay $0x1  }
0x5e2: {  	v37 =	vsel vm0, v43, v37  }
0x5e3: {  	[tilespmem:s10+$0x10] =	vst v37  }
0x5e4: {  	v37 =	vld.idx.msk [tilespmem:v38+s30+$0x0], $0xffff  }
0x5e5: {  	v41 =	vld.idx.msk [tilespmem:v38+s31+$0x0], $0xffff  }
0x5e6: {  	v42 =	vld.idx.msk [tilespmem:v38+s4+$0x0], $0xffff;
	_ =	sdelay $0x3  }
0x5e7: {  	v44 =	vmul.f32 v37, v39;
	v43 =	vld.idx.msk [tilespmem:v38+s28+$0x0], $0xffff  }
0x5e8: {  	v45 =	vld.idx.msk [tilespmem:v38+s1+$0x0], $0xffff  }
0x5e9: {  	v41 =	vadd.f32 v41, v44;
	v37 =	vmul.f32 v42, v37;
	_ =	sdelay $0x1  }
0x5ea: {  	v44 =	vsub.f32 $1.000000000e+00, v41;
	v46 =	vmul.f32 v37, v41;
	_ =	sdelay $0x1  }
0x5eb: {  	v43 =	vmul.f32 v43, v44;
	v44 =	vmul.f32 v44, v41;
	_ =	sdelay $0x1  }
0x5ec: {  	v43 =	vadd.f32 v43, v46;
	v44 =	vmul.f32 v45, v44;
	_ =	sdelay $0x1  }
0x5ed: {  	v41 =	vmul.f32 v43, v41;
	v43 =	vadd.f32 v44, v37;
	v37 =	vld [tilespmem:s10+$0x30];
	_ =	sdelay $0x1  }
0x5ee: {  	v41 =	vmul.f32 v41, v42;
	(erf) = vrcp.f32 v43;
	_ =	sdelay $0x2  }
0x5ef: {  	vm0 =	vge.f32 v37, v13;
	vm1 =	vge.f32 v37, v14;
	vm2 =	vge.f32 v37, v15  }
0x5f0: {  	v42 =	vsel vm0, $0x40, v1;
	vm0 =	vge.f32 v37, v12;
	v43 =	vsel vm1, v8, v7  }
0x5f1: {  	v44 =	vsel vm2, $0x40, v1;
	vm1 =	vge.f32 v37, v11;
	v38 =	vld.idx.msk [tilespmem:v38+s0+$0x0], $0xffff;
	v42 =	vadd.s32 v42, v43  }
0x5f2: {  	v43 =	vsel vm0, $0x40, v1;
	vm0 =	vge.f32 v37, v10;
	v42 =	vadd.s32 v44, v42  }
0x5f3: {  	v44 =	vsel vm1, $0x40, v1;
	vm1 =	vge.f32 v37, v9;
	v42 =	vadd.s32 v43, v42  }
0x5f4: {  	v46 =	vsel vm0, $0x40, v1;
	v42 =	vadd.s32 v44, v42;
	v44 =	vand.u32 $0x7FFFFFFF, v37  }
0x5f5: {  	v45 =	vsel vm1, $0x40, v1;
	v42 =	vadd.s32 v46, v42;
	v43 =	vpop (erf)  }
0x5f6: {  	v41 =	vmul.f32 v43, v41;
	v42 =	vadd.s32 v45, v42;
	_ =	sdelay $0x1  }
0x5f7: {  	vm0 =	vgt.f32 v40, $3.000000000e+00;
	v38 =	vadd.f32 v41, v38;
	_ =	sdelay $0x1  }
0x5f8: {  	v38 =	vsel vm0, v39, v38  }
0x5f9: {  	[tilespmem:s10+$0x20] =	vst v38  }
0x5fa: {  	v38 =	vld.idx.msk [tilespmem:v42+s30+$0x0], $0xffff  }
0x5fb: {  	v39 =	vld.idx.msk [tilespmem:v42+s31+$0x0], $0xffff  }
0x5fc: {  	v40 =	vld.idx.msk [tilespmem:v42+s4+$0x0], $0xffff  }
0x5fd: {  	v41 =	vld.idx.msk [tilespmem:v42+s1+$0x0], $0xffff  }
0x5fe: {  	v43 =	vld.idx.msk [tilespmem:v42+s28+$0x0], $0xffff  }
0x5ff: {  	v42 =	vld.idx.msk [tilespmem:v42+s0+$0x0], $0xffff  }
0x600: {  	v45 =	vmul.f32 v38, v37;
	_ =	sdelay $0x1  }
0x601: {  	v39 =	vadd.f32 v39, v45;
	v45 =	vmul.f32 v40, v38;
	_ =	sdelay $0x1  }
0x602: {  	v38 =	vsub.f32 $1.000000000e+00, v39;
	v46 =	vmul.f32 v45, v39;
	_ =	sdelay $0x1  }
0x603: {  	v43 =	vmul.f32 v43, v38;
	v38 =	vmul.f32 v38, v39;
	_ =	sdelay $0x1  }
0x604: {  	v43 =	vadd.f32 v43, v46;
	v41 =	vmul.f32 v41, v38  }
0x605: {  	s13 =	sshra.s32 s12, $0x2  }
0x606: {  	v39 =	vmul.f32 v43, v39;
	v41 =	vadd.f32 v41, v45;
	v38 =	vld [tilespmem:s13+$0x0];
	_ =	sdelay $0x1  }
0x607: {  	v43 =	vmul.f32 v39, v40;
	(erf) = vrcp.f32 v41;
	_ =	sdelay $0x2  }
0x608: {  	vm0 =	vge.f32 v38, v30;
	vm1 =	vge.f32 v38, v31;
	vm2 =	vge.f32 v38, v33  }
0x609: {  	v39 =	vsel vm0, $0x40, v1;
	vm0 =	vge.f32 v38, v32;
	v40 =	vsel vm1, v2, v0  }
0x60a: {  	v41 =	vsel vm2, $0x40, v1;
	vm1 =	vge.f32 v38, v35;
	v39 =	vadd.s32 v39, v40  }
0x60b: {  	v40 =	vsel vm0, $0x40, v1;
	vm0 =	vge.f32 v38, v34;
	v39 =	vadd.s32 v41, v39  }
0x60c: {  	v47 =	vsel vm1, $0x40, v1;
	vm1 =	vge.f32 v38, v36;
	v39 =	vadd.s32 v40, v39  }
.Ltmp4:
0x60d: {  	v40 =	vsel vm0, $0x40, v1;
	v46 =	vadd.s32 v47, v39;
	v39 =	vand.u32 $0x7FFFFFFF, v38;
	(pc) =	sbr.rel @p0 .LBB2_10-.Ltmp4, $3  }
0x60e: {  	v45 =	vsel vm1, $0x40, v1;
	v40 =	vadd.s32 v40, v46;
	v41 =	vpop (erf)  }
0x60f: {  	v40 =	vadd.s32 v45, v40;
	v41 =	vmul.f32 v41, v43;
	_ =	sdelay $0x1  }
0x610: {  	vm0 =	vgt.f32 v44, $3.000000000e+00;
	v41 =	vadd.f32 v41, v42  }
0x611: {  	_ =	sdelay $0x1  }
0x612: {  	v37 =	vsel vm0, v37, v41  }
0x613: {  	[tilespmem:s10+$0x30] =	vst v37  }
0x614: {  	v37 =	vld.idx.msk [tilespmem:v40+s30+$0x0], $0xffff;
	_ =	sdelay $0x1  }
0x615: {  	v61 =	vld.idx.msk [tilespmem:v40+s31+$0x0], $0xffff;
	_ =	sdelay $0x2  }
0x616: {  	v42 =	vmul.f32 v37, v38;
	_ =	sdelay $0x1  }
0x617: {  	v43 =	vld.idx.msk [tilespmem:v40+s1+$0x0], $0xffff;
	v41 =	vadd.f32 v61, v42  }
0x618: {  	v62 =	vld.idx.msk [tilespmem:v40+s4+$0x0], $0xffff  }
0x619: {  	v44 =	vsub.f32 $1.000000000e+00, v41  }
0x61a: {  	v45 =	vld.idx.msk [tilespmem:v40+s28+$0x0], $0xffff  }
0x61b: {  	v46 =	vmul.f32 v44, v41;
	_ =	sdelay $0x1  }
0x61c: {  	v37 =	vmul.f32 v62, v37;
	v43 =	vmul.f32 v43, v46;
	_ =	sdelay $0x1  }
0x61d: {  	v63 =	vmul.f32 v37, v41;
	v44 =	vmul.f32 v45, v44;
	v37 =	vadd.f32 v43, v37  }
0x61e: {  	v43 =	vld [tilespmem:s13+$0x10]  }
0x61f: {  	v44 =	vadd.f32 v44, v63;
	(erf) = vrcp.f32 v37;
	_ =	sdelay $0x1  }
0x620: {  	v48 =	vmul.f32 v44, v41;
	_ =	sdelay $0x1  }
0x621: {  	v37 =	vmul.f32 v48, v62;
	vm0 =	vge.f32 v43, v27;
	vm1 =	vge.f32 v43, v28  }
0x622: {  	v49 =	vsel vm0, $0x40, v1;
	vm0 =	vge.f32 v43, v29;
	v50 =	vsel vm1, v4, v3  }
0x623: {  	vm1 =	vge.f32 v43, v26;
	v51 =	vsel vm0, $0x40, v1;
	v41 =	vadd.s32 v49, v50  }
0x624: {  	v52 =	vld.idx.msk [tilespmem:v40+s0+$0x0], $0xffff;
	v53 =	vsel vm1, $0x40, v1;
	vm0 =	vge.f32 v43, v25;
	v41 =	vadd.s32 v51, v41  }
0x625: {  	vm1 =	vge.f32 v43, v24;
	v54 =	vsel vm0, $0x40, v1;
	v41 =	vadd.s32 v53, v41  }
0x626: {  	v55 =	vsel vm1, $0x40, v1;
	vm0 =	vge.f32 v43, v23;
	v41 =	vadd.s32 v54, v41;
	v56 =	vpop (erf)  }
0x627: {  	v57 =	vsel vm0, $0x40, v1;
	v41 =	vadd.s32 v55, v41;
	v37 =	vmul.f32 v56, v37  }
0x628: {  	v41 =	vadd.s32 v57, v41  }
0x629: {  	v37 =	vadd.f32 v37, v52  }
0x62a: {  	vm0 =	vgt.f32 v39, $3.000000000e+00  }
0x62b: {  	v37 =	vsel vm0, v38, v37  }
0x62c: {  	[tilespmem:s13+$0x0] =	vst v37  }
0x62d: {  	v37 =	vld.idx.msk [tilespmem:v41+s30+$0x0], $0xffff;
	_ =	sdelay $0x1  }
0x62e: {  	v58 =	vld.idx.msk [tilespmem:v41+s31+$0x0], $0xffff;
	_ =	sdelay $0x2  }
0x62f: {  	v59 =	vmul.f32 v37, v43;
	_ =	sdelay $0x1  }
0x630: {  	v60 =	vld.idx.msk [tilespmem:v41+s1+$0x0], $0xffff;
	v38 =	vadd.f32 v58, v59  }
0x631: {  	v61 =	vld.idx.msk [tilespmem:v41+s4+$0x0], $0xffff  }
0x632: {  	v62 =	vsub.f32 $1.000000000e+00, v38  }
0x633: {  	v63 =	vld.idx.msk [tilespmem:v41+s28+$0x0], $0xffff  }
0x634: {  	v48 =	vmul.f32 v62, v38;
	_ =	sdelay $0x1  }
0x635: {  	v37 =	vmul.f32 v61, v37;
	v40 =	vmul.f32 v60, v48;
	_ =	sdelay $0x1  }
0x636: {  	v49 =	vmul.f32 v37, v38;
	v42 =	vmul.f32 v63, v62;
	v37 =	vadd.f32 v40, v37  }
0x637: {  	v40 =	vld [tilespmem:s13+$0x20]  }
0x638: {  	v42 =	vadd.f32 v42, v49;
	(erf) = vrcp.f32 v37;
	_ =	sdelay $0x1  }
0x639: {  	v50 =	vmul.f32 v42, v38;
	_ =	sdelay $0x1  }
0x63a: {  	v37 =	vmul.f32 v50, v61;
	vm0 =	vge.f32 v40, v21;
	vm1 =	vge.f32 v40, v22  }
0x63b: {  	v51 =	vsel vm0, $0x40, v1;
	v52 =	vsel vm1, v6, v5;
	vm0 =	vge.f32 v40, v20  }
0x63c: {  	vm1 =	vge.f32 v40, v19;
	v38 =	vadd.s32 v51, v52;
	v53 =	vsel vm0, $0x40, v1  }
0x63d: {  	v41 =	vld.idx.msk [tilespmem:v41+s0+$0x0], $0xffff;
	v54 =	vsel vm1, $0x40, v1;
	vm0 =	vge.f32 v40, v18;
	v38 =	vadd.s32 v53, v38  }
0x63e: {  	vm1 =	vge.f32 v40, v17;
	v55 =	vsel vm0, $0x40, v1;
	v38 =	vadd.s32 v54, v38  }
0x63f: {  	vm0 =	vge.f32 v40, v16;
	v56 =	vsel vm1, $0x40, v1;
	v38 =	vadd.s32 v55, v38;
	v57 =	vpop (erf)  }
0x640: {  	v58 =	vsel vm0, $0x40, v1;
	v38 =	vadd.s32 v56, v38;
	v37 =	vmul.f32 v57, v37  }
0x641: {  	v38 =	vadd.s32 v58, v38  }
0x642: {  	v59 =	vand.u32 $0x7FFFFFFF, v43;
	v37 =	vadd.f32 v37, v41  }
0x643: {  	vm0 =	vgt.f32 v59, $3.000000000e+00  }
0x644: {  	v37 =	vsel vm0, v43, v37  }
0x645: {  	[tilespmem:s13+$0x10] =	vst v37  }
0x646: {  	v37 =	vld.idx.msk [tilespmem:v38+s30+$0x0], $0xffff;
	_ =	sdelay $0x1  }
0x647: {  	v60 =	vld.idx.msk [tilespmem:v38+s31+$0x0], $0xffff;
	_ =	sdelay $0x2  }
0x648: {  	v61 =	vmul.f32 v37, v40;
	_ =	sdelay $0x1  }
0x649: {  	v62 =	vld.idx.msk [tilespmem:v38+s4+$0x0], $0xffff;
	v39 =	vadd.f32 v60, v61  }
0x64a: {  	v63 =	vld.idx.msk [tilespmem:v38+s1+$0x0], $0xffff  }
0x64b: {  	v48 =	vsub.f32 $1.000000000e+00, v39  }
0x64c: {  	v44 =	vld.idx.msk [tilespmem:v38+s28+$0x0], $0xffff  }
0x64d: {  	v49 =	vmul.f32 v48, v39;
	_ =	sdelay $0x1  }
0x64e: {  	v37 =	vmul.f32 v62, v37;
	v41 =	vmul.f32 v63, v49;
	_ =	sdelay $0x1  }
0x64f: {  	v50 =	vmul.f32 v37, v39;
	v43 =	vmul.f32 v44, v48;
	v37 =	vadd.f32 v41, v37  }
0x650: {  	v41 =	vld [tilespmem:s13+$0x30]  }
0x651: {  	v43 =	vadd.f32 v43, v50;
	(erf) = vrcp.f32 v37;
	_ =	sdelay $0x1  }
0x652: {  	v51 =	vmul.f32 v43, v39;
	_ =	sdelay $0x1  }
0x653: {  	v37 =	vmul.f32 v51, v62;
	vm0 =	vge.f32 v41, v13;
	vm1 =	vge.f32 v41, v14  }
0x654: {  	vm2 =	vge.f32 v41, v15;
	v52 =	vsel vm0, $0x40, v1;
	v53 =	vsel vm1, v8, v7  }
0x655: {  	vm0 =	vge.f32 v41, v12;
	v54 =	vsel vm2, $0x40, v1;
	v39 =	vadd.s32 v52, v53  }
0x656: {  	v38 =	vld.idx.msk [tilespmem:v38+s0+$0x0], $0xffff;
	vm1 =	vge.f32 v41, v11;
	v55 =	vsel vm0, $0x40, v1;
	v39 =	vadd.s32 v54, v39  }
0x657: {  	vm0 =	vge.f32 v41, v10;
	v56 =	vsel vm1, $0x40, v1;
	v39 =	vadd.s32 v55, v39  }
0x658: {  	vm1 =	vge.f32 v41, v9;
	v57 =	vsel vm0, $0x40, v1;
	v39 =	vadd.s32 v56, v39;
	v58 =	vpop (erf)  }
0x659: {  	v59 =	vsel vm1, $0x40, v1;
	v39 =	vadd.s32 v57, v39;
	v37 =	vmul.f32 v58, v37  }
0x65a: {  	v39 =	vadd.s32 v59, v39  }
0x65b: {  	v60 =	vand.u32 $0x7FFFFFFF, v40;
	v37 =	vadd.f32 v37, v38  }
0x65c: {  	vm0 =	vgt.f32 v60, $3.000000000e+00  }
0x65d: {  	v37 =	vsel vm0, v40, v37  }
0x65e: {  	[tilespmem:s13+$0x20] =	vst v37  }
0x65f: {  	v37 =	vld.idx.msk [tilespmem:v39+s30+$0x0], $0xffff;
	_ =	sdelay $0x1  }
0x660: {  	v61 =	vld.idx.msk [tilespmem:v39+s31+$0x0], $0xffff;
	_ =	sdelay $0x2  }
0x661: {  	v62 =	vmul.f32 v37, v41;
	_ =	sdelay $0x1  }
0x662: {  	v63 =	vld.idx.msk [tilespmem:v39+s4+$0x0], $0xffff;
	v38 =	vadd.f32 v61, v62  }
0x663: {  	v48 =	vld.idx.msk [tilespmem:v39+s1+$0x0], $0xffff  }
0x664: {  	v49 =	vsub.f32 $1.000000000e+00, v38;
	_ =	sdelay $0x1  }
0x665: {  	v50 =	vmul.f32 v49, v38;
	_ =	sdelay $0x1  }
0x666: {  	v37 =	vmul.f32 v63, v37;
	v40 =	vmul.f32 v48, v50  }
0x667: {  	v51 =	vld.idx.msk [tilespmem:v39+s28+$0x0], $0xffff  }
0x668: {  	v40 =	vadd.f32 v40, v37;
	_ =	sdelay $0x1  }
0x669: {  	(erf) = vrcp.f32 v40;
	_ =	sdelay $0x1  }
0x66a: {  	v52 =	vmul.f32 v51, v49;
	v37 =	vmul.f32 v37, v38;
	_ =	sdelay $0x1  }
0x66b: {  	v37 =	vadd.f32 v52, v37;
	_ =	sdelay $0x1  }
0x66c: {  	v37 =	vmul.f32 v37, v38  }
0x66d: {  	v53 =	vld.idx.msk [tilespmem:v39+s0+$0x0], $0xffff  }
0x66e: {  	v37 =	vmul.f32 v37, v63  }
0x66f: {  	v54 =	vpop (erf)  }
0x670: {  	v37 =	vmul.f32 v54, v37;
	_ =	sdelay $0x1  }
0x671: {  	v55 =	vand.u32 $0x7FFFFFFF, v41;
	v37 =	vadd.f32 v37, v53  }
0x672: {  	vm0 =	vgt.f32 v55, $3.000000000e+00  }
0x673: {  	v37 =	vsel vm0, v41, v37  }
0x674: {  	[tilespmem:s13+$0x30] =	vst v37;
	s13 =	simm.s32 $0x0  }
0x675: {  	[hbm4b:s18+s13] =	stream.linear.scatter [tilespmem:s13], [sflag:$0x3], $0x8000, $0x38;
	[tilespmem:$0x10E00] =	vst v63  }
0x676: {  	_ =	swait.ge [sflag:s6], $0x8000  }
0x677: {  	[sflag:s6] =	ssyncset.done $0x0  }
0x678: {  	[sflag:s6] =	ssyncadd.s32 $0xFFFF8000  }
0x679: {  	_ =	swait.ge [sflag:s7], $0x8000  }
0x67a: {  	[sflag:s7] =	ssyncset.done $0x0  }
0x67b: {  	s10 =	simm.s32 $0x0;
	[sflag:s7] =	ssyncadd.s32 $0xFFFF8000  }
0x67c: {  	[tilespmem:s13], [sflag:$0x1] =	stream.linear.gather [hbm4b:s19+s13], $0x8000, $0x38;
	[tilespmem:$0x10E00] =	vst v63  }
0x67d: {  	v37 =	vld [tilespmem:s10+$0x8000];
	_ =	sdelay $0x4  }
0x67e: {  	vm0 =	vge.f32 v37, v30;
	vm1 =	vge.f32 v37, v31  }
0x67f: {  	vm2 =	vge.f32 v37, v33;
	v56 =	vsel vm0, $0x40, v1;
	v57 =	vsel vm1, v2, v0  }
0x680: {  	vm0 =	vge.f32 v37, v32;
	v58 =	vsel vm2, $0x40, v1;
	v38 =	vadd.s32 v56, v57  }
0x681: {  	vm1 =	vge.f32 v37, v35;
	v59 =	vsel vm0, $0x40, v1;
	v38 =	vadd.s32 v58, v38  }
0x682: {  	vm0 =	vge.f32 v37, v34;
	v60 =	vsel vm1, $0x40, v1;
	v38 =	vadd.s32 v59, v38  }
0x683: {  	vm1 =	vge.f32 v37, v36;
	v61 =	vsel vm0, $0x40, v1;
	v38 =	vadd.s32 v60, v38  }
0x684: {  	v62 =	vsel vm1, $0x40, v1;
	v38 =	vadd.s32 v61, v38  }
0x685: {  	v38 =	vadd.s32 v62, v38;
	_ =	sdelay $0x4  }
0x686: {  	v63 =	vld.idx.msk [tilespmem:v38+s30+$0x0], $0xffff;
	_ =	sdelay $0x1  }
0x687: {  	v40 =	vld.idx.msk [tilespmem:v38+s31+$0x0], $0xffff;
	_ =	sdelay $0x2  }
0x688: {  	v48 =	vmul.f32 v63, v37;
	_ =	sdelay $0x1  }
0x689: {  	v49 =	vld.idx.msk [tilespmem:v38+s1+$0x0], $0xffff;
	v40 =	vadd.f32 v40, v48  }
0x68a: {  	v50 =	vld.idx.msk [tilespmem:v38+s4+$0x0], $0xffff  }
0x68b: {  	v51 =	vsub.f32 $1.000000000e+00, v40  }
0x68c: {  	v52 =	vld.idx.msk [tilespmem:v38+s28+$0x0], $0xffff  }
0x68d: {  	v53 =	vmul.f32 v51, v40;
	_ =	sdelay $0x1  }
0x68e: {  	v39 =	vmul.f32 v50, v63;
	v42 =	vmul.f32 v49, v53;
	_ =	sdelay $0x1  }
0x68f: {  	v54 =	vmul.f32 v39, v40;
	v43 =	vmul.f32 v52, v51;
	v39 =	vadd.f32 v42, v39  }
0x690: {  	v42 =	vld [tilespmem:s10+$0x8010]  }
0x691: {  	v43 =	vadd.f32 v43, v54;
	(erf) = vrcp.f32 v39;
	_ =	sdelay $0x1  }
0x692: {  	v55 =	vmul.f32 v43, v40;
	_ =	sdelay $0x1  }
0x693: {  	v39 =	vmul.f32 v55, v50;
	vm0 =	vge.f32 v42, v27;
	vm1 =	vge.f32 v42, v28  }
0x694: {  	v56 =	vsel vm0, $0x40, v1;
	vm0 =	vge.f32 v42, v29;
	v57 =	vsel vm1, v4, v3  }
0x695: {  	vm1 =	vge.f32 v42, v26;
	v58 =	vsel vm0, $0x40, v1;
	v40 =	vadd.s32 v56, v57  }
0x696: {  	v38 =	vld.idx.msk [tilespmem:v38+s0+$0x0], $0xffff;
	v59 =	vsel vm1, $0x40, v1;
	vm0 =	vge.f32 v42, v25;
	v40 =	vadd.s32 v58, v40  }
0x697: {  	vm1 =	vge.f32 v42, v24;
	v60 =	vsel vm0, $0x40, v1;
	v40 =	vadd.s32 v59, v40  }
0x698: {  	v61 =	vsel vm1, $0x40, v1;
	vm0 =	vge.f32 v42, v23;
	v40 =	vadd.s32 v60, v40;
	v62 =	vpop (erf)  }
0x699: {  	v63 =	vsel vm0, $0x40, v1;
	v40 =	vadd.s32 v61, v40;
	v39 =	vmul.f32 v62, v39  }
0x69a: {  	v40 =	vadd.s32 v63, v40  }
0x69b: {  	v47 =	vand.u32 $0x7FFFFFFF, v37;
	v38 =	vadd.f32 v39, v38  }
0x69c: {  	vm0 =	vgt.f32 v47, $3.000000000e+00  }
0x69d: {  	v37 =	vsel vm0, v37, v38  }
0x69e: {  	[tilespmem:s10+$0x8000] =	vst v37  }
0x69f: {  	v37 =	vld.idx.msk [tilespmem:v40+s30+$0x0], $0xffff;
	_ =	sdelay $0x1  }
0x6a0: {  	v48 =	vld.idx.msk [tilespmem:v40+s31+$0x0], $0xffff;
	_ =	sdelay $0x2  }
0x6a1: {  	v49 =	vmul.f32 v37, v42;
	_ =	sdelay $0x1  }
0x6a2: {  	v50 =	vld.idx.msk [tilespmem:v40+s1+$0x0], $0xffff;
	v38 =	vadd.f32 v48, v49  }
0x6a3: {  	v51 =	vld.idx.msk [tilespmem:v40+s4+$0x0], $0xffff  }
0x6a4: {  	v52 =	vsub.f32 $1.000000000e+00, v38  }
0x6a5: {  	v44 =	vld.idx.msk [tilespmem:v40+s28+$0x0], $0xffff  }
0x6a6: {  	v53 =	vmul.f32 v52, v38;
	_ =	sdelay $0x1  }
0x6a7: {  	v37 =	vmul.f32 v51, v37;
	v41 =	vmul.f32 v50, v53;
	_ =	sdelay $0x1  }
0x6a8: {  	v54 =	vmul.f32 v37, v38;
	v43 =	vmul.f32 v44, v52;
	v37 =	vadd.f32 v41, v37  }
0x6a9: {  	v41 =	vld [tilespmem:s10+$0x8020]  }
0x6aa: {  	v43 =	vadd.f32 v43, v54;
	(erf) = vrcp.f32 v37;
	_ =	sdelay $0x1  }
0x6ab: {  	v55 =	vmul.f32 v43, v38;
	_ =	sdelay $0x1  }
0x6ac: {  	v37 =	vmul.f32 v55, v51;
	vm0 =	vge.f32 v41, v21;
	vm1 =	vge.f32 v41, v22  }
0x6ad: {  	v56 =	vsel vm0, $0x40, v1;
	v57 =	vsel vm1, v6, v5;
	vm0 =	vge.f32 v41, v20  }
0x6ae: {  	vm1 =	vge.f32 v41, v19;
	v38 =	vadd.s32 v56, v57;
	v58 =	vsel vm0, $0x40, v1  }
0x6af: {  	v40 =	vld.idx.msk [tilespmem:v40+s0+$0x0], $0xffff;
	v59 =	vsel vm1, $0x40, v1;
	vm0 =	vge.f32 v41, v18;
	v38 =	vadd.s32 v58, v38  }
0x6b0: {  	vm1 =	vge.f32 v41, v17;
	v60 =	vsel vm0, $0x40, v1;
	v38 =	vadd.s32 v59, v38  }
0x6b1: {  	vm0 =	vge.f32 v41, v16;
	v61 =	vsel vm1, $0x40, v1;
	v38 =	vadd.s32 v60, v38;
	v62 =	vpop (erf)  }
0x6b2: {  	v63 =	vsel vm0, $0x40, v1;
	v38 =	vadd.s32 v61, v38;
	v37 =	vmul.f32 v62, v37  }
0x6b3: {  	v38 =	vadd.s32 v63, v38  }
0x6b4: {  	v48 =	vand.u32 $0x7FFFFFFF, v42;
	v37 =	vadd.f32 v37, v40  }
0x6b5: {  	vm0 =	vgt.f32 v48, $3.000000000e+00  }
0x6b6: {  	v37 =	vsel vm0, v42, v37  }
0x6b7: {  	[tilespmem:s10+$0x8010] =	vst v37  }
0x6b8: {  	v37 =	vld.idx.msk [tilespmem:v38+s30+$0x0], $0xffff;
	_ =	sdelay $0x1  }
0x6b9: {  	v49 =	vld.idx.msk [tilespmem:v38+s31+$0x0], $0xffff;
	_ =	sdelay $0x2  }
0x6ba: {  	v50 =	vmul.f32 v37, v41;
	_ =	sdelay $0x1  }
0x6bb: {  	v51 =	vld.idx.msk [tilespmem:v38+s4+$0x0], $0xffff;
	v39 =	vadd.f32 v49, v50  }
0x6bc: {  	v52 =	vld.idx.msk [tilespmem:v38+s1+$0x0], $0xffff  }
0x6bd: {  	v53 =	vsub.f32 $1.000000000e+00, v39  }
0x6be: {  	v44 =	vld.idx.msk [tilespmem:v38+s28+$0x0], $0xffff  }
0x6bf: {  	v54 =	vmul.f32 v53, v39;
	_ =	sdelay $0x1  }
0x6c0: {  	v37 =	vmul.f32 v51, v37;
	v40 =	vmul.f32 v52, v54;
	_ =	sdelay $0x1  }
0x6c1: {  	v55 =	vmul.f32 v37, v39;
	v43 =	vmul.f32 v44, v53;
	v40 =	vadd.f32 v40, v37  }
0x6c2: {  	v37 =	vld [tilespmem:s10+$0x8030]  }
0x6c3: {  	v43 =	vadd.f32 v43, v55;
	(erf) = vrcp.f32 v40;
	_ =	sdelay $0x1  }
0x6c4: {  	v39 =	vmul.f32 v43, v39;
	_ =	sdelay $0x1  }
0x6c5: {  	v39 =	vmul.f32 v39, v51;
	vm0 =	vge.f32 v37, v13;
	vm1 =	vge.f32 v37, v14  }
0x6c6: {  	vm2 =	vge.f32 v37, v15;
	v56 =	vsel vm0, $0x40, v1;
	v57 =	vsel vm1, v8, v7  }
0x6c7: {  	vm0 =	vge.f32 v37, v12;
	v58 =	vsel vm2, $0x40, v1;
	v40 =	vadd.s32 v56, v57  }
0x6c8: {  	v38 =	vld.idx.msk [tilespmem:v38+s0+$0x0], $0xffff;
	vm1 =	vge.f32 v37, v11;
	v59 =	vsel vm0, $0x40, v1;
	v40 =	vadd.s32 v58, v40  }
0x6c9: {  	vm0 =	vge.f32 v37, v10;
	v60 =	vsel vm1, $0x40, v1;
	v40 =	vadd.s32 v59, v40  }
0x6ca: {  	vm1 =	vge.f32 v37, v9;
	v61 =	vsel vm0, $0x40, v1;
	v40 =	vadd.s32 v60, v40;
	v62 =	vpop (erf)  }
0x6cb: {  	v63 =	vsel vm1, $0x40, v1;
	v40 =	vadd.s32 v61, v40;
	v39 =	vmul.f32 v62, v39  }
0x6cc: {  	v40 =	vadd.s32 v63, v40  }
0x6cd: {  	v45 =	vand.u32 $0x7FFFFFFF, v41;
	v38 =	vadd.f32 v39, v38  }
0x6ce: {  	vm0 =	vgt.f32 v45, $3.000000000e+00  }
0x6cf: {  	v38 =	vsel vm0, v41, v38  }
0x6d0: {  	[tilespmem:s10+$0x8020] =	vst v38  }
0x6d1: {  	v38 =	vld.idx.msk [tilespmem:v40+s30+$0x0], $0xffff;
	_ =	sdelay $0x1  }
0x6d2: {  	v46 =	vld.idx.msk [tilespmem:v40+s31+$0x0], $0xffff;
	_ =	sdelay $0x2  }
0x6d3: {  	v47 =	vmul.f32 v38, v37;
	_ =	sdelay $0x1  }
0x6d4: {  	v48 =	vld.idx.msk [tilespmem:v40+s4+$0x0], $0xffff;
	v39 =	vadd.f32 v46, v47  }
0x6d5: {  	v49 =	vld.idx.msk [tilespmem:v40+s1+$0x0], $0xffff  }
0x6d6: {  	v50 =	vsub.f32 $1.000000000e+00, v39  }
0x6d7: {  	v44 =	vld.idx.msk [tilespmem:v40+s28+$0x0], $0xffff  }
0x6d8: {  	v51 =	vmul.f32 v50, v39;
	_ =	sdelay $0x1  }
0x6d9: {  	v38 =	vmul.f32 v48, v38;
	v41 =	vmul.f32 v49, v51;
	_ =	sdelay $0x1  }
0x6da: {  	s13 =	simm.s32 $0x80;
	v52 =	vmul.f32 v38, v39;
	v43 =	vmul.f32 v44, v50;
	v41 =	vadd.f32 v41, v38  }
0x6db: {  	v38 =	vld [tilespmem:s13+$0x8000]  }
0x6dc: {  	v43 =	vadd.f32 v43, v52;
	(erf) = vrcp.f32 v41;
	_ =	sdelay $0x1  }
0x6dd: {  	v39 =	vmul.f32 v43, v39;
	_ =	sdelay $0x1  }
0x6de: {  	v39 =	vmul.f32 v39, v48;
	vm0 =	vge.f32 v38, v30;
	vm1 =	vge.f32 v38, v31  }
0x6df: {  	vm2 =	vge.f32 v38, v33;
	v54 =	vsel vm0, $0x40, v1;
	v55 =	vsel vm1, v2, v0  }
0x6e0: {  	vm0 =	vge.f32 v38, v32;
	v57 =	vsel vm2, $0x40, v1;
	v41 =	vadd.s32 v54, v55  }
0x6e1: {  	v56 =	vld.idx.msk [tilespmem:v40+s0+$0x0], $0xffff;
	vm1 =	vge.f32 v38, v35;
	v58 =	vsel vm0, $0x40, v1;
	v40 =	vadd.s32 v57, v41  }
0x6e2: {  	vm0 =	vge.f32 v38, v34;
	v59 =	vsel vm1, $0x40, v1;
	v40 =	vadd.s32 v58, v40  }
0x6e3: {  	vm1 =	vge.f32 v38, v36;
	v61 =	vsel vm0, $0x40, v1;
	v40 =	vadd.s32 v59, v40;
	v60 =	vpop (erf)  }
0x6e4: {  	v63 =	vsel vm1, $0x40, v1;
	v40 =	vadd.s32 v61, v40;
	v62 =	vmul.f32 v60, v39  }
0x6e5: {  	v53 =	vand.u32 $0x7FFFFFFF, v37;
	v40 =	vadd.s32 v63, v40  }
0x6e6: {  	s11 =	simm.s32 $0x400;
	vm0 =	vgt.f32 v53, $3.000000000e+00;
	v39 =	vand.u32 $0x7FFFFFFF, v38;
	v41 =	vadd.f32 v62, v56  }
.LBB2_12:
0x6e7: {  	_ = 	snop  }
0x6e8: {  	p0 =	sne.s32 s11, $0x1FE00;
	s12 =	smov.u32 s11;
	s11 =	sadd.s32 $0x200, s11;
	v37 =	vsel vm0, v37, v41  }
0x6e9: {  	[tilespmem:s10+$0x8030] =	vst v37;
	s10 =	smov.u32 s13  }
0x6ea: {  	v37 =	vld.idx.msk [tilespmem:v40+s30+$0x0], $0xffff  }
0x6eb: {  	v41 =	vld.idx.msk [tilespmem:v40+s31+$0x0], $0xffff;
	_ =	sdelay $0x3  }
0x6ec: {  	v42 =	vld.idx.msk [tilespmem:v40+s28+$0x0], $0xffff  }
0x6ed: {  	v44 =	vmul.f32 v37, v38;
	v43 =	vld.idx.msk [tilespmem:v40+s1+$0x0], $0xffff  }
0x6ee: {  	v45 =	vld.idx.msk [tilespmem:v40+s4+$0x0], $0xffff  }
0x6ef: {  	v41 =	vadd.f32 v41, v44;
	_ =	sdelay $0x1  }
0x6f0: {  	v44 =	vsub.f32 $1.000000000e+00, v41;
	_ =	sdelay $0x1  }
0x6f1: {  	v42 =	vmul.f32 v42, v44;
	v44 =	vmul.f32 v44, v41  }
0x6f2: {  	v37 =	vmul.f32 v45, v37  }
0x6f3: {  	v43 =	vmul.f32 v43, v44  }
0x6f4: {  	v44 =	vmul.f32 v37, v41  }
0x6f5: {  	v37 =	vadd.f32 v43, v37;
	v43 =	vld [tilespmem:s10+$0x8010]  }
0x6f6: {  	v42 =	vadd.f32 v42, v44  }
0x6f7: {  	(erf) = vrcp.f32 v37  }
0x6f8: {  	v37 =	vmul.f32 v42, v41;
	_ =	sdelay $0x1  }
0x6f9: {  	v37 =	vmul.f32 v37, v45;
	vm0 =	vge.f32 v43, v27;
	vm1 =	vge.f32 v43, v28  }
0x6fa: {  	v41 =	vsel vm0, $0x40, v1;
	vm0 =	vge.f32 v43, v29;
	v42 =	vsel vm1, v4, v3  }
0x6fb: {  	vm1 =	vge.f32 v43, v26;
	v40 =	vld.idx.msk [tilespmem:v40+s0+$0x0], $0xffff;
	v44 =	vsel vm0, $0x40, v1;
	v41 =	vadd.s32 v41, v42  }
0x6fc: {  	v42 =	vsel vm1, $0x40, v1;
	vm0 =	vge.f32 v43, v25;
	v41 =	vadd.s32 v44, v41  }
0x6fd: {  	vm1 =	vge.f32 v43, v24;
	v44 =	vsel vm0, $0x40, v1;
	v41 =	vadd.s32 v42, v41  }
0x6fe: {  	v45 =	vsel vm1, $0x40, v1;
	vm0 =	vge.f32 v43, v23;
	v41 =	vadd.s32 v44, v41  }
0x6ff: {  	v44 =	vsel vm0, $0x40, v1;
	v41 =	vadd.s32 v45, v41;
	v42 =	vpop (erf)  }
0x700: {  	v37 =	vmul.f32 v42, v37;
	v41 =	vadd.s32 v44, v41;
	v42 =	vand.u32 $0x7FFFFFFF, v43;
	_ =	sdelay $0x1  }
0x701: {  	vm0 =	vgt.f32 v39, $3.000000000e+00;
	v37 =	vadd.f32 v37, v40;
	_ =	sdelay $0x1  }
0x702: {  	v37 =	vsel vm0, v38, v37  }
0x703: {  	[tilespmem:s10+$0x8000] =	vst v37  }
0x704: {  	v37 =	vld.idx.msk [tilespmem:v41+s30+$0x0], $0xffff  }
0x705: {  	v38 =	vld.idx.msk [tilespmem:v41+s31+$0x0], $0xffff;
	_ =	sdelay $0x4  }
0x706: {  	v40 =	vmul.f32 v37, v43;
	v39 =	vld.idx.msk [tilespmem:v41+s1+$0x0], $0xffff  }
0x707: {  	v44 =	vld.idx.msk [tilespmem:v41+s4+$0x0], $0xffff  }
0x708: {  	v38 =	vadd.f32 v38, v40  }
0x709: {  	v40 =	vld.idx.msk [tilespmem:v41+s28+$0x0], $0xffff  }
0x70a: {  	v45 =	vsub.f32 $1.000000000e+00, v38;
	_ =	sdelay $0x1  }
0x70b: {  	v46 =	vmul.f32 v45, v38  }
0x70c: {  	v37 =	vmul.f32 v44, v37  }
0x70d: {  	v39 =	vmul.f32 v39, v46  }
0x70e: {  	v46 =	vmul.f32 v37, v38;
	v40 =	vmul.f32 v40, v45  }
0x70f: {  	v37 =	vadd.f32 v39, v37;
	v39 =	vld [tilespmem:s10+$0x8020]  }
0x710: {  	v40 =	vadd.f32 v40, v46  }
0x711: {  	(erf) = vrcp.f32 v37  }
0x712: {  	v37 =	vmul.f32 v40, v38;
	_ =	sdelay $0x1  }
0x713: {  	v37 =	vmul.f32 v37, v44;
	vm0 =	vge.f32 v39, v21;
	vm1 =	vge.f32 v39, v22  }
0x714: {  	v38 =	vsel vm0, $0x40, v1;
	vm0 =	vge.f32 v39, v17;
	v40 =	vsel vm1, v6, v5  }
0x715: {  	vm2 =	vge.f32 v39, v20;
	vm1 =	vge.f32 v39, v19;
	v41 =	vld.idx.msk [tilespmem:v41+s0+$0x0], $0xffff;
	v38 =	vadd.s32 v38, v40  }
0x716: {  	v44 =	vsel vm2, $0x40, v1;
	v40 =	vsel vm1, $0x40, v1;
	vm1 =	vge.f32 v39, v18  }
0x717: {  	v47 =	vsel vm1, $0x40, v1;
	vm1 =	vge.f32 v39, v16;
	v38 =	vadd.s32 v44, v38  }
0x718: {  	v44 =	vsel vm0, $0x40, v1;
	v38 =	vadd.s32 v40, v38;
	v40 =	vand.u32 $0x7FFFFFFF, v39  }
0x719: {  	v46 =	vsel vm1, $0x40, v1;
	v38 =	vadd.s32 v47, v38;
	v45 =	vpop (erf)  }
0x71a: {  	v38 =	vadd.s32 v44, v38;
	v37 =	vmul.f32 v45, v37  }
0x71b: {  	v38 =	vadd.s32 v46, v38  }
0x71c: {  	vm0 =	vgt.f32 v42, $3.000000000e+00;
	v37 =	vadd.f32 v37, v41;
	_ =	sdelay $0x1  }
0x71d: {  	v37 =	vsel vm0, v43, v37  }
0x71e: {  	[tilespmem:s10+$0x8010] =	vst v37  }
0x71f: {  	v37 =	vld.idx.msk [tilespmem:v38+s30+$0x0], $0xffff  }
0x720: {  	v41 =	vld.idx.msk [tilespmem:v38+s31+$0x0], $0xffff  }
0x721: {  	v42 =	vld.idx.msk [tilespmem:v38+s4+$0x0], $0xffff;
	_ =	sdelay $0x3  }
0x722: {  	v44 =	vmul.f32 v37, v39;
	v43 =	vld.idx.msk [tilespmem:v38+s28+$0x0], $0xffff  }
0x723: {  	v45 =	vld.idx.msk [tilespmem:v38+s1+$0x0], $0xffff  }
0x724: {  	v41 =	vadd.f32 v41, v44;
	v37 =	vmul.f32 v42, v37;
	_ =	sdelay $0x1  }
0x725: {  	v44 =	vsub.f32 $1.000000000e+00, v41;
	v46 =	vmul.f32 v37, v41;
	_ =	sdelay $0x1  }
0x726: {  	v43 =	vmul.f32 v43, v44;
	v44 =	vmul.f32 v44, v41;
	_ =	sdelay $0x1  }
0x727: {  	v43 =	vadd.f32 v43, v46;
	v44 =	vmul.f32 v45, v44;
	_ =	sdelay $0x1  }
0x728: {  	v41 =	vmul.f32 v43, v41;
	v43 =	vadd.f32 v44, v37;
	v37 =	vld [tilespmem:s10+$0x8030];
	_ =	sdelay $0x1  }
0x729: {  	v41 =	vmul.f32 v41, v42;
	(erf) = vrcp.f32 v43;
	_ =	sdelay $0x2  }
0x72a: {  	vm0 =	vge.f32 v37, v13;
	vm1 =	vge.f32 v37, v14;
	vm2 =	vge.f32 v37, v15  }
0x72b: {  	v42 =	vsel vm0, $0x40, v1;
	vm0 =	vge.f32 v37, v12;
	v43 =	vsel vm1, v8, v7  }
0x72c: {  	v44 =	vsel vm2, $0x40, v1;
	vm1 =	vge.f32 v37, v11;
	v38 =	vld.idx.msk [tilespmem:v38+s0+$0x0], $0xffff;
	v42 =	vadd.s32 v42, v43  }
0x72d: {  	v43 =	vsel vm0, $0x40, v1;
	vm0 =	vge.f32 v37, v10;
	v42 =	vadd.s32 v44, v42  }
0x72e: {  	v44 =	vsel vm1, $0x40, v1;
	vm1 =	vge.f32 v37, v9;
	v42 =	vadd.s32 v43, v42  }
0x72f: {  	v46 =	vsel vm0, $0x40, v1;
	v42 =	vadd.s32 v44, v42;
	v44 =	vand.u32 $0x7FFFFFFF, v37  }
0x730: {  	v45 =	vsel vm1, $0x40, v1;
	v42 =	vadd.s32 v46, v42;
	v43 =	vpop (erf)  }
0x731: {  	v41 =	vmul.f32 v43, v41;
	v42 =	vadd.s32 v45, v42;
	_ =	sdelay $0x1  }
0x732: {  	vm0 =	vgt.f32 v40, $3.000000000e+00;
	v38 =	vadd.f32 v41, v38;
	_ =	sdelay $0x1  }
0x733: {  	v38 =	vsel vm0, v39, v38  }
0x734: {  	[tilespmem:s10+$0x8020] =	vst v38  }
0x735: {  	v38 =	vld.idx.msk [tilespmem:v42+s30+$0x0], $0xffff  }
0x736: {  	v39 =	vld.idx.msk [tilespmem:v42+s31+$0x0], $0xffff  }
0x737: {  	v40 =	vld.idx.msk [tilespmem:v42+s4+$0x0], $0xffff  }
0x738: {  	v41 =	vld.idx.msk [tilespmem:v42+s1+$0x0], $0xffff  }
0x739: {  	v43 =	vld.idx.msk [tilespmem:v42+s28+$0x0], $0xffff  }
0x73a: {  	v42 =	vld.idx.msk [tilespmem:v42+s0+$0x0], $0xffff  }
0x73b: {  	v45 =	vmul.f32 v38, v37;
	_ =	sdelay $0x1  }
0x73c: {  	v39 =	vadd.f32 v39, v45;
	v45 =	vmul.f32 v40, v38;
	_ =	sdelay $0x1  }
0x73d: {  	v38 =	vsub.f32 $1.000000000e+00, v39;
	v46 =	vmul.f32 v45, v39;
	_ =	sdelay $0x1  }
0x73e: {  	v43 =	vmul.f32 v43, v38;
	v38 =	vmul.f32 v38, v39;
	_ =	sdelay $0x1  }
0x73f: {  	v43 =	vadd.f32 v43, v46;
	v41 =	vmul.f32 v41, v38  }
0x740: {  	s13 =	sshra.s32 s12, $0x2  }
0x741: {  	v39 =	vmul.f32 v43, v39;
	v41 =	vadd.f32 v41, v45;
	v38 =	vld [tilespmem:s13+$0x8000];
	_ =	sdelay $0x1  }
0x742: {  	v43 =	vmul.f32 v39, v40;
	(erf) = vrcp.f32 v41;
	_ =	sdelay $0x2  }
0x743: {  	vm0 =	vge.f32 v38, v30;
	vm1 =	vge.f32 v38, v31;
	vm2 =	vge.f32 v38, v33  }
0x744: {  	v39 =	vsel vm0, $0x40, v1;
	vm0 =	vge.f32 v38, v32;
	v40 =	vsel vm1, v2, v0  }
0x745: {  	v41 =	vsel vm2, $0x40, v1;
	vm1 =	vge.f32 v38, v35;
	v39 =	vadd.s32 v39, v40  }
0x746: {  	v40 =	vsel vm0, $0x40, v1;
	vm0 =	vge.f32 v38, v34;
	v39 =	vadd.s32 v41, v39  }
0x747: {  	v47 =	vsel vm1, $0x40, v1;
	vm1 =	vge.f32 v38, v36;
	v39 =	vadd.s32 v40, v39  }
.Ltmp5:
0x748: {  	v40 =	vsel vm0, $0x40, v1;
	v46 =	vadd.s32 v47, v39;
	v39 =	vand.u32 $0x7FFFFFFF, v38;
	(pc) =	sbr.rel @p0 .LBB2_12-.Ltmp5, $3  }
0x749: {  	v45 =	vsel vm1, $0x40, v1;
	v40 =	vadd.s32 v40, v46;
	v41 =	vpop (erf)  }
0x74a: {  	v40 =	vadd.s32 v45, v40;
	v41 =	vmul.f32 v41, v43;
	_ =	sdelay $0x1  }
0x74b: {  	vm0 =	vgt.f32 v44, $3.000000000e+00;
	v41 =	vadd.f32 v41, v42  }
0x74c: {  	_ =	sdelay $0x1  }
0x74d: {  	v37 =	vsel vm0, v37, v41  }
0x74e: {  	[tilespmem:s10+$0x8030] =	vst v37  }
0x74f: {  	v37 =	vld.idx.msk [tilespmem:v40+s30+$0x0], $0xffff;
	_ =	sdelay $0x1  }
0x750: {  	v61 =	vld.idx.msk [tilespmem:v40+s31+$0x0], $0xffff;
	_ =	sdelay $0x2  }
0x751: {  	v42 =	vmul.f32 v37, v38;
	_ =	sdelay $0x1  }
0x752: {  	v43 =	vld.idx.msk [tilespmem:v40+s1+$0x0], $0xffff;
	v41 =	vadd.f32 v61, v42  }
0x753: {  	v62 =	vld.idx.msk [tilespmem:v40+s4+$0x0], $0xffff  }
0x754: {  	v44 =	vsub.f32 $1.000000000e+00, v41  }
0x755: {  	v45 =	vld.idx.msk [tilespmem:v40+s28+$0x0], $0xffff  }
0x756: {  	v46 =	vmul.f32 v44, v41;
	_ =	sdelay $0x1  }
0x757: {  	v37 =	vmul.f32 v62, v37;
	v43 =	vmul.f32 v43, v46;
	_ =	sdelay $0x1  }
0x758: {  	v63 =	vmul.f32 v37, v41;
	v44 =	vmul.f32 v45, v44;
	v37 =	vadd.f32 v43, v37  }
0x759: {  	v43 =	vld [tilespmem:s13+$0x8010]  }
0x75a: {  	v44 =	vadd.f32 v44, v63;
	(erf) = vrcp.f32 v37;
	_ =	sdelay $0x1  }
0x75b: {  	v48 =	vmul.f32 v44, v41;
	_ =	sdelay $0x1  }
0x75c: {  	v37 =	vmul.f32 v48, v62;
	vm0 =	vge.f32 v43, v27;
	vm1 =	vge.f32 v43, v28  }
0x75d: {  	v49 =	vsel vm0, $0x40, v1;
	vm0 =	vge.f32 v43, v29;
	v50 =	vsel vm1, v4, v3  }
0x75e: {  	vm1 =	vge.f32 v43, v26;
	v51 =	vsel vm0, $0x40, v1;
	v41 =	vadd.s32 v49, v50  }
0x75f: {  	v52 =	vld.idx.msk [tilespmem:v40+s0+$0x0], $0xffff;
	v53 =	vsel vm1, $0x40, v1;
	vm0 =	vge.f32 v43, v25;
	v41 =	vadd.s32 v51, v41  }
0x760: {  	vm1 =	vge.f32 v43, v24;
	v54 =	vsel vm0, $0x40, v1;
	v41 =	vadd.s32 v53, v41  }
0x761: {  	v55 =	vsel vm1, $0x40, v1;
	vm0 =	vge.f32 v43, v23;
	v41 =	vadd.s32 v54, v41;
	v56 =	vpop (erf)  }
0x762: {  	v57 =	vsel vm0, $0x40, v1;
	v41 =	vadd.s32 v55, v41;
	v37 =	vmul.f32 v56, v37  }
0x763: {  	v41 =	vadd.s32 v57, v41  }
0x764: {  	v37 =	vadd.f32 v37, v52  }
0x765: {  	vm0 =	vgt.f32 v39, $3.000000000e+00  }
0x766: {  	v37 =	vsel vm0, v38, v37  }
0x767: {  	[tilespmem:s13+$0x8000] =	vst v37  }
0x768: {  	v37 =	vld.idx.msk [tilespmem:v41+s30+$0x0], $0xffff;
	_ =	sdelay $0x1  }
0x769: {  	v58 =	vld.idx.msk [tilespmem:v41+s31+$0x0], $0xffff;
	_ =	sdelay $0x2  }
0x76a: {  	v59 =	vmul.f32 v37, v43;
	_ =	sdelay $0x1  }
0x76b: {  	v60 =	vld.idx.msk [tilespmem:v41+s1+$0x0], $0xffff;
	v38 =	vadd.f32 v58, v59  }
0x76c: {  	v61 =	vld.idx.msk [tilespmem:v41+s4+$0x0], $0xffff  }
0x76d: {  	v62 =	vsub.f32 $1.000000000e+00, v38  }
0x76e: {  	v63 =	vld.idx.msk [tilespmem:v41+s28+$0x0], $0xffff  }
0x76f: {  	v48 =	vmul.f32 v62, v38;
	_ =	sdelay $0x1  }
0x770: {  	v37 =	vmul.f32 v61, v37;
	v40 =	vmul.f32 v60, v48;
	_ =	sdelay $0x1  }
0x771: {  	v49 =	vmul.f32 v37, v38;
	v42 =	vmul.f32 v63, v62;
	v37 =	vadd.f32 v40, v37  }
0x772: {  	v40 =	vld [tilespmem:s13+$0x8020]  }
0x773: {  	v42 =	vadd.f32 v42, v49;
	(erf) = vrcp.f32 v37;
	_ =	sdelay $0x1  }
0x774: {  	v50 =	vmul.f32 v42, v38;
	_ =	sdelay $0x1  }
0x775: {  	v37 =	vmul.f32 v50, v61;
	vm0 =	vge.f32 v40, v21;
	vm1 =	vge.f32 v40, v22  }
0x776: {  	v51 =	vsel vm0, $0x40, v1;
	v52 =	vsel vm1, v6, v5;
	vm0 =	vge.f32 v40, v20  }
0x777: {  	vm1 =	vge.f32 v40, v19;
	v38 =	vadd.s32 v51, v52;
	v53 =	vsel vm0, $0x40, v1  }
0x778: {  	v41 =	vld.idx.msk [tilespmem:v41+s0+$0x0], $0xffff;
	v54 =	vsel vm1, $0x40, v1;
	vm0 =	vge.f32 v40, v18;
	v38 =	vadd.s32 v53, v38  }
0x779: {  	vm1 =	vge.f32 v40, v17;
	v55 =	vsel vm0, $0x40, v1;
	v38 =	vadd.s32 v54, v38  }
0x77a: {  	vm0 =	vge.f32 v40, v16;
	v56 =	vsel vm1, $0x40, v1;
	v38 =	vadd.s32 v55, v38;
	v57 =	vpop (erf)  }
0x77b: {  	v58 =	vsel vm0, $0x40, v1;
	v38 =	vadd.s32 v56, v38;
	v37 =	vmul.f32 v57, v37  }
0x77c: {  	v38 =	vadd.s32 v58, v38  }
0x77d: {  	v59 =	vand.u32 $0x7FFFFFFF, v43;
	v37 =	vadd.f32 v37, v41  }
0x77e: {  	vm0 =	vgt.f32 v59, $3.000000000e+00  }
0x77f: {  	v37 =	vsel vm0, v43, v37  }
0x780: {  	[tilespmem:s13+$0x8010] =	vst v37  }
0x781: {  	v37 =	vld.idx.msk [tilespmem:v38+s30+$0x0], $0xffff;
	_ =	sdelay $0x1  }
0x782: {  	v60 =	vld.idx.msk [tilespmem:v38+s31+$0x0], $0xffff;
	_ =	sdelay $0x2  }
0x783: {  	v61 =	vmul.f32 v37, v40;
	_ =	sdelay $0x1  }
0x784: {  	v62 =	vld.idx.msk [tilespmem:v38+s4+$0x0], $0xffff;
	v39 =	vadd.f32 v60, v61  }
0x785: {  	v63 =	vld.idx.msk [tilespmem:v38+s1+$0x0], $0xffff  }
0x786: {  	v48 =	vsub.f32 $1.000000000e+00, v39  }
0x787: {  	v44 =	vld.idx.msk [tilespmem:v38+s28+$0x0], $0xffff  }
0x788: {  	v49 =	vmul.f32 v48, v39;
	_ =	sdelay $0x1  }
0x789: {  	v37 =	vmul.f32 v62, v37;
	v41 =	vmul.f32 v63, v49;
	_ =	sdelay $0x1  }
0x78a: {  	v50 =	vmul.f32 v37, v39;
	v43 =	vmul.f32 v44, v48;
	v37 =	vadd.f32 v41, v37  }
0x78b: {  	v41 =	vld [tilespmem:s13+$0x8030]  }
0x78c: {  	v43 =	vadd.f32 v43, v50;
	(erf) = vrcp.f32 v37;
	_ =	sdelay $0x1  }
0x78d: {  	v51 =	vmul.f32 v43, v39;
	_ =	sdelay $0x1  }
0x78e: {  	v37 =	vmul.f32 v51, v62;
	vm0 =	vge.f32 v41, v13;
	vm1 =	vge.f32 v41, v14  }
0x78f: {  	vm2 =	vge.f32 v41, v15;
	v52 =	vsel vm0, $0x40, v1;
	v53 =	vsel vm1, v8, v7  }
0x790: {  	vm0 =	vge.f32 v41, v12;
	v54 =	vsel vm2, $0x40, v1;
	v39 =	vadd.s32 v52, v53  }
0x791: {  	v38 =	vld.idx.msk [tilespmem:v38+s0+$0x0], $0xffff;
	vm1 =	vge.f32 v41, v11;
	v55 =	vsel vm0, $0x40, v1;
	v39 =	vadd.s32 v54, v39  }
0x792: {  	vm0 =	vge.f32 v41, v10;
	v56 =	vsel vm1, $0x40, v1;
	v39 =	vadd.s32 v55, v39  }
0x793: {  	vm1 =	vge.f32 v41, v9;
	v57 =	vsel vm0, $0x40, v1;
	v39 =	vadd.s32 v56, v39;
	v58 =	vpop (erf)  }
0x794: {  	v59 =	vsel vm1, $0x40, v1;
	v39 =	vadd.s32 v57, v39;
	v37 =	vmul.f32 v58, v37  }
0x795: {  	v39 =	vadd.s32 v59, v39  }
0x796: {  	v60 =	vand.u32 $0x7FFFFFFF, v40;
	v37 =	vadd.f32 v37, v38  }
0x797: {  	vm0 =	vgt.f32 v60, $3.000000000e+00  }
0x798: {  	v37 =	vsel vm0, v40, v37  }
0x799: {  	[tilespmem:s13+$0x8020] =	vst v37  }
0x79a: {  	v37 =	vld.idx.msk [tilespmem:v39+s30+$0x0], $0xffff;
	_ =	sdelay $0x1  }
0x79b: {  	v61 =	vld.idx.msk [tilespmem:v39+s31+$0x0], $0xffff;
	_ =	sdelay $0x2  }
0x79c: {  	v62 =	vmul.f32 v37, v41;
	_ =	sdelay $0x1  }
0x79d: {  	v63 =	vld.idx.msk [tilespmem:v39+s4+$0x0], $0xffff;
	v38 =	vadd.f32 v61, v62  }
0x79e: {  	v48 =	vld.idx.msk [tilespmem:v39+s1+$0x0], $0xffff  }
0x79f: {  	v49 =	vsub.f32 $1.000000000e+00, v38;
	_ =	sdelay $0x1  }
0x7a0: {  	v50 =	vmul.f32 v49, v38;
	_ =	sdelay $0x1  }
0x7a1: {  	v37 =	vmul.f32 v63, v37;
	v40 =	vmul.f32 v48, v50  }
0x7a2: {  	v51 =	vld.idx.msk [tilespmem:v39+s28+$0x0], $0xffff  }
0x7a3: {  	v40 =	vadd.f32 v40, v37;
	_ =	sdelay $0x1  }
0x7a4: {  	(erf) = vrcp.f32 v40;
	_ =	sdelay $0x1  }
0x7a5: {  	v52 =	vmul.f32 v51, v49;
	v37 =	vmul.f32 v37, v38;
	_ =	sdelay $0x1  }
0x7a6: {  	v37 =	vadd.f32 v52, v37;
	_ =	sdelay $0x1  }
0x7a7: {  	v37 =	vmul.f32 v37, v38  }
0x7a8: {  	v53 =	vld.idx.msk [tilespmem:v39+s0+$0x0], $0xffff  }
0x7a9: {  	v37 =	vmul.f32 v37, v63  }
0x7aa: {  	v54 =	vpop (erf)  }
0x7ab: {  	v37 =	vmul.f32 v54, v37;
	_ =	sdelay $0x1  }
0x7ac: {  	v55 =	vand.u32 $0x7FFFFFFF, v41;
	v37 =	vadd.f32 v37, v53  }
0x7ad: {  	vm0 =	vgt.f32 v55, $3.000000000e+00  }
0x7ae: {  	v37 =	vsel vm0, v41, v37  }
0x7af: {  	[tilespmem:s13+$0x8030] =	vst v37;
	s13 =	simm.s32 $0x0  }
0x7b0: {  	[hbm4b:s20+s13] =	stream.linear.scatter [tilespmem:s5], [sflag:$0x4], $0x8000, $0x38;
	[tilespmem:$0x10E00] =	vst v63  }
0x7b1: {  	_ =	swait.ge [sflag:s2], $0x8000  }
0x7b2: {  	[sflag:s2] =	ssyncset.done $0x0  }
0x7b3: {  	[sflag:s2] =	ssyncadd.s32 $0xFFFF8000  }
0x7b4: {  	_ =	swait.ge [sflag:s8], $0x8000  }
0x7b5: {  	[sflag:s8] =	ssyncset.done $0x0  }
0x7b6: {  	s10 =	simm.s32 $0x0;
	[sflag:s8] =	ssyncadd.s32 $0xFFFF8000  }
0x7b7: {  	[tilespmem:s5], [sflag:$0x2] =	stream.linear.gather [hbm4b:s21+s13], $0x8000, $0x38;
	[tilespmem:$0x10E00] =	vst v63  }
0x7b8: {  	v37 =	vld [tilespmem:s10+$0x0];
	_ =	sdelay $0x4  }
0x7b9: {  	vm0 =	vge.f32 v37, v30;
	vm1 =	vge.f32 v37, v31  }
0x7ba: {  	vm2 =	vge.f32 v37, v33;
	v56 =	vsel vm0, $0x40, v1;
	v57 =	vsel vm1, v2, v0  }
0x7bb: {  	vm0 =	vge.f32 v37, v32;
	v58 =	vsel vm2, $0x40, v1;
	v38 =	vadd.s32 v56, v57  }
0x7bc: {  	vm1 =	vge.f32 v37, v35;
	v59 =	vsel vm0, $0x40, v1;
	v38 =	vadd.s32 v58, v38  }
0x7bd: {  	vm0 =	vge.f32 v37, v34;
	v60 =	vsel vm1, $0x40, v1;
	v38 =	vadd.s32 v59, v38  }
0x7be: {  	vm1 =	vge.f32 v37, v36;
	v61 =	vsel vm0, $0x40, v1;
	v38 =	vadd.s32 v60, v38  }
0x7bf: {  	v62 =	vsel vm1, $0x40, v1;
	v38 =	vadd.s32 v61, v38  }
0x7c0: {  	v38 =	vadd.s32 v62, v38;
	_ =	sdelay $0x4  }
0x7c1: {  	v63 =	vld.idx.msk [tilespmem:v38+s30+$0x0], $0xffff;
	_ =	sdelay $0x1  }
0x7c2: {  	v40 =	vld.idx.msk [tilespmem:v38+s31+$0x0], $0xffff;
	_ =	sdelay $0x2  }
0x7c3: {  	v48 =	vmul.f32 v63, v37;
	_ =	sdelay $0x1  }
0x7c4: {  	v49 =	vld.idx.msk [tilespmem:v38+s1+$0x0], $0xffff;
	v40 =	vadd.f32 v40, v48  }
0x7c5: {  	v50 =	vld.idx.msk [tilespmem:v38+s4+$0x0], $0xffff  }
0x7c6: {  	v51 =	vsub.f32 $1.000000000e+00, v40  }
0x7c7: {  	v52 =	vld.idx.msk [tilespmem:v38+s28+$0x0], $0xffff  }
0x7c8: {  	v53 =	vmul.f32 v51, v40;
	_ =	sdelay $0x1  }
0x7c9: {  	v39 =	vmul.f32 v50, v63;
	v42 =	vmul.f32 v49, v53;
	_ =	sdelay $0x1  }
0x7ca: {  	v54 =	vmul.f32 v39, v40;
	v43 =	vmul.f32 v52, v51;
	v39 =	vadd.f32 v42, v39  }
0x7cb: {  	v42 =	vld [tilespmem:s10+$0x10]  }
0x7cc: {  	v43 =	vadd.f32 v43, v54;
	(erf) = vrcp.f32 v39;
	_ =	sdelay $0x1  }
0x7cd: {  	v55 =	vmul.f32 v43, v40;
	_ =	sdelay $0x1  }
0x7ce: {  	v39 =	vmul.f32 v55, v50;
	vm0 =	vge.f32 v42, v27;
	vm1 =	vge.f32 v42, v28  }
0x7cf: {  	v56 =	vsel vm0, $0x40, v1;
	vm0 =	vge.f32 v42, v29;
	v57 =	vsel vm1, v4, v3  }
0x7d0: {  	vm1 =	vge.f32 v42, v26;
	v58 =	vsel vm0, $0x40, v1;
	v40 =	vadd.s32 v56, v57  }
0x7d1: {  	v38 =	vld.idx.msk [tilespmem:v38+s0+$0x0], $0xffff;
	v59 =	vsel vm1, $0x40, v1;
	vm0 =	vge.f32 v42, v25;
	v40 =	vadd.s32 v58, v40  }
0x7d2: {  	vm1 =	vge.f32 v42, v24;
	v60 =	vsel vm0, $0x40, v1;
	v40 =	vadd.s32 v59, v40  }
0x7d3: {  	v61 =	vsel vm1, $0x40, v1;
	vm0 =	vge.f32 v42, v23;
	v40 =	vadd.s32 v60, v40;
	v62 =	vpop (erf)  }
0x7d4: {  	v63 =	vsel vm0, $0x40, v1;
	v40 =	vadd.s32 v61, v40;
	v39 =	vmul.f32 v62, v39  }
0x7d5: {  	v40 =	vadd.s32 v63, v40  }
0x7d6: {  	v47 =	vand.u32 $0x7FFFFFFF, v37;
	v38 =	vadd.f32 v39, v38  }
0x7d7: {  	vm0 =	vgt.f32 v47, $3.000000000e+00  }
0x7d8: {  	v37 =	vsel vm0, v37, v38  }
0x7d9: {  	[tilespmem:s10+$0x0] =	vst v37  }
0x7da: {  	v37 =	vld.idx.msk [tilespmem:v40+s30+$0x0], $0xffff;
	_ =	sdelay $0x1  }
0x7db: {  	v48 =	vld.idx.msk [tilespmem:v40+s31+$0x0], $0xffff;
	_ =	sdelay $0x2  }
0x7dc: {  	v49 =	vmul.f32 v37, v42;
	_ =	sdelay $0x1  }
0x7dd: {  	v50 =	vld.idx.msk [tilespmem:v40+s1+$0x0], $0xffff;
	v38 =	vadd.f32 v48, v49  }
0x7de: {  	v51 =	vld.idx.msk [tilespmem:v40+s4+$0x0], $0xffff  }
0x7df: {  	v52 =	vsub.f32 $1.000000000e+00, v38  }
0x7e0: {  	v44 =	vld.idx.msk [tilespmem:v40+s28+$0x0], $0xffff  }
0x7e1: {  	v53 =	vmul.f32 v52, v38;
	_ =	sdelay $0x1  }
0x7e2: {  	v37 =	vmul.f32 v51, v37;
	v41 =	vmul.f32 v50, v53;
	_ =	sdelay $0x1  }
0x7e3: {  	v54 =	vmul.f32 v37, v38;
	v43 =	vmul.f32 v44, v52;
	v37 =	vadd.f32 v41, v37  }
0x7e4: {  	v41 =	vld [tilespmem:s10+$0x20]  }
0x7e5: {  	v43 =	vadd.f32 v43, v54;
	(erf) = vrcp.f32 v37;
	_ =	sdelay $0x1  }
0x7e6: {  	v55 =	vmul.f32 v43, v38;
	_ =	sdelay $0x1  }
0x7e7: {  	v37 =	vmul.f32 v55, v51;
	vm0 =	vge.f32 v41, v21;
	vm1 =	vge.f32 v41, v22  }
0x7e8: {  	v56 =	vsel vm0, $0x40, v1;
	v57 =	vsel vm1, v6, v5;
	vm0 =	vge.f32 v41, v20  }
0x7e9: {  	vm1 =	vge.f32 v41, v19;
	v38 =	vadd.s32 v56, v57;
	v58 =	vsel vm0, $0x40, v1  }
0x7ea: {  	v40 =	vld.idx.msk [tilespmem:v40+s0+$0x0], $0xffff;
	v59 =	vsel vm1, $0x40, v1;
	vm0 =	vge.f32 v41, v18;
	v38 =	vadd.s32 v58, v38  }
0x7eb: {  	vm1 =	vge.f32 v41, v17;
	v60 =	vsel vm0, $0x40, v1;
	v38 =	vadd.s32 v59, v38  }
0x7ec: {  	vm0 =	vge.f32 v41, v16;
	v61 =	vsel vm1, $0x40, v1;
	v38 =	vadd.s32 v60, v38;
	v62 =	vpop (erf)  }
0x7ed: {  	v63 =	vsel vm0, $0x40, v1;
	v38 =	vadd.s32 v61, v38;
	v37 =	vmul.f32 v62, v37  }
0x7ee: {  	v38 =	vadd.s32 v63, v38  }
0x7ef: {  	v48 =	vand.u32 $0x7FFFFFFF, v42;
	v37 =	vadd.f32 v37, v40  }
0x7f0: {  	vm0 =	vgt.f32 v48, $3.000000000e+00  }
0x7f1: {  	v37 =	vsel vm0, v42, v37  }
0x7f2: {  	[tilespmem:s10+$0x10] =	vst v37  }
0x7f3: {  	v37 =	vld.idx.msk [tilespmem:v38+s30+$0x0], $0xffff;
	_ =	sdelay $0x1  }
0x7f4: {  	v49 =	vld.idx.msk [tilespmem:v38+s31+$0x0], $0xffff;
	_ =	sdelay $0x2  }
0x7f5: {  	v50 =	vmul.f32 v37, v41;
	_ =	sdelay $0x1  }
0x7f6: {  	v51 =	vld.idx.msk [tilespmem:v38+s4+$0x0], $0xffff;
	v39 =	vadd.f32 v49, v50  }
0x7f7: {  	v52 =	vld.idx.msk [tilespmem:v38+s1+$0x0], $0xffff  }
0x7f8: {  	v53 =	vsub.f32 $1.000000000e+00, v39  }
0x7f9: {  	v44 =	vld.idx.msk [tilespmem:v38+s28+$0x0], $0xffff  }
0x7fa: {  	v54 =	vmul.f32 v53, v39;
	_ =	sdelay $0x1  }
0x7fb: {  	v37 =	vmul.f32 v51, v37;
	v40 =	vmul.f32 v52, v54;
	_ =	sdelay $0x1  }
0x7fc: {  	v55 =	vmul.f32 v37, v39;
	v43 =	vmul.f32 v44, v53;
	v40 =	vadd.f32 v40, v37  }
0x7fd: {  	v37 =	vld [tilespmem:s10+$0x30]  }
0x7fe: {  	v43 =	vadd.f32 v43, v55;
	(erf) = vrcp.f32 v40;
	_ =	sdelay $0x1  }
0x7ff: {  	v39 =	vmul.f32 v43, v39;
	_ =	sdelay $0x1  }
0x800: {  	v39 =	vmul.f32 v39, v51;
	vm0 =	vge.f32 v37, v13;
	vm1 =	vge.f32 v37, v14  }
0x801: {  	vm2 =	vge.f32 v37, v15;
	v56 =	vsel vm0, $0x40, v1;
	v57 =	vsel vm1, v8, v7  }
0x802: {  	vm0 =	vge.f32 v37, v12;
	v58 =	vsel vm2, $0x40, v1;
	v40 =	vadd.s32 v56, v57  }
0x803: {  	v38 =	vld.idx.msk [tilespmem:v38+s0+$0x0], $0xffff;
	vm1 =	vge.f32 v37, v11;
	v59 =	vsel vm0, $0x40, v1;
	v40 =	vadd.s32 v58, v40  }
0x804: {  	vm0 =	vge.f32 v37, v10;
	v60 =	vsel vm1, $0x40, v1;
	v40 =	vadd.s32 v59, v40  }
0x805: {  	vm1 =	vge.f32 v37, v9;
	v61 =	vsel vm0, $0x40, v1;
	v40 =	vadd.s32 v60, v40;
	v62 =	vpop (erf)  }
0x806: {  	v63 =	vsel vm1, $0x40, v1;
	v40 =	vadd.s32 v61, v40;
	v39 =	vmul.f32 v62, v39  }
0x807: {  	v40 =	vadd.s32 v63, v40  }
0x808: {  	v45 =	vand.u32 $0x7FFFFFFF, v41;
	v38 =	vadd.f32 v39, v38  }
0x809: {  	vm0 =	vgt.f32 v45, $3.000000000e+00  }
0x80a: {  	v38 =	vsel vm0, v41, v38  }
0x80b: {  	[tilespmem:s10+$0x20] =	vst v38  }
0x80c: {  	v38 =	vld.idx.msk [tilespmem:v40+s30+$0x0], $0xffff;
	_ =	sdelay $0x1  }
0x80d: {  	v46 =	vld.idx.msk [tilespmem:v40+s31+$0x0], $0xffff;
	_ =	sdelay $0x2  }
0x80e: {  	v47 =	vmul.f32 v38, v37;
	_ =	sdelay $0x1  }
0x80f: {  	v48 =	vld.idx.msk [tilespmem:v40+s4+$0x0], $0xffff;
	v39 =	vadd.f32 v46, v47  }
0x810: {  	v49 =	vld.idx.msk [tilespmem:v40+s1+$0x0], $0xffff  }
0x811: {  	v50 =	vsub.f32 $1.000000000e+00, v39  }
0x812: {  	v44 =	vld.idx.msk [tilespmem:v40+s28+$0x0], $0xffff  }
0x813: {  	v51 =	vmul.f32 v50, v39;
	_ =	sdelay $0x1  }
0x814: {  	v38 =	vmul.f32 v48, v38;
	v41 =	vmul.f32 v49, v51;
	_ =	sdelay $0x1  }
0x815: {  	s13 =	simm.s32 $0x80;
	v52 =	vmul.f32 v38, v39;
	v43 =	vmul.f32 v44, v50;
	v41 =	vadd.f32 v41, v38  }
0x816: {  	v38 =	vld [tilespmem:s13+$0x0]  }
0x817: {  	v43 =	vadd.f32 v43, v52;
	(erf) = vrcp.f32 v41;
	_ =	sdelay $0x1  }
0x818: {  	v39 =	vmul.f32 v43, v39;
	_ =	sdelay $0x1  }
0x819: {  	v39 =	vmul.f32 v39, v48;
	vm0 =	vge.f32 v38, v30;
	vm1 =	vge.f32 v38, v31  }
0x81a: {  	vm2 =	vge.f32 v38, v33;
	v54 =	vsel vm0, $0x40, v1;
	v55 =	vsel vm1, v2, v0  }
0x81b: {  	vm0 =	vge.f32 v38, v32;
	v57 =	vsel vm2, $0x40, v1;
	v41 =	vadd.s32 v54, v55  }
0x81c: {  	v56 =	vld.idx.msk [tilespmem:v40+s0+$0x0], $0xffff;
	vm1 =	vge.f32 v38, v35;
	v58 =	vsel vm0, $0x40, v1;
	v40 =	vadd.s32 v57, v41  }
0x81d: {  	vm0 =	vge.f32 v38, v34;
	v59 =	vsel vm1, $0x40, v1;
	v40 =	vadd.s32 v58, v40  }
0x81e: {  	vm1 =	vge.f32 v38, v36;
	v61 =	vsel vm0, $0x40, v1;
	v40 =	vadd.s32 v59, v40;
	v60 =	vpop (erf)  }
0x81f: {  	v63 =	vsel vm1, $0x40, v1;
	v40 =	vadd.s32 v61, v40;
	v62 =	vmul.f32 v60, v39  }
0x820: {  	v53 =	vand.u32 $0x7FFFFFFF, v37;
	v40 =	vadd.s32 v63, v40  }
0x821: {  	s11 =	simm.s32 $0x400;
	vm0 =	vgt.f32 v53, $3.000000000e+00;
	v39 =	vand.u32 $0x7FFFFFFF, v38;
	v41 =	vadd.f32 v62, v56  }
.LBB2_14:
0x822: {  	_ = 	snop  }
0x823: {  	p0 =	sne.s32 s11, $0x1FE00;
	s12 =	smov.u32 s11;
	s11 =	sadd.s32 $0x200, s11;
	v37 =	vsel vm0, v37, v41  }
0x824: {  	[tilespmem:s10+$0x30] =	vst v37;
	s10 =	smov.u32 s13  }
0x825: {  	v37 =	vld.idx.msk [tilespmem:v40+s30+$0x0], $0xffff  }
0x826: {  	v41 =	vld.idx.msk [tilespmem:v40+s31+$0x0], $0xffff;
	_ =	sdelay $0x3  }
0x827: {  	v42 =	vld.idx.msk [tilespmem:v40+s28+$0x0], $0xffff  }
0x828: {  	v44 =	vmul.f32 v37, v38;
	v43 =	vld.idx.msk [tilespmem:v40+s1+$0x0], $0xffff  }
0x829: {  	v45 =	vld.idx.msk [tilespmem:v40+s4+$0x0], $0xffff  }
0x82a: {  	v41 =	vadd.f32 v41, v44;
	_ =	sdelay $0x1  }
0x82b: {  	v44 =	vsub.f32 $1.000000000e+00, v41;
	_ =	sdelay $0x1  }
0x82c: {  	v42 =	vmul.f32 v42, v44;
	v44 =	vmul.f32 v44, v41  }
0x82d: {  	v37 =	vmul.f32 v45, v37  }
0x82e: {  	v43 =	vmul.f32 v43, v44  }
0x82f: {  	v44 =	vmul.f32 v37, v41  }
0x830: {  	v37 =	vadd.f32 v43, v37;
	v43 =	vld [tilespmem:s10+$0x10]  }
0x831: {  	v42 =	vadd.f32 v42, v44  }
0x832: {  	(erf) = vrcp.f32 v37  }
0x833: {  	v37 =	vmul.f32 v42, v41;
	_ =	sdelay $0x1  }
0x834: {  	v37 =	vmul.f32 v37, v45;
	vm0 =	vge.f32 v43, v27;
	vm1 =	vge.f32 v43, v28  }
0x835: {  	v41 =	vsel vm0, $0x40, v1;
	vm0 =	vge.f32 v43, v29;
	v42 =	vsel vm1, v4, v3  }
0x836: {  	vm1 =	vge.f32 v43, v26;
	v40 =	vld.idx.msk [tilespmem:v40+s0+$0x0], $0xffff;
	v44 =	vsel vm0, $0x40, v1;
	v41 =	vadd.s32 v41, v42  }
0x837: {  	v42 =	vsel vm1, $0x40, v1;
	vm0 =	vge.f32 v43, v25;
	v41 =	vadd.s32 v44, v41  }
0x838: {  	vm1 =	vge.f32 v43, v24;
	v44 =	vsel vm0, $0x40, v1;
	v41 =	vadd.s32 v42, v41  }
0x839: {  	v45 =	vsel vm1, $0x40, v1;
	vm0 =	vge.f32 v43, v23;
	v41 =	vadd.s32 v44, v41  }
0x83a: {  	v44 =	vsel vm0, $0x40, v1;
	v41 =	vadd.s32 v45, v41;
	v42 =	vpop (erf)  }
0x83b: {  	v37 =	vmul.f32 v42, v37;
	v41 =	vadd.s32 v44, v41;
	v42 =	vand.u32 $0x7FFFFFFF, v43;
	_ =	sdelay $0x1  }
0x83c: {  	vm0 =	vgt.f32 v39, $3.000000000e+00;
	v37 =	vadd.f32 v37, v40;
	_ =	sdelay $0x1  }
0x83d: {  	v37 =	vsel vm0, v38, v37  }
0x83e: {  	[tilespmem:s10+$0x0] =	vst v37  }
0x83f: {  	v37 =	vld.idx.msk [tilespmem:v41+s30+$0x0], $0xffff  }
0x840: {  	v38 =	vld.idx.msk [tilespmem:v41+s31+$0x0], $0xffff;
	_ =	sdelay $0x4  }
0x841: {  	v40 =	vmul.f32 v37, v43;
	v39 =	vld.idx.msk [tilespmem:v41+s1+$0x0], $0xffff  }
0x842: {  	v44 =	vld.idx.msk [tilespmem:v41+s4+$0x0], $0xffff  }
0x843: {  	v38 =	vadd.f32 v38, v40  }
0x844: {  	v40 =	vld.idx.msk [tilespmem:v41+s28+$0x0], $0xffff  }
0x845: {  	v45 =	vsub.f32 $1.000000000e+00, v38;
	_ =	sdelay $0x1  }
0x846: {  	v46 =	vmul.f32 v45, v38  }
0x847: {  	v37 =	vmul.f32 v44, v37  }
0x848: {  	v39 =	vmul.f32 v39, v46  }
0x849: {  	v46 =	vmul.f32 v37, v38;
	v40 =	vmul.f32 v40, v45  }
0x84a: {  	v37 =	vadd.f32 v39, v37;
	v39 =	vld [tilespmem:s10+$0x20]  }
0x84b: {  	v40 =	vadd.f32 v40, v46  }
0x84c: {  	(erf) = vrcp.f32 v37  }
0x84d: {  	v37 =	vmul.f32 v40, v38;
	_ =	sdelay $0x1  }
0x84e: {  	v37 =	vmul.f32 v37, v44;
	vm0 =	vge.f32 v39, v21;
	vm1 =	vge.f32 v39, v22  }
0x84f: {  	v38 =	vsel vm0, $0x40, v1;
	vm0 =	vge.f32 v39, v17;
	v40 =	vsel vm1, v6, v5  }
0x850: {  	vm2 =	vge.f32 v39, v20;
	vm1 =	vge.f32 v39, v19;
	v41 =	vld.idx.msk [tilespmem:v41+s0+$0x0], $0xffff;
	v38 =	vadd.s32 v38, v40  }
0x851: {  	v44 =	vsel vm2, $0x40, v1;
	v40 =	vsel vm1, $0x40, v1;
	vm1 =	vge.f32 v39, v18  }
0x852: {  	v47 =	vsel vm1, $0x40, v1;
	vm1 =	vge.f32 v39, v16;
	v38 =	vadd.s32 v44, v38  }
0x853: {  	v44 =	vsel vm0, $0x40, v1;
	v38 =	vadd.s32 v40, v38;
	v40 =	vand.u32 $0x7FFFFFFF, v39  }
0x854: {  	v46 =	vsel vm1, $0x40, v1;
	v38 =	vadd.s32 v47, v38;
	v45 =	vpop (erf)  }
0x855: {  	v38 =	vadd.s32 v44, v38;
	v37 =	vmul.f32 v45, v37  }
0x856: {  	v38 =	vadd.s32 v46, v38  }
0x857: {  	vm0 =	vgt.f32 v42, $3.000000000e+00;
	v37 =	vadd.f32 v37, v41;
	_ =	sdelay $0x1  }
0x858: {  	v37 =	vsel vm0, v43, v37  }
0x859: {  	[tilespmem:s10+$0x10] =	vst v37  }
0x85a: {  	v37 =	vld.idx.msk [tilespmem:v38+s30+$0x0], $0xffff  }
0x85b: {  	v41 =	vld.idx.msk [tilespmem:v38+s31+$0x0], $0xffff  }
0x85c: {  	v42 =	vld.idx.msk [tilespmem:v38+s4+$0x0], $0xffff;
	_ =	sdelay $0x3  }
0x85d: {  	v44 =	vmul.f32 v37, v39;
	v43 =	vld.idx.msk [tilespmem:v38+s28+$0x0], $0xffff  }
0x85e: {  	v45 =	vld.idx.msk [tilespmem:v38+s1+$0x0], $0xffff  }
0x85f: {  	v41 =	vadd.f32 v41, v44;
	v37 =	vmul.f32 v42, v37;
	_ =	sdelay $0x1  }
0x860: {  	v44 =	vsub.f32 $1.000000000e+00, v41;
	v46 =	vmul.f32 v37, v41;
	_ =	sdelay $0x1  }
0x861: {  	v43 =	vmul.f32 v43, v44;
	v44 =	vmul.f32 v44, v41;
	_ =	sdelay $0x1  }
0x862: {  	v43 =	vadd.f32 v43, v46;
	v44 =	vmul.f32 v45, v44;
	_ =	sdelay $0x1  }
0x863: {  	v41 =	vmul.f32 v43, v41;
	v43 =	vadd.f32 v44, v37;
	v37 =	vld [tilespmem:s10+$0x30];
	_ =	sdelay $0x1  }
0x864: {  	v41 =	vmul.f32 v41, v42;
	(erf) = vrcp.f32 v43;
	_ =	sdelay $0x2  }
0x865: {  	vm0 =	vge.f32 v37, v13;
	vm1 =	vge.f32 v37, v14;
	vm2 =	vge.f32 v37, v15  }
0x866: {  	v42 =	vsel vm0, $0x40, v1;
	vm0 =	vge.f32 v37, v12;
	v43 =	vsel vm1, v8, v7  }
0x867: {  	v44 =	vsel vm2, $0x40, v1;
	vm1 =	vge.f32 v37, v11;
	v38 =	vld.idx.msk [tilespmem:v38+s0+$0x0], $0xffff;
	v42 =	vadd.s32 v42, v43  }
0x868: {  	v43 =	vsel vm0, $0x40, v1;
	vm0 =	vge.f32 v37, v10;
	v42 =	vadd.s32 v44, v42  }
0x869: {  	v44 =	vsel vm1, $0x40, v1;
	vm1 =	vge.f32 v37, v9;
	v42 =	vadd.s32 v43, v42  }
0x86a: {  	v46 =	vsel vm0, $0x40, v1;
	v42 =	vadd.s32 v44, v42;
	v44 =	vand.u32 $0x7FFFFFFF, v37  }
0x86b: {  	v45 =	vsel vm1, $0x40, v1;
	v42 =	vadd.s32 v46, v42;
	v43 =	vpop (erf)  }
0x86c: {  	v41 =	vmul.f32 v43, v41;
	v42 =	vadd.s32 v45, v42;
	_ =	sdelay $0x1  }
0x86d: {  	vm0 =	vgt.f32 v40, $3.000000000e+00;
	v38 =	vadd.f32 v41, v38;
	_ =	sdelay $0x1  }
0x86e: {  	v38 =	vsel vm0, v39, v38  }
0x86f: {  	[tilespmem:s10+$0x20] =	vst v38  }
0x870: {  	v38 =	vld.idx.msk [tilespmem:v42+s30+$0x0], $0xffff  }
0x871: {  	v39 =	vld.idx.msk [tilespmem:v42+s31+$0x0], $0xffff  }
0x872: {  	v40 =	vld.idx.msk [tilespmem:v42+s4+$0x0], $0xffff  }
0x873: {  	v41 =	vld.idx.msk [tilespmem:v42+s1+$0x0], $0xffff  }
0x874: {  	v43 =	vld.idx.msk [tilespmem:v42+s28+$0x0], $0xffff  }
0x875: {  	v42 =	vld.idx.msk [tilespmem:v42+s0+$0x0], $0xffff  }
0x876: {  	v45 =	vmul.f32 v38, v37;
	_ =	sdelay $0x1  }
0x877: {  	v39 =	vadd.f32 v39, v45;
	v45 =	vmul.f32 v40, v38;
	_ =	sdelay $0x1  }
0x878: {  	v38 =	vsub.f32 $1.000000000e+00, v39;
	v46 =	vmul.f32 v45, v39;
	_ =	sdelay $0x1  }
0x879: {  	v43 =	vmul.f32 v43, v38;
	v38 =	vmul.f32 v38, v39;
	_ =	sdelay $0x1  }
0x87a: {  	v43 =	vadd.f32 v43, v46;
	v41 =	vmul.f32 v41, v38  }
0x87b: {  	s13 =	sshra.s32 s12, $0x2  }
0x87c: {  	v39 =	vmul.f32 v43, v39;
	v41 =	vadd.f32 v41, v45;
	v38 =	vld [tilespmem:s13+$0x0];
	_ =	sdelay $0x1  }
0x87d: {  	v43 =	vmul.f32 v39, v40;
	(erf) = vrcp.f32 v41;
	_ =	sdelay $0x2  }
0x87e: {  	vm0 =	vge.f32 v38, v30;
	vm1 =	vge.f32 v38, v31;
	vm2 =	vge.f32 v38, v33  }
0x87f: {  	v39 =	vsel vm0, $0x40, v1;
	vm0 =	vge.f32 v38, v32;
	v40 =	vsel vm1, v2, v0  }
0x880: {  	v41 =	vsel vm2, $0x40, v1;
	vm1 =	vge.f32 v38, v35;
	v39 =	vadd.s32 v39, v40  }
0x881: {  	v40 =	vsel vm0, $0x40, v1;
	vm0 =	vge.f32 v38, v34;
	v39 =	vadd.s32 v41, v39  }
0x882: {  	v47 =	vsel vm1, $0x40, v1;
	vm1 =	vge.f32 v38, v36;
	v39 =	vadd.s32 v40, v39  }
.Ltmp6:
0x883: {  	v40 =	vsel vm0, $0x40, v1;
	v46 =	vadd.s32 v47, v39;
	v39 =	vand.u32 $0x7FFFFFFF, v38;
	(pc) =	sbr.rel @p0 .LBB2_14-.Ltmp6, $3  }
0x884: {  	v45 =	vsel vm1, $0x40, v1;
	v40 =	vadd.s32 v40, v46;
	v41 =	vpop (erf)  }
0x885: {  	v40 =	vadd.s32 v45, v40;
	v41 =	vmul.f32 v41, v43;
	_ =	sdelay $0x1  }
0x886: {  	vm0 =	vgt.f32 v44, $3.000000000e+00;
	v41 =	vadd.f32 v41, v42  }
0x887: {  	_ =	sdelay $0x1  }
0x888: {  	v37 =	vsel vm0, v37, v41  }
0x889: {  	[tilespmem:s10+$0x30] =	vst v37  }
0x88a: {  	v37 =	vld.idx.msk [tilespmem:v40+s30+$0x0], $0xffff;
	_ =	sdelay $0x1  }
0x88b: {  	v61 =	vld.idx.msk [tilespmem:v40+s31+$0x0], $0xffff;
	_ =	sdelay $0x2  }
0x88c: {  	v42 =	vmul.f32 v37, v38;
	_ =	sdelay $0x1  }
0x88d: {  	v43 =	vld.idx.msk [tilespmem:v40+s1+$0x0], $0xffff;
	v41 =	vadd.f32 v61, v42  }
0x88e: {  	v62 =	vld.idx.msk [tilespmem:v40+s4+$0x0], $0xffff  }
0x88f: {  	v44 =	vsub.f32 $1.000000000e+00, v41  }
0x890: {  	v45 =	vld.idx.msk [tilespmem:v40+s28+$0x0], $0xffff  }
0x891: {  	v46 =	vmul.f32 v44, v41;
	_ =	sdelay $0x1  }
0x892: {  	v37 =	vmul.f32 v62, v37;
	v43 =	vmul.f32 v43, v46;
	_ =	sdelay $0x1  }
0x893: {  	v63 =	vmul.f32 v37, v41;
	v44 =	vmul.f32 v45, v44;
	v37 =	vadd.f32 v43, v37  }
0x894: {  	v43 =	vld [tilespmem:s13+$0x10]  }
0x895: {  	v44 =	vadd.f32 v44, v63;
	(erf) = vrcp.f32 v37;
	_ =	sdelay $0x1  }
0x896: {  	v48 =	vmul.f32 v44, v41;
	_ =	sdelay $0x1  }
0x897: {  	v37 =	vmul.f32 v48, v62;
	vm0 =	vge.f32 v43, v27;
	vm1 =	vge.f32 v43, v28  }
0x898: {  	v49 =	vsel vm0, $0x40, v1;
	vm0 =	vge.f32 v43, v29;
	v50 =	vsel vm1, v4, v3  }
0x899: {  	vm1 =	vge.f32 v43, v26;
	v51 =	vsel vm0, $0x40, v1;
	v41 =	vadd.s32 v49, v50  }
0x89a: {  	v52 =	vld.idx.msk [tilespmem:v40+s0+$0x0], $0xffff;
	v53 =	vsel vm1, $0x40, v1;
	vm0 =	vge.f32 v43, v25;
	v41 =	vadd.s32 v51, v41  }
0x89b: {  	vm1 =	vge.f32 v43, v24;
	v54 =	vsel vm0, $0x40, v1;
	v41 =	vadd.s32 v53, v41  }
0x89c: {  	v55 =	vsel vm1, $0x40, v1;
	vm0 =	vge.f32 v43, v23;
	v41 =	vadd.s32 v54, v41;
	v56 =	vpop (erf)  }
0x89d: {  	v57 =	vsel vm0, $0x40, v1;
	v41 =	vadd.s32 v55, v41;
	v37 =	vmul.f32 v56, v37  }
0x89e: {  	v41 =	vadd.s32 v57, v41  }
0x89f: {  	v37 =	vadd.f32 v37, v52  }
0x8a0: {  	vm0 =	vgt.f32 v39, $3.000000000e+00  }
0x8a1: {  	v37 =	vsel vm0, v38, v37  }
0x8a2: {  	[tilespmem:s13+$0x0] =	vst v37  }
0x8a3: {  	v37 =	vld.idx.msk [tilespmem:v41+s30+$0x0], $0xffff;
	_ =	sdelay $0x1  }
0x8a4: {  	v58 =	vld.idx.msk [tilespmem:v41+s31+$0x0], $0xffff;
	_ =	sdelay $0x2  }
0x8a5: {  	v59 =	vmul.f32 v37, v43;
	_ =	sdelay $0x1  }
0x8a6: {  	v60 =	vld.idx.msk [tilespmem:v41+s1+$0x0], $0xffff;
	v38 =	vadd.f32 v58, v59  }
0x8a7: {  	v61 =	vld.idx.msk [tilespmem:v41+s4+$0x0], $0xffff  }
0x8a8: {  	v62 =	vsub.f32 $1.000000000e+00, v38  }
0x8a9: {  	v63 =	vld.idx.msk [tilespmem:v41+s28+$0x0], $0xffff  }
0x8aa: {  	v48 =	vmul.f32 v62, v38;
	_ =	sdelay $0x1  }
0x8ab: {  	v37 =	vmul.f32 v61, v37;
	v40 =	vmul.f32 v60, v48;
	_ =	sdelay $0x1  }
0x8ac: {  	v49 =	vmul.f32 v37, v38;
	v42 =	vmul.f32 v63, v62;
	v37 =	vadd.f32 v40, v37  }
0x8ad: {  	v40 =	vld [tilespmem:s13+$0x20]  }
0x8ae: {  	v42 =	vadd.f32 v42, v49;
	(erf) = vrcp.f32 v37;
	_ =	sdelay $0x1  }
0x8af: {  	v50 =	vmul.f32 v42, v38;
	_ =	sdelay $0x1  }
0x8b0: {  	v37 =	vmul.f32 v50, v61;
	vm0 =	vge.f32 v40, v21;
	vm1 =	vge.f32 v40, v22  }
0x8b1: {  	v51 =	vsel vm0, $0x40, v1;
	v52 =	vsel vm1, v6, v5;
	vm0 =	vge.f32 v40, v20  }
0x8b2: {  	vm1 =	vge.f32 v40, v19;
	v38 =	vadd.s32 v51, v52;
	v53 =	vsel vm0, $0x40, v1  }
0x8b3: {  	v41 =	vld.idx.msk [tilespmem:v41+s0+$0x0], $0xffff;
	v54 =	vsel vm1, $0x40, v1;
	vm0 =	vge.f32 v40, v18;
	v38 =	vadd.s32 v53, v38  }
0x8b4: {  	vm1 =	vge.f32 v40, v17;
	v55 =	vsel vm0, $0x40, v1;
	v38 =	vadd.s32 v54, v38  }
0x8b5: {  	vm0 =	vge.f32 v40, v16;
	v56 =	vsel vm1, $0x40, v1;
	v38 =	vadd.s32 v55, v38;
	v57 =	vpop (erf)  }
0x8b6: {  	v58 =	vsel vm0, $0x40, v1;
	v38 =	vadd.s32 v56, v38;
	v37 =	vmul.f32 v57, v37  }
0x8b7: {  	v38 =	vadd.s32 v58, v38  }
0x8b8: {  	v59 =	vand.u32 $0x7FFFFFFF, v43;
	v37 =	vadd.f32 v37, v41  }
0x8b9: {  	vm0 =	vgt.f32 v59, $3.000000000e+00  }
0x8ba: {  	v37 =	vsel vm0, v43, v37  }
0x8bb: {  	[tilespmem:s13+$0x10] =	vst v37  }
0x8bc: {  	v37 =	vld.idx.msk [tilespmem:v38+s30+$0x0], $0xffff;
	_ =	sdelay $0x1  }
0x8bd: {  	v60 =	vld.idx.msk [tilespmem:v38+s31+$0x0], $0xffff;
	_ =	sdelay $0x2  }
0x8be: {  	v61 =	vmul.f32 v37, v40;
	_ =	sdelay $0x1  }
0x8bf: {  	v62 =	vld.idx.msk [tilespmem:v38+s4+$0x0], $0xffff;
	v39 =	vadd.f32 v60, v61  }
0x8c0: {  	v63 =	vld.idx.msk [tilespmem:v38+s1+$0x0], $0xffff  }
0x8c1: {  	v48 =	vsub.f32 $1.000000000e+00, v39  }
0x8c2: {  	v44 =	vld.idx.msk [tilespmem:v38+s28+$0x0], $0xffff  }
0x8c3: {  	v49 =	vmul.f32 v48, v39;
	_ =	sdelay $0x1  }
0x8c4: {  	v37 =	vmul.f32 v62, v37;
	v41 =	vmul.f32 v63, v49;
	_ =	sdelay $0x1  }
0x8c5: {  	v50 =	vmul.f32 v37, v39;
	v43 =	vmul.f32 v44, v48;
	v37 =	vadd.f32 v41, v37  }
0x8c6: {  	v41 =	vld [tilespmem:s13+$0x30]  }
0x8c7: {  	v43 =	vadd.f32 v43, v50;
	(erf) = vrcp.f32 v37;
	_ =	sdelay $0x1  }
0x8c8: {  	v51 =	vmul.f32 v43, v39;
	_ =	sdelay $0x1  }
0x8c9: {  	v37 =	vmul.f32 v51, v62;
	vm0 =	vge.f32 v41, v13;
	vm1 =	vge.f32 v41, v14  }
0x8ca: {  	vm2 =	vge.f32 v41, v15;
	v52 =	vsel vm0, $0x40, v1;
	v53 =	vsel vm1, v8, v7  }
0x8cb: {  	vm0 =	vge.f32 v41, v12;
	v54 =	vsel vm2, $0x40, v1;
	v39 =	vadd.s32 v52, v53  }
0x8cc: {  	v38 =	vld.idx.msk [tilespmem:v38+s0+$0x0], $0xffff;
	vm1 =	vge.f32 v41, v11;
	v55 =	vsel vm0, $0x40, v1;
	v39 =	vadd.s32 v54, v39  }
0x8cd: {  	vm0 =	vge.f32 v41, v10;
	v56 =	vsel vm1, $0x40, v1;
	v39 =	vadd.s32 v55, v39  }
0x8ce: {  	vm1 =	vge.f32 v41, v9;
	v57 =	vsel vm0, $0x40, v1;
	v39 =	vadd.s32 v56, v39;
	v58 =	vpop (erf)  }
0x8cf: {  	v59 =	vsel vm1, $0x40, v1;
	v39 =	vadd.s32 v57, v39;
	v37 =	vmul.f32 v58, v37  }
0x8d0: {  	v39 =	vadd.s32 v59, v39  }
0x8d1: {  	v60 =	vand.u32 $0x7FFFFFFF, v40;
	v37 =	vadd.f32 v37, v38  }
0x8d2: {  	vm0 =	vgt.f32 v60, $3.000000000e+00  }
0x8d3: {  	v37 =	vsel vm0, v40, v37  }
0x8d4: {  	[tilespmem:s13+$0x20] =	vst v37  }
0x8d5: {  	v37 =	vld.idx.msk [tilespmem:v39+s30+$0x0], $0xffff;
	_ =	sdelay $0x1  }
0x8d6: {  	v61 =	vld.idx.msk [tilespmem:v39+s31+$0x0], $0xffff;
	_ =	sdelay $0x2  }
0x8d7: {  	v62 =	vmul.f32 v37, v41;
	_ =	sdelay $0x1  }
0x8d8: {  	v63 =	vld.idx.msk [tilespmem:v39+s4+$0x0], $0xffff;
	v38 =	vadd.f32 v61, v62  }
0x8d9: {  	v48 =	vld.idx.msk [tilespmem:v39+s1+$0x0], $0xffff  }
0x8da: {  	v49 =	vsub.f32 $1.000000000e+00, v38;
	_ =	sdelay $0x1  }
0x8db: {  	v50 =	vmul.f32 v49, v38;
	_ =	sdelay $0x1  }
0x8dc: {  	v37 =	vmul.f32 v63, v37;
	v40 =	vmul.f32 v48, v50  }
0x8dd: {  	v51 =	vld.idx.msk [tilespmem:v39+s28+$0x0], $0xffff  }
0x8de: {  	v40 =	vadd.f32 v40, v37;
	_ =	sdelay $0x1  }
0x8df: {  	(erf) = vrcp.f32 v40;
	_ =	sdelay $0x1  }
0x8e0: {  	v52 =	vmul.f32 v51, v49;
	v37 =	vmul.f32 v37, v38;
	_ =	sdelay $0x1  }
0x8e1: {  	v37 =	vadd.f32 v52, v37;
	_ =	sdelay $0x1  }
0x8e2: {  	v37 =	vmul.f32 v37, v38  }
0x8e3: {  	v53 =	vld.idx.msk [tilespmem:v39+s0+$0x0], $0xffff  }
0x8e4: {  	v37 =	vmul.f32 v37, v63  }
0x8e5: {  	v54 =	vpop (erf)  }
0x8e6: {  	v37 =	vmul.f32 v54, v37;
	_ =	sdelay $0x1  }
0x8e7: {  	v55 =	vand.u32 $0x7FFFFFFF, v41;
	v37 =	vadd.f32 v37, v53  }
0x8e8: {  	vm0 =	vgt.f32 v55, $3.000000000e+00  }
0x8e9: {  	v37 =	vsel vm0, v41, v37  }
0x8ea: {  	[tilespmem:s13+$0x30] =	vst v37;
	s13 =	simm.s32 $0x0  }
0x8eb: {  	[hbm4b:s22+s13] =	stream.linear.scatter [tilespmem:s13], [sflag:$0x3], $0x8000, $0x38;
	[tilespmem:$0x10E00] =	vst v63  }
0x8ec: {  	_ =	swait.ge [sflag:s6], $0x8000  }
0x8ed: {  	[sflag:s6] =	ssyncset.done $0x0  }
0x8ee: {  	s10 =	simm.s32 $0x0;
	[sflag:s6] =	ssyncadd.s32 $0xFFFF8000  }
0x8ef: {  	v37 =	vld [tilespmem:s10+$0x8000];
	_ =	sdelay $0x4  }
0x8f0: {  	vm0 =	vge.f32 v37, v30;
	vm1 =	vge.f32 v37, v31  }
0x8f1: {  	vm2 =	vge.f32 v37, v33;
	v56 =	vsel vm0, $0x40, v1;
	v57 =	vsel vm1, v2, v0  }
0x8f2: {  	vm0 =	vge.f32 v37, v32;
	v58 =	vsel vm2, $0x40, v1;
	v38 =	vadd.s32 v56, v57  }
0x8f3: {  	vm1 =	vge.f32 v37, v35;
	v59 =	vsel vm0, $0x40, v1;
	v38 =	vadd.s32 v58, v38  }
0x8f4: {  	vm0 =	vge.f32 v37, v34;
	v60 =	vsel vm1, $0x40, v1;
	v38 =	vadd.s32 v59, v38  }
0x8f5: {  	vm1 =	vge.f32 v37, v36;
	v61 =	vsel vm0, $0x40, v1;
	v38 =	vadd.s32 v60, v38  }
0x8f6: {  	v62 =	vsel vm1, $0x40, v1;
	v38 =	vadd.s32 v61, v38  }
0x8f7: {  	v38 =	vadd.s32 v62, v38;
	_ =	sdelay $0x4  }
0x8f8: {  	v63 =	vld.idx.msk [tilespmem:v38+s30+$0x0], $0xffff;
	_ =	sdelay $0x1  }
0x8f9: {  	v40 =	vld.idx.msk [tilespmem:v38+s31+$0x0], $0xffff;
	_ =	sdelay $0x2  }
0x8fa: {  	v48 =	vmul.f32 v63, v37;
	_ =	sdelay $0x1  }
0x8fb: {  	v49 =	vld.idx.msk [tilespmem:v38+s1+$0x0], $0xffff;
	v40 =	vadd.f32 v40, v48  }
0x8fc: {  	v50 =	vld.idx.msk [tilespmem:v38+s4+$0x0], $0xffff  }
0x8fd: {  	v51 =	vsub.f32 $1.000000000e+00, v40  }
0x8fe: {  	v52 =	vld.idx.msk [tilespmem:v38+s28+$0x0], $0xffff  }
0x8ff: {  	v53 =	vmul.f32 v51, v40;
	_ =	sdelay $0x1  }
0x900: {  	v39 =	vmul.f32 v50, v63;
	v42 =	vmul.f32 v49, v53;
	_ =	sdelay $0x1  }
0x901: {  	v54 =	vmul.f32 v39, v40;
	v43 =	vmul.f32 v52, v51;
	v39 =	vadd.f32 v42, v39  }
0x902: {  	v42 =	vld [tilespmem:s10+$0x8010]  }
0x903: {  	v43 =	vadd.f32 v43, v54;
	(erf) = vrcp.f32 v39;
	_ =	sdelay $0x1  }
0x904: {  	v55 =	vmul.f32 v43, v40;
	_ =	sdelay $0x1  }
0x905: {  	v39 =	vmul.f32 v55, v50;
	vm0 =	vge.f32 v42, v27;
	vm1 =	vge.f32 v42, v28  }
0x906: {  	v56 =	vsel vm0, $0x40, v1;
	vm0 =	vge.f32 v42, v29;
	v57 =	vsel vm1, v4, v3  }
0x907: {  	vm1 =	vge.f32 v42, v26;
	v58 =	vsel vm0, $0x40, v1;
	v40 =	vadd.s32 v56, v57  }
0x908: {  	v38 =	vld.idx.msk [tilespmem:v38+s0+$0x0], $0xffff;
	v59 =	vsel vm1, $0x40, v1;
	vm0 =	vge.f32 v42, v25;
	v40 =	vadd.s32 v58, v40  }
0x909: {  	vm1 =	vge.f32 v42, v24;
	v60 =	vsel vm0, $0x40, v1;
	v40 =	vadd.s32 v59, v40  }
0x90a: {  	v61 =	vsel vm1, $0x40, v1;
	vm0 =	vge.f32 v42, v23;
	v40 =	vadd.s32 v60, v40;
	v62 =	vpop (erf)  }
0x90b: {  	v63 =	vsel vm0, $0x40, v1;
	v40 =	vadd.s32 v61, v40;
	v39 =	vmul.f32 v62, v39  }
0x90c: {  	v40 =	vadd.s32 v63, v40  }
0x90d: {  	v47 =	vand.u32 $0x7FFFFFFF, v37;
	v38 =	vadd.f32 v39, v38  }
0x90e: {  	vm0 =	vgt.f32 v47, $3.000000000e+00  }
0x90f: {  	v37 =	vsel vm0, v37, v38  }
0x910: {  	[tilespmem:s10+$0x8000] =	vst v37  }
0x911: {  	v37 =	vld.idx.msk [tilespmem:v40+s30+$0x0], $0xffff;
	_ =	sdelay $0x1  }
0x912: {  	v48 =	vld.idx.msk [tilespmem:v40+s31+$0x0], $0xffff;
	_ =	sdelay $0x2  }
0x913: {  	v49 =	vmul.f32 v37, v42;
	_ =	sdelay $0x1  }
0x914: {  	v50 =	vld.idx.msk [tilespmem:v40+s1+$0x0], $0xffff;
	v38 =	vadd.f32 v48, v49  }
0x915: {  	v51 =	vld.idx.msk [tilespmem:v40+s4+$0x0], $0xffff  }
0x916: {  	v52 =	vsub.f32 $1.000000000e+00, v38  }
0x917: {  	v44 =	vld.idx.msk [tilespmem:v40+s28+$0x0], $0xffff  }
0x918: {  	v53 =	vmul.f32 v52, v38;
	_ =	sdelay $0x1  }
0x919: {  	v37 =	vmul.f32 v51, v37;
	v41 =	vmul.f32 v50, v53;
	_ =	sdelay $0x1  }
0x91a: {  	v54 =	vmul.f32 v37, v38;
	v43 =	vmul.f32 v44, v52;
	v37 =	vadd.f32 v41, v37  }
0x91b: {  	v41 =	vld [tilespmem:s10+$0x8020]  }
0x91c: {  	v43 =	vadd.f32 v43, v54;
	(erf) = vrcp.f32 v37;
	_ =	sdelay $0x1  }
0x91d: {  	v55 =	vmul.f32 v43, v38;
	_ =	sdelay $0x1  }
0x91e: {  	v37 =	vmul.f32 v55, v51;
	vm0 =	vge.f32 v41, v21;
	vm1 =	vge.f32 v41, v22  }
0x91f: {  	v56 =	vsel vm0, $0x40, v1;
	v57 =	vsel vm1, v6, v5;
	vm0 =	vge.f32 v41, v20  }
0x920: {  	vm1 =	vge.f32 v41, v19;
	v38 =	vadd.s32 v56, v57;
	v58 =	vsel vm0, $0x40, v1  }
0x921: {  	v40 =	vld.idx.msk [tilespmem:v40+s0+$0x0], $0xffff;
	v59 =	vsel vm1, $0x40, v1;
	vm0 =	vge.f32 v41, v18;
	v38 =	vadd.s32 v58, v38  }
0x922: {  	vm1 =	vge.f32 v41, v17;
	v60 =	vsel vm0, $0x40, v1;
	v38 =	vadd.s32 v59, v38  }
0x923: {  	vm0 =	vge.f32 v41, v16;
	v61 =	vsel vm1, $0x40, v1;
	v38 =	vadd.s32 v60, v38;
	v62 =	vpop (erf)  }
0x924: {  	v63 =	vsel vm0, $0x40, v1;
	v38 =	vadd.s32 v61, v38;
	v37 =	vmul.f32 v62, v37  }
0x925: {  	v38 =	vadd.s32 v63, v38  }
0x926: {  	v48 =	vand.u32 $0x7FFFFFFF, v42;
	v37 =	vadd.f32 v37, v40  }
0x927: {  	vm0 =	vgt.f32 v48, $3.000000000e+00  }
0x928: {  	v37 =	vsel vm0, v42, v37  }
0x929: {  	[tilespmem:s10+$0x8010] =	vst v37  }
0x92a: {  	v37 =	vld.idx.msk [tilespmem:v38+s30+$0x0], $0xffff;
	_ =	sdelay $0x1  }
0x92b: {  	v49 =	vld.idx.msk [tilespmem:v38+s31+$0x0], $0xffff;
	_ =	sdelay $0x2  }
0x92c: {  	v50 =	vmul.f32 v37, v41;
	_ =	sdelay $0x1  }
0x92d: {  	v51 =	vld.idx.msk [tilespmem:v38+s4+$0x0], $0xffff;
	v39 =	vadd.f32 v49, v50  }
0x92e: {  	v52 =	vld.idx.msk [tilespmem:v38+s1+$0x0], $0xffff  }
0x92f: {  	v53 =	vsub.f32 $1.000000000e+00, v39  }
0x930: {  	v44 =	vld.idx.msk [tilespmem:v38+s28+$0x0], $0xffff  }
0x931: {  	v54 =	vmul.f32 v53, v39;
	_ =	sdelay $0x1  }
0x932: {  	v37 =	vmul.f32 v51, v37;
	v40 =	vmul.f32 v52, v54;
	_ =	sdelay $0x1  }
0x933: {  	v55 =	vmul.f32 v37, v39;
	v43 =	vmul.f32 v44, v53;
	v40 =	vadd.f32 v40, v37  }
0x934: {  	v37 =	vld [tilespmem:s10+$0x8030]  }
0x935: {  	v43 =	vadd.f32 v43, v55;
	(erf) = vrcp.f32 v40;
	_ =	sdelay $0x1  }
0x936: {  	v39 =	vmul.f32 v43, v39;
	_ =	sdelay $0x1  }
0x937: {  	v39 =	vmul.f32 v39, v51;
	vm0 =	vge.f32 v37, v13;
	vm1 =	vge.f32 v37, v14  }
0x938: {  	vm2 =	vge.f32 v37, v15;
	v56 =	vsel vm0, $0x40, v1;
	v57 =	vsel vm1, v8, v7  }
0x939: {  	vm0 =	vge.f32 v37, v12;
	v58 =	vsel vm2, $0x40, v1;
	v40 =	vadd.s32 v56, v57  }
0x93a: {  	v38 =	vld.idx.msk [tilespmem:v38+s0+$0x0], $0xffff;
	vm1 =	vge.f32 v37, v11;
	v59 =	vsel vm0, $0x40, v1;
	v40 =	vadd.s32 v58, v40  }
0x93b: {  	vm0 =	vge.f32 v37, v10;
	v60 =	vsel vm1, $0x40, v1;
	v40 =	vadd.s32 v59, v40  }
0x93c: {  	vm1 =	vge.f32 v37, v9;
	v61 =	vsel vm0, $0x40, v1;
	v40 =	vadd.s32 v60, v40;
	v62 =	vpop (erf)  }
0x93d: {  	v63 =	vsel vm1, $0x40, v1;
	v40 =	vadd.s32 v61, v40;
	v39 =	vmul.f32 v62, v39  }
0x93e: {  	v40 =	vadd.s32 v63, v40  }
0x93f: {  	v45 =	vand.u32 $0x7FFFFFFF, v41;
	v38 =	vadd.f32 v39, v38  }
0x940: {  	vm0 =	vgt.f32 v45, $3.000000000e+00  }
0x941: {  	v38 =	vsel vm0, v41, v38  }
0x942: {  	[tilespmem:s10+$0x8020] =	vst v38  }
0x943: {  	v38 =	vld.idx.msk [tilespmem:v40+s30+$0x0], $0xffff;
	_ =	sdelay $0x1  }
0x944: {  	v46 =	vld.idx.msk [tilespmem:v40+s31+$0x0], $0xffff;
	_ =	sdelay $0x2  }
0x945: {  	v47 =	vmul.f32 v38, v37;
	_ =	sdelay $0x1  }
0x946: {  	v48 =	vld.idx.msk [tilespmem:v40+s4+$0x0], $0xffff;
	v39 =	vadd.f32 v46, v47  }
0x947: {  	v49 =	vld.idx.msk [tilespmem:v40+s1+$0x0], $0xffff  }
0x948: {  	v50 =	vsub.f32 $1.000000000e+00, v39  }
0x949: {  	v44 =	vld.idx.msk [tilespmem:v40+s28+$0x0], $0xffff  }
0x94a: {  	v51 =	vmul.f32 v50, v39;
	_ =	sdelay $0x1  }
0x94b: {  	v38 =	vmul.f32 v48, v38;
	v41 =	vmul.f32 v49, v51;
	_ =	sdelay $0x1  }
0x94c: {  	s13 =	simm.s32 $0x80;
	v52 =	vmul.f32 v38, v39;
	v43 =	vmul.f32 v44, v50;
	v41 =	vadd.f32 v41, v38  }
0x94d: {  	v38 =	vld [tilespmem:s13+$0x8000]  }
0x94e: {  	v43 =	vadd.f32 v43, v52;
	(erf) = vrcp.f32 v41;
	_ =	sdelay $0x1  }
0x94f: {  	v39 =	vmul.f32 v43, v39;
	_ =	sdelay $0x1  }
0x950: {  	v39 =	vmul.f32 v39, v48;
	vm0 =	vge.f32 v38, v30;
	vm1 =	vge.f32 v38, v31  }
0x951: {  	vm2 =	vge.f32 v38, v33;
	v54 =	vsel vm0, $0x40, v1;
	v55 =	vsel vm1, v2, v0  }
0x952: {  	vm0 =	vge.f32 v38, v32;
	v57 =	vsel vm2, $0x40, v1;
	v41 =	vadd.s32 v54, v55  }
0x953: {  	v56 =	vld.idx.msk [tilespmem:v40+s0+$0x0], $0xffff;
	vm1 =	vge.f32 v38, v35;
	v58 =	vsel vm0, $0x40, v1;
	v40 =	vadd.s32 v57, v41  }
0x954: {  	vm0 =	vge.f32 v38, v34;
	v59 =	vsel vm1, $0x40, v1;
	v40 =	vadd.s32 v58, v40  }
0x955: {  	vm1 =	vge.f32 v38, v36;
	v61 =	vsel vm0, $0x40, v1;
	v40 =	vadd.s32 v59, v40;
	v60 =	vpop (erf)  }
0x956: {  	v63 =	vsel vm1, $0x40, v1;
	v40 =	vadd.s32 v61, v40;
	v62 =	vmul.f32 v60, v39  }
0x957: {  	v53 =	vand.u32 $0x7FFFFFFF, v37;
	v40 =	vadd.s32 v63, v40  }
0x958: {  	s11 =	simm.s32 $0x400;
	vm0 =	vgt.f32 v53, $3.000000000e+00;
	v39 =	vand.u32 $0x7FFFFFFF, v38;
	v41 =	vadd.f32 v62, v56  }
.LBB2_16:
0x959: {  	_ = 	snop  }
0x95a: {  	p0 =	sne.s32 s11, $0x1FE00;
	s12 =	smov.u32 s11;
	s11 =	sadd.s32 $0x200, s11;
	v37 =	vsel vm0, v37, v41  }
0x95b: {  	[tilespmem:s10+$0x8030] =	vst v37;
	s10 =	smov.u32 s13  }
0x95c: {  	v37 =	vld.idx.msk [tilespmem:v40+s30+$0x0], $0xffff  }
0x95d: {  	v41 =	vld.idx.msk [tilespmem:v40+s31+$0x0], $0xffff;
	_ =	sdelay $0x3  }
0x95e: {  	v42 =	vld.idx.msk [tilespmem:v40+s28+$0x0], $0xffff  }
0x95f: {  	v44 =	vmul.f32 v37, v38;
	v43 =	vld.idx.msk [tilespmem:v40+s1+$0x0], $0xffff  }
0x960: {  	v45 =	vld.idx.msk [tilespmem:v40+s4+$0x0], $0xffff  }
0x961: {  	v41 =	vadd.f32 v41, v44;
	_ =	sdelay $0x1  }
0x962: {  	v44 =	vsub.f32 $1.000000000e+00, v41;
	_ =	sdelay $0x1  }
0x963: {  	v42 =	vmul.f32 v42, v44;
	v44 =	vmul.f32 v44, v41  }
0x964: {  	v37 =	vmul.f32 v45, v37  }
0x965: {  	v43 =	vmul.f32 v43, v44  }
0x966: {  	v44 =	vmul.f32 v37, v41  }
0x967: {  	v37 =	vadd.f32 v43, v37;
	v43 =	vld [tilespmem:s10+$0x8010]  }
0x968: {  	v42 =	vadd.f32 v42, v44  }
0x969: {  	(erf) = vrcp.f32 v37  }
0x96a: {  	v37 =	vmul.f32 v42, v41;
	_ =	sdelay $0x1  }
0x96b: {  	v37 =	vmul.f32 v37, v45;
	vm0 =	vge.f32 v43, v27;
	vm1 =	vge.f32 v43, v28  }
0x96c: {  	v41 =	vsel vm0, $0x40, v1;
	vm0 =	vge.f32 v43, v29;
	v42 =	vsel vm1, v4, v3  }
0x96d: {  	vm1 =	vge.f32 v43, v26;
	v40 =	vld.idx.msk [tilespmem:v40+s0+$0x0], $0xffff;
	v44 =	vsel vm0, $0x40, v1;
	v41 =	vadd.s32 v41, v42  }
0x96e: {  	v42 =	vsel vm1, $0x40, v1;
	vm0 =	vge.f32 v43, v25;
	v41 =	vadd.s32 v44, v41  }
0x96f: {  	vm1 =	vge.f32 v43, v24;
	v44 =	vsel vm0, $0x40, v1;
	v41 =	vadd.s32 v42, v41  }
0x970: {  	v45 =	vsel vm1, $0x40, v1;
	vm0 =	vge.f32 v43, v23;
	v41 =	vadd.s32 v44, v41  }
0x971: {  	v44 =	vsel vm0, $0x40, v1;
	v41 =	vadd.s32 v45, v41;
	v42 =	vpop (erf)  }
0x972: {  	v37 =	vmul.f32 v42, v37;
	v41 =	vadd.s32 v44, v41;
	v42 =	vand.u32 $0x7FFFFFFF, v43;
	_ =	sdelay $0x1  }
0x973: {  	vm0 =	vgt.f32 v39, $3.000000000e+00;
	v37 =	vadd.f32 v37, v40;
	_ =	sdelay $0x1  }
0x974: {  	v37 =	vsel vm0, v38, v37  }
0x975: {  	[tilespmem:s10+$0x8000] =	vst v37  }
0x976: {  	v37 =	vld.idx.msk [tilespmem:v41+s30+$0x0], $0xffff  }
0x977: {  	v38 =	vld.idx.msk [tilespmem:v41+s31+$0x0], $0xffff;
	_ =	sdelay $0x4  }
0x978: {  	v40 =	vmul.f32 v37, v43;
	v39 =	vld.idx.msk [tilespmem:v41+s1+$0x0], $0xffff  }
0x979: {  	v44 =	vld.idx.msk [tilespmem:v41+s4+$0x0], $0xffff  }
0x97a: {  	v38 =	vadd.f32 v38, v40  }
0x97b: {  	v40 =	vld.idx.msk [tilespmem:v41+s28+$0x0], $0xffff  }
0x97c: {  	v45 =	vsub.f32 $1.000000000e+00, v38;
	_ =	sdelay $0x1  }
0x97d: {  	v46 =	vmul.f32 v45, v38  }
0x97e: {  	v37 =	vmul.f32 v44, v37  }
0x97f: {  	v39 =	vmul.f32 v39, v46  }
0x980: {  	v46 =	vmul.f32 v37, v38;
	v40 =	vmul.f32 v40, v45  }
0x981: {  	v37 =	vadd.f32 v39, v37;
	v39 =	vld [tilespmem:s10+$0x8020]  }
0x982: {  	v40 =	vadd.f32 v40, v46  }
0x983: {  	(erf) = vrcp.f32 v37  }
0x984: {  	v37 =	vmul.f32 v40, v38;
	_ =	sdelay $0x1  }
0x985: {  	v37 =	vmul.f32 v37, v44;
	vm0 =	vge.f32 v39, v21;
	vm1 =	vge.f32 v39, v22  }
0x986: {  	v38 =	vsel vm0, $0x40, v1;
	vm0 =	vge.f32 v39, v17;
	v40 =	vsel vm1, v6, v5  }
0x987: {  	vm2 =	vge.f32 v39, v20;
	vm1 =	vge.f32 v39, v19;
	v41 =	vld.idx.msk [tilespmem:v41+s0+$0x0], $0xffff;
	v38 =	vadd.s32 v38, v40  }
0x988: {  	v44 =	vsel vm2, $0x40, v1;
	v40 =	vsel vm1, $0x40, v1;
	vm1 =	vge.f32 v39, v18  }
0x989: {  	v47 =	vsel vm1, $0x40, v1;
	vm1 =	vge.f32 v39, v16;
	v38 =	vadd.s32 v44, v38  }
0x98a: {  	v44 =	vsel vm0, $0x40, v1;
	v38 =	vadd.s32 v40, v38;
	v40 =	vand.u32 $0x7FFFFFFF, v39  }
0x98b: {  	v46 =	vsel vm1, $0x40, v1;
	v38 =	vadd.s32 v47, v38;
	v45 =	vpop (erf)  }
0x98c: {  	v38 =	vadd.s32 v44, v38;
	v37 =	vmul.f32 v45, v37  }
0x98d: {  	v38 =	vadd.s32 v46, v38  }
0x98e: {  	vm0 =	vgt.f32 v42, $3.000000000e+00;
	v37 =	vadd.f32 v37, v41;
	_ =	sdelay $0x1  }
0x98f: {  	v37 =	vsel vm0, v43, v37  }
0x990: {  	[tilespmem:s10+$0x8010] =	vst v37  }
0x991: {  	v37 =	vld.idx.msk [tilespmem:v38+s30+$0x0], $0xffff  }
0x992: {  	v41 =	vld.idx.msk [tilespmem:v38+s31+$0x0], $0xffff  }
0x993: {  	v42 =	vld.idx.msk [tilespmem:v38+s4+$0x0], $0xffff;
	_ =	sdelay $0x3  }
0x994: {  	v44 =	vmul.f32 v37, v39;
	v43 =	vld.idx.msk [tilespmem:v38+s28+$0x0], $0xffff  }
0x995: {  	v45 =	vld.idx.msk [tilespmem:v38+s1+$0x0], $0xffff  }
0x996: {  	v41 =	vadd.f32 v41, v44;
	v37 =	vmul.f32 v42, v37;
	_ =	sdelay $0x1  }
0x997: {  	v44 =	vsub.f32 $1.000000000e+00, v41;
	v46 =	vmul.f32 v37, v41;
	_ =	sdelay $0x1  }
0x998: {  	v43 =	vmul.f32 v43, v44;
	v44 =	vmul.f32 v44, v41;
	_ =	sdelay $0x1  }
0x999: {  	v43 =	vadd.f32 v43, v46;
	v44 =	vmul.f32 v45, v44;
	_ =	sdelay $0x1  }
0x99a: {  	v41 =	vmul.f32 v43, v41;
	v43 =	vadd.f32 v44, v37;
	v37 =	vld [tilespmem:s10+$0x8030];
	_ =	sdelay $0x1  }
0x99b: {  	v41 =	vmul.f32 v41, v42;
	(erf) = vrcp.f32 v43;
	_ =	sdelay $0x2  }
0x99c: {  	vm0 =	vge.f32 v37, v13;
	vm1 =	vge.f32 v37, v14;
	vm2 =	vge.f32 v37, v15  }
0x99d: {  	v42 =	vsel vm0, $0x40, v1;
	vm0 =	vge.f32 v37, v12;
	v43 =	vsel vm1, v8, v7  }
0x99e: {  	v44 =	vsel vm2, $0x40, v1;
	vm1 =	vge.f32 v37, v11;
	v38 =	vld.idx.msk [tilespmem:v38+s0+$0x0], $0xffff;
	v42 =	vadd.s32 v42, v43  }
0x99f: {  	v43 =	vsel vm0, $0x40, v1;
	vm0 =	vge.f32 v37, v10;
	v42 =	vadd.s32 v44, v42  }
0x9a0: {  	v44 =	vsel vm1, $0x40, v1;
	vm1 =	vge.f32 v37, v9;
	v42 =	vadd.s32 v43, v42  }
0x9a1: {  	v46 =	vsel vm0, $0x40, v1;
	v42 =	vadd.s32 v44, v42;
	v44 =	vand.u32 $0x7FFFFFFF, v37  }
0x9a2: {  	v45 =	vsel vm1, $0x40, v1;
	v42 =	vadd.s32 v46, v42;
	v43 =	vpop (erf)  }
0x9a3: {  	v41 =	vmul.f32 v43, v41;
	v42 =	vadd.s32 v45, v42;
	_ =	sdelay $0x1  }
0x9a4: {  	vm0 =	vgt.f32 v40, $3.000000000e+00;
	v38 =	vadd.f32 v41, v38;
	_ =	sdelay $0x1  }
0x9a5: {  	v38 =	vsel vm0, v39, v38  }
0x9a6: {  	[tilespmem:s10+$0x8020] =	vst v38  }
0x9a7: {  	v38 =	vld.idx.msk [tilespmem:v42+s30+$0x0], $0xffff  }
0x9a8: {  	v39 =	vld.idx.msk [tilespmem:v42+s31+$0x0], $0xffff  }
0x9a9: {  	v40 =	vld.idx.msk [tilespmem:v42+s4+$0x0], $0xffff  }
0x9aa: {  	v41 =	vld.idx.msk [tilespmem:v42+s1+$0x0], $0xffff  }
0x9ab: {  	v43 =	vld.idx.msk [tilespmem:v42+s28+$0x0], $0xffff  }
0x9ac: {  	v42 =	vld.idx.msk [tilespmem:v42+s0+$0x0], $0xffff  }
0x9ad: {  	v45 =	vmul.f32 v38, v37;
	_ =	sdelay $0x1  }
0x9ae: {  	v39 =	vadd.f32 v39, v45;
	v45 =	vmul.f32 v40, v38;
	_ =	sdelay $0x1  }
0x9af: {  	v38 =	vsub.f32 $1.000000000e+00, v39;
	v46 =	vmul.f32 v45, v39;
	_ =	sdelay $0x1  }
0x9b0: {  	v43 =	vmul.f32 v43, v38;
	v38 =	vmul.f32 v38, v39;
	_ =	sdelay $0x1  }
0x9b1: {  	v43 =	vadd.f32 v43, v46;
	v41 =	vmul.f32 v41, v38  }
0x9b2: {  	s13 =	sshra.s32 s12, $0x2  }
0x9b3: {  	v39 =	vmul.f32 v43, v39;
	v41 =	vadd.f32 v41, v45;
	v38 =	vld [tilespmem:s13+$0x8000];
	_ =	sdelay $0x1  }
0x9b4: {  	v43 =	vmul.f32 v39, v40;
	(erf) = vrcp.f32 v41;
	_ =	sdelay $0x2  }
0x9b5: {  	vm0 =	vge.f32 v38, v30;
	vm1 =	vge.f32 v38, v31;
	vm2 =	vge.f32 v38, v33  }
0x9b6: {  	v39 =	vsel vm0, $0x40, v1;
	vm0 =	vge.f32 v38, v32;
	v40 =	vsel vm1, v2, v0  }
0x9b7: {  	v41 =	vsel vm2, $0x40, v1;
	vm1 =	vge.f32 v38, v35;
	v39 =	vadd.s32 v39, v40  }
0x9b8: {  	v40 =	vsel vm0, $0x40, v1;
	vm0 =	vge.f32 v38, v34;
	v39 =	vadd.s32 v41, v39  }
0x9b9: {  	v47 =	vsel vm1, $0x40, v1;
	vm1 =	vge.f32 v38, v36;
	v39 =	vadd.s32 v40, v39  }
.Ltmp7:
0x9ba: {  	v40 =	vsel vm0, $0x40, v1;
	v46 =	vadd.s32 v47, v39;
	v39 =	vand.u32 $0x7FFFFFFF, v38;
	(pc) =	sbr.rel @p0 .LBB2_16-.Ltmp7, $3  }
0x9bb: {  	v45 =	vsel vm1, $0x40, v1;
	v40 =	vadd.s32 v40, v46;
	v41 =	vpop (erf)  }
0x9bc: {  	v40 =	vadd.s32 v45, v40;
	v41 =	vmul.f32 v41, v43;
	_ =	sdelay $0x1  }
0x9bd: {  	vm0 =	vgt.f32 v44, $3.000000000e+00;
	v41 =	vadd.f32 v41, v42  }
0x9be: {  	_ =	sdelay $0x1  }
0x9bf: {  	v30 =	vsel vm0, v37, v41  }
0x9c0: {  	[tilespmem:s10+$0x8030] =	vst v30  }
0x9c1: {  	v30 =	vld.idx.msk [tilespmem:v40+s30+$0x0], $0xffff;
	_ =	sdelay $0x1  }
0x9c2: {  	v31 =	vld.idx.msk [tilespmem:v40+s31+$0x0], $0xffff;
	_ =	sdelay $0x2  }
0x9c3: {  	v32 =	vmul.f32 v30, v38;
	_ =	sdelay $0x1  }
0x9c4: {  	v33 =	vld.idx.msk [tilespmem:v40+s1+$0x0], $0xffff;
	v31 =	vadd.f32 v31, v32  }
0x9c5: {  	v44 =	vld.idx.msk [tilespmem:v40+s4+$0x0], $0xffff  }
0x9c6: {  	v34 =	vsub.f32 $1.000000000e+00, v31;
	_ =	sdelay $0x1  }
0x9c7: {  	v36 =	vmul.f32 v34, v31;
	_ =	sdelay $0x1  }
0x9c8: {  	v30 =	vmul.f32 v44, v30;
	v33 =	vmul.f32 v33, v36  }
0x9c9: {  	v35 =	vld.idx.msk [tilespmem:v40+s28+$0x0], $0xffff  }
0x9ca: {  	v46 =	vld [tilespmem:s13+$0x8010];
	v45 =	vmul.f32 v30, v31;
	v30 =	vadd.f32 v33, v30;
	_ =	sdelay $0x1  }
0x9cb: {  	(erf) = vrcp.f32 v30;
	_ =	sdelay $0x1  }
0x9cc: {  	v34 =	vmul.f32 v35, v34  }
0x9cd: {  	vm5 =	vge.f32 v46, v27;
	vm1 =	vge.f32 v46, v28  }
0x9ce: {  	vm6 =	vge.f32 v46, v29;
	vm7 =	vge.f32 v46, v26;
	v34 =	vadd.f32 v34, v45  }
0x9cf: {  	vm8 =	vge.f32 v46, v25;
	v27 =	vsel vm5, $0x40, v1;
	v28 =	vsel vm1, v4, v3  }
0x9d0: {  	v48 =	vsel vm6, $0x40, v1;
	v27 =	vadd.s32 v27, v28;
	v47 =	vmul.f32 v34, v31  }
0x9d1: {  	v49 =	vld.idx.msk [tilespmem:v40+s0+$0x0], $0xffff;
	vm9 =	vge.f32 v46, v24;
	v50 =	vsel vm7, $0x40, v1;
	v51 =	vadd.s32 v48, v27  }
0x9d2: {  	v52 =	vsel vm8, $0x40, v1;
	v25 =	vadd.s32 v50, v51;
	v30 =	vmul.f32 v47, v44  }
0x9d3: {  	vm10 =	vge.f32 v46, v23;
	v53 =	vsel vm9, $0x40, v1;
	v54 =	vadd.s32 v52, v25;
	v55 =	vpop (erf)  }
0x9d4: {  	v56 =	vsel vm10, $0x40, v1;
	v23 =	vadd.s32 v53, v54;
	v24 =	vmul.f32 v55, v30  }
0x9d5: {  	v23 =	vadd.s32 v56, v23  }
0x9d6: {  	v24 =	vadd.f32 v24, v49  }
0x9d7: {  	vm11 =	vgt.f32 v39, $3.000000000e+00  }
0x9d8: {  	v24 =	vsel vm11, v38, v24  }
0x9d9: {  	[tilespmem:s13+$0x8000] =	vst v24  }
0x9da: {  	v24 =	vld.idx.msk [tilespmem:v23+s30+$0x0], $0xffff;
	_ =	sdelay $0x1  }
0x9db: {  	v25 =	vld.idx.msk [tilespmem:v23+s31+$0x0], $0xffff;
	_ =	sdelay $0x2  }
0x9dc: {  	v57 =	vmul.f32 v24, v46;
	_ =	sdelay $0x1  }
0x9dd: {  	v58 =	vld.idx.msk [tilespmem:v23+s1+$0x0], $0xffff;
	v25 =	vadd.f32 v25, v57  }
0x9de: {  	v59 =	vld.idx.msk [tilespmem:v23+s4+$0x0], $0xffff  }
0x9df: {  	v60 =	vsub.f32 $1.000000000e+00, v25;
	_ =	sdelay $0x1  }
0x9e0: {  	v62 =	vmul.f32 v60, v25;
	_ =	sdelay $0x1  }
0x9e1: {  	v24 =	vmul.f32 v59, v24;
	v27 =	vmul.f32 v58, v62  }
0x9e2: {  	v61 =	vld.idx.msk [tilespmem:v23+s28+$0x0], $0xffff  }
0x9e3: {  	v32 =	vld [tilespmem:s13+$0x8020];
	v63 =	vmul.f32 v24, v25;
	v24 =	vadd.f32 v27, v24;
	_ =	sdelay $0x1  }
0x9e4: {  	(erf) = vrcp.f32 v24;
	_ =	sdelay $0x1  }
0x9e5: {  	v28 =	vmul.f32 v61, v60  }
0x9e6: {  	vm12 =	vge.f32 v32, v21;
	vm13 =	vge.f32 v32, v22  }
0x9e7: {  	vm14 =	vge.f32 v32, v20;
	vm15 =	vge.f32 v32, v19;
	v28 =	vadd.f32 v28, v63  }
0x9e8: {  	vm4 =	vge.f32 v32, v18;
	v21 =	vsel vm12, $0x40, v1;
	v22 =	vsel vm13, v6, v5  }
0x9e9: {  	v20 =	vsel vm14, $0x40, v1;
	v35 =	vadd.s32 v21, v22;
	v34 =	vmul.f32 v28, v25  }
0x9ea: {  	vm5 =	vge.f32 v32, v17;
	v37 =	vsel vm15, $0x40, v1;
	v38 =	vadd.s32 v20, v35;
	v36 =	vld.idx.msk [tilespmem:v23+s0+$0x0], $0xffff  }
0x9eb: {  	v39 =	vsel vm4, $0x40, v1;
	v18 =	vadd.s32 v37, v38;
	v24 =	vmul.f32 v34, v59  }
0x9ec: {  	vm6 =	vge.f32 v32, v16;
	v40 =	vsel vm5, $0x40, v1;
	v17 =	vadd.s32 v39, v18;
	v41 =	vpop (erf)  }
0x9ed: {  	v42 =	vsel vm6, $0x40, v1;
	v16 =	vadd.s32 v40, v17;
	v18 =	vmul.f32 v41, v24  }
0x9ee: {  	v16 =	vadd.s32 v42, v16  }
0x9ef: {  	v43 =	vand.u32 $0x7FFFFFFF, v46;
	v18 =	vadd.f32 v18, v36  }
0x9f0: {  	vm7 =	vgt.f32 v43, $3.000000000e+00  }
0x9f1: {  	v17 =	vsel vm7, v46, v18  }
0x9f2: {  	[tilespmem:s13+$0x8010] =	vst v17  }
0x9f3: {  	v17 =	vld.idx.msk [tilespmem:v16+s30+$0x0], $0xffff;
	_ =	sdelay $0x1  }
0x9f4: {  	v44 =	vld.idx.msk [tilespmem:v16+s31+$0x0], $0xffff;
	_ =	sdelay $0x2  }
0x9f5: {  	v45 =	vmul.f32 v17, v32;
	_ =	sdelay $0x1  }
0x9f6: {  	v46 =	vld.idx.msk [tilespmem:v16+s4+$0x0], $0xffff;
	v18 =	vadd.f32 v44, v45  }
0x9f7: {  	v47 =	vld.idx.msk [tilespmem:v16+s1+$0x0], $0xffff  }
0x9f8: {  	v48 =	vsub.f32 $1.000000000e+00, v18;
	_ =	sdelay $0x1  }
0x9f9: {  	v50 =	vmul.f32 v48, v18;
	_ =	sdelay $0x1  }
0x9fa: {  	v52 =	vld [tilespmem:s13+$0x8030];
	v17 =	vmul.f32 v46, v17;
	v19 =	vmul.f32 v47, v50  }
0x9fb: {  	v49 =	vld.idx.msk [tilespmem:v16+s28+$0x0], $0xffff  }
0x9fc: {  	v51 =	vmul.f32 v17, v18;
	v17 =	vadd.f32 v19, v17;
	_ =	sdelay $0x1  }
0x9fd: {  	(erf) = vrcp.f32 v17  }
0x9fe: {  	vm8 =	vge.f32 v52, v13  }
0x9ff: {  	vm9 =	vge.f32 v52, v14;
	vm2 =	vge.f32 v52, v15;
	v21 =	vmul.f32 v49, v48  }
0xa00: {  	vm10 =	vge.f32 v52, v12;
	v13 =	vsel vm8, $0x40, v1;
	v14 =	vsel vm9, v8, v7  }
0xa01: {  	v54 =	vsel vm2, $0x40, v1;
	v13 =	vadd.s32 v13, v14;
	v21 =	vadd.f32 v21, v51  }
0xa02: {  	v12 =	vadd.s32 v54, v13;
	vm11 =	vge.f32 v52, v11;
	v11 =	vsel vm10, $0x40, v1  }
0xa03: {  	v11 =	vadd.s32 v11, v12;
	v53 =	vmul.f32 v21, v18  }
0xa04: {  	v55 =	vld.idx.msk [tilespmem:v16+s0+$0x0], $0xffff  }
0xa05: {  	vm12 =	vge.f32 v52, v10;
	v10 =	vsel vm11, $0x40, v1;
	v17 =	vmul.f32 v53, v46  }
0xa06: {  	vm13 =	vge.f32 v52, v9;
	v9 =	vsel vm12, $0x40, v1;
	v10 =	vadd.s32 v10, v11;
	v11 =	vpop (erf)  }
0xa07: {  	v56 =	vsel vm13, $0x40, v1;
	v9 =	vadd.s32 v9, v10;
	v10 =	vmul.f32 v11, v17  }
0xa08: {  	v9 =	vadd.s32 v56, v9  }
0xa09: {  	v11 =	vand.u32 $0x7FFFFFFF, v32;
	v10 =	vadd.f32 v10, v55  }
0xa0a: {  	vm14 =	vgt.f32 v11, $3.000000000e+00  }
0xa0b: {  	v10 =	vsel vm14, v32, v10  }
0xa0c: {  	[tilespmem:s13+$0x8020] =	vst v10  }
0xa0d: {  	v10 =	vld.idx.msk [tilespmem:v9+s30+$0x0], $0xffff;
	_ =	sdelay $0x1  }
0xa0e: {  	v11 =	vld.idx.msk [tilespmem:v9+s31+$0x0], $0xffff;
	_ =	sdelay $0x2  }
0xa0f: {  	v57 =	vmul.f32 v10, v52;
	_ =	sdelay $0x1  }
0xa10: {  	v58 =	vld.idx.msk [tilespmem:v9+s4+$0x0], $0xffff;
	v11 =	vadd.f32 v11, v57  }
0xa11: {  	v59 =	vld.idx.msk [tilespmem:v9+s1+$0x0], $0xffff  }
0xa12: {  	v60 =	vsub.f32 $1.000000000e+00, v11;
	_ =	sdelay $0x1  }
0xa13: {  	v61 =	vmul.f32 v60, v11;
	_ =	sdelay $0x1  }
0xa14: {  	v10 =	vmul.f32 v58, v10;
	v12 =	vmul.f32 v59, v61  }
0xa15: {  	v62 =	vld.idx.msk [tilespmem:v9+s28+$0x0], $0xffff  }
0xa16: {  	v12 =	vadd.f32 v12, v10;
	_ =	sdelay $0x1  }
0xa17: {  	(erf) = vrcp.f32 v12;
	_ =	sdelay $0x1  }
0xa18: {  	v63 =	vmul.f32 v62, v60;
	v10 =	vmul.f32 v10, v11;
	_ =	sdelay $0x1  }
0xa19: {  	v10 =	vadd.f32 v63, v10;
	_ =	sdelay $0x1  }
0xa1a: {  	v10 =	vmul.f32 v10, v11  }
0xa1b: {  	v9 =	vld.idx.msk [tilespmem:v9+s0+$0x0], $0xffff  }
0xa1c: {  	v10 =	vmul.f32 v10, v58  }
0xa1d: {  	v11 =	vpop (erf)  }
0xa1e: {  	v10 =	vmul.f32 v11, v10;
	_ =	sdelay $0x1  }
0xa1f: {  	v11 =	vand.u32 $0x7FFFFFFF, v52;
	v9 =	vadd.f32 v10, v9  }
0xa20: {  	vm15 =	vgt.f32 v11, $3.000000000e+00  }
0xa21: {  	v9 =	vsel vm15, v52, v9  }
0xa22: {  	s9 =	sadd.s32 $0x1, s9;
	[tilespmem:s13+$0x8030] =	vst v9  }
0xa23: {  	[hbm4b:s23+s3] =	stream.linear.scatter [tilespmem:s5], [sflag:$0x4], $0x8000, $0x38;
	[tilespmem:$0x10E00] =	vst v63  }
0xa24: {  	p0 =	sne.s32 s9, s25;
	_ =	swait.ge [sflag:s7], $0x8000  }
.Ltmp8:
0xa25: {  	[sflag:s7] =	ssyncset.done $0x0;
	(pc) =	sbr.rel @p0 .LBB2_1-.Ltmp8, $4  }
0xa26: {  	[sflag:s7] =	ssyncadd.s32 $0xFFFF8000  }
0xa27: {  	_ =	swait.ge [sflag:s8], $0x8000  }
0xa28: {  	[sflag:s8] =	ssyncset.done $0x0  }
0xa29: {  	[sflag:s8] =	ssyncadd.s32 $0xFFFF8000  }
0xa2a: {  	_ =	sfence.sel $0x180000  }
0xa2b: {  	[bflag:$0x0] =	sbarrier.arrive $0xFFFF  }
0xa2c: {  	_ =	strace $0x90000047  }
0xa2d: {  	s0 =	stileid.u32;
	[bflag:$0x2] =	sbarrier.arrive $0xFFFF  }
0xa2e: {  	p0 =	sne.s32 s0, $0x0;
	s0 =	rddreg [dreg:$0x2]  }
0xa2f: {  	s0 =	sadd.s32 @!p0 $0x100000, s0  }
0xa30: {  	[sflag:s0] =	ssyncadd.tile.s32 @!p0 $0x1;
	_ =	shalt  }
.Lfunc_end2:
_tile_overlayer_lowered:
.L_overlay_start_2:
0xa31: {  	(tag) =	ssettag $0x2  }
0xa32: {  	s0 =	rddreg [dreg:$0x0];
	s2 =	stileid.u32  }
0xa33: {  	s1 =	rddreg [dreg:$0x1];
	p0 =	sne.s32 s2, $0x0  }
0xa34: {  	s3 =	rddreg [dreg:$0x2];
	[bflag:$0x3] =	sbarrier.arrive $0xFFFF;
	s2 =	simm.s32 @!p0 $0x1C05  }
0xa35: {  	[timem:s3], [sflag:s2] =	dma.local @!p0 [hbm:s0], s1  }
0xa36: {  	s0 =	simm.s32 @!p0 $0x5  }
0xa37: {  	_ =	swait.ge @!p0 [sflag:s0], s1  }
0xa38: {  	s1 =	ssub.s32 @!p0 $0x0, s1;
	[sflag:s0] =	ssyncset.done @!p0 $0x0  }
0xa39: {  	[sflag:s0] =	ssyncadd.s32 @!p0 s1  }
0xa3a: {  	[bflag:$0x3] =	sbarrier.arrive $0xFFFF  }
0xa3b: {  	_ =	shalt  }

</sc_bundles>
